<compile_context>
chip_gen: v7x
topology: tpu7x:2x2x1
jax: 0.10.2.dev20260603
libtpu: 0.0.44.dev20260713+nightly
codegen_flags: <defaults>
</compile_context>

<pallas_src>
import jax
import jax.numpy as jnp
from jax import lax
from jax.experimental import pallas as pl
from jax.experimental.pallas import tpu as pltpu
from jax.experimental.pallas import tpu_sc as plsc

N = 10000
E = 320000
DF = 128
DE = 64
G = 64
DT = 10
NUM_LAYERS = 4
BN_EPS = 1e-5

NC = 2
NS = 16
NW = NC * NS

CH = 128
EPW = ((E // NW + CH - 1) // CH) * CH
EP = EPW * NW
NP = ((N + 127) // 128) * 128
APT = NP // NS
RPT = 320
NP2 = RPT * NW
SEG = 72

_f32 = jnp.float32


def _make_scatter(D, ch, rb):
    nch = EPW // ch

    def body(h_hbm, src_hbm, dst_hbm, zero_hbm, out_hbm, *refs):
        src_all, dst_all = refs[0], refs[1]
        rows = refs[2:2 + rb]
        acc = refs[2 + rb]
        zsem = refs[3 + rb]
        sems = refs[4 + rb:4 + 2 * rb]
        c = lax.axis_index("c")
        s = lax.axis_index("s")
        wid = c * NS + s
        pltpu.async_copy(zero_hbm.at[pl.ds(s * APT, APT)],
                         acc.at[pl.ds(s * APT, APT)], zsem)
        pltpu.sync_copy(src_hbm.at[wid], src_all)
        pltpu.sync_copy(dst_hbm.at[wid], dst_all)
        pltpu.make_async_copy(zero_hbm.at[pl.ds(s * APT, APT)],
                              acc.at[pl.ds(s * APT, APT)], zsem).wait()
        plsc.subcore_barrier()

        for r in range(rb):
            pltpu.async_copy(h_hbm.at[src_all.at[r]], rows[r], sems[r])

        def do_chunk(k, row_ref, sem):
            @pl.when(k < nch)
            def _():
                pltpu.make_async_copy(h_hbm.at[src_all.at[k]], row_ref,
                                      sem).wait()
                pltpu.sync_copy(row_ref, acc.at[dst_all.at[k]], add=True)

                @pl.when(k + rb < nch)
                def _():
                    pltpu.async_copy(h_hbm.at[src_all.at[k + rb]], row_ref,
                                     sem)

        def step(k2, carry):
            for r in range(rb):
                do_chunk(k2 * rb + r, rows[r], sems[r])
            return carry

        lax.fori_loop(0, (nch + rb - 1) // rb, step, 0)
        plsc.subcore_barrier()
        pltpu.sync_copy(acc.at[pl.ds(s * APT, APT)],
                        out_hbm.at[c, pl.ds(s * APT, APT)])

    return pl.kernel(
        body,
        out_type=jax.ShapeDtypeStruct((NC, NP, D), _f32),
        mesh=plsc.VectorSubcoreMesh(core_axis_name="c", subcore_axis_name="s"),
        scratch_types=(
            [pltpu.VMEM((nch, ch), jnp.int32),
             pltpu.VMEM((nch, ch), jnp.int32)]
            + [pltpu.VMEM((ch, D), _f32) for _ in range(rb)]
            + [pltpu.VMEM_SHARED((NP, D), _f32)]
            + [pltpu.SemaphoreType.DMA for _ in range(rb + 1)]
        ),
        compiler_params=pltpu.CompilerParams(use_tc_tiling_on_sc=False),
    )


CH128 = 64
_sc_scatter128 = _make_scatter(DF, CH128, 3)
_sc_scatter64 = _make_scatter(DE, CH, 6)
EPAD = EP


def _sc_segmax_body(h0, h1, h2, h3, bat_hbm, o0, o1, o2, o3, batv, buf, acc):
    c = lax.axis_index("c")
    s = lax.axis_index("s")
    wid = c * NS + s
    r0 = wid * RPT
    pltpu.sync_copy(bat_hbm.at[pl.ds(r0, RPT)], batv.at[pl.ds(0, RPT)])
    neg = jnp.full((16,), -jnp.inf, dtype=_f32)
    for h_hbm, o_hbm in ((h0, o0), (h1, o1), (h2, o2), (h3, o3)):
        pltpu.sync_copy(h_hbm.at[pl.ds(r0, RPT)], buf)

        def init(i, carry):
            for q in range(DE // 16):
                acc[i, pl.ds(q * 16, 16)] = neg
            return carry

        lax.fori_loop(0, SEG, init, 0)

        def row(j, carry):
            g = batv[pl.ds(j, 16)][0]
            for q in range(DE // 16):
                acc[g, pl.ds(q * 16, 16)] = jnp.maximum(
                    acc[g, pl.ds(q * 16, 16)], buf[j, pl.ds(q * 16, 16)])
            return carry

        lax.fori_loop(0, RPT, row, 0)
        pltpu.sync_copy(acc, o_hbm.at[wid])


_pool_shape = jax.ShapeDtypeStruct((NW, SEG, DE), _f32)
_sc_segmax = pl.kernel(
    _sc_segmax_body,
    out_type=[_pool_shape, _pool_shape, _pool_shape, _pool_shape],
    mesh=plsc.VectorSubcoreMesh(core_axis_name="c", subcore_axis_name="s"),
    scratch_types=[
        pltpu.VMEM((RPT + 16,), jnp.int32),
        pltpu.VMEM((RPT, DE), _f32),
        pltpu.VMEM((SEG, DE), _f32),
    ],
    compiler_params=pltpu.CompilerParams(use_tc_tiling_on_sc=False),
)


def _dot(a, b):
    return jnp.dot(a.astype(jnp.bfloat16), b.astype(jnp.bfloat16),
                   preferred_element_type=_f32)


def _bn_relu(a, g, b):
    mu = jnp.mean(a, axis=0, keepdims=True)
    d = a - mu
    var = jnp.mean(d * d, axis=0, keepdims=True)
    return jnp.maximum(g * (d * lax.rsqrt(var + BN_EPS)) + b, 0.0)


def _tc_layer_body(h_ref, p_ref, w1_ref, b1_ref, g1_ref, be1_ref, w2_ref,
                   b2_ref, g2_ref, be2_ref, fcw_ref, fcb_ref, h_out_ref):
    a = h_ref[pl.ds(0, N), :] + p_ref[0, :N, :] + p_ref[1, :N, :]
    a = _dot(a, w1_ref[...]) + b1_ref[...]
    a = _bn_relu(a, g1_ref[...], be1_ref[...])
    a = _dot(a, w2_ref[...]) + b2_ref[...]
    a = _bn_relu(a, g2_ref[...], be2_ref[...])
    h = jnp.maximum(_dot(a, fcw_ref[...]) + fcb_ref[...], 0.0)
    h_out_ref[pl.ds(0, N), :] = h
    h_out_ref[pl.ds(N, NP2 - N), :] = jnp.zeros((NP2 - N, DE), _f32)


def _tc_layer(h, p, cp, fcw, fcb):
    return pl.pallas_call(
        _tc_layer_body,
        out_shape=jax.ShapeDtypeStruct((NP2, DE), _f32),
    )(h, p, cp['W1'], cp['b1'].reshape(1, DE), cp['g1'].reshape(1, DE),
      cp['be1'].reshape(1, DE), cp['W2'], cp['b2'].reshape(1, DE),
      cp['g2'].reshape(1, DE), cp['be2'].reshape(1, DE),
      fcw, fcb.reshape(1, DE))


def _tc_head_body(p0_ref, p1_ref, p2_ref, p3_ref, w1_ref, b1_ref,
                  w2_ref, b2_ref, o_ref):
    pools = [jnp.max(r[...][:, :G, :], axis=0)
             for r in (p0_ref, p1_ref, p2_ref, p3_ref)]
    hc = jnp.concatenate(pools, axis=1)
    t = jnp.maximum(_dot(hc, w1_ref[...]) + b1_ref[...], 0.0)
    o_ref[...] = _dot(t, w2_ref[...]) + b2_ref[...]


def _tc_head(pools, params):
    return pl.pallas_call(
        _tc_head_body,
        out_shape=jax.ShapeDtypeStruct((G, DT), _f32),
    )(*pools, params['fc1_W'], params['fc1_b'].reshape(1, DE),
      params['fc2_W'], params['fc2_b'].reshape(1, DT))


def kernel(x, edge_index, batch, params):
    src = edge_index[0].astype(jnp.int32)
    dst = edge_index[1].astype(jnp.int32)
    srcp = jnp.concatenate([src, jnp.zeros((EPAD - E,), jnp.int32)])
    dstp = jnp.concatenate([dst, jnp.full((EPAD - E,), N, jnp.int32)])
    srcp64 = srcp.reshape(NW, EPW // CH, CH)
    dstp64 = dstp.reshape(NW, EPW // CH, CH)
    srcp128 = srcp.reshape(NW, EPW // CH128, CH128)
    dstp128 = dstp.reshape(NW, EPW // CH128, CH128)
    batp = jnp.concatenate([batch.astype(jnp.int32),
                            jnp.full((NP2 - N,), G, jnp.int32)])
    zeros128 = jnp.zeros((NP, DF), _f32)
    zeros64 = jnp.zeros((NP, DE), _f32)

    convs = params['convs']
    hs = []
    h = x
    for i in range(NUM_LAYERS):
        if i == 0:
            p = _sc_scatter128(h, srcp128, dstp128, zeros128)
        else:
            p = _sc_scatter64(h, srcp64, dstp64, zeros64)
        h = _tc_layer(h, p, convs[i], params['fc_max_W'], params['fc_max_b'])
        hs.append(h)

    pools = _sc_segmax(hs[0], hs[1], hs[2], hs[3], batp)
    return _tc_head(pools, params)

# --- scband reference (transcript-rebuilt; emitter-appended) ---
"""Pipeline reference for scband-gin-79989470921095 (READ-ONLY COPY).

The authoritative reference and input builder live on the scoring server;
editing this copy changes nothing except your own understanding.
"""

import jax, jax.numpy as jnp
import numpy as np

N = 10000
E = 320000
DF = 128
DE = 64
G = 64
DT = 10
NUM_LAYERS = 4
BN_EPS = 1e-5


def _make_params(key):
    ks = jax.random.split(key, 64)
    ki = iter(range(64))
    convs = []
    for i in range(NUM_LAYERS):
        dim_in = DF if i == 0 else DE
        convs.append({
            'W1': jax.random.normal(ks[next(ki)], (dim_in, DE), dtype=jnp.float32) * 0.05,
            'b1': jnp.zeros((DE,), dtype=jnp.float32),
            'g1': jnp.ones((DE,), dtype=jnp.float32),
            'be1': jnp.zeros((DE,), dtype=jnp.float32),
            'W2': jax.random.normal(ks[next(ki)], (DE, DE), dtype=jnp.float32) * 0.05,
            'b2': jnp.zeros((DE,), dtype=jnp.float32),
            'g2': jnp.ones((DE,), dtype=jnp.float32),
            'be2': jnp.zeros((DE,), dtype=jnp.float32),
        })
    params = {
        'convs': convs,
        'fc_max_W': jax.random.normal(ks[next(ki)], (DE, DE), dtype=jnp.float32) * 0.05,
        'fc_max_b': jnp.zeros((DE,), dtype=jnp.float32),
        'fc1_W': jax.random.normal(ks[next(ki)], (NUM_LAYERS * DE, DE), dtype=jnp.float32) * 0.05,
        'fc1_b': jnp.zeros((DE,), dtype=jnp.float32),
        'fc2_W': jax.random.normal(ks[next(ki)], (DE, DT), dtype=jnp.float32) * 0.05,
        'fc2_b': jnp.zeros((DT,), dtype=jnp.float32),
    }
    return params


def setup_inputs(seed: int = 0) -> dict:
    key = jax.random.key(seed)
    k0, k1, k2, k3 = jax.random.split(key, 4)
    x = jax.random.normal(k0, (N, DF), dtype=jnp.float32)
    edge_index = jax.random.randint(k1, (2, E), 0, N)
    batch = jnp.sort(jax.random.randint(k2, (N,), 0, G))
    params = _make_params(k3)
    return {'x': x, 'edge_index': edge_index, 'batch': batch, 'params': params}


def _batchnorm(h, gamma, beta):
    mu = jnp.mean(h, axis=0)
    var = jnp.var(h, axis=0)
    return gamma * (h - mu) * jax.lax.rsqrt(var + BN_EPS) + beta


def _gin_mlp(h, p):
    h = h @ p['W1'] + p['b1']
    h = _batchnorm(h, p['g1'], p['be1'])
    h = jax.nn.relu(h)
    h = h @ p['W2'] + p['b2']
    h = _batchnorm(h, p['g2'], p['be2'])
    h = jax.nn.relu(h)
    return h


def reference(x, edge_index, batch, params):
    src = edge_index[0]
    dst = edge_index[1]
    h = x
    x_all = []
    for i in range(NUM_LAYERS):
        # GINConv with eps=0: nn((1+eps)*x + sum_{j in N(i)} x_j)
        agg = jnp.zeros(h.shape, dtype=h.dtype).at[dst].add(h[src])
        h = _gin_mlp(h + agg, params['convs'][i])
        h = jax.nn.relu(h @ params['fc_max_W'] + params['fc_max_b'])
        x_all.append(h)
    hc = jnp.concatenate(x_all, axis=1)
    pooled = jax.ops.segment_max(hc, batch, num_segments=G)
    out = jax.nn.relu(pooled @ params['fc1_W'] + params['fc1_b'])
    out = out @ params['fc2_W'] + params['fc2_b']
    return out

if __name__ == "__main__":
    import jax
    _d = setup_inputs()
    print(jax.jit(kernel)(*tuple(_d.values())))

</pallas_src>

<mosaic_0001>
#map = affine_map<(d0, d1) -> (0, 0)>
#map1 = affine_map<(d0, d1) -> (0, 0, 0)>
module attributes {stable_mosaic.version = 14 : i64} {
  func.func @body(%arg0: i32, %arg1: i32, %arg2: memref<10000x128xf32, #tpu.memory_space<hbm>>, %arg3: memref<32x158x64xi32, #tpu.memory_space<hbm>>, %arg4: memref<32x158x64xi32, #tpu.memory_space<hbm>>, %arg5: memref<10112x128xf32, #tpu.memory_space<hbm>>, %arg6: memref<2x10112x128xf32, #tpu.memory_space<hbm>>, %arg7: memref<158x64xi32, #tpu.memory_space<vmem>>, %arg8: memref<158x64xi32, #tpu.memory_space<vmem>>, %arg9: memref<64x128xf32, #tpu.memory_space<vmem>>, %arg10: memref<64x128xf32, #tpu.memory_space<vmem>>, %arg11: memref<64x128xf32, #tpu.memory_space<vmem>>, %arg12: memref<10112x128xf32, #tpu.memory_space<vmem_shared>>, %arg13: memref<!tpu.dma_semaphore, #tpu.memory_space<semaphore_mem>>, %arg14: memref<!tpu.dma_semaphore, #tpu.memory_space<semaphore_mem>>, %arg15: memref<!tpu.dma_semaphore, #tpu.memory_space<semaphore_mem>>, %arg16: memref<!tpu.dma_semaphore, #tpu.memory_space<semaphore_mem>>) attributes {dimension_semantics = [#tpu.dimension_semantics<core_parallel>, #tpu.dimension_semantics<subcore_parallel>], iteration_bounds = array<i64: 2, 16>, scalar_prefetch = 0 : i64, scratch_operands = 10 : i64, tpu.core_type = #tpu.core_type<sc_vector_subcore>, window_params = [{transform_indices = #map}, {transform_indices = #map1}, {transform_indices = #map1}, {transform_indices = #map}, {transform_indices = #map1}]} {
    %mul3A = arith.constant 16 : i32
    %mul3A_0 = arith.muli %arg0, %mul3A : i32
    %add3A = arith.addi %mul3A_0, %arg1 : i32
    %mul3A_1 = arith.constant 632 : i32
    %mul3A_2 = arith.muli %arg1, %mul3A_1 : i32
    %mul3A_3 = arith.constant 632 : i32
    %mul3A_4 = arith.muli %arg1, %mul3A_3 : i32
    %dma_start3A = arith.constant 0 : i32
    %dma_start3A_5 = tpu.memref_slice %arg12[%mul3A_4, %dma_start3A] : memref<10112x128xf32, #tpu.memory_space<vmem_shared>> -> memref<632x128xf32, #tpu.memory_space<vmem_shared>>
    %dma_start3A_6 = arith.constant 0 : i32
    %dma_start3A_7 = tpu.memref_slice %arg5[%mul3A_2, %dma_start3A_6] : memref<10112x128xf32, #tpu.memory_space<hbm>> -> memref<632x128xf32, #tpu.memory_space<hbm>>
    tpu.enqueue_dma source(%dma_start3A_7 : memref<632x128xf32, #tpu.memory_space<hbm>>) target(%dma_start3A_5 : memref<632x128xf32, #tpu.memory_space<vmem_shared>>) target_semaphore(%arg13 : memref<!tpu.dma_semaphore, #tpu.memory_space<semaphore_mem>>)
    "tpu.region"() ({
      %run_scoped3A = tpu.sem_alloc : memref<!tpu.dma_semaphore, #tpu.memory_space<semaphore_mem>>
      %dma_start3A_46 = arith.constant 0 : i32
      %dma_start3A_47 = arith.constant 0 : i32
      %dma_start3A_48 = tpu.memref_slice %arg3[%add3A, %dma_start3A_46, %dma_start3A_47] : memref<32x158x64xi32, #tpu.memory_space<hbm>> -> memref<1x158x64xi32, #tpu.memory_space<hbm>>
      %dma_start3A_49 = tpu.memref_squeeze %dma_start3A_48 : memref<1x158x64xi32, #tpu.memory_space<hbm>> -> memref<158x64xi32, #tpu.memory_space<hbm>>
      %dma_start3A_50 = arith.constant 0 : i32
      %dma_start3A_51 = arith.constant 0 : i32
      %dma_start3A_52 = tpu.memref_slice %arg3[%add3A, %dma_start3A_50, %dma_start3A_51] : memref<32x158x64xi32, #tpu.memory_space<hbm>> -> memref<1x158x64xi32, #tpu.memory_space<hbm>>
      %dma_start3A_53 = tpu.memref_squeeze %dma_start3A_52 : memref<1x158x64xi32, #tpu.memory_space<hbm>> -> memref<158x64xi32, #tpu.memory_space<hbm>>
      tpu.enqueue_dma source(%dma_start3A_53 : memref<158x64xi32, #tpu.memory_space<hbm>>) target(%arg7 : memref<158x64xi32, #tpu.memory_space<vmem>>) target_semaphore(%run_scoped3A : memref<!tpu.dma_semaphore, #tpu.memory_space<semaphore_mem>>)
      %dma_wait3A_54 = arith.constant 0 : i32
      %dma_wait3A_55 = arith.constant 0 : i32
      %dma_wait3A_56 = tpu.memref_slice %arg3[%add3A, %dma_wait3A_54, %dma_wait3A_55] : memref<32x158x64xi32, #tpu.memory_space<hbm>> -> memref<1x158x64xi32, #tpu.memory_space<hbm>>
      %dma_wait3A_57 = tpu.memref_squeeze %dma_wait3A_56 : memref<1x158x64xi32, #tpu.memory_space<hbm>> -> memref<158x64xi32, #tpu.memory_space<hbm>>
      %dma_wait3A_58 = arith.constant 0 : i32
      %dma_wait3A_59 = arith.constant 0 : i32
      %dma_wait3A_60 = tpu.memref_slice %arg3[%add3A, %dma_wait3A_58, %dma_wait3A_59] : memref<32x158x64xi32, #tpu.memory_space<hbm>> -> memref<1x158x64xi32, #tpu.memory_space<hbm>>
      %dma_wait3A_61 = tpu.memref_squeeze %dma_wait3A_60 : memref<1x158x64xi32, #tpu.memory_space<hbm>> -> memref<158x64xi32, #tpu.memory_space<hbm>>
      tpu.wait_dma2 semaphore(%run_scoped3A : memref<!tpu.dma_semaphore, #tpu.memory_space<semaphore_mem>>) src(%dma_wait3A_61 : memref<158x64xi32, #tpu.memory_space<hbm>>) dst(%arg7 : memref<158x64xi32, #tpu.memory_space<vmem>>)
      tpu.yield
    }) : () -> ()
    "tpu.region"() ({
      %run_scoped3A = tpu.sem_alloc : memref<!tpu.dma_semaphore, #tpu.memory_space<semaphore_mem>>
      %dma_start3A_46 = arith.constant 0 : i32
      %dma_start3A_47 = arith.constant 0 : i32
      %dma_start3A_48 = tpu.memref_slice %arg4[%add3A, %dma_start3A_46, %dma_start3A_47] : memref<32x158x64xi32, #tpu.memory_space<hbm>> -> memref<1x158x64xi32, #tpu.memory_space<hbm>>
      %dma_start3A_49 = tpu.memref_squeeze %dma_start3A_48 : memref<1x158x64xi32, #tpu.memory_space<hbm>> -> memref<158x64xi32, #tpu.memory_space<hbm>>
      %dma_start3A_50 = arith.constant 0 : i32
      %dma_start3A_51 = arith.constant 0 : i32
      %dma_start3A_52 = tpu.memref_slice %arg4[%add3A, %dma_start3A_50, %dma_start3A_51] : memref<32x158x64xi32, #tpu.memory_space<hbm>> -> memref<1x158x64xi32, #tpu.memory_space<hbm>>
      %dma_start3A_53 = tpu.memref_squeeze %dma_start3A_52 : memref<1x158x64xi32, #tpu.memory_space<hbm>> -> memref<158x64xi32, #tpu.memory_space<hbm>>
      tpu.enqueue_dma source(%dma_start3A_53 : memref<158x64xi32, #tpu.memory_space<hbm>>) target(%arg8 : memref<158x64xi32, #tpu.memory_space<vmem>>) target_semaphore(%run_scoped3A : memref<!tpu.dma_semaphore, #tpu.memory_space<semaphore_mem>>)
      %dma_wait3A_54 = arith.constant 0 : i32
      %dma_wait3A_55 = arith.constant 0 : i32
      %dma_wait3A_56 = tpu.memref_slice %arg4[%add3A, %dma_wait3A_54, %dma_wait3A_55] : memref<32x158x64xi32, #tpu.memory_space<hbm>> -> memref<1x158x64xi32, #tpu.memory_space<hbm>>
      %dma_wait3A_57 = tpu.memref_squeeze %dma_wait3A_56 : memref<1x158x64xi32, #tpu.memory_space<hbm>> -> memref<158x64xi32, #tpu.memory_space<hbm>>
      %dma_wait3A_58 = arith.constant 0 : i32
      %dma_wait3A_59 = arith.constant 0 : i32
      %dma_wait3A_60 = tpu.memref_slice %arg4[%add3A, %dma_wait3A_58, %dma_wait3A_59] : memref<32x158x64xi32, #tpu.memory_space<hbm>> -> memref<1x158x64xi32, #tpu.memory_space<hbm>>
      %dma_wait3A_61 = tpu.memref_squeeze %dma_wait3A_60 : memref<1x158x64xi32, #tpu.memory_space<hbm>> -> memref<158x64xi32, #tpu.memory_space<hbm>>
      tpu.wait_dma2 semaphore(%run_scoped3A : memref<!tpu.dma_semaphore, #tpu.memory_space<semaphore_mem>>) src(%dma_wait3A_61 : memref<158x64xi32, #tpu.memory_space<hbm>>) dst(%arg8 : memref<158x64xi32, #tpu.memory_space<vmem>>)
      tpu.yield
    }) : () -> ()
    %mul3A_8 = arith.constant 632 : i32
    %mul3A_9 = arith.muli %arg1, %mul3A_8 : i32
    %mul3A_10 = arith.constant 632 : i32
    %mul3A_11 = arith.muli %arg1, %mul3A_10 : i32
    %dma_wait3A = arith.constant 0 : i32
    %dma_wait3A_12 = tpu.memref_slice %arg12[%mul3A_11, %dma_wait3A] : memref<10112x128xf32, #tpu.memory_space<vmem_shared>> -> memref<632x128xf32, #tpu.memory_space<vmem_shared>>
    %dma_wait3A_13 = arith.constant 0 : i32
    %dma_wait3A_14 = tpu.memref_slice %arg5[%mul3A_9, %dma_wait3A_13] : memref<10112x128xf32, #tpu.memory_space<hbm>> -> memref<632x128xf32, #tpu.memory_space<hbm>>
    tpu.wait_dma2 semaphore(%arg13 : memref<!tpu.dma_semaphore, #tpu.memory_space<semaphore_mem>>) src(%dma_wait3A_14 : memref<632x128xf32, #tpu.memory_space<hbm>>) dst(%dma_wait3A_12 : memref<632x128xf32, #tpu.memory_space<vmem_shared>>)
    %barrier3A = arith.constant 0 : index
    tpu.barrier barrier_id(%barrier3A)
    %dma_start3A_15 = arith.constant 0 : i32
    %dma_start3A_16 = arith.constant 0 : i32
    %dma_start3A_17 = tpu.memref_slice %arg7[%dma_start3A_15, %dma_start3A_16] : memref<158x64xi32, #tpu.memory_space<vmem>> -> memref<1x64xi32, #tpu.memory_space<vmem>>
    %dma_start3A_18 = tpu.memref_squeeze %dma_start3A_17 : memref<1x64xi32, #tpu.memory_space<vmem>> -> memref<64xi32, #tpu.memory_space<vmem>>
    %dma_start3A_19 = arith.constant 0 : i32
    %dma_start3A_20 = arith.constant 0 : i32
    %dma_start3A_21 = tpu.memref_slice %arg2[%dma_start3A_19, %dma_start3A_20] : memref<10000x128xf32, #tpu.memory_space<hbm>> -> memref<10000x128xf32, #tpu.memory_space<hbm>>
    tpu.enqueue_indirect_dma source(%dma_start3A_21 : memref<10000x128xf32, #tpu.memory_space<hbm>>) target(%arg9 : memref<64x128xf32, #tpu.memory_space<vmem>>) offsets(%dma_start3A_18 : memref<64xi32, #tpu.memory_space<vmem>>) semaphore(%arg14 : memref<!tpu.dma_semaphore, #tpu.memory_space<semaphore_mem>>)
    %dma_start3A_22 = arith.constant 1 : i32
    %dma_start3A_23 = arith.constant 0 : i32
    %dma_start3A_24 = tpu.memref_slice %arg7[%dma_start3A_22, %dma_start3A_23] : memref<158x64xi32, #tpu.memory_space<vmem>> -> memref<1x64xi32, #tpu.memory_space<vmem>>
    %dma_start3A_25 = tpu.memref_squeeze %dma_start3A_24 : memref<1x64xi32, #tpu.memory_space<vmem>> -> memref<64xi32, #tpu.memory_space<vmem>>
    %dma_start3A_26 = arith.constant 0 : i32
    %dma_start3A_27 = arith.constant 0 : i32
    %dma_start3A_28 = tpu.memref_slice %arg2[%dma_start3A_26, %dma_start3A_27] : memref<10000x128xf32, #tpu.memory_space<hbm>> -> memref<10000x128xf32, #tpu.memory_space<hbm>>
    tpu.enqueue_indirect_dma source(%dma_start3A_28 : memref<10000x128xf32, #tpu.memory_space<hbm>>) target(%arg10 : memref<64x128xf32, #tpu.memory_space<vmem>>) offsets(%dma_start3A_25 : memref<64xi32, #tpu.memory_space<vmem>>) semaphore(%arg15 : memref<!tpu.dma_semaphore, #tpu.memory_space<semaphore_mem>>)
    %dma_start3A_29 = arith.constant 2 : i32
    %dma_start3A_30 = arith.constant 0 : i32
    %dma_start3A_31 = tpu.memref_slice %arg7[%dma_start3A_29, %dma_start3A_30] : memref<158x64xi32, #tpu.memory_space<vmem>> -> memref<1x64xi32, #tpu.memory_space<vmem>>
    %dma_start3A_32 = tpu.memref_squeeze %dma_start3A_31 : memref<1x64xi32, #tpu.memory_space<vmem>> -> memref<64xi32, #tpu.memory_space<vmem>>
    %dma_start3A_33 = arith.constant 0 : i32
    %dma_start3A_34 = arith.constant 0 : i32
    %dma_start3A_35 = tpu.memref_slice %arg2[%dma_start3A_33, %dma_start3A_34] : memref<10000x128xf32, #tpu.memory_space<hbm>> -> memref<10000x128xf32, #tpu.memory_space<hbm>>
    tpu.enqueue_indirect_dma source(%dma_start3A_35 : memref<10000x128xf32, #tpu.memory_space<hbm>>) target(%arg11 : memref<64x128xf32, #tpu.memory_space<vmem>>) offsets(%dma_start3A_32 : memref<64xi32, #tpu.memory_space<vmem>>) semaphore(%arg16 : memref<!tpu.dma_semaphore, #tpu.memory_space<semaphore_mem>>)
    %scan3A = arith.constant 0 : i32
    %scan3A_36 = arith.constant 0 : i32
    %scan3A_37 = arith.constant 53 : i32
    %scan3A_38 = arith.addi %scan3A_36, %scan3A_37 : i32
    %scan3A_39 = arith.constant 1 : i32
    scf.for %scan3A_46 = %scan3A_36 to %scan3A_38 step %scan3A_39  : i32 {
      %mul3A_47 = arith.constant 3 : i32
      %mul3A_48 = arith.muli %scan3A_46, %mul3A_47 : i32
      %add3A_49 = arith.constant 0 : i32
      %add3A_50 = arith.addi %mul3A_48, %add3A_49 : i32
      %lt3A = arith.constant 158 : i32
      %lt3A_51 = arith.cmpi slt, %add3A_50, %lt3A : i32
      %convert_element_type3A = arith.extui %lt3A_51 : i1 to i32
      %cond3A = arith.constant 0 : i32
      %cond3A_52 = arith.cmpi ne, %convert_element_type3A, %cond3A : i32
      scf.if %cond3A_52 {
        %dma_wait3A_71 = arith.constant 0 : i32
        %dma_wait3A_72 = tpu.memref_slice %arg7[%add3A_50, %dma_wait3A_71] : memref<158x64xi32, #tpu.memory_space<vmem>> -> memref<1x64xi32, #tpu.memory_space<vmem>>
        %dma_wait3A_73 = tpu.memref_squeeze %dma_wait3A_72 : memref<1x64xi32, #tpu.memory_space<vmem>> -> memref<64xi32, #tpu.memory_space<vmem>>
        %dma_wait3A_74 = arith.constant 0 : i32
        %dma_wait3A_75 = arith.constant 0 : i32
        %dma_wait3A_76 = tpu.memref_slice %arg2[%dma_wait3A_74, %dma_wait3A_75] : memref<10000x128xf32, #tpu.memory_space<hbm>> -> memref<10000x128xf32, #tpu.memory_space<hbm>>
        tpu.wait_indirect_dma semaphore(%arg14 : memref<!tpu.dma_semaphore, #tpu.memory_space<semaphore_mem>>) src(%dma_wait3A_76 : memref<10000x128xf32, #tpu.memory_space<hbm>>) dst(%arg9 : memref<64x128xf32, #tpu.memory_space<vmem>>)
        "tpu.region"() ({
          %run_scoped3A = tpu.sem_alloc : memref<!tpu.dma_semaphore, #tpu.memory_space<semaphore_mem>>
          %dma_start3A_84 = arith.constant 0 : i32
          %dma_start3A_85 = tpu.memref_slice %arg8[%add3A_50, %dma_start3A_84] : memref<158x64xi32, #tpu.memory_space<vmem>> -> memref<1x64xi32, #tpu.memory_space<vmem>>
          %dma_start3A_86 = tpu.memref_squeeze %dma_start3A_85 : memref<1x64xi32, #tpu.memory_space<vmem>> -> memref<64xi32, #tpu.memory_space<vmem>>
          %dma_start3A_87 = arith.constant 0 : i32
          %dma_start3A_88 = arith.constant 0 : i32
          %dma_start3A_89 = tpu.memref_slice %arg12[%dma_start3A_87, %dma_start3A_88] : memref<10112x128xf32, #tpu.memory_space<vmem_shared>> -> memref<10112x128xf32, #tpu.memory_space<vmem_shared>>
          tpu.enqueue_indirect_dma source(%arg9 : memref<64x128xf32, #tpu.memory_space<vmem>>) target(%dma_start3A_89 : memref<10112x128xf32, #tpu.memory_space<vmem_shared>>) offsets(%dma_start3A_86 : memref<64xi32, #tpu.memory_space<vmem>>) semaphore(%run_scoped3A : memref<!tpu.dma_semaphore, #tpu.memory_space<semaphore_mem>>) {add = true}
          %dma_wait3A_90 = arith.constant 0 : i32
          %dma_wait3A_91 = tpu.memref_slice %arg8[%add3A_50, %dma_wait3A_90] : memref<158x64xi32, #tpu.memory_space<vmem>> -> memref<1x64xi32, #tpu.memory_space<vmem>>
          %dma_wait3A_92 = tpu.memref_squeeze %dma_wait3A_91 : memref<1x64xi32, #tpu.memory_space<vmem>> -> memref<64xi32, #tpu.memory_space<vmem>>
          %dma_wait3A_93 = arith.constant 0 : i32
          %dma_wait3A_94 = arith.constant 0 : i32
          %dma_wait3A_95 = tpu.memref_slice %arg12[%dma_wait3A_93, %dma_wait3A_94] : memref<10112x128xf32, #tpu.memory_space<vmem_shared>> -> memref<10112x128xf32, #tpu.memory_space<vmem_shared>>
          tpu.wait_indirect_dma semaphore(%run_scoped3A : memref<!tpu.dma_semaphore, #tpu.memory_space<semaphore_mem>>) src(%arg9 : memref<64x128xf32, #tpu.memory_space<vmem>>) dst(%dma_wait3A_95 : memref<10112x128xf32, #tpu.memory_space<vmem_shared>>)
          tpu.yield
        }) : () -> ()
        %add3A_77 = arith.constant 3 : i32
        %add3A_78 = arith.addi %add3A_50, %add3A_77 : i32
        %lt3A_79 = arith.constant 158 : i32
        %lt3A_80 = arith.cmpi slt, %add3A_78, %lt3A_79 : i32
        %convert_element_type3A_81 = arith.extui %lt3A_80 : i1 to i32
        %cond3A_82 = arith.constant 0 : i32
        %cond3A_83 = arith.cmpi ne, %convert_element_type3A_81, %cond3A_82 : i32
        scf.if %cond3A_83 {
          %add3A_84 = arith.constant 3 : i32
          %add3A_85 = arith.addi %add3A_50, %add3A_84 : i32
          %dma_start3A_86 = arith.constant 0 : i32
          %dma_start3A_87 = tpu.memref_slice %arg7[%add3A_85, %dma_start3A_86] : memref<158x64xi32, #tpu.memory_space<vmem>> -> memref<1x64xi32, #tpu.memory_space<vmem>>
          %dma_start3A_88 = tpu.memref_squeeze %dma_start3A_87 : memref<1x64xi32, #tpu.memory_space<vmem>> -> memref<64xi32, #tpu.memory_space<vmem>>
          %dma_start3A_89 = arith.constant 0 : i32
          %dma_start3A_90 = arith.constant 0 : i32
          %dma_start3A_91 = tpu.memref_slice %arg2[%dma_start3A_89, %dma_start3A_90] : memref<10000x128xf32, #tpu.memory_space<hbm>> -> memref<10000x128xf32, #tpu.memory_space<hbm>>
          tpu.enqueue_indirect_dma source(%dma_start3A_91 : memref<10000x128xf32, #tpu.memory_space<hbm>>) target(%arg9 : memref<64x128xf32, #tpu.memory_space<vmem>>) offsets(%dma_start3A_88 : memref<64xi32, #tpu.memory_space<vmem>>) semaphore(%arg14 : memref<!tpu.dma_semaphore, #tpu.memory_space<semaphore_mem>>)
        } else {
        }
      } else {
      }
      %mul3A_53 = arith.constant 3 : i32
      %mul3A_54 = arith.muli %scan3A_46, %mul3A_53 : i32
      %add3A_55 = arith.constant 1 : i32
      %add3A_56 = arith.addi %mul3A_54, %add3A_55 : i32
      %lt3A_57 = arith.constant 158 : i32
      %lt3A_58 = arith.cmpi slt, %add3A_56, %lt3A_57 : i32
      %convert_element_type3A_59 = arith.extui %lt3A_58 : i1 to i32
      %cond3A_60 = arith.constant 0 : i32
      %cond3A_61 = arith.cmpi ne, %convert_element_type3A_59, %cond3A_60 : i32
      scf.if %cond3A_61 {
        %dma_wait3A_71 = arith.constant 0 : i32
        %dma_wait3A_72 = tpu.memref_slice %arg7[%add3A_56, %dma_wait3A_71] : memref<158x64xi32, #tpu.memory_space<vmem>> -> memref<1x64xi32, #tpu.memory_space<vmem>>
        %dma_wait3A_73 = tpu.memref_squeeze %dma_wait3A_72 : memref<1x64xi32, #tpu.memory_space<vmem>> -> memref<64xi32, #tpu.memory_space<vmem>>
        %dma_wait3A_74 = arith.constant 0 : i32
        %dma_wait3A_75 = arith.constant 0 : i32
        %dma_wait3A_76 = tpu.memref_slice %arg2[%dma_wait3A_74, %dma_wait3A_75] : memref<10000x128xf32, #tpu.memory_space<hbm>> -> memref<10000x128xf32, #tpu.memory_space<hbm>>
        tpu.wait_indirect_dma semaphore(%arg15 : memref<!tpu.dma_semaphore, #tpu.memory_space<semaphore_mem>>) src(%dma_wait3A_76 : memref<10000x128xf32, #tpu.memory_space<hbm>>) dst(%arg10 : memref<64x128xf32, #tpu.memory_space<vmem>>)
        "tpu.region"() ({
          %run_scoped3A = tpu.sem_alloc : memref<!tpu.dma_semaphore, #tpu.memory_space<semaphore_mem>>
          %dma_start3A_84 = arith.constant 0 : i32
          %dma_start3A_85 = tpu.memref_slice %arg8[%add3A_56, %dma_start3A_84] : memref<158x64xi32, #tpu.memory_space<vmem>> -> memref<1x64xi32, #tpu.memory_space<vmem>>
          %dma_start3A_86 = tpu.memref_squeeze %dma_start3A_85 : memref<1x64xi32, #tpu.memory_space<vmem>> -> memref<64xi32, #tpu.memory_space<vmem>>
          %dma_start3A_87 = arith.constant 0 : i32
          %dma_start3A_88 = arith.constant 0 : i32
          %dma_start3A_89 = tpu.memref_slice %arg12[%dma_start3A_87, %dma_start3A_88] : memref<10112x128xf32, #tpu.memory_space<vmem_shared>> -> memref<10112x128xf32, #tpu.memory_space<vmem_shared>>
          tpu.enqueue_indirect_dma source(%arg10 : memref<64x128xf32, #tpu.memory_space<vmem>>) target(%dma_start3A_89 : memref<10112x128xf32, #tpu.memory_space<vmem_shared>>) offsets(%dma_start3A_86 : memref<64xi32, #tpu.memory_space<vmem>>) semaphore(%run_scoped3A : memref<!tpu.dma_semaphore, #tpu.memory_space<semaphore_mem>>) {add = true}
          %dma_wait3A_90 = arith.constant 0 : i32
          %dma_wait3A_91 = tpu.memref_slice %arg8[%add3A_56, %dma_wait3A_90] : memref<158x64xi32, #tpu.memory_space<vmem>> -> memref<1x64xi32, #tpu.memory_space<vmem>>
          %dma_wait3A_92 = tpu.memref_squeeze %dma_wait3A_91 : memref<1x64xi32, #tpu.memory_space<vmem>> -> memref<64xi32, #tpu.memory_space<vmem>>
          %dma_wait3A_93 = arith.constant 0 : i32
          %dma_wait3A_94 = arith.constant 0 : i32
          %dma_wait3A_95 = tpu.memref_slice %arg12[%dma_wait3A_93, %dma_wait3A_94] : memref<10112x128xf32, #tpu.memory_space<vmem_shared>> -> memref<10112x128xf32, #tpu.memory_space<vmem_shared>>
          tpu.wait_indirect_dma semaphore(%run_scoped3A : memref<!tpu.dma_semaphore, #tpu.memory_space<semaphore_mem>>) src(%arg10 : memref<64x128xf32, #tpu.memory_space<vmem>>) dst(%dma_wait3A_95 : memref<10112x128xf32, #tpu.memory_space<vmem_shared>>)
          tpu.yield
        }) : () -> ()
        %add3A_77 = arith.constant 3 : i32
        %add3A_78 = arith.addi %add3A_56, %add3A_77 : i32
        %lt3A_79 = arith.constant 158 : i32
        %lt3A_80 = arith.cmpi slt, %add3A_78, %lt3A_79 : i32
        %convert_element_type3A_81 = arith.extui %lt3A_80 : i1 to i32
        %cond3A_82 = arith.constant 0 : i32
        %cond3A_83 = arith.cmpi ne, %convert_element_type3A_81, %cond3A_82 : i32
        scf.if %cond3A_83 {
          %add3A_84 = arith.constant 3 : i32
          %add3A_85 = arith.addi %add3A_56, %add3A_84 : i32
          %dma_start3A_86 = arith.constant 0 : i32
          %dma_start3A_87 = tpu.memref_slice %arg7[%add3A_85, %dma_start3A_86] : memref<158x64xi32, #tpu.memory_space<vmem>> -> memref<1x64xi32, #tpu.memory_space<vmem>>
          %dma_start3A_88 = tpu.memref_squeeze %dma_start3A_87 : memref<1x64xi32, #tpu.memory_space<vmem>> -> memref<64xi32, #tpu.memory_space<vmem>>
          %dma_start3A_89 = arith.constant 0 : i32
          %dma_start3A_90 = arith.constant 0 : i32
          %dma_start3A_91 = tpu.memref_slice %arg2[%dma_start3A_89, %dma_start3A_90] : memref<10000x128xf32, #tpu.memory_space<hbm>> -> memref<10000x128xf32, #tpu.memory_space<hbm>>
          tpu.enqueue_indirect_dma source(%dma_start3A_91 : memref<10000x128xf32, #tpu.memory_space<hbm>>) target(%arg10 : memref<64x128xf32, #tpu.memory_space<vmem>>) offsets(%dma_start3A_88 : memref<64xi32, #tpu.memory_space<vmem>>) semaphore(%arg15 : memref<!tpu.dma_semaphore, #tpu.memory_space<semaphore_mem>>)
        } else {
        }
      } else {
      }
      %mul3A_62 = arith.constant 3 : i32
      %mul3A_63 = arith.muli %scan3A_46, %mul3A_62 : i32
      %add3A_64 = arith.constant 2 : i32
      %add3A_65 = arith.addi %mul3A_63, %add3A_64 : i32
      %lt3A_66 = arith.constant 158 : i32
      %lt3A_67 = arith.cmpi slt, %add3A_65, %lt3A_66 : i32
      %convert_element_type3A_68 = arith.extui %lt3A_67 : i1 to i32
      %cond3A_69 = arith.constant 0 : i32
      %cond3A_70 = arith.cmpi ne, %convert_element_type3A_68, %cond3A_69 : i32
      scf.if %cond3A_70 {
        %dma_wait3A_71 = arith.constant 0 : i32
        %dma_wait3A_72 = tpu.memref_slice %arg7[%add3A_65, %dma_wait3A_71] : memref<158x64xi32, #tpu.memory_space<vmem>> -> memref<1x64xi32, #tpu.memory_space<vmem>>
        %dma_wait3A_73 = tpu.memref_squeeze %dma_wait3A_72 : memref<1x64xi32, #tpu.memory_space<vmem>> -> memref<64xi32, #tpu.memory_space<vmem>>
        %dma_wait3A_74 = arith.constant 0 : i32
        %dma_wait3A_75 = arith.constant 0 : i32
        %dma_wait3A_76 = tpu.memref_slice %arg2[%dma_wait3A_74, %dma_wait3A_75] : memref<10000x128xf32, #tpu.memory_space<hbm>> -> memref<10000x128xf32, #tpu.memory_space<hbm>>
        tpu.wait_indirect_dma semaphore(%arg16 : memref<!tpu.dma_semaphore, #tpu.memory_space<semaphore_mem>>) src(%dma_wait3A_76 : memref<10000x128xf32, #tpu.memory_space<hbm>>) dst(%arg11 : memref<64x128xf32, #tpu.memory_space<vmem>>)
        "tpu.region"() ({
          %run_scoped3A = tpu.sem_alloc : memref<!tpu.dma_semaphore, #tpu.memory_space<semaphore_mem>>
          %dma_start3A_84 = arith.constant 0 : i32
          %dma_start3A_85 = tpu.memref_slice %arg8[%add3A_65, %dma_start3A_84] : memref<158x64xi32, #tpu.memory_space<vmem>> -> memref<1x64xi32, #tpu.memory_space<vmem>>
          %dma_start3A_86 = tpu.memref_squeeze %dma_start3A_85 : memref<1x64xi32, #tpu.memory_space<vmem>> -> memref<64xi32, #tpu.memory_space<vmem>>
          %dma_start3A_87 = arith.constant 0 : i32
          %dma_start3A_88 = arith.constant 0 : i32
          %dma_start3A_89 = tpu.memref_slice %arg12[%dma_start3A_87, %dma_start3A_88] : memref<10112x128xf32, #tpu.memory_space<vmem_shared>> -> memref<10112x128xf32, #tpu.memory_space<vmem_shared>>
          tpu.enqueue_indirect_dma source(%arg11 : memref<64x128xf32, #tpu.memory_space<vmem>>) target(%dma_start3A_89 : memref<10112x128xf32, #tpu.memory_space<vmem_shared>>) offsets(%dma_start3A_86 : memref<64xi32, #tpu.memory_space<vmem>>) semaphore(%run_scoped3A : memref<!tpu.dma_semaphore, #tpu.memory_space<semaphore_mem>>) {add = true}
          %dma_wait3A_90 = arith.constant 0 : i32
          %dma_wait3A_91 = tpu.memref_slice %arg8[%add3A_65, %dma_wait3A_90] : memref<158x64xi32, #tpu.memory_space<vmem>> -> memref<1x64xi32, #tpu.memory_space<vmem>>
          %dma_wait3A_92 = tpu.memref_squeeze %dma_wait3A_91 : memref<1x64xi32, #tpu.memory_space<vmem>> -> memref<64xi32, #tpu.memory_space<vmem>>
          %dma_wait3A_93 = arith.constant 0 : i32
          %dma_wait3A_94 = arith.constant 0 : i32
          %dma_wait3A_95 = tpu.memref_slice %arg12[%dma_wait3A_93, %dma_wait3A_94] : memref<10112x128xf32, #tpu.memory_space<vmem_shared>> -> memref<10112x128xf32, #tpu.memory_space<vmem_shared>>
          tpu.wait_indirect_dma semaphore(%run_scoped3A : memref<!tpu.dma_semaphore, #tpu.memory_space<semaphore_mem>>) src(%arg11 : memref<64x128xf32, #tpu.memory_space<vmem>>) dst(%dma_wait3A_95 : memref<10112x128xf32, #tpu.memory_space<vmem_shared>>)
          tpu.yield
        }) : () -> ()
        %add3A_77 = arith.constant 3 : i32
        %add3A_78 = arith.addi %add3A_65, %add3A_77 : i32
        %lt3A_79 = arith.constant 158 : i32
        %lt3A_80 = arith.cmpi slt, %add3A_78, %lt3A_79 : i32
        %convert_element_type3A_81 = arith.extui %lt3A_80 : i1 to i32
        %cond3A_82 = arith.constant 0 : i32
        %cond3A_83 = arith.cmpi ne, %convert_element_type3A_81, %cond3A_82 : i32
        scf.if %cond3A_83 {
          %add3A_84 = arith.constant 3 : i32
          %add3A_85 = arith.addi %add3A_65, %add3A_84 : i32
          %dma_start3A_86 = arith.constant 0 : i32
          %dma_start3A_87 = tpu.memref_slice %arg7[%add3A_85, %dma_start3A_86] : memref<158x64xi32, #tpu.memory_space<vmem>> -> memref<1x64xi32, #tpu.memory_space<vmem>>
          %dma_start3A_88 = tpu.memref_squeeze %dma_start3A_87 : memref<1x64xi32, #tpu.memory_space<vmem>> -> memref<64xi32, #tpu.memory_space<vmem>>
          %dma_start3A_89 = arith.constant 0 : i32
          %dma_start3A_90 = arith.constant 0 : i32
          %dma_start3A_91 = tpu.memref_slice %arg2[%dma_start3A_89, %dma_start3A_90] : memref<10000x128xf32, #tpu.memory_space<hbm>> -> memref<10000x128xf32, #tpu.memory_space<hbm>>
          tpu.enqueue_indirect_dma source(%dma_start3A_91 : memref<10000x128xf32, #tpu.memory_space<hbm>>) target(%arg11 : memref<64x128xf32, #tpu.memory_space<vmem>>) offsets(%dma_start3A_88 : memref<64xi32, #tpu.memory_space<vmem>>) semaphore(%arg16 : memref<!tpu.dma_semaphore, #tpu.memory_space<semaphore_mem>>)
        } else {
        }
      } else {
      }
    }
    %scan3A_40 = arith.constant 53 : i32
    %barrier3A_41 = arith.constant 0 : index
    tpu.barrier barrier_id(%barrier3A_41)
    %mul3A_42 = arith.constant 632 : i32
    %mul3A_43 = arith.muli %arg1, %mul3A_42 : i32
    %mul3A_44 = arith.constant 632 : i32
    %mul3A_45 = arith.muli %arg1, %mul3A_44 : i32
    "tpu.region"() ({
      %run_scoped3A = tpu.sem_alloc : memref<!tpu.dma_semaphore, #tpu.memory_space<semaphore_mem>>
      %dma_start3A_46 = arith.constant 0 : i32
      %dma_start3A_47 = tpu.memref_slice %arg6[%arg0, %mul3A_45, %dma_start3A_46] : memref<2x10112x128xf32, #tpu.memory_space<hbm>> -> memref<1x632x128xf32, #tpu.memory_space<hbm>>
      %dma_start3A_48 = tpu.memref_squeeze %dma_start3A_47 : memref<1x632x128xf32, #tpu.memory_space<hbm>> -> memref<632x128xf32, #tpu.memory_space<hbm>>
      %dma_start3A_49 = arith.constant 0 : i32
      %dma_start3A_50 = tpu.memref_slice %arg12[%mul3A_43, %dma_start3A_49] : memref<10112x128xf32, #tpu.memory_space<vmem_shared>> -> memref<632x128xf32, #tpu.memory_space<vmem_shared>>
      tpu.enqueue_dma source(%dma_start3A_50 : memref<632x128xf32, #tpu.memory_space<vmem_shared>>) target(%dma_start3A_48 : memref<632x128xf32, #tpu.memory_space<hbm>>) target_semaphore(%run_scoped3A : memref<!tpu.dma_semaphore, #tpu.memory_space<semaphore_mem>>)
      %dma_wait3A_51 = arith.constant 0 : i32
      %dma_wait3A_52 = tpu.memref_slice %arg6[%arg0, %mul3A_45, %dma_wait3A_51] : memref<2x10112x128xf32, #tpu.memory_space<hbm>> -> memref<1x632x128xf32, #tpu.memory_space<hbm>>
      %dma_wait3A_53 = tpu.memref_squeeze %dma_wait3A_52 : memref<1x632x128xf32, #tpu.memory_space<hbm>> -> memref<632x128xf32, #tpu.memory_space<hbm>>
      %dma_wait3A_54 = arith.constant 0 : i32
      %dma_wait3A_55 = tpu.memref_slice %arg12[%mul3A_43, %dma_wait3A_54] : memref<10112x128xf32, #tpu.memory_space<vmem_shared>> -> memref<632x128xf32, #tpu.memory_space<vmem_shared>>
      tpu.wait_dma2 semaphore(%run_scoped3A : memref<!tpu.dma_semaphore, #tpu.memory_space<semaphore_mem>>) src(%dma_wait3A_55 : memref<632x128xf32, #tpu.memory_space<vmem_shared>>) dst(%dma_wait3A_53 : memref<632x128xf32, #tpu.memory_space<hbm>>)
      tpu.yield
    }) : () -> ()
    return
  }
}

#map = affine_map<(d0, d1) -> (0, 0)>
#map1 = affine_map<(d0, d1) -> (0, 0, 0)>
module attributes {stable_mosaic.version = 14 : i64} {
  func.func @body(%arg0: i32, %arg1: i32, %arg2: memref<10240x64xf32, #tpu.memory_space<hbm>>, %arg3: memref<32x79x128xi32, #tpu.memory_space<hbm>>, %arg4: memref<32x79x128xi32, #tpu.memory_space<hbm>>, %arg5: memref<10112x64xf32, #tpu.memory_space<hbm>>, %arg6: memref<2x10112x64xf32, #tpu.memory_space<hbm>>, %arg7: memref<79x128xi32, #tpu.memory_space<vmem>>, %arg8: memref<79x128xi32, #tpu.memory_space<vmem>>, %arg9: memref<128x64xf32, #tpu.memory_space<vmem>>, %arg10: memref<128x64xf32, #tpu.memory_space<vmem>>, %arg11: memref<128x64xf32, #tpu.memory_space<vmem>>, %arg12: memref<128x64xf32, #tpu.memory_space<vmem>>, %arg13: memref<128x64xf32, #tpu.memory_space<vmem>>, %arg14: memref<128x64xf32, #tpu.memory_space<vmem>>, %arg15: memref<10112x64xf32, #tpu.memory_space<vmem_shared>>, %arg16: memref<!tpu.dma_semaphore, #tpu.memory_space<semaphore_mem>>, %arg17: memref<!tpu.dma_semaphore, #tpu.memory_space<semaphore_mem>>, %arg18: memref<!tpu.dma_semaphore, #tpu.memory_space<semaphore_mem>>, %arg19: memref<!tpu.dma_semaphore, #tpu.memory_space<semaphore_mem>>, %arg20: memref<!tpu.dma_semaphore, #tpu.memory_space<semaphore_mem>>, %arg21: memref<!tpu.dma_semaphore, #tpu.memory_space<semaphore_mem>>, %arg22: memref<!tpu.dma_semaphore, #tpu.memory_space<semaphore_mem>>) attributes {dimension_semantics = [#tpu.dimension_semantics<core_parallel>, #tpu.dimension_semantics<subcore_parallel>], iteration_bounds = array<i64: 2, 16>, scalar_prefetch = 0 : i64, scratch_operands = 16 : i64, tpu.core_type = #tpu.core_type<sc_vector_subcore>, window_params = [{transform_indices = #map}, {transform_indices = #map1}, {transform_indices = #map1}, {transform_indices = #map}, {transform_indices = #map1}]} {
    %mul3A = arith.constant 16 : i32
    %mul3A_0 = arith.muli %arg0, %mul3A : i32
    %add3A = arith.addi %mul3A_0, %arg1 : i32
    %mul3A_1 = arith.constant 632 : i32
    %mul3A_2 = arith.muli %arg1, %mul3A_1 : i32
    %mul3A_3 = arith.constant 632 : i32
    %mul3A_4 = arith.muli %arg1, %mul3A_3 : i32
    %dma_start3A = arith.constant 0 : i32
    %dma_start3A_5 = tpu.memref_slice %arg15[%mul3A_4, %dma_start3A] : memref<10112x64xf32, #tpu.memory_space<vmem_shared>> -> memref<632x64xf32, #tpu.memory_space<vmem_shared>>
    %dma_start3A_6 = arith.constant 0 : i32
    %dma_start3A_7 = tpu.memref_slice %arg5[%mul3A_2, %dma_start3A_6] : memref<10112x64xf32, #tpu.memory_space<hbm>> -> memref<632x64xf32, #tpu.memory_space<hbm>>
    tpu.enqueue_dma source(%dma_start3A_7 : memref<632x64xf32, #tpu.memory_space<hbm>>) target(%dma_start3A_5 : memref<632x64xf32, #tpu.memory_space<vmem_shared>>) target_semaphore(%arg16 : memref<!tpu.dma_semaphore, #tpu.memory_space<semaphore_mem>>)
    "tpu.region"() ({
      %run_scoped3A = tpu.sem_alloc : memref<!tpu.dma_semaphore, #tpu.memory_space<semaphore_mem>>
      %dma_start3A_67 = arith.constant 0 : i32
      %dma_start3A_68 = arith.constant 0 : i32
      %dma_start3A_69 = tpu.memref_slice %arg3[%add3A, %dma_start3A_67, %dma_start3A_68] : memref<32x79x128xi32, #tpu.memory_space<hbm>> -> memref<1x79x128xi32, #tpu.memory_space<hbm>>
      %dma_start3A_70 = tpu.memref_squeeze %dma_start3A_69 : memref<1x79x128xi32, #tpu.memory_space<hbm>> -> memref<79x128xi32, #tpu.memory_space<hbm>>
      %dma_start3A_71 = arith.constant 0 : i32
      %dma_start3A_72 = arith.constant 0 : i32
      %dma_start3A_73 = tpu.memref_slice %arg3[%add3A, %dma_start3A_71, %dma_start3A_72] : memref<32x79x128xi32, #tpu.memory_space<hbm>> -> memref<1x79x128xi32, #tpu.memory_space<hbm>>
      %dma_start3A_74 = tpu.memref_squeeze %dma_start3A_73 : memref<1x79x128xi32, #tpu.memory_space<hbm>> -> memref<79x128xi32, #tpu.memory_space<hbm>>
      tpu.enqueue_dma source(%dma_start3A_74 : memref<79x128xi32, #tpu.memory_space<hbm>>) target(%arg7 : memref<79x128xi32, #tpu.memory_space<vmem>>) target_semaphore(%run_scoped3A : memref<!tpu.dma_semaphore, #tpu.memory_space<semaphore_mem>>)
      %dma_wait3A_75 = arith.constant 0 : i32
      %dma_wait3A_76 = arith.constant 0 : i32
      %dma_wait3A_77 = tpu.memref_slice %arg3[%add3A, %dma_wait3A_75, %dma_wait3A_76] : memref<32x79x128xi32, #tpu.memory_space<hbm>> -> memref<1x79x128xi32, #tpu.memory_space<hbm>>
      %dma_wait3A_78 = tpu.memref_squeeze %dma_wait3A_77 : memref<1x79x128xi32, #tpu.memory_space<hbm>> -> memref<79x128xi32, #tpu.memory_space<hbm>>
      %dma_wait3A_79 = arith.constant 0 : i32
      %dma_wait3A_80 = arith.constant 0 : i32
      %dma_wait3A_81 = tpu.memref_slice %arg3[%add3A, %dma_wait3A_79, %dma_wait3A_80] : memref<32x79x128xi32, #tpu.memory_space<hbm>> -> memref<1x79x128xi32, #tpu.memory_space<hbm>>
      %dma_wait3A_82 = tpu.memref_squeeze %dma_wait3A_81 : memref<1x79x128xi32, #tpu.memory_space<hbm>> -> memref<79x128xi32, #tpu.memory_space<hbm>>
      tpu.wait_dma2 semaphore(%run_scoped3A : memref<!tpu.dma_semaphore, #tpu.memory_space<semaphore_mem>>) src(%dma_wait3A_82 : memref<79x128xi32, #tpu.memory_space<hbm>>) dst(%arg7 : memref<79x128xi32, #tpu.memory_space<vmem>>)
      tpu.yield
    }) : () -> ()
    "tpu.region"() ({
      %run_scoped3A = tpu.sem_alloc : memref<!tpu.dma_semaphore, #tpu.memory_space<semaphore_mem>>
      %dma_start3A_67 = arith.constant 0 : i32
      %dma_start3A_68 = arith.constant 0 : i32
      %dma_start3A_69 = tpu.memref_slice %arg4[%add3A, %dma_start3A_67, %dma_start3A_68] : memref<32x79x128xi32, #tpu.memory_space<hbm>> -> memref<1x79x128xi32, #tpu.memory_space<hbm>>
      %dma_start3A_70 = tpu.memref_squeeze %dma_start3A_69 : memref<1x79x128xi32, #tpu.memory_space<hbm>> -> memref<79x128xi32, #tpu.memory_space<hbm>>
      %dma_start3A_71 = arith.constant 0 : i32
      %dma_start3A_72 = arith.constant 0 : i32
      %dma_start3A_73 = tpu.memref_slice %arg4[%add3A, %dma_start3A_71, %dma_start3A_72] : memref<32x79x128xi32, #tpu.memory_space<hbm>> -> memref<1x79x128xi32, #tpu.memory_space<hbm>>
      %dma_start3A_74 = tpu.memref_squeeze %dma_start3A_73 : memref<1x79x128xi32, #tpu.memory_space<hbm>> -> memref<79x128xi32, #tpu.memory_space<hbm>>
      tpu.enqueue_dma source(%dma_start3A_74 : memref<79x128xi32, #tpu.memory_space<hbm>>) target(%arg8 : memref<79x128xi32, #tpu.memory_space<vmem>>) target_semaphore(%run_scoped3A : memref<!tpu.dma_semaphore, #tpu.memory_space<semaphore_mem>>)
      %dma_wait3A_75 = arith.constant 0 : i32
      %dma_wait3A_76 = arith.constant 0 : i32
      %dma_wait3A_77 = tpu.memref_slice %arg4[%add3A, %dma_wait3A_75, %dma_wait3A_76] : memref<32x79x128xi32, #tpu.memory_space<hbm>> -> memref<1x79x128xi32, #tpu.memory_space<hbm>>
      %dma_wait3A_78 = tpu.memref_squeeze %dma_wait3A_77 : memref<1x79x128xi32, #tpu.memory_space<hbm>> -> memref<79x128xi32, #tpu.memory_space<hbm>>
      %dma_wait3A_79 = arith.constant 0 : i32
      %dma_wait3A_80 = arith.constant 0 : i32
      %dma_wait3A_81 = tpu.memref_slice %arg4[%add3A, %dma_wait3A_79, %dma_wait3A_80] : memref<32x79x128xi32, #tpu.memory_space<hbm>> -> memref<1x79x128xi32, #tpu.memory_space<hbm>>
      %dma_wait3A_82 = tpu.memref_squeeze %dma_wait3A_81 : memref<1x79x128xi32, #tpu.memory_space<hbm>> -> memref<79x128xi32, #tpu.memory_space<hbm>>
      tpu.wait_dma2 semaphore(%run_scoped3A : memref<!tpu.dma_semaphore, #tpu.memory_space<semaphore_mem>>) src(%dma_wait3A_82 : memref<79x128xi32, #tpu.memory_space<hbm>>) dst(%arg8 : memref<79x128xi32, #tpu.memory_space<vmem>>)
      tpu.yield
    }) : () -> ()
    %mul3A_8 = arith.constant 632 : i32
    %mul3A_9 = arith.muli %arg1, %mul3A_8 : i32
    %mul3A_10 = arith.constant 632 : i32
    %mul3A_11 = arith.muli %arg1, %mul3A_10 : i32
    %dma_wait3A = arith.constant 0 : i32
    %dma_wait3A_12 = tpu.memref_slice %arg15[%mul3A_11, %dma_wait3A] : memref<10112x64xf32, #tpu.memory_space<vmem_shared>> -> memref<632x64xf32, #tpu.memory_space<vmem_shared>>
    %dma_wait3A_13 = arith.constant 0 : i32
    %dma_wait3A_14 = tpu.memref_slice %arg5[%mul3A_9, %dma_wait3A_13] : memref<10112x64xf32, #tpu.memory_space<hbm>> -> memref<632x64xf32, #tpu.memory_space<hbm>>
    tpu.wait_dma2 semaphore(%arg16 : memref<!tpu.dma_semaphore, #tpu.memory_space<semaphore_mem>>) src(%dma_wait3A_14 : memref<632x64xf32, #tpu.memory_space<hbm>>) dst(%dma_wait3A_12 : memref<632x64xf32, #tpu.memory_space<vmem_shared>>)
    %barrier3A = arith.constant 0 : index
    tpu.barrier barrier_id(%barrier3A)
    %dma_start3A_15 = arith.constant 0 : i32
    %dma_start3A_16 = arith.constant 0 : i32
    %dma_start3A_17 = tpu.memref_slice %arg7[%dma_start3A_15, %dma_start3A_16] : memref<79x128xi32, #tpu.memory_space<vmem>> -> memref<1x128xi32, #tpu.memory_space<vmem>>
    %dma_start3A_18 = tpu.memref_squeeze %dma_start3A_17 : memref<1x128xi32, #tpu.memory_space<vmem>> -> memref<128xi32, #tpu.memory_space<vmem>>
    %dma_start3A_19 = arith.constant 0 : i32
    %dma_start3A_20 = arith.constant 0 : i32
    %dma_start3A_21 = tpu.memref_slice %arg2[%dma_start3A_19, %dma_start3A_20] : memref<10240x64xf32, #tpu.memory_space<hbm>> -> memref<10240x64xf32, #tpu.memory_space<hbm>>
    tpu.enqueue_indirect_dma source(%dma_start3A_21 : memref<10240x64xf32, #tpu.memory_space<hbm>>) target(%arg9 : memref<128x64xf32, #tpu.memory_space<vmem>>) offsets(%dma_start3A_18 : memref<128xi32, #tpu.memory_space<vmem>>) semaphore(%arg17 : memref<!tpu.dma_semaphore, #tpu.memory_space<semaphore_mem>>)
    %dma_start3A_22 = arith.constant 1 : i32
    %dma_start3A_23 = arith.constant 0 : i32
    %dma_start3A_24 = tpu.memref_slice %arg7[%dma_start3A_22, %dma_start3A_23] : memref<79x128xi32, #tpu.memory_space<vmem>> -> memref<1x128xi32, #tpu.memory_space<vmem>>
    %dma_start3A_25 = tpu.memref_squeeze %dma_start3A_24 : memref<1x128xi32, #tpu.memory_space<vmem>> -> memref<128xi32, #tpu.memory_space<vmem>>
    %dma_start3A_26 = arith.constant 0 : i32
    %dma_start3A_27 = arith.constant 0 : i32
    %dma_start3A_28 = tpu.memref_slice %arg2[%dma_start3A_26, %dma_start3A_27] : memref<10240x64xf32, #tpu.memory_space<hbm>> -> memref<10240x64xf32, #tpu.memory_space<hbm>>
    tpu.enqueue_indirect_dma source(%dma_start3A_28 : memref<10240x64xf32, #tpu.memory_space<hbm>>) target(%arg10 : memref<128x64xf32, #tpu.memory_space<vmem>>) offsets(%dma_start3A_25 : memref<128xi32, #tpu.memory_space<vmem>>) semaphore(%arg18 : memref<!tpu.dma_semaphore, #tpu.memory_space<semaphore_mem>>)
    %dma_start3A_29 = arith.constant 2 : i32
    %dma_start3A_30 = arith.constant 0 : i32
    %dma_start3A_31 = tpu.memref_slice %arg7[%dma_start3A_29, %dma_start3A_30] : memref<79x128xi32, #tpu.memory_space<vmem>> -> memref<1x128xi32, #tpu.memory_space<vmem>>
    %dma_start3A_32 = tpu.memref_squeeze %dma_start3A_31 : memref<1x128xi32, #tpu.memory_space<vmem>> -> memref<128xi32, #tpu.memory_space<vmem>>
    %dma_start3A_33 = arith.constant 0 : i32
    %dma_start3A_34 = arith.constant 0 : i32
    %dma_start3A_35 = tpu.memref_slice %arg2[%dma_start3A_33, %dma_start3A_34] : memref<10240x64xf32, #tpu.memory_space<hbm>> -> memref<10240x64xf32, #tpu.memory_space<hbm>>
    tpu.enqueue_indirect_dma source(%dma_start3A_35 : memref<10240x64xf32, #tpu.memory_space<hbm>>) target(%arg11 : memref<128x64xf32, #tpu.memory_space<vmem>>) offsets(%dma_start3A_32 : memref<128xi32, #tpu.memory_space<vmem>>) semaphore(%arg19 : memref<!tpu.dma_semaphore, #tpu.memory_space<semaphore_mem>>)
    %dma_start3A_36 = arith.constant 3 : i32
    %dma_start3A_37 = arith.constant 0 : i32
    %dma_start3A_38 = tpu.memref_slice %arg7[%dma_start3A_36, %dma_start3A_37] : memref<79x128xi32, #tpu.memory_space<vmem>> -> memref<1x128xi32, #tpu.memory_space<vmem>>
    %dma_start3A_39 = tpu.memref_squeeze %dma_start3A_38 : memref<1x128xi32, #tpu.memory_space<vmem>> -> memref<128xi32, #tpu.memory_space<vmem>>
    %dma_start3A_40 = arith.constant 0 : i32
    %dma_start3A_41 = arith.constant 0 : i32
    %dma_start3A_42 = tpu.memref_slice %arg2[%dma_start3A_40, %dma_start3A_41] : memref<10240x64xf32, #tpu.memory_space<hbm>> -> memref<10240x64xf32, #tpu.memory_space<hbm>>
    tpu.enqueue_indirect_dma source(%dma_start3A_42 : memref<10240x64xf32, #tpu.memory_space<hbm>>) target(%arg12 : memref<128x64xf32, #tpu.memory_space<vmem>>) offsets(%dma_start3A_39 : memref<128xi32, #tpu.memory_space<vmem>>) semaphore(%arg20 : memref<!tpu.dma_semaphore, #tpu.memory_space<semaphore_mem>>)
    %dma_start3A_43 = arith.constant 4 : i32
    %dma_start3A_44 = arith.constant 0 : i32
    %dma_start3A_45 = tpu.memref_slice %arg7[%dma_start3A_43, %dma_start3A_44] : memref<79x128xi32, #tpu.memory_space<vmem>> -> memref<1x128xi32, #tpu.memory_space<vmem>>
    %dma_start3A_46 = tpu.memref_squeeze %dma_start3A_45 : memref<1x128xi32, #tpu.memory_space<vmem>> -> memref<128xi32, #tpu.memory_space<vmem>>
    %dma_start3A_47 = arith.constant 0 : i32
    %dma_start3A_48 = arith.constant 0 : i32
    %dma_start3A_49 = tpu.memref_slice %arg2[%dma_start3A_47, %dma_start3A_48] : memref<10240x64xf32, #tpu.memory_space<hbm>> -> memref<10240x64xf32, #tpu.memory_space<hbm>>
    tpu.enqueue_indirect_dma source(%dma_start3A_49 : memref<10240x64xf32, #tpu.memory_space<hbm>>) target(%arg13 : memref<128x64xf32, #tpu.memory_space<vmem>>) offsets(%dma_start3A_46 : memref<128xi32, #tpu.memory_space<vmem>>) semaphore(%arg21 : memref<!tpu.dma_semaphore, #tpu.memory_space<semaphore_mem>>)
    %dma_start3A_50 = arith.constant 5 : i32
    %dma_start3A_51 = arith.constant 0 : i32
    %dma_start3A_52 = tpu.memref_slice %arg7[%dma_start3A_50, %dma_start3A_51] : memref<79x128xi32, #tpu.memory_space<vmem>> -> memref<1x128xi32, #tpu.memory_space<vmem>>
    %dma_start3A_53 = tpu.memref_squeeze %dma_start3A_52 : memref<1x128xi32, #tpu.memory_space<vmem>> -> memref<128xi32, #tpu.memory_space<vmem>>
    %dma_start3A_54 = arith.constant 0 : i32
    %dma_start3A_55 = arith.constant 0 : i32
    %dma_start3A_56 = tpu.memref_slice %arg2[%dma_start3A_54, %dma_start3A_55] : memref<10240x64xf32, #tpu.memory_space<hbm>> -> memref<10240x64xf32, #tpu.memory_space<hbm>>
    tpu.enqueue_indirect_dma source(%dma_start3A_56 : memref<10240x64xf32, #tpu.memory_space<hbm>>) target(%arg14 : memref<128x64xf32, #tpu.memory_space<vmem>>) offsets(%dma_start3A_53 : memref<128xi32, #tpu.memory_space<vmem>>) semaphore(%arg22 : memref<!tpu.dma_semaphore, #tpu.memory_space<semaphore_mem>>)
    %scan3A = arith.constant 0 : i32
    %scan3A_57 = arith.constant 0 : i32
    %scan3A_58 = arith.constant 14 : i32
    %scan3A_59 = arith.addi %scan3A_57, %scan3A_58 : i32
    %scan3A_60 = arith.constant 1 : i32
    scf.for %scan3A_67 = %scan3A_57 to %scan3A_59 step %scan3A_60  : i32 {
      %mul3A_68 = arith.constant 6 : i32
      %mul3A_69 = arith.muli %scan3A_67, %mul3A_68 : i32
      %add3A_70 = arith.constant 0 : i32
      %add3A_71 = arith.addi %mul3A_69, %add3A_70 : i32
      %lt3A = arith.constant 79 : i32
      %lt3A_72 = arith.cmpi slt, %add3A_71, %lt3A : i32
      %convert_element_type3A = arith.extui %lt3A_72 : i1 to i32
      %cond3A = arith.constant 0 : i32
      %cond3A_73 = arith.cmpi ne, %convert_element_type3A, %cond3A : i32
      scf.if %cond3A_73 {
        %dma_wait3A_119 = arith.constant 0 : i32
        %dma_wait3A_120 = tpu.memref_slice %arg7[%add3A_71, %dma_wait3A_119] : memref<79x128xi32, #tpu.memory_space<vmem>> -> memref<1x128xi32, #tpu.memory_space<vmem>>
        %dma_wait3A_121 = tpu.memref_squeeze %dma_wait3A_120 : memref<1x128xi32, #tpu.memory_space<vmem>> -> memref<128xi32, #tpu.memory_space<vmem>>
        %dma_wait3A_122 = arith.constant 0 : i32
        %dma_wait3A_123 = arith.constant 0 : i32
        %dma_wait3A_124 = tpu.memref_slice %arg2[%dma_wait3A_122, %dma_wait3A_123] : memref<10240x64xf32, #tpu.memory_space<hbm>> -> memref<10240x64xf32, #tpu.memory_space<hbm>>
        tpu.wait_indirect_dma semaphore(%arg17 : memref<!tpu.dma_semaphore, #tpu.memory_space<semaphore_mem>>) src(%dma_wait3A_124 : memref<10240x64xf32, #tpu.memory_space<hbm>>) dst(%arg9 : memref<128x64xf32, #tpu.memory_space<vmem>>)
        "tpu.region"() ({
          %run_scoped3A = tpu.sem_alloc : memref<!tpu.dma_semaphore, #tpu.memory_space<semaphore_mem>>
          %dma_start3A_132 = arith.constant 0 : i32
          %dma_start3A_133 = tpu.memref_slice %arg8[%add3A_71, %dma_start3A_132] : memref<79x128xi32, #tpu.memory_space<vmem>> -> memref<1x128xi32, #tpu.memory_space<vmem>>
          %dma_start3A_134 = tpu.memref_squeeze %dma_start3A_133 : memref<1x128xi32, #tpu.memory_space<vmem>> -> memref<128xi32, #tpu.memory_space<vmem>>
          %dma_start3A_135 = arith.constant 0 : i32
          %dma_start3A_136 = arith.constant 0 : i32
          %dma_start3A_137 = tpu.memref_slice %arg15[%dma_start3A_135, %dma_start3A_136] : memref<10112x64xf32, #tpu.memory_space<vmem_shared>> -> memref<10112x64xf32, #tpu.memory_space<vmem_shared>>
          tpu.enqueue_indirect_dma source(%arg9 : memref<128x64xf32, #tpu.memory_space<vmem>>) target(%dma_start3A_137 : memref<10112x64xf32, #tpu.memory_space<vmem_shared>>) offsets(%dma_start3A_134 : memref<128xi32, #tpu.memory_space<vmem>>) semaphore(%run_scoped3A : memref<!tpu.dma_semaphore, #tpu.memory_space<semaphore_mem>>) {add = true}
          %dma_wait3A_138 = arith.constant 0 : i32
          %dma_wait3A_139 = tpu.memref_slice %arg8[%add3A_71, %dma_wait3A_138] : memref<79x128xi32, #tpu.memory_space<vmem>> -> memref<1x128xi32, #tpu.memory_space<vmem>>
          %dma_wait3A_140 = tpu.memref_squeeze %dma_wait3A_139 : memref<1x128xi32, #tpu.memory_space<vmem>> -> memref<128xi32, #tpu.memory_space<vmem>>
          %dma_wait3A_141 = arith.constant 0 : i32
          %dma_wait3A_142 = arith.constant 0 : i32
          %dma_wait3A_143 = tpu.memref_slice %arg15[%dma_wait3A_141, %dma_wait3A_142] : memref<10112x64xf32, #tpu.memory_space<vmem_shared>> -> memref<10112x64xf32, #tpu.memory_space<vmem_shared>>
          tpu.wait_indirect_dma semaphore(%run_scoped3A : memref<!tpu.dma_semaphore, #tpu.memory_space<semaphore_mem>>) src(%arg9 : memref<128x64xf32, #tpu.memory_space<vmem>>) dst(%dma_wait3A_143 : memref<10112x64xf32, #tpu.memory_space<vmem_shared>>)
          tpu.yield
        }) : () -> ()
        %add3A_125 = arith.constant 6 : i32
        %add3A_126 = arith.addi %add3A_71, %add3A_125 : i32
        %lt3A_127 = arith.constant 79 : i32
        %lt3A_128 = arith.cmpi slt, %add3A_126, %lt3A_127 : i32
        %convert_element_type3A_129 = arith.extui %lt3A_128 : i1 to i32
        %cond3A_130 = arith.constant 0 : i32
        %cond3A_131 = arith.cmpi ne, %convert_element_type3A_129, %cond3A_130 : i32
        scf.if %cond3A_131 {
          %add3A_132 = arith.constant 6 : i32
          %add3A_133 = arith.addi %add3A_71, %add3A_132 : i32
          %dma_start3A_134 = arith.constant 0 : i32
          %dma_start3A_135 = tpu.memref_slice %arg7[%add3A_133, %dma_start3A_134] : memref<79x128xi32, #tpu.memory_space<vmem>> -> memref<1x128xi32, #tpu.memory_space<vmem>>
          %dma_start3A_136 = tpu.memref_squeeze %dma_start3A_135 : memref<1x128xi32, #tpu.memory_space<vmem>> -> memref<128xi32, #tpu.memory_space<vmem>>
          %dma_start3A_137 = arith.constant 0 : i32
          %dma_start3A_138 = arith.constant 0 : i32
          %dma_start3A_139 = tpu.memref_slice %arg2[%dma_start3A_137, %dma_start3A_138] : memref<10240x64xf32, #tpu.memory_space<hbm>> -> memref<10240x64xf32, #tpu.memory_space<hbm>>
          tpu.enqueue_indirect_dma source(%dma_start3A_139 : memref<10240x64xf32, #tpu.memory_space<hbm>>) target(%arg9 : memref<128x64xf32, #tpu.memory_space<vmem>>) offsets(%dma_start3A_136 : memref<128xi32, #tpu.memory_space<vmem>>) semaphore(%arg17 : memref<!tpu.dma_semaphore, #tpu.memory_space<semaphore_mem>>)
        } else {
        }
      } else {
      }
      %mul3A_74 = arith.constant 6 : i32
      %mul3A_75 = arith.muli %scan3A_67, %mul3A_74 : i32
      %add3A_76 = arith.constant 1 : i32
      %add3A_77 = arith.addi %mul3A_75, %add3A_76 : i32
      %lt3A_78 = arith.constant 79 : i32
      %lt3A_79 = arith.cmpi slt, %add3A_77, %lt3A_78 : i32
      %convert_element_type3A_80 = arith.extui %lt3A_79 : i1 to i32
      %cond3A_81 = arith.constant 0 : i32
      %cond3A_82 = arith.cmpi ne, %convert_element_type3A_80, %cond3A_81 : i32
      scf.if %cond3A_82 {
        %dma_wait3A_119 = arith.constant 0 : i32
        %dma_wait3A_120 = tpu.memref_slice %arg7[%add3A_77, %dma_wait3A_119] : memref<79x128xi32, #tpu.memory_space<vmem>> -> memref<1x128xi32, #tpu.memory_space<vmem>>
        %dma_wait3A_121 = tpu.memref_squeeze %dma_wait3A_120 : memref<1x128xi32, #tpu.memory_space<vmem>> -> memref<128xi32, #tpu.memory_space<vmem>>
        %dma_wait3A_122 = arith.constant 0 : i32
        %dma_wait3A_123 = arith.constant 0 : i32
        %dma_wait3A_124 = tpu.memref_slice %arg2[%dma_wait3A_122, %dma_wait3A_123] : memref<10240x64xf32, #tpu.memory_space<hbm>> -> memref<10240x64xf32, #tpu.memory_space<hbm>>
        tpu.wait_indirect_dma semaphore(%arg18 : memref<!tpu.dma_semaphore, #tpu.memory_space<semaphore_mem>>) src(%dma_wait3A_124 : memref<10240x64xf32, #tpu.memory_space<hbm>>) dst(%arg10 : memref<128x64xf32, #tpu.memory_space<vmem>>)
        "tpu.region"() ({
          %run_scoped3A = tpu.sem_alloc : memref<!tpu.dma_semaphore, #tpu.memory_space<semaphore_mem>>
          %dma_start3A_132 = arith.constant 0 : i32
          %dma_start3A_133 = tpu.memref_slice %arg8[%add3A_77, %dma_start3A_132] : memref<79x128xi32, #tpu.memory_space<vmem>> -> memref<1x128xi32, #tpu.memory_space<vmem>>
          %dma_start3A_134 = tpu.memref_squeeze %dma_start3A_133 : memref<1x128xi32, #tpu.memory_space<vmem>> -> memref<128xi32, #tpu.memory_space<vmem>>
          %dma_start3A_135 = arith.constant 0 : i32
          %dma_start3A_136 = arith.constant 0 : i32
          %dma_start3A_137 = tpu.memref_slice %arg15[%dma_start3A_135, %dma_start3A_136] : memref<10112x64xf32, #tpu.memory_space<vmem_shared>> -> memref<10112x64xf32, #tpu.memory_space<vmem_shared>>
          tpu.enqueue_indirect_dma source(%arg10 : memref<128x64xf32, #tpu.memory_space<vmem>>) target(%dma_start3A_137 : memref<10112x64xf32, #tpu.memory_space<vmem_shared>>) offsets(%dma_start3A_134 : memref<128xi32, #tpu.memory_space<vmem>>) semaphore(%run_scoped3A : memref<!tpu.dma_semaphore, #tpu.memory_space<semaphore_mem>>) {add = true}
          %dma_wait3A_138 = arith.constant 0 : i32
          %dma_wait3A_139 = tpu.memref_slice %arg8[%add3A_77, %dma_wait3A_138] : memref<79x128xi32, #tpu.memory_space<vmem>> -> memref<1x128xi32, #tpu.memory_space<vmem>>
          %dma_wait3A_140 = tpu.memref_squeeze %dma_wait3A_139 : memref<1x128xi32, #tpu.memory_space<vmem>> -> memref<128xi32, #tpu.memory_space<vmem>>
          %dma_wait3A_141 = arith.constant 0 : i32
          %dma_wait3A_142 = arith.constant 0 : i32
          %dma_wait3A_143 = tpu.memref_slice %arg15[%dma_wait3A_141, %dma_wait3A_142] : memref<10112x64xf32, #tpu.memory_space<vmem_shared>> -> memref<10112x64xf32, #tpu.memory_space<vmem_shared>>
          tpu.wait_indirect_dma semaphore(%run_scoped3A : memref<!tpu.dma_semaphore, #tpu.memory_space<semaphore_mem>>) src(%arg10 : memref<128x64xf32, #tpu.memory_space<vmem>>) dst(%dma_wait3A_143 : memref<10112x64xf32, #tpu.memory_space<vmem_shared>>)
          tpu.yield
        }) : () -> ()
        %add3A_125 = arith.constant 6 : i32
        %add3A_126 = arith.addi %add3A_77, %add3A_125 : i32
        %lt3A_127 = arith.constant 79 : i32
        %lt3A_128 = arith.cmpi slt, %add3A_126, %lt3A_127 : i32
        %convert_element_type3A_129 = arith.extui %lt3A_128 : i1 to i32
        %cond3A_130 = arith.constant 0 : i32
        %cond3A_131 = arith.cmpi ne, %convert_element_type3A_129, %cond3A_130 : i32
        scf.if %cond3A_131 {
          %add3A_132 = arith.constant 6 : i32
          %add3A_133 = arith.addi %add3A_77, %add3A_132 : i32
          %dma_start3A_134 = arith.constant 0 : i32
          %dma_start3A_135 = tpu.memref_slice %arg7[%add3A_133, %dma_start3A_134] : memref<79x128xi32, #tpu.memory_space<vmem>> -> memref<1x128xi32, #tpu.memory_space<vmem>>
          %dma_start3A_136 = tpu.memref_squeeze %dma_start3A_135 : memref<1x128xi32, #tpu.memory_space<vmem>> -> memref<128xi32, #tpu.memory_space<vmem>>
          %dma_start3A_137 = arith.constant 0 : i32
          %dma_start3A_138 = arith.constant 0 : i32
          %dma_start3A_139 = tpu.memref_slice %arg2[%dma_start3A_137, %dma_start3A_138] : memref<10240x64xf32, #tpu.memory_space<hbm>> -> memref<10240x64xf32, #tpu.memory_space<hbm>>
          tpu.enqueue_indirect_dma source(%dma_start3A_139 : memref<10240x64xf32, #tpu.memory_space<hbm>>) target(%arg10 : memref<128x64xf32, #tpu.memory_space<vmem>>) offsets(%dma_start3A_136 : memref<128xi32, #tpu.memory_space<vmem>>) semaphore(%arg18 : memref<!tpu.dma_semaphore, #tpu.memory_space<semaphore_mem>>)
        } else {
        }
      } else {
      }
      %mul3A_83 = arith.constant 6 : i32
      %mul3A_84 = arith.muli %scan3A_67, %mul3A_83 : i32
      %add3A_85 = arith.constant 2 : i32
      %add3A_86 = arith.addi %mul3A_84, %add3A_85 : i32
      %lt3A_87 = arith.constant 79 : i32
      %lt3A_88 = arith.cmpi slt, %add3A_86, %lt3A_87 : i32
      %convert_element_type3A_89 = arith.extui %lt3A_88 : i1 to i32
      %cond3A_90 = arith.constant 0 : i32
      %cond3A_91 = arith.cmpi ne, %convert_element_type3A_89, %cond3A_90 : i32
      scf.if %cond3A_91 {
        %dma_wait3A_119 = arith.constant 0 : i32
        %dma_wait3A_120 = tpu.memref_slice %arg7[%add3A_86, %dma_wait3A_119] : memref<79x128xi32, #tpu.memory_space<vmem>> -> memref<1x128xi32, #tpu.memory_space<vmem>>
        %dma_wait3A_121 = tpu.memref_squeeze %dma_wait3A_120 : memref<1x128xi32, #tpu.memory_space<vmem>> -> memref<128xi32, #tpu.memory_space<vmem>>
        %dma_wait3A_122 = arith.constant 0 : i32
        %dma_wait3A_123 = arith.constant 0 : i32
        %dma_wait3A_124 = tpu.memref_slice %arg2[%dma_wait3A_122, %dma_wait3A_123] : memref<10240x64xf32, #tpu.memory_space<hbm>> -> memref<10240x64xf32, #tpu.memory_space<hbm>>
        tpu.wait_indirect_dma semaphore(%arg19 : memref<!tpu.dma_semaphore, #tpu.memory_space<semaphore_mem>>) src(%dma_wait3A_124 : memref<10240x64xf32, #tpu.memory_space<hbm>>) dst(%arg11 : memref<128x64xf32, #tpu.memory_space<vmem>>)
        "tpu.region"() ({
          %run_scoped3A = tpu.sem_alloc : memref<!tpu.dma_semaphore, #tpu.memory_space<semaphore_mem>>
          %dma_start3A_132 = arith.constant 0 : i32
          %dma_start3A_133 = tpu.memref_slice %arg8[%add3A_86, %dma_start3A_132] : memref<79x128xi32, #tpu.memory_space<vmem>> -> memref<1x128xi32, #tpu.memory_space<vmem>>
          %dma_start3A_134 = tpu.memref_squeeze %dma_start3A_133 : memref<1x128xi32, #tpu.memory_space<vmem>> -> memref<128xi32, #tpu.memory_space<vmem>>
          %dma_start3A_135 = arith.constant 0 : i32
          %dma_start3A_136 = arith.constant 0 : i32
          %dma_start3A_137 = tpu.memref_slice %arg15[%dma_start3A_135, %dma_start3A_136] : memref<10112x64xf32, #tpu.memory_space<vmem_shared>> -> memref<10112x64xf32, #tpu.memory_space<vmem_shared>>
          tpu.enqueue_indirect_dma source(%arg11 : memref<128x64xf32, #tpu.memory_space<vmem>>) target(%dma_start3A_137 : memref<10112x64xf32, #tpu.memory_space<vmem_shared>>) offsets(%dma_start3A_134 : memref<128xi32, #tpu.memory_space<vmem>>) semaphore(%run_scoped3A : memref<!tpu.dma_semaphore, #tpu.memory_space<semaphore_mem>>) {add = true}
          %dma_wait3A_138 = arith.constant 0 : i32
          %dma_wait3A_139 = tpu.memref_slice %arg8[%add3A_86, %dma_wait3A_138] : memref<79x128xi32, #tpu.memory_space<vmem>> -> memref<1x128xi32, #tpu.memory_space<vmem>>
          %dma_wait3A_140 = tpu.memref_squeeze %dma_wait3A_139 : memref<1x128xi32, #tpu.memory_space<vmem>> -> memref<128xi32, #tpu.memory_space<vmem>>
          %dma_wait3A_141 = arith.constant 0 : i32
          %dma_wait3A_142 = arith.constant 0 : i32
          %dma_wait3A_143 = tpu.memref_slice %arg15[%dma_wait3A_141, %dma_wait3A_142] : memref<10112x64xf32, #tpu.memory_space<vmem_shared>> -> memref<10112x64xf32, #tpu.memory_space<vmem_shared>>
          tpu.wait_indirect_dma semaphore(%run_scoped3A : memref<!tpu.dma_semaphore, #tpu.memory_space<semaphore_mem>>) src(%arg11 : memref<128x64xf32, #tpu.memory_space<vmem>>) dst(%dma_wait3A_143 : memref<10112x64xf32, #tpu.memory_space<vmem_shared>>)
          tpu.yield
        }) : () -> ()
        %add3A_125 = arith.constant 6 : i32
        %add3A_126 = arith.addi %add3A_86, %add3A_125 : i32
        %lt3A_127 = arith.constant 79 : i32
        %lt3A_128 = arith.cmpi slt, %add3A_126, %lt3A_127 : i32
        %convert_element_type3A_129 = arith.extui %lt3A_128 : i1 to i32
        %cond3A_130 = arith.constant 0 : i32
        %cond3A_131 = arith.cmpi ne, %convert_element_type3A_129, %cond3A_130 : i32
        scf.if %cond3A_131 {
          %add3A_132 = arith.constant 6 : i32
          %add3A_133 = arith.addi %add3A_86, %add3A_132 : i32
          %dma_start3A_134 = arith.constant 0 : i32
          %dma_start3A_135 = tpu.memref_slice %arg7[%add3A_133, %dma_start3A_134] : memref<79x128xi32, #tpu.memory_space<vmem>> -> memref<1x128xi32, #tpu.memory_space<vmem>>
          %dma_start3A_136 = tpu.memref_squeeze %dma_start3A_135 : memref<1x128xi32, #tpu.memory_space<vmem>> -> memref<128xi32, #tpu.memory_space<vmem>>
          %dma_start3A_137 = arith.constant 0 : i32
          %dma_start3A_138 = arith.constant 0 : i32
          %dma_start3A_139 = tpu.memref_slice %arg2[%dma_start3A_137, %dma_start3A_138] : memref<10240x64xf32, #tpu.memory_space<hbm>> -> memref<10240x64xf32, #tpu.memory_space<hbm>>
          tpu.enqueue_indirect_dma source(%dma_start3A_139 : memref<10240x64xf32, #tpu.memory_space<hbm>>) target(%arg11 : memref<128x64xf32, #tpu.memory_space<vmem>>) offsets(%dma_start3A_136 : memref<128xi32, #tpu.memory_space<vmem>>) semaphore(%arg19 : memref<!tpu.dma_semaphore, #tpu.memory_space<semaphore_mem>>)
        } else {
        }
      } else {
      }
      %mul3A_92 = arith.constant 6 : i32
      %mul3A_93 = arith.muli %scan3A_67, %mul3A_92 : i32
      %add3A_94 = arith.constant 3 : i32
      %add3A_95 = arith.addi %mul3A_93, %add3A_94 : i32
      %lt3A_96 = arith.constant 79 : i32
      %lt3A_97 = arith.cmpi slt, %add3A_95, %lt3A_96 : i32
      %convert_element_type3A_98 = arith.extui %lt3A_97 : i1 to i32
      %cond3A_99 = arith.constant 0 : i32
      %cond3A_100 = arith.cmpi ne, %convert_element_type3A_98, %cond3A_99 : i32
      scf.if %cond3A_100 {
        %dma_wait3A_119 = arith.constant 0 : i32
        %dma_wait3A_120 = tpu.memref_slice %arg7[%add3A_95, %dma_wait3A_119] : memref<79x128xi32, #tpu.memory_space<vmem>> -> memref<1x128xi32, #tpu.memory_space<vmem>>
        %dma_wait3A_121 = tpu.memref_squeeze %dma_wait3A_120 : memref<1x128xi32, #tpu.memory_space<vmem>> -> memref<128xi32, #tpu.memory_space<vmem>>
        %dma_wait3A_122 = arith.constant 0 : i32
        %dma_wait3A_123 = arith.constant 0 : i32
        %dma_wait3A_124 = tpu.memref_slice %arg2[%dma_wait3A_122, %dma_wait3A_123] : memref<10240x64xf32, #tpu.memory_space<hbm>> -> memref<10240x64xf32, #tpu.memory_space<hbm>>
        tpu.wait_indirect_dma semaphore(%arg20 : memref<!tpu.dma_semaphore, #tpu.memory_space<semaphore_mem>>) src(%dma_wait3A_124 : memref<10240x64xf32, #tpu.memory_space<hbm>>) dst(%arg12 : memref<128x64xf32, #tpu.memory_space<vmem>>)
        "tpu.region"() ({
          %run_scoped3A = tpu.sem_alloc : memref<!tpu.dma_semaphore, #tpu.memory_space<semaphore_mem>>
          %dma_start3A_132 = arith.constant 0 : i32
          %dma_start3A_133 = tpu.memref_slice %arg8[%add3A_95, %dma_start3A_132] : memref<79x128xi32, #tpu.memory_space<vmem>> -> memref<1x128xi32, #tpu.memory_space<vmem>>
          %dma_start3A_134 = tpu.memref_squeeze %dma_start3A_133 : memref<1x128xi32, #tpu.memory_space<vmem>> -> memref<128xi32, #tpu.memory_space<vmem>>
          %dma_start3A_135 = arith.constant 0 : i32
          %dma_start3A_136 = arith.constant 0 : i32
          %dma_start3A_137 = tpu.memref_slice %arg15[%dma_start3A_135, %dma_start3A_136] : memref<10112x64xf32, #tpu.memory_space<vmem_shared>> -> memref<10112x64xf32, #tpu.memory_space<vmem_shared>>
          tpu.enqueue_indirect_dma source(%arg12 : memref<128x64xf32, #tpu.memory_space<vmem>>) target(%dma_start3A_137 : memref<10112x64xf32, #tpu.memory_space<vmem_shared>>) offsets(%dma_start3A_134 : memref<128xi32, #tpu.memory_space<vmem>>) semaphore(%run_scoped3A : memref<!tpu.dma_semaphore, #tpu.memory_space<semaphore_mem>>) {add = true}
          %dma_wait3A_138 = arith.constant 0 : i32
          %dma_wait3A_139 = tpu.memref_slice %arg8[%add3A_95, %dma_wait3A_138] : memref<79x128xi32, #tpu.memory_space<vmem>> -> memref<1x128xi32, #tpu.memory_space<vmem>>
          %dma_wait3A_140 = tpu.memref_squeeze %dma_wait3A_139 : memref<1x128xi32, #tpu.memory_space<vmem>> -> memref<128xi32, #tpu.memory_space<vmem>>
          %dma_wait3A_141 = arith.constant 0 : i32
          %dma_wait3A_142 = arith.constant 0 : i32
          %dma_wait3A_143 = tpu.memref_slice %arg15[%dma_wait3A_141, %dma_wait3A_142] : memref<10112x64xf32, #tpu.memory_space<vmem_shared>> -> memref<10112x64xf32, #tpu.memory_space<vmem_shared>>
          tpu.wait_indirect_dma semaphore(%run_scoped3A : memref<!tpu.dma_semaphore, #tpu.memory_space<semaphore_mem>>) src(%arg12 : memref<128x64xf32, #tpu.memory_space<vmem>>) dst(%dma_wait3A_143 : memref<10112x64xf32, #tpu.memory_space<vmem_shared>>)
          tpu.yield
        }) : () -> ()
        %add3A_125 = arith.constant 6 : i32
        %add3A_126 = arith.addi %add3A_95, %add3A_125 : i32
        %lt3A_127 = arith.constant 79 : i32
        %lt3A_128 = arith.cmpi slt, %add3A_126, %lt3A_127 : i32
        %convert_element_type3A_129 = arith.extui %lt3A_128 : i1 to i32
        %cond3A_130 = arith.constant 0 : i32
        %cond3A_131 = arith.cmpi ne, %convert_element_type3A_129, %cond3A_130 : i32
        scf.if %cond3A_131 {
          %add3A_132 = arith.constant 6 : i32
          %add3A_133 = arith.addi %add3A_95, %add3A_132 : i32
          %dma_start3A_134 = arith.constant 0 : i32
          %dma_start3A_135 = tpu.memref_slice %arg7[%add3A_133, %dma_start3A_134] : memref<79x128xi32, #tpu.memory_space<vmem>> -> memref<1x128xi32, #tpu.memory_space<vmem>>
          %dma_start3A_136 = tpu.memref_squeeze %dma_start3A_135 : memref<1x128xi32, #tpu.memory_space<vmem>> -> memref<128xi32, #tpu.memory_space<vmem>>
          %dma_start3A_137 = arith.constant 0 : i32
          %dma_start3A_138 = arith.constant 0 : i32
          %dma_start3A_139 = tpu.memref_slice %arg2[%dma_start3A_137, %dma_start3A_138] : memref<10240x64xf32, #tpu.memory_space<hbm>> -> memref<10240x64xf32, #tpu.memory_space<hbm>>
          tpu.enqueue_indirect_dma source(%dma_start3A_139 : memref<10240x64xf32, #tpu.memory_space<hbm>>) target(%arg12 : memref<128x64xf32, #tpu.memory_space<vmem>>) offsets(%dma_start3A_136 : memref<128xi32, #tpu.memory_space<vmem>>) semaphore(%arg20 : memref<!tpu.dma_semaphore, #tpu.memory_space<semaphore_mem>>)
        } else {
        }
      } else {
      }
      %mul3A_101 = arith.constant 6 : i32
      %mul3A_102 = arith.muli %scan3A_67, %mul3A_101 : i32
      %add3A_103 = arith.constant 4 : i32
      %add3A_104 = arith.addi %mul3A_102, %add3A_103 : i32
      %lt3A_105 = arith.constant 79 : i32
      %lt3A_106 = arith.cmpi slt, %add3A_104, %lt3A_105 : i32
      %convert_element_type3A_107 = arith.extui %lt3A_106 : i1 to i32
      %cond3A_108 = arith.constant 0 : i32
      %cond3A_109 = arith.cmpi ne, %convert_element_type3A_107, %cond3A_108 : i32
      scf.if %cond3A_109 {
        %dma_wait3A_119 = arith.constant 0 : i32
        %dma_wait3A_120 = tpu.memref_slice %arg7[%add3A_104, %dma_wait3A_119] : memref<79x128xi32, #tpu.memory_space<vmem>> -> memref<1x128xi32, #tpu.memory_space<vmem>>
        %dma_wait3A_121 = tpu.memref_squeeze %dma_wait3A_120 : memref<1x128xi32, #tpu.memory_space<vmem>> -> memref<128xi32, #tpu.memory_space<vmem>>
        %dma_wait3A_122 = arith.constant 0 : i32
        %dma_wait3A_123 = arith.constant 0 : i32
        %dma_wait3A_124 = tpu.memref_slice %arg2[%dma_wait3A_122, %dma_wait3A_123] : memref<10240x64xf32, #tpu.memory_space<hbm>> -> memref<10240x64xf32, #tpu.memory_space<hbm>>
        tpu.wait_indirect_dma semaphore(%arg21 : memref<!tpu.dma_semaphore, #tpu.memory_space<semaphore_mem>>) src(%dma_wait3A_124 : memref<10240x64xf32, #tpu.memory_space<hbm>>) dst(%arg13 : memref<128x64xf32, #tpu.memory_space<vmem>>)
        "tpu.region"() ({
          %run_scoped3A = tpu.sem_alloc : memref<!tpu.dma_semaphore, #tpu.memory_space<semaphore_mem>>
          %dma_start3A_132 = arith.constant 0 : i32
          %dma_start3A_133 = tpu.memref_slice %arg8[%add3A_104, %dma_start3A_132] : memref<79x128xi32, #tpu.memory_space<vmem>> -> memref<1x128xi32, #tpu.memory_space<vmem>>
          %dma_start3A_134 = tpu.memref_squeeze %dma_start3A_133 : memref<1x128xi32, #tpu.memory_space<vmem>> -> memref<128xi32, #tpu.memory_space<vmem>>
          %dma_start3A_135 = arith.constant 0 : i32
          %dma_start3A_136 = arith.constant 0 : i32
          %dma_start3A_137 = tpu.memref_slice %arg15[%dma_start3A_135, %dma_start3A_136] : memref<10112x64xf32, #tpu.memory_space<vmem_shared>> -> memref<10112x64xf32, #tpu.memory_space<vmem_shared>>
          tpu.enqueue_indirect_dma source(%arg13 : memref<128x64xf32, #tpu.memory_space<vmem>>) target(%dma_start3A_137 : memref<10112x64xf32, #tpu.memory_space<vmem_shared>>) offsets(%dma_start3A_134 : memref<128xi32, #tpu.memory_space<vmem>>) semaphore(%run_scoped3A : memref<!tpu.dma_semaphore, #tpu.memory_space<semaphore_mem>>) {add = true}
          %dma_wait3A_138 = arith.constant 0 : i32
          %dma_wait3A_139 = tpu.memref_slice %arg8[%add3A_104, %dma_wait3A_138] : memref<79x128xi32, #tpu.memory_space<vmem>> -> memref<1x128xi32, #tpu.memory_space<vmem>>
          %dma_wait3A_140 = tpu.memref_squeeze %dma_wait3A_139 : memref<1x128xi32, #tpu.memory_space<vmem>> -> memref<128xi32, #tpu.memory_space<vmem>>
          %dma_wait3A_141 = arith.constant 0 : i32
          %dma_wait3A_142 = arith.constant 0 : i32
          %dma_wait3A_143 = tpu.memref_slice %arg15[%dma_wait3A_141, %dma_wait3A_142] : memref<10112x64xf32, #tpu.memory_space<vmem_shared>> -> memref<10112x64xf32, #tpu.memory_space<vmem_shared>>
          tpu.wait_indirect_dma semaphore(%run_scoped3A : memref<!tpu.dma_semaphore, #tpu.memory_space<semaphore_mem>>) src(%arg13 : memref<128x64xf32, #tpu.memory_space<vmem>>) dst(%dma_wait3A_143 : memref<10112x64xf32, #tpu.memory_space<vmem_shared>>)
          tpu.yield
        }) : () -> ()
        %add3A_125 = arith.constant 6 : i32
        %add3A_126 = arith.addi %add3A_104, %add3A_125 : i32
        %lt3A_127 = arith.constant 79 : i32
        %lt3A_128 = arith.cmpi slt, %add3A_126, %lt3A_127 : i32
        %convert_element_type3A_129 = arith.extui %lt3A_128 : i1 to i32
        %cond3A_130 = arith.constant 0 : i32
        %cond3A_131 = arith.cmpi ne, %convert_element_type3A_129, %cond3A_130 : i32
        scf.if %cond3A_131 {
          %add3A_132 = arith.constant 6 : i32
          %add3A_133 = arith.addi %add3A_104, %add3A_132 : i32
          %dma_start3A_134 = arith.constant 0 : i32
          %dma_start3A_135 = tpu.memref_slice %arg7[%add3A_133, %dma_start3A_134] : memref<79x128xi32, #tpu.memory_space<vmem>> -> memref<1x128xi32, #tpu.memory_space<vmem>>
          %dma_start3A_136 = tpu.memref_squeeze %dma_start3A_135 : memref<1x128xi32, #tpu.memory_space<vmem>> -> memref<128xi32, #tpu.memory_space<vmem>>
          %dma_start3A_137 = arith.constant 0 : i32
          %dma_start3A_138 = arith.constant 0 : i32
          %dma_start3A_139 = tpu.memref_slice %arg2[%dma_start3A_137, %dma_start3A_138] : memref<10240x64xf32, #tpu.memory_space<hbm>> -> memref<10240x64xf32, #tpu.memory_space<hbm>>
          tpu.enqueue_indirect_dma source(%dma_start3A_139 : memref<10240x64xf32, #tpu.memory_space<hbm>>) target(%arg13 : memref<128x64xf32, #tpu.memory_space<vmem>>) offsets(%dma_start3A_136 : memref<128xi32, #tpu.memory_space<vmem>>) semaphore(%arg21 : memref<!tpu.dma_semaphore, #tpu.memory_space<semaphore_mem>>)
        } else {
        }
      } else {
      }
      %mul3A_110 = arith.constant 6 : i32
      %mul3A_111 = arith.muli %scan3A_67, %mul3A_110 : i32
      %add3A_112 = arith.constant 5 : i32
      %add3A_113 = arith.addi %mul3A_111, %add3A_112 : i32
      %lt3A_114 = arith.constant 79 : i32
      %lt3A_115 = arith.cmpi slt, %add3A_113, %lt3A_114 : i32
      %convert_element_type3A_116 = arith.extui %lt3A_115 : i1 to i32
      %cond3A_117 = arith.constant 0 : i32
      %cond3A_118 = arith.cmpi ne, %convert_element_type3A_116, %cond3A_117 : i32
      scf.if %cond3A_118 {
        %dma_wait3A_119 = arith.constant 0 : i32
        %dma_wait3A_120 = tpu.memref_slice %arg7[%add3A_113, %dma_wait3A_119] : memref<79x128xi32, #tpu.memory_space<vmem>> -> memref<1x128xi32, #tpu.memory_space<vmem>>
        %dma_wait3A_121 = tpu.memref_squeeze %dma_wait3A_120 : memref<1x128xi32, #tpu.memory_space<vmem>> -> memref<128xi32, #tpu.memory_space<vmem>>
        %dma_wait3A_122 = arith.constant 0 : i32
        %dma_wait3A_123 = arith.constant 0 : i32
        %dma_wait3A_124 = tpu.memref_slice %arg2[%dma_wait3A_122, %dma_wait3A_123] : memref<10240x64xf32, #tpu.memory_space<hbm>> -> memref<10240x64xf32, #tpu.memory_space<hbm>>
        tpu.wait_indirect_dma semaphore(%arg22 : memref<!tpu.dma_semaphore, #tpu.memory_space<semaphore_mem>>) src(%dma_wait3A_124 : memref<10240x64xf32, #tpu.memory_space<hbm>>) dst(%arg14 : memref<128x64xf32, #tpu.memory_space<vmem>>)
        "tpu.region"() ({
          %run_scoped3A = tpu.sem_alloc : memref<!tpu.dma_semaphore, #tpu.memory_space<semaphore_mem>>
          %dma_start3A_132 = arith.constant 0 : i32
          %dma_start3A_133 = tpu.memref_slice %arg8[%add3A_113, %dma_start3A_132] : memref<79x128xi32, #tpu.memory_space<vmem>> -> memref<1x128xi32, #tpu.memory_space<vmem>>
          %dma_start3A_134 = tpu.memref_squeeze %dma_start3A_133 : memref<1x128xi32, #tpu.memory_space<vmem>> -> memref<128xi32, #tpu.memory_space<vmem>>
          %dma_start3A_135 = arith.constant 0 : i32
          %dma_start3A_136 = arith.constant 0 : i32
          %dma_start3A_137 = tpu.memref_slice %arg15[%dma_start3A_135, %dma_start3A_136] : memref<10112x64xf32, #tpu.memory_space<vmem_shared>> -> memref<10112x64xf32, #tpu.memory_space<vmem_shared>>
          tpu.enqueue_indirect_dma source(%arg14 : memref<128x64xf32, #tpu.memory_space<vmem>>) target(%dma_start3A_137 : memref<10112x64xf32, #tpu.memory_space<vmem_shared>>) offsets(%dma_start3A_134 : memref<128xi32, #tpu.memory_space<vmem>>) semaphore(%run_scoped3A : memref<!tpu.dma_semaphore, #tpu.memory_space<semaphore_mem>>) {add = true}
          %dma_wait3A_138 = arith.constant 0 : i32
          %dma_wait3A_139 = tpu.memref_slice %arg8[%add3A_113, %dma_wait3A_138] : memref<79x128xi32, #tpu.memory_space<vmem>> -> memref<1x128xi32, #tpu.memory_space<vmem>>
          %dma_wait3A_140 = tpu.memref_squeeze %dma_wait3A_139 : memref<1x128xi32, #tpu.memory_space<vmem>> -> memref<128xi32, #tpu.memory_space<vmem>>
          %dma_wait3A_141 = arith.constant 0 : i32
          %dma_wait3A_142 = arith.constant 0 : i32
          %dma_wait3A_143 = tpu.memref_slice %arg15[%dma_wait3A_141, %dma_wait3A_142] : memref<10112x64xf32, #tpu.memory_space<vmem_shared>> -> memref<10112x64xf32, #tpu.memory_space<vmem_shared>>
          tpu.wait_indirect_dma semaphore(%run_scoped3A : memref<!tpu.dma_semaphore, #tpu.memory_space<semaphore_mem>>) src(%arg14 : memref<128x64xf32, #tpu.memory_space<vmem>>) dst(%dma_wait3A_143 : memref<10112x64xf32, #tpu.memory_space<vmem_shared>>)
          tpu.yield
        }) : () -> ()
        %add3A_125 = arith.constant 6 : i32
        %add3A_126 = arith.addi %add3A_113, %add3A_125 : i32
        %lt3A_127 = arith.constant 79 : i32
        %lt3A_128 = arith.cmpi slt, %add3A_126, %lt3A_127 : i32
        %convert_element_type3A_129 = arith.extui %lt3A_128 : i1 to i32
        %cond3A_130 = arith.constant 0 : i32
        %cond3A_131 = arith.cmpi ne, %convert_element_type3A_129, %cond3A_130 : i32
        scf.if %cond3A_131 {
          %add3A_132 = arith.constant 6 : i32
          %add3A_133 = arith.addi %add3A_113, %add3A_132 : i32
          %dma_start3A_134 = arith.constant 0 : i32
          %dma_start3A_135 = tpu.memref_slice %arg7[%add3A_133, %dma_start3A_134] : memref<79x128xi32, #tpu.memory_space<vmem>> -> memref<1x128xi32, #tpu.memory_space<vmem>>
          %dma_start3A_136 = tpu.memref_squeeze %dma_start3A_135 : memref<1x128xi32, #tpu.memory_space<vmem>> -> memref<128xi32, #tpu.memory_space<vmem>>
          %dma_start3A_137 = arith.constant 0 : i32
          %dma_start3A_138 = arith.constant 0 : i32
          %dma_start3A_139 = tpu.memref_slice %arg2[%dma_start3A_137, %dma_start3A_138] : memref<10240x64xf32, #tpu.memory_space<hbm>> -> memref<10240x64xf32, #tpu.memory_space<hbm>>
          tpu.enqueue_indirect_dma source(%dma_start3A_139 : memref<10240x64xf32, #tpu.memory_space<hbm>>) target(%arg14 : memref<128x64xf32, #tpu.memory_space<vmem>>) offsets(%dma_start3A_136 : memref<128xi32, #tpu.memory_space<vmem>>) semaphore(%arg22 : memref<!tpu.dma_semaphore, #tpu.memory_space<semaphore_mem>>)
        } else {
        }
      } else {
      }
    }
    %scan3A_61 = arith.constant 14 : i32
    %barrier3A_62 = arith.constant 0 : index
    tpu.barrier barrier_id(%barrier3A_62)
    %mul3A_63 = arith.constant 632 : i32
    %mul3A_64 = arith.muli %arg1, %mul3A_63 : i32
    %mul3A_65 = arith.constant 632 : i32
    %mul3A_66 = arith.muli %arg1, %mul3A_65 : i32
    "tpu.region"() ({
      %run_scoped3A = tpu.sem_alloc : memref<!tpu.dma_semaphore, #tpu.memory_space<semaphore_mem>>
      %dma_start3A_67 = arith.constant 0 : i32
      %dma_start3A_68 = tpu.memref_slice %arg6[%arg0, %mul3A_66, %dma_start3A_67] : memref<2x10112x64xf32, #tpu.memory_space<hbm>> -> memref<1x632x64xf32, #tpu.memory_space<hbm>>
      %dma_start3A_69 = tpu.memref_squeeze %dma_start3A_68 : memref<1x632x64xf32, #tpu.memory_space<hbm>> -> memref<632x64xf32, #tpu.memory_space<hbm>>
      %dma_start3A_70 = arith.constant 0 : i32
      %dma_start3A_71 = tpu.memref_slice %arg15[%mul3A_64, %dma_start3A_70] : memref<10112x64xf32, #tpu.memory_space<vmem_shared>> -> memref<632x64xf32, #tpu.memory_space<vmem_shared>>
      tpu.enqueue_dma source(%dma_start3A_71 : memref<632x64xf32, #tpu.memory_space<vmem_shared>>) target(%dma_start3A_69 : memref<632x64xf32, #tpu.memory_space<hbm>>) target_semaphore(%run_scoped3A : memref<!tpu.dma_semaphore, #tpu.memory_space<semaphore_mem>>)
      %dma_wait3A_72 = arith.constant 0 : i32
      %dma_wait3A_73 = tpu.memref_slice %arg6[%arg0, %mul3A_66, %dma_wait3A_72] : memref<2x10112x64xf32, #tpu.memory_space<hbm>> -> memref<1x632x64xf32, #tpu.memory_space<hbm>>
      %dma_wait3A_74 = tpu.memref_squeeze %dma_wait3A_73 : memref<1x632x64xf32, #tpu.memory_space<hbm>> -> memref<632x64xf32, #tpu.memory_space<hbm>>
      %dma_wait3A_75 = arith.constant 0 : i32
      %dma_wait3A_76 = tpu.memref_slice %arg15[%mul3A_64, %dma_wait3A_75] : memref<10112x64xf32, #tpu.memory_space<vmem_shared>> -> memref<632x64xf32, #tpu.memory_space<vmem_shared>>
      tpu.wait_dma2 semaphore(%run_scoped3A : memref<!tpu.dma_semaphore, #tpu.memory_space<semaphore_mem>>) src(%dma_wait3A_76 : memref<632x64xf32, #tpu.memory_space<vmem_shared>>) dst(%dma_wait3A_74 : memref<632x64xf32, #tpu.memory_space<hbm>>)
      tpu.yield
    }) : () -> ()
    return
  }
}

#map = affine_map<(d0, d1) -> (0, 0)>
#map1 = affine_map<(d0, d1) -> (0, 0, 0)>
module attributes {stable_mosaic.version = 14 : i64} {
  func.func @body(%arg0: i32, %arg1: i32, %arg2: memref<10240x64xf32, #tpu.memory_space<hbm>>, %arg3: memref<32x79x128xi32, #tpu.memory_space<hbm>>, %arg4: memref<32x79x128xi32, #tpu.memory_space<hbm>>, %arg5: memref<10112x64xf32, #tpu.memory_space<hbm>>, %arg6: memref<2x10112x64xf32, #tpu.memory_space<hbm>>, %arg7: memref<79x128xi32, #tpu.memory_space<vmem>>, %arg8: memref<79x128xi32, #tpu.memory_space<vmem>>, %arg9: memref<128x64xf32, #tpu.memory_space<vmem>>, %arg10: memref<128x64xf32, #tpu.memory_space<vmem>>, %arg11: memref<128x64xf32, #tpu.memory_space<vmem>>, %arg12: memref<128x64xf32, #tpu.memory_space<vmem>>, %arg13: memref<128x64xf32, #tpu.memory_space<vmem>>, %arg14: memref<128x64xf32, #tpu.memory_space<vmem>>, %arg15: memref<10112x64xf32, #tpu.memory_space<vmem_shared>>, %arg16: memref<!tpu.dma_semaphore, #tpu.memory_space<semaphore_mem>>, %arg17: memref<!tpu.dma_semaphore, #tpu.memory_space<semaphore_mem>>, %arg18: memref<!tpu.dma_semaphore, #tpu.memory_space<semaphore_mem>>, %arg19: memref<!tpu.dma_semaphore, #tpu.memory_space<semaphore_mem>>, %arg20: memref<!tpu.dma_semaphore, #tpu.memory_space<semaphore_mem>>, %arg21: memref<!tpu.dma_semaphore, #tpu.memory_space<semaphore_mem>>, %arg22: memref<!tpu.dma_semaphore, #tpu.memory_space<semaphore_mem>>) attributes {dimension_semantics = [#tpu.dimension_semantics<core_parallel>, #tpu.dimension_semantics<subcore_parallel>], iteration_bounds = array<i64: 2, 16>, scalar_prefetch = 0 : i64, scratch_operands = 16 : i64, tpu.core_type = #tpu.core_type<sc_vector_subcore>, window_params = [{transform_indices = #map}, {transform_indices = #map1}, {transform_indices = #map1}, {transform_indices = #map}, {transform_indices = #map1}]} {
    %mul3A = arith.constant 16 : i32
    %mul3A_0 = arith.muli %arg0, %mul3A : i32
    %add3A = arith.addi %mul3A_0, %arg1 : i32
    %mul3A_1 = arith.constant 632 : i32
    %mul3A_2 = arith.muli %arg1, %mul3A_1 : i32
    %mul3A_3 = arith.constant 632 : i32
    %mul3A_4 = arith.muli %arg1, %mul3A_3 : i32
    %dma_start3A = arith.constant 0 : i32
    %dma_start3A_5 = tpu.memref_slice %arg15[%mul3A_4, %dma_start3A] : memref<10112x64xf32, #tpu.memory_space<vmem_shared>> -> memref<632x64xf32, #tpu.memory_space<vmem_shared>>
    %dma_start3A_6 = arith.constant 0 : i32
    %dma_start3A_7 = tpu.memref_slice %arg5[%mul3A_2, %dma_start3A_6] : memref<10112x64xf32, #tpu.memory_space<hbm>> -> memref<632x64xf32, #tpu.memory_space<hbm>>
    tpu.enqueue_dma source(%dma_start3A_7 : memref<632x64xf32, #tpu.memory_space<hbm>>) target(%dma_start3A_5 : memref<632x64xf32, #tpu.memory_space<vmem_shared>>) target_semaphore(%arg16 : memref<!tpu.dma_semaphore, #tpu.memory_space<semaphore_mem>>)
    "tpu.region"() ({
      %run_scoped3A = tpu.sem_alloc : memref<!tpu.dma_semaphore, #tpu.memory_space<semaphore_mem>>
      %dma_start3A_67 = arith.constant 0 : i32
      %dma_start3A_68 = arith.constant 0 : i32
      %dma_start3A_69 = tpu.memref_slice %arg3[%add3A, %dma_start3A_67, %dma_start3A_68] : memref<32x79x128xi32, #tpu.memory_space<hbm>> -> memref<1x79x128xi32, #tpu.memory_space<hbm>>
      %dma_start3A_70 = tpu.memref_squeeze %dma_start3A_69 : memref<1x79x128xi32, #tpu.memory_space<hbm>> -> memref<79x128xi32, #tpu.memory_space<hbm>>
      %dma_start3A_71 = arith.constant 0 : i32
      %dma_start3A_72 = arith.constant 0 : i32
      %dma_start3A_73 = tpu.memref_slice %arg3[%add3A, %dma_start3A_71, %dma_start3A_72] : memref<32x79x128xi32, #tpu.memory_space<hbm>> -> memref<1x79x128xi32, #tpu.memory_space<hbm>>
      %dma_start3A_74 = tpu.memref_squeeze %dma_start3A_73 : memref<1x79x128xi32, #tpu.memory_space<hbm>> -> memref<79x128xi32, #tpu.memory_space<hbm>>
      tpu.enqueue_dma source(%dma_start3A_74 : memref<79x128xi32, #tpu.memory_space<hbm>>) target(%arg7 : memref<79x128xi32, #tpu.memory_space<vmem>>) target_semaphore(%run_scoped3A : memref<!tpu.dma_semaphore, #tpu.memory_space<semaphore_mem>>)
      %dma_wait3A_75 = arith.constant 0 : i32
      %dma_wait3A_76 = arith.constant 0 : i32
      %dma_wait3A_77 = tpu.memref_slice %arg3[%add3A, %dma_wait3A_75, %dma_wait3A_76] : memref<32x79x128xi32, #tpu.memory_space<hbm>> -> memref<1x79x128xi32, #tpu.memory_space<hbm>>
      %dma_wait3A_78 = tpu.memref_squeeze %dma_wait3A_77 : memref<1x79x128xi32, #tpu.memory_space<hbm>> -> memref<79x128xi32, #tpu.memory_space<hbm>>
      %dma_wait3A_79 = arith.constant 0 : i32
      %dma_wait3A_80 = arith.constant 0 : i32
      %dma_wait3A_81 = tpu.memref_slice %arg3[%add3A, %dma_wait3A_79, %dma_wait3A_80] : memref<32x79x128xi32, #tpu.memory_space<hbm>> -> memref<1x79x128xi32, #tpu.memory_space<hbm>>
      %dma_wait3A_82 = tpu.memref_squeeze %dma_wait3A_81 : memref<1x79x128xi32, #tpu.memory_space<hbm>> -> memref<79x128xi32, #tpu.memory_space<hbm>>
      tpu.wait_dma2 semaphore(%run_scoped3A : memref<!tpu.dma_semaphore, #tpu.memory_space<semaphore_mem>>) src(%dma_wait3A_82 : memref<79x128xi32, #tpu.memory_space<hbm>>) dst(%arg7 : memref<79x128xi32, #tpu.memory_space<vmem>>)
      tpu.yield
    }) : () -> ()
    "tpu.region"() ({
      %run_scoped3A = tpu.sem_alloc : memref<!tpu.dma_semaphore, #tpu.memory_space<semaphore_mem>>
      %dma_start3A_67 = arith.constant 0 : i32
      %dma_start3A_68 = arith.constant 0 : i32
      %dma_start3A_69 = tpu.memref_slice %arg4[%add3A, %dma_start3A_67, %dma_start3A_68] : memref<32x79x128xi32, #tpu.memory_space<hbm>> -> memref<1x79x128xi32, #tpu.memory_space<hbm>>
      %dma_start3A_70 = tpu.memref_squeeze %dma_start3A_69 : memref<1x79x128xi32, #tpu.memory_space<hbm>> -> memref<79x128xi32, #tpu.memory_space<hbm>>
      %dma_start3A_71 = arith.constant 0 : i32
      %dma_start3A_72 = arith.constant 0 : i32
      %dma_start3A_73 = tpu.memref_slice %arg4[%add3A, %dma_start3A_71, %dma_start3A_72] : memref<32x79x128xi32, #tpu.memory_space<hbm>> -> memref<1x79x128xi32, #tpu.memory_space<hbm>>
      %dma_start3A_74 = tpu.memref_squeeze %dma_start3A_73 : memref<1x79x128xi32, #tpu.memory_space<hbm>> -> memref<79x128xi32, #tpu.memory_space<hbm>>
      tpu.enqueue_dma source(%dma_start3A_74 : memref<79x128xi32, #tpu.memory_space<hbm>>) target(%arg8 : memref<79x128xi32, #tpu.memory_space<vmem>>) target_semaphore(%run_scoped3A : memref<!tpu.dma_semaphore, #tpu.memory_space<semaphore_mem>>)
      %dma_wait3A_75 = arith.constant 0 : i32
      %dma_wait3A_76 = arith.constant 0 : i32
      %dma_wait3A_77 = tpu.memref_slice %arg4[%add3A, %dma_wait3A_75, %dma_wait3A_76] : memref<32x79x128xi32, #tpu.memory_space<hbm>> -> memref<1x79x128xi32, #tpu.memory_space<hbm>>
      %dma_wait3A_78 = tpu.memref_squeeze %dma_wait3A_77 : memref<1x79x128xi32, #tpu.memory_space<hbm>> -> memref<79x128xi32, #tpu.memory_space<hbm>>
      %dma_wait3A_79 = arith.constant 0 : i32
      %dma_wait3A_80 = arith.constant 0 : i32
      %dma_wait3A_81 = tpu.memref_slice %arg4[%add3A, %dma_wait3A_79, %dma_wait3A_80] : memref<32x79x128xi32, #tpu.memory_space<hbm>> -> memref<1x79x128xi32, #tpu.memory_space<hbm>>
      %dma_wait3A_82 = tpu.memref_squeeze %dma_wait3A_81 : memref<1x79x128xi32, #tpu.memory_space<hbm>> -> memref<79x128xi32, #tpu.memory_space<hbm>>
      tpu.wait_dma2 semaphore(%run_scoped3A : memref<!tpu.dma_semaphore, #tpu.memory_space<semaphore_mem>>) src(%dma_wait3A_82 : memref<79x128xi32, #tpu.memory_space<hbm>>) dst(%arg8 : memref<79x128xi32, #tpu.memory_space<vmem>>)
      tpu.yield
    }) : () -> ()
    %mul3A_8 = arith.constant 632 : i32
    %mul3A_9 = arith.muli %arg1, %mul3A_8 : i32
    %mul3A_10 = arith.constant 632 : i32
    %mul3A_11 = arith.muli %arg1, %mul3A_10 : i32
    %dma_wait3A = arith.constant 0 : i32
    %dma_wait3A_12 = tpu.memref_slice %arg15[%mul3A_11, %dma_wait3A] : memref<10112x64xf32, #tpu.memory_space<vmem_shared>> -> memref<632x64xf32, #tpu.memory_space<vmem_shared>>
    %dma_wait3A_13 = arith.constant 0 : i32
    %dma_wait3A_14 = tpu.memref_slice %arg5[%mul3A_9, %dma_wait3A_13] : memref<10112x64xf32, #tpu.memory_space<hbm>> -> memref<632x64xf32, #tpu.memory_space<hbm>>
    tpu.wait_dma2 semaphore(%arg16 : memref<!tpu.dma_semaphore, #tpu.memory_space<semaphore_mem>>) src(%dma_wait3A_14 : memref<632x64xf32, #tpu.memory_space<hbm>>) dst(%dma_wait3A_12 : memref<632x64xf32, #tpu.memory_space<vmem_shared>>)
    %barrier3A = arith.constant 0 : index
    tpu.barrier barrier_id(%barrier3A)
    %dma_start3A_15 = arith.constant 0 : i32
    %dma_start3A_16 = arith.constant 0 : i32
    %dma_start3A_17 = tpu.memref_slice %arg7[%dma_start3A_15, %dma_start3A_16] : memref<79x128xi32, #tpu.memory_space<vmem>> -> memref<1x128xi32, #tpu.memory_space<vmem>>
    %dma_start3A_18 = tpu.memref_squeeze %dma_start3A_17 : memref<1x128xi32, #tpu.memory_space<vmem>> -> memref<128xi32, #tpu.memory_space<vmem>>
    %dma_start3A_19 = arith.constant 0 : i32
    %dma_start3A_20 = arith.constant 0 : i32
    %dma_start3A_21 = tpu.memref_slice %arg2[%dma_start3A_19, %dma_start3A_20] : memref<10240x64xf32, #tpu.memory_space<hbm>> -> memref<10240x64xf32, #tpu.memory_space<hbm>>
    tpu.enqueue_indirect_dma source(%dma_start3A_21 : memref<10240x64xf32, #tpu.memory_space<hbm>>) target(%arg9 : memref<128x64xf32, #tpu.memory_space<vmem>>) offsets(%dma_start3A_18 : memref<128xi32, #tpu.memory_space<vmem>>) semaphore(%arg17 : memref<!tpu.dma_semaphore, #tpu.memory_space<semaphore_mem>>)
    %dma_start3A_22 = arith.constant 1 : i32
    %dma_start3A_23 = arith.constant 0 : i32
    %dma_start3A_24 = tpu.memref_slice %arg7[%dma_start3A_22, %dma_start3A_23] : memref<79x128xi32, #tpu.memory_space<vmem>> -> memref<1x128xi32, #tpu.memory_space<vmem>>
    %dma_start3A_25 = tpu.memref_squeeze %dma_start3A_24 : memref<1x128xi32, #tpu.memory_space<vmem>> -> memref<128xi32, #tpu.memory_space<vmem>>
    %dma_start3A_26 = arith.constant 0 : i32
    %dma_start3A_27 = arith.constant 0 : i32
    %dma_start3A_28 = tpu.memref_slice %arg2[%dma_start3A_26, %dma_start3A_27] : memref<10240x64xf32, #tpu.memory_space<hbm>> -> memref<10240x64xf32, #tpu.memory_space<hbm>>
    tpu.enqueue_indirect_dma source(%dma_start3A_28 : memref<10240x64xf32, #tpu.memory_space<hbm>>) target(%arg10 : memref<128x64xf32, #tpu.memory_space<vmem>>) offsets(%dma_start3A_25 : memref<128xi32, #tpu.memory_space<vmem>>) semaphore(%arg18 : memref<!tpu.dma_semaphore, #tpu.memory_space<semaphore_mem>>)
    %dma_start3A_29 = arith.constant 2 : i32
    %dma_start3A_30 = arith.constant 0 : i32
    %dma_start3A_31 = tpu.memref_slice %arg7[%dma_start3A_29, %dma_start3A_30] : memref<79x128xi32, #tpu.memory_space<vmem>> -> memref<1x128xi32, #tpu.memory_space<vmem>>
    %dma_start3A_32 = tpu.memref_squeeze %dma_start3A_31 : memref<1x128xi32, #tpu.memory_space<vmem>> -> memref<128xi32, #tpu.memory_space<vmem>>
    %dma_start3A_33 = arith.constant 0 : i32
    %dma_start3A_34 = arith.constant 0 : i32
    %dma_start3A_35 = tpu.memref_slice %arg2[%dma_start3A_33, %dma_start3A_34] : memref<10240x64xf32, #tpu.memory_space<hbm>> -> memref<10240x64xf32, #tpu.memory_space<hbm>>
    tpu.enqueue_indirect_dma source(%dma_start3A_35 : memref<10240x64xf32, #tpu.memory_space<hbm>>) target(%arg11 : memref<128x64xf32, #tpu.memory_space<vmem>>) offsets(%dma_start3A_32 : memref<128xi32, #tpu.memory_space<vmem>>) semaphore(%arg19 : memref<!tpu.dma_semaphore, #tpu.memory_space<semaphore_mem>>)
    %dma_start3A_36 = arith.constant 3 : i32
    %dma_start3A_37 = arith.constant 0 : i32
    %dma_start3A_38 = tpu.memref_slice %arg7[%dma_start3A_36, %dma_start3A_37] : memref<79x128xi32, #tpu.memory_space<vmem>> -> memref<1x128xi32, #tpu.memory_space<vmem>>
    %dma_start3A_39 = tpu.memref_squeeze %dma_start3A_38 : memref<1x128xi32, #tpu.memory_space<vmem>> -> memref<128xi32, #tpu.memory_space<vmem>>
    %dma_start3A_40 = arith.constant 0 : i32
    %dma_start3A_41 = arith.constant 0 : i32
    %dma_start3A_42 = tpu.memref_slice %arg2[%dma_start3A_40, %dma_start3A_41] : memref<10240x64xf32, #tpu.memory_space<hbm>> -> memref<10240x64xf32, #tpu.memory_space<hbm>>
    tpu.enqueue_indirect_dma source(%dma_start3A_42 : memref<10240x64xf32, #tpu.memory_space<hbm>>) target(%arg12 : memref<128x64xf32, #tpu.memory_space<vmem>>) offsets(%dma_start3A_39 : memref<128xi32, #tpu.memory_space<vmem>>) semaphore(%arg20 : memref<!tpu.dma_semaphore, #tpu.memory_space<semaphore_mem>>)
    %dma_start3A_43 = arith.constant 4 : i32
    %dma_start3A_44 = arith.constant 0 : i32
    %dma_start3A_45 = tpu.memref_slice %arg7[%dma_start3A_43, %dma_start3A_44] : memref<79x128xi32, #tpu.memory_space<vmem>> -> memref<1x128xi32, #tpu.memory_space<vmem>>
    %dma_start3A_46 = tpu.memref_squeeze %dma_start3A_45 : memref<1x128xi32, #tpu.memory_space<vmem>> -> memref<128xi32, #tpu.memory_space<vmem>>
    %dma_start3A_47 = arith.constant 0 : i32
    %dma_start3A_48 = arith.constant 0 : i32
    %dma_start3A_49 = tpu.memref_slice %arg2[%dma_start3A_47, %dma_start3A_48] : memref<10240x64xf32, #tpu.memory_space<hbm>> -> memref<10240x64xf32, #tpu.memory_space<hbm>>
    tpu.enqueue_indirect_dma source(%dma_start3A_49 : memref<10240x64xf32, #tpu.memory_space<hbm>>) target(%arg13 : memref<128x64xf32, #tpu.memory_space<vmem>>) offsets(%dma_start3A_46 : memref<128xi32, #tpu.memory_space<vmem>>) semaphore(%arg21 : memref<!tpu.dma_semaphore, #tpu.memory_space<semaphore_mem>>)
    %dma_start3A_50 = arith.constant 5 : i32
    %dma_start3A_51 = arith.constant 0 : i32
    %dma_start3A_52 = tpu.memref_slice %arg7[%dma_start3A_50, %dma_start3A_51] : memref<79x128xi32, #tpu.memory_space<vmem>> -> memref<1x128xi32, #tpu.memory_space<vmem>>
    %dma_start3A_53 = tpu.memref_squeeze %dma_start3A_52 : memref<1x128xi32, #tpu.memory_space<vmem>> -> memref<128xi32, #tpu.memory_space<vmem>>
    %dma_start3A_54 = arith.constant 0 : i32
    %dma_start3A_55 = arith.constant 0 : i32
    %dma_start3A_56 = tpu.memref_slice %arg2[%dma_start3A_54, %dma_start3A_55] : memref<10240x64xf32, #tpu.memory_space<hbm>> -> memref<10240x64xf32, #tpu.memory_space<hbm>>
    tpu.enqueue_indirect_dma source(%dma_start3A_56 : memref<10240x64xf32, #tpu.memory_space<hbm>>) target(%arg14 : memref<128x64xf32, #tpu.memory_space<vmem>>) offsets(%dma_start3A_53 : memref<128xi32, #tpu.memory_space<vmem>>) semaphore(%arg22 : memref<!tpu.dma_semaphore, #tpu.memory_space<semaphore_mem>>)
    %scan3A = arith.constant 0 : i32
    %scan3A_57 = arith.constant 0 : i32
    %scan3A_58 = arith.constant 14 : i32
    %scan3A_59 = arith.addi %scan3A_57, %scan3A_58 : i32
    %scan3A_60 = arith.constant 1 : i32
    scf.for %scan3A_67 = %scan3A_57 to %scan3A_59 step %scan3A_60  : i32 {
      %mul3A_68 = arith.constant 6 : i32
      %mul3A_69 = arith.muli %scan3A_67, %mul3A_68 : i32
      %add3A_70 = arith.constant 0 : i32
      %add3A_71 = arith.addi %mul3A_69, %add3A_70 : i32
      %lt3A = arith.constant 79 : i32
      %lt3A_72 = arith.cmpi slt, %add3A_71, %lt3A : i32
      %convert_element_type3A = arith.extui %lt3A_72 : i1 to i32
      %cond3A = arith.constant 0 : i32
      %cond3A_73 = arith.cmpi ne, %convert_element_type3A, %cond3A : i32
      scf.if %cond3A_73 {
        %dma_wait3A_119 = arith.constant 0 : i32
        %dma_wait3A_120 = tpu.memref_slice %arg7[%add3A_71, %dma_wait3A_119] : memref<79x128xi32, #tpu.memory_space<vmem>> -> memref<1x128xi32, #tpu.memory_space<vmem>>
        %dma_wait3A_121 = tpu.memref_squeeze %dma_wait3A_120 : memref<1x128xi32, #tpu.memory_space<vmem>> -> memref<128xi32, #tpu.memory_space<vmem>>
        %dma_wait3A_122 = arith.constant 0 : i32
        %dma_wait3A_123 = arith.constant 0 : i32
        %dma_wait3A_124 = tpu.memref_slice %arg2[%dma_wait3A_122, %dma_wait3A_123] : memref<10240x64xf32, #tpu.memory_space<hbm>> -> memref<10240x64xf32, #tpu.memory_space<hbm>>
        tpu.wait_indirect_dma semaphore(%arg17 : memref<!tpu.dma_semaphore, #tpu.memory_space<semaphore_mem>>) src(%dma_wait3A_124 : memref<10240x64xf32, #tpu.memory_space<hbm>>) dst(%arg9 : memref<128x64xf32, #tpu.memory_space<vmem>>)
        "tpu.region"() ({
          %run_scoped3A = tpu.sem_alloc : memref<!tpu.dma_semaphore, #tpu.memory_space<semaphore_mem>>
          %dma_start3A_132 = arith.constant 0 : i32
          %dma_start3A_133 = tpu.memref_slice %arg8[%add3A_71, %dma_start3A_132] : memref<79x128xi32, #tpu.memory_space<vmem>> -> memref<1x128xi32, #tpu.memory_space<vmem>>
          %dma_start3A_134 = tpu.memref_squeeze %dma_start3A_133 : memref<1x128xi32, #tpu.memory_space<vmem>> -> memref<128xi32, #tpu.memory_space<vmem>>
          %dma_start3A_135 = arith.constant 0 : i32
          %dma_start3A_136 = arith.constant 0 : i32
          %dma_start3A_137 = tpu.memref_slice %arg15[%dma_start3A_135, %dma_start3A_136] : memref<10112x64xf32, #tpu.memory_space<vmem_shared>> -> memref<10112x64xf32, #tpu.memory_space<vmem_shared>>
          tpu.enqueue_indirect_dma source(%arg9 : memref<128x64xf32, #tpu.memory_space<vmem>>) target(%dma_start3A_137 : memref<10112x64xf32, #tpu.memory_space<vmem_shared>>) offsets(%dma_start3A_134 : memref<128xi32, #tpu.memory_space<vmem>>) semaphore(%run_scoped3A : memref<!tpu.dma_semaphore, #tpu.memory_space<semaphore_mem>>) {add = true}
          %dma_wait3A_138 = arith.constant 0 : i32
          %dma_wait3A_139 = tpu.memref_slice %arg8[%add3A_71, %dma_wait3A_138] : memref<79x128xi32, #tpu.memory_space<vmem>> -> memref<1x128xi32, #tpu.memory_space<vmem>>
          %dma_wait3A_140 = tpu.memref_squeeze %dma_wait3A_139 : memref<1x128xi32, #tpu.memory_space<vmem>> -> memref<128xi32, #tpu.memory_space<vmem>>
          %dma_wait3A_141 = arith.constant 0 : i32
          %dma_wait3A_142 = arith.constant 0 : i32
          %dma_wait3A_143 = tpu.memref_slice %arg15[%dma_wait3A_141, %dma_wait3A_142] : memref<10112x64xf32, #tpu.memory_space<vmem_shared>> -> memref<10112x64xf32, #tpu.memory_space<vmem_shared>>
          tpu.wait_indirect_dma semaphore(%run_scoped3A : memref<!tpu.dma_semaphore, #tpu.memory_space<semaphore_mem>>) src(%arg9 : memref<128x64xf32, #tpu.memory_space<vmem>>) dst(%dma_wait3A_143 : memref<10112x64xf32, #tpu.memory_space<vmem_shared>>)
          tpu.yield
        }) : () -> ()
        %add3A_125 = arith.constant 6 : i32
        %add3A_126 = arith.addi %add3A_71, %add3A_125 : i32
        %lt3A_127 = arith.constant 79 : i32
        %lt3A_128 = arith.cmpi slt, %add3A_126, %lt3A_127 : i32
        %convert_element_type3A_129 = arith.extui %lt3A_128 : i1 to i32
        %cond3A_130 = arith.constant 0 : i32
        %cond3A_131 = arith.cmpi ne, %convert_element_type3A_129, %cond3A_130 : i32
        scf.if %cond3A_131 {
          %add3A_132 = arith.constant 6 : i32
          %add3A_133 = arith.addi %add3A_71, %add3A_132 : i32
          %dma_start3A_134 = arith.constant 0 : i32
          %dma_start3A_135 = tpu.memref_slice %arg7[%add3A_133, %dma_start3A_134] : memref<79x128xi32, #tpu.memory_space<vmem>> -> memref<1x128xi32, #tpu.memory_space<vmem>>
          %dma_start3A_136 = tpu.memref_squeeze %dma_start3A_135 : memref<1x128xi32, #tpu.memory_space<vmem>> -> memref<128xi32, #tpu.memory_space<vmem>>
          %dma_start3A_137 = arith.constant 0 : i32
          %dma_start3A_138 = arith.constant 0 : i32
          %dma_start3A_139 = tpu.memref_slice %arg2[%dma_start3A_137, %dma_start3A_138] : memref<10240x64xf32, #tpu.memory_space<hbm>> -> memref<10240x64xf32, #tpu.memory_space<hbm>>
          tpu.enqueue_indirect_dma source(%dma_start3A_139 : memref<10240x64xf32, #tpu.memory_space<hbm>>) target(%arg9 : memref<128x64xf32, #tpu.memory_space<vmem>>) offsets(%dma_start3A_136 : memref<128xi32, #tpu.memory_space<vmem>>) semaphore(%arg17 : memref<!tpu.dma_semaphore, #tpu.memory_space<semaphore_mem>>)
        } else {
        }
      } else {
      }
      %mul3A_74 = arith.constant 6 : i32
      %mul3A_75 = arith.muli %scan3A_67, %mul3A_74 : i32
      %add3A_76 = arith.constant 1 : i32
      %add3A_77 = arith.addi %mul3A_75, %add3A_76 : i32
      %lt3A_78 = arith.constant 79 : i32
      %lt3A_79 = arith.cmpi slt, %add3A_77, %lt3A_78 : i32
      %convert_element_type3A_80 = arith.extui %lt3A_79 : i1 to i32
      %cond3A_81 = arith.constant 0 : i32
      %cond3A_82 = arith.cmpi ne, %convert_element_type3A_80, %cond3A_81 : i32
      scf.if %cond3A_82 {
        %dma_wait3A_119 = arith.constant 0 : i32
        %dma_wait3A_120 = tpu.memref_slice %arg7[%add3A_77, %dma_wait3A_119] : memref<79x128xi32, #tpu.memory_space<vmem>> -> memref<1x128xi32, #tpu.memory_space<vmem>>
        %dma_wait3A_121 = tpu.memref_squeeze %dma_wait3A_120 : memref<1x128xi32, #tpu.memory_space<vmem>> -> memref<128xi32, #tpu.memory_space<vmem>>
        %dma_wait3A_122 = arith.constant 0 : i32
        %dma_wait3A_123 = arith.constant 0 : i32
        %dma_wait3A_124 = tpu.memref_slice %arg2[%dma_wait3A_122, %dma_wait3A_123] : memref<10240x64xf32, #tpu.memory_space<hbm>> -> memref<10240x64xf32, #tpu.memory_space<hbm>>
        tpu.wait_indirect_dma semaphore(%arg18 : memref<!tpu.dma_semaphore, #tpu.memory_space<semaphore_mem>>) src(%dma_wait3A_124 : memref<10240x64xf32, #tpu.memory_space<hbm>>) dst(%arg10 : memref<128x64xf32, #tpu.memory_space<vmem>>)
        "tpu.region"() ({
          %run_scoped3A = tpu.sem_alloc : memref<!tpu.dma_semaphore, #tpu.memory_space<semaphore_mem>>
          %dma_start3A_132 = arith.constant 0 : i32
          %dma_start3A_133 = tpu.memref_slice %arg8[%add3A_77, %dma_start3A_132] : memref<79x128xi32, #tpu.memory_space<vmem>> -> memref<1x128xi32, #tpu.memory_space<vmem>>
          %dma_start3A_134 = tpu.memref_squeeze %dma_start3A_133 : memref<1x128xi32, #tpu.memory_space<vmem>> -> memref<128xi32, #tpu.memory_space<vmem>>
          %dma_start3A_135 = arith.constant 0 : i32
          %dma_start3A_136 = arith.constant 0 : i32
          %dma_start3A_137 = tpu.memref_slice %arg15[%dma_start3A_135, %dma_start3A_136] : memref<10112x64xf32, #tpu.memory_space<vmem_shared>> -> memref<10112x64xf32, #tpu.memory_space<vmem_shared>>
          tpu.enqueue_indirect_dma source(%arg10 : memref<128x64xf32, #tpu.memory_space<vmem>>) target(%dma_start3A_137 : memref<10112x64xf32, #tpu.memory_space<vmem_shared>>) offsets(%dma_start3A_134 : memref<128xi32, #tpu.memory_space<vmem>>) semaphore(%run_scoped3A : memref<!tpu.dma_semaphore, #tpu.memory_space<semaphore_mem>>) {add = true}
          %dma_wait3A_138 = arith.constant 0 : i32
          %dma_wait3A_139 = tpu.memref_slice %arg8[%add3A_77, %dma_wait3A_138] : memref<79x128xi32, #tpu.memory_space<vmem>> -> memref<1x128xi32, #tpu.memory_space<vmem>>
          %dma_wait3A_140 = tpu.memref_squeeze %dma_wait3A_139 : memref<1x128xi32, #tpu.memory_space<vmem>> -> memref<128xi32, #tpu.memory_space<vmem>>
          %dma_wait3A_141 = arith.constant 0 : i32
          %dma_wait3A_142 = arith.constant 0 : i32
          %dma_wait3A_143 = tpu.memref_slice %arg15[%dma_wait3A_141, %dma_wait3A_142] : memref<10112x64xf32, #tpu.memory_space<vmem_shared>> -> memref<10112x64xf32, #tpu.memory_space<vmem_shared>>
          tpu.wait_indirect_dma semaphore(%run_scoped3A : memref<!tpu.dma_semaphore, #tpu.memory_space<semaphore_mem>>) src(%arg10 : memref<128x64xf32, #tpu.memory_space<vmem>>) dst(%dma_wait3A_143 : memref<10112x64xf32, #tpu.memory_space<vmem_shared>>)
          tpu.yield
        }) : () -> ()
        %add3A_125 = arith.constant 6 : i32
        %add3A_126 = arith.addi %add3A_77, %add3A_125 : i32
        %lt3A_127 = arith.constant 79 : i32
        %lt3A_128 = arith.cmpi slt, %add3A_126, %lt3A_127 : i32
        %convert_element_type3A_129 = arith.extui %lt3A_128 : i1 to i32
        %cond3A_130 = arith.constant 0 : i32
        %cond3A_131 = arith.cmpi ne, %convert_element_type3A_129, %cond3A_130 : i32
        scf.if %cond3A_131 {
          %add3A_132 = arith.constant 6 : i32
          %add3A_133 = arith.addi %add3A_77, %add3A_132 : i32
          %dma_start3A_134 = arith.constant 0 : i32
          %dma_start3A_135 = tpu.memref_slice %arg7[%add3A_133, %dma_start3A_134] : memref<79x128xi32, #tpu.memory_space<vmem>> -> memref<1x128xi32, #tpu.memory_space<vmem>>
          %dma_start3A_136 = tpu.memref_squeeze %dma_start3A_135 : memref<1x128xi32, #tpu.memory_space<vmem>> -> memref<128xi32, #tpu.memory_space<vmem>>
          %dma_start3A_137 = arith.constant 0 : i32
          %dma_start3A_138 = arith.constant 0 : i32
          %dma_start3A_139 = tpu.memref_slice %arg2[%dma_start3A_137, %dma_start3A_138] : memref<10240x64xf32, #tpu.memory_space<hbm>> -> memref<10240x64xf32, #tpu.memory_space<hbm>>
          tpu.enqueue_indirect_dma source(%dma_start3A_139 : memref<10240x64xf32, #tpu.memory_space<hbm>>) target(%arg10 : memref<128x64xf32, #tpu.memory_space<vmem>>) offsets(%dma_start3A_136 : memref<128xi32, #tpu.memory_space<vmem>>) semaphore(%arg18 : memref<!tpu.dma_semaphore, #tpu.memory_space<semaphore_mem>>)
        } else {
        }
      } else {
      }
      %mul3A_83 = arith.constant 6 : i32
      %mul3A_84 = arith.muli %scan3A_67, %mul3A_83 : i32
      %add3A_85 = arith.constant 2 : i32
      %add3A_86 = arith.addi %mul3A_84, %add3A_85 : i32
      %lt3A_87 = arith.constant 79 : i32
      %lt3A_88 = arith.cmpi slt, %add3A_86, %lt3A_87 : i32
      %convert_element_type3A_89 = arith.extui %lt3A_88 : i1 to i32
      %cond3A_90 = arith.constant 0 : i32
      %cond3A_91 = arith.cmpi ne, %convert_element_type3A_89, %cond3A_90 : i32
      scf.if %cond3A_91 {
        %dma_wait3A_119 = arith.constant 0 : i32
        %dma_wait3A_120 = tpu.memref_slice %arg7[%add3A_86, %dma_wait3A_119] : memref<79x128xi32, #tpu.memory_space<vmem>> -> memref<1x128xi32, #tpu.memory_space<vmem>>
        %dma_wait3A_121 = tpu.memref_squeeze %dma_wait3A_120 : memref<1x128xi32, #tpu.memory_space<vmem>> -> memref<128xi32, #tpu.memory_space<vmem>>
        %dma_wait3A_122 = arith.constant 0 : i32
        %dma_wait3A_123 = arith.constant 0 : i32
        %dma_wait3A_124 = tpu.memref_slice %arg2[%dma_wait3A_122, %dma_wait3A_123] : memref<10240x64xf32, #tpu.memory_space<hbm>> -> memref<10240x64xf32, #tpu.memory_space<hbm>>
        tpu.wait_indirect_dma semaphore(%arg19 : memref<!tpu.dma_semaphore, #tpu.memory_space<semaphore_mem>>) src(%dma_wait3A_124 : memref<10240x64xf32, #tpu.memory_space<hbm>>) dst(%arg11 : memref<128x64xf32, #tpu.memory_space<vmem>>)
        "tpu.region"() ({
          %run_scoped3A = tpu.sem_alloc : memref<!tpu.dma_semaphore, #tpu.memory_space<semaphore_mem>>
          %dma_start3A_132 = arith.constant 0 : i32
          %dma_start3A_133 = tpu.memref_slice %arg8[%add3A_86, %dma_start3A_132] : memref<79x128xi32, #tpu.memory_space<vmem>> -> memref<1x128xi32, #tpu.memory_space<vmem>>
          %dma_start3A_134 = tpu.memref_squeeze %dma_start3A_133 : memref<1x128xi32, #tpu.memory_space<vmem>> -> memref<128xi32, #tpu.memory_space<vmem>>
          %dma_start3A_135 = arith.constant 0 : i32
          %dma_start3A_136 = arith.constant 0 : i32
          %dma_start3A_137 = tpu.memref_slice %arg15[%dma_start3A_135, %dma_start3A_136] : memref<10112x64xf32, #tpu.memory_space<vmem_shared>> -> memref<10112x64xf32, #tpu.memory_space<vmem_shared>>
          tpu.enqueue_indirect_dma source(%arg11 : memref<128x64xf32, #tpu.memory_space<vmem>>) target(%dma_start3A_137 : memref<10112x64xf32, #tpu.memory_space<vmem_shared>>) offsets(%dma_start3A_134 : memref<128xi32, #tpu.memory_space<vmem>>) semaphore(%run_scoped3A : memref<!tpu.dma_semaphore, #tpu.memory_space<semaphore_mem>>) {add = true}
          %dma_wait3A_138 = arith.constant 0 : i32
          %dma_wait3A_139 = tpu.memref_slice %arg8[%add3A_86, %dma_wait3A_138] : memref<79x128xi32, #tpu.memory_space<vmem>> -> memref<1x128xi32, #tpu.memory_space<vmem>>
          %dma_wait3A_140 = tpu.memref_squeeze %dma_wait3A_139 : memref<1x128xi32, #tpu.memory_space<vmem>> -> memref<128xi32, #tpu.memory_space<vmem>>
          %dma_wait3A_141 = arith.constant 0 : i32
          %dma_wait3A_142 = arith.constant 0 : i32
          %dma_wait3A_143 = tpu.memref_slice %arg15[%dma_wait3A_141, %dma_wait3A_142] : memref<10112x64xf32, #tpu.memory_space<vmem_shared>> -> memref<10112x64xf32, #tpu.memory_space<vmem_shared>>
          tpu.wait_indirect_dma semaphore(%run_scoped3A : memref<!tpu.dma_semaphore, #tpu.memory_space<semaphore_mem>>) src(%arg11 : memref<128x64xf32, #tpu.memory_space<vmem>>) dst(%dma_wait3A_143 : memref<10112x64xf32, #tpu.memory_space<vmem_shared>>)
          tpu.yield
        }) : () -> ()
        %add3A_125 = arith.constant 6 : i32
        %add3A_126 = arith.addi %add3A_86, %add3A_125 : i32
        %lt3A_127 = arith.constant 79 : i32
        %lt3A_128 = arith.cmpi slt, %add3A_126, %lt3A_127 : i32
        %convert_element_type3A_129 = arith.extui %lt3A_128 : i1 to i32
        %cond3A_130 = arith.constant 0 : i32
        %cond3A_131 = arith.cmpi ne, %convert_element_type3A_129, %cond3A_130 : i32
        scf.if %cond3A_131 {
          %add3A_132 = arith.constant 6 : i32
          %add3A_133 = arith.addi %add3A_86, %add3A_132 : i32
          %dma_start3A_134 = arith.constant 0 : i32
          %dma_start3A_135 = tpu.memref_slice %arg7[%add3A_133, %dma_start3A_134] : memref<79x128xi32, #tpu.memory_space<vmem>> -> memref<1x128xi32, #tpu.memory_space<vmem>>
          %dma_start3A_136 = tpu.memref_squeeze %dma_start3A_135 : memref<1x128xi32, #tpu.memory_space<vmem>> -> memref<128xi32, #tpu.memory_space<vmem>>
          %dma_start3A_137 = arith.constant 0 : i32
          %dma_start3A_138 = arith.constant 0 : i32
          %dma_start3A_139 = tpu.memref_slice %arg2[%dma_start3A_137, %dma_start3A_138] : memref<10240x64xf32, #tpu.memory_space<hbm>> -> memref<10240x64xf32, #tpu.memory_space<hbm>>
          tpu.enqueue_indirect_dma source(%dma_start3A_139 : memref<10240x64xf32, #tpu.memory_space<hbm>>) target(%arg11 : memref<128x64xf32, #tpu.memory_space<vmem>>) offsets(%dma_start3A_136 : memref<128xi32, #tpu.memory_space<vmem>>) semaphore(%arg19 : memref<!tpu.dma_semaphore, #tpu.memory_space<semaphore_mem>>)
        } else {
        }
      } else {
      }
      %mul3A_92 = arith.constant 6 : i32
      %mul3A_93 = arith.muli %scan3A_67, %mul3A_92 : i32
      %add3A_94 = arith.constant 3 : i32
      %add3A_95 = arith.addi %mul3A_93, %add3A_94 : i32
      %lt3A_96 = arith.constant 79 : i32
      %lt3A_97 = arith.cmpi slt, %add3A_95, %lt3A_96 : i32
      %convert_element_type3A_98 = arith.extui %lt3A_97 : i1 to i32
      %cond3A_99 = arith.constant 0 : i32
      %cond3A_100 = arith.cmpi ne, %convert_element_type3A_98, %cond3A_99 : i32
      scf.if %cond3A_100 {
        %dma_wait3A_119 = arith.constant 0 : i32
        %dma_wait3A_120 = tpu.memref_slice %arg7[%add3A_95, %dma_wait3A_119] : memref<79x128xi32, #tpu.memory_space<vmem>> -> memref<1x128xi32, #tpu.memory_space<vmem>>
        %dma_wait3A_121 = tpu.memref_squeeze %dma_wait3A_120 : memref<1x128xi32, #tpu.memory_space<vmem>> -> memref<128xi32, #tpu.memory_space<vmem>>
        %dma_wait3A_122 = arith.constant 0 : i32
        %dma_wait3A_123 = arith.constant 0 : i32
        %dma_wait3A_124 = tpu.memref_slice %arg2[%dma_wait3A_122, %dma_wait3A_123] : memref<10240x64xf32, #tpu.memory_space<hbm>> -> memref<10240x64xf32, #tpu.memory_space<hbm>>
        tpu.wait_indirect_dma semaphore(%arg20 : memref<!tpu.dma_semaphore, #tpu.memory_space<semaphore_mem>>) src(%dma_wait3A_124 : memref<10240x64xf32, #tpu.memory_space<hbm>>) dst(%arg12 : memref<128x64xf32, #tpu.memory_space<vmem>>)
        "tpu.region"() ({
          %run_scoped3A = tpu.sem_alloc : memref<!tpu.dma_semaphore, #tpu.memory_space<semaphore_mem>>
          %dma_start3A_132 = arith.constant 0 : i32
          %dma_start3A_133 = tpu.memref_slice %arg8[%add3A_95, %dma_start3A_132] : memref<79x128xi32, #tpu.memory_space<vmem>> -> memref<1x128xi32, #tpu.memory_space<vmem>>
          %dma_start3A_134 = tpu.memref_squeeze %dma_start3A_133 : memref<1x128xi32, #tpu.memory_space<vmem>> -> memref<128xi32, #tpu.memory_space<vmem>>
          %dma_start3A_135 = arith.constant 0 : i32
          %dma_start3A_136 = arith.constant 0 : i32
          %dma_start3A_137 = tpu.memref_slice %arg15[%dma_start3A_135, %dma_start3A_136] : memref<10112x64xf32, #tpu.memory_space<vmem_shared>> -> memref<10112x64xf32, #tpu.memory_space<vmem_shared>>
          tpu.enqueue_indirect_dma source(%arg12 : memref<128x64xf32, #tpu.memory_space<vmem>>) target(%dma_start3A_137 : memref<10112x64xf32, #tpu.memory_space<vmem_shared>>) offsets(%dma_start3A_134 : memref<128xi32, #tpu.memory_space<vmem>>) semaphore(%run_scoped3A : memref<!tpu.dma_semaphore, #tpu.memory_space<semaphore_mem>>) {add = true}
          %dma_wait3A_138 = arith.constant 0 : i32
          %dma_wait3A_139 = tpu.memref_slice %arg8[%add3A_95, %dma_wait3A_138] : memref<79x128xi32, #tpu.memory_space<vmem>> -> memref<1x128xi32, #tpu.memory_space<vmem>>
          %dma_wait3A_140 = tpu.memref_squeeze %dma_wait3A_139 : memref<1x128xi32, #tpu.memory_space<vmem>> -> memref<128xi32, #tpu.memory_space<vmem>>
          %dma_wait3A_141 = arith.constant 0 : i32
          %dma_wait3A_142 = arith.constant 0 : i32
          %dma_wait3A_143 = tpu.memref_slice %arg15[%dma_wait3A_141, %dma_wait3A_142] : memref<10112x64xf32, #tpu.memory_space<vmem_shared>> -> memref<10112x64xf32, #tpu.memory_space<vmem_shared>>
          tpu.wait_indirect_dma semaphore(%run_scoped3A : memref<!tpu.dma_semaphore, #tpu.memory_space<semaphore_mem>>) src(%arg12 : memref<128x64xf32, #tpu.memory_space<vmem>>) dst(%dma_wait3A_143 : memref<10112x64xf32, #tpu.memory_space<vmem_shared>>)
          tpu.yield
        }) : () -> ()
        %add3A_125 = arith.constant 6 : i32
        %add3A_126 = arith.addi %add3A_95, %add3A_125 : i32
        %lt3A_127 = arith.constant 79 : i32
        %lt3A_128 = arith.cmpi slt, %add3A_126, %lt3A_127 : i32
        %convert_element_type3A_129 = arith.extui %lt3A_128 : i1 to i32
        %cond3A_130 = arith.constant 0 : i32
        %cond3A_131 = arith.cmpi ne, %convert_element_type3A_129, %cond3A_130 : i32
        scf.if %cond3A_131 {
          %add3A_132 = arith.constant 6 : i32
          %add3A_133 = arith.addi %add3A_95, %add3A_132 : i32
          %dma_start3A_134 = arith.constant 0 : i32
          %dma_start3A_135 = tpu.memref_slice %arg7[%add3A_133, %dma_start3A_134] : memref<79x128xi32, #tpu.memory_space<vmem>> -> memref<1x128xi32, #tpu.memory_space<vmem>>
          %dma_start3A_136 = tpu.memref_squeeze %dma_start3A_135 : memref<1x128xi32, #tpu.memory_space<vmem>> -> memref<128xi32, #tpu.memory_space<vmem>>
          %dma_start3A_137 = arith.constant 0 : i32
          %dma_start3A_138 = arith.constant 0 : i32
          %dma_start3A_139 = tpu.memref_slice %arg2[%dma_start3A_137, %dma_start3A_138] : memref<10240x64xf32, #tpu.memory_space<hbm>> -> memref<10240x64xf32, #tpu.memory_space<hbm>>
          tpu.enqueue_indirect_dma source(%dma_start3A_139 : memref<10240x64xf32, #tpu.memory_space<hbm>>) target(%arg12 : memref<128x64xf32, #tpu.memory_space<vmem>>) offsets(%dma_start3A_136 : memref<128xi32, #tpu.memory_space<vmem>>) semaphore(%arg20 : memref<!tpu.dma_semaphore, #tpu.memory_space<semaphore_mem>>)
        } else {
        }
      } else {
      }
      %mul3A_101 = arith.constant 6 : i32
      %mul3A_102 = arith.muli %scan3A_67, %mul3A_101 : i32
      %add3A_103 = arith.constant 4 : i32
      %add3A_104 = arith.addi %mul3A_102, %add3A_103 : i32
      %lt3A_105 = arith.constant 79 : i32
      %lt3A_106 = arith.cmpi slt, %add3A_104, %lt3A_105 : i32
      %convert_element_type3A_107 = arith.extui %lt3A_106 : i1 to i32
      %cond3A_108 = arith.constant 0 : i32
      %cond3A_109 = arith.cmpi ne, %convert_element_type3A_107, %cond3A_108 : i32
      scf.if %cond3A_109 {
        %dma_wait3A_119 = arith.constant 0 : i32
        %dma_wait3A_120 = tpu.memref_slice %arg7[%add3A_104, %dma_wait3A_119] : memref<79x128xi32, #tpu.memory_space<vmem>> -> memref<1x128xi32, #tpu.memory_space<vmem>>
        %dma_wait3A_121 = tpu.memref_squeeze %dma_wait3A_120 : memref<1x128xi32, #tpu.memory_space<vmem>> -> memref<128xi32, #tpu.memory_space<vmem>>
        %dma_wait3A_122 = arith.constant 0 : i32
        %dma_wait3A_123 = arith.constant 0 : i32
        %dma_wait3A_124 = tpu.memref_slice %arg2[%dma_wait3A_122, %dma_wait3A_123] : memref<10240x64xf32, #tpu.memory_space<hbm>> -> memref<10240x64xf32, #tpu.memory_space<hbm>>
        tpu.wait_indirect_dma semaphore(%arg21 : memref<!tpu.dma_semaphore, #tpu.memory_space<semaphore_mem>>) src(%dma_wait3A_124 : memref<10240x64xf32, #tpu.memory_space<hbm>>) dst(%arg13 : memref<128x64xf32, #tpu.memory_space<vmem>>)
        "tpu.region"() ({
          %run_scoped3A = tpu.sem_alloc : memref<!tpu.dma_semaphore, #tpu.memory_space<semaphore_mem>>
          %dma_start3A_132 = arith.constant 0 : i32
          %dma_start3A_133 = tpu.memref_slice %arg8[%add3A_104, %dma_start3A_132] : memref<79x128xi32, #tpu.memory_space<vmem>> -> memref<1x128xi32, #tpu.memory_space<vmem>>
          %dma_start3A_134 = tpu.memref_squeeze %dma_start3A_133 : memref<1x128xi32, #tpu.memory_space<vmem>> -> memref<128xi32, #tpu.memory_space<vmem>>
          %dma_start3A_135 = arith.constant 0 : i32
          %dma_start3A_136 = arith.constant 0 : i32
          %dma_start3A_137 = tpu.memref_slice %arg15[%dma_start3A_135, %dma_start3A_136] : memref<10112x64xf32, #tpu.memory_space<vmem_shared>> -> memref<10112x64xf32, #tpu.memory_space<vmem_shared>>
          tpu.enqueue_indirect_dma source(%arg13 : memref<128x64xf32, #tpu.memory_space<vmem>>) target(%dma_start3A_137 : memref<10112x64xf32, #tpu.memory_space<vmem_shared>>) offsets(%dma_start3A_134 : memref<128xi32, #tpu.memory_space<vmem>>) semaphore(%run_scoped3A : memref<!tpu.dma_semaphore, #tpu.memory_space<semaphore_mem>>) {add = true}
          %dma_wait3A_138 = arith.constant 0 : i32
          %dma_wait3A_139 = tpu.memref_slice %arg8[%add3A_104, %dma_wait3A_138] : memref<79x128xi32, #tpu.memory_space<vmem>> -> memref<1x128xi32, #tpu.memory_space<vmem>>
          %dma_wait3A_140 = tpu.memref_squeeze %dma_wait3A_139 : memref<1x128xi32, #tpu.memory_space<vmem>> -> memref<128xi32, #tpu.memory_space<vmem>>
          %dma_wait3A_141 = arith.constant 0 : i32
          %dma_wait3A_142 = arith.constant 0 : i32
          %dma_wait3A_143 = tpu.memref_slice %arg15[%dma_wait3A_141, %dma_wait3A_142] : memref<10112x64xf32, #tpu.memory_space<vmem_shared>> -> memref<10112x64xf32, #tpu.memory_space<vmem_shared>>
          tpu.wait_indirect_dma semaphore(%run_scoped3A : memref<!tpu.dma_semaphore, #tpu.memory_space<semaphore_mem>>) src(%arg13 : memref<128x64xf32, #tpu.memory_space<vmem>>) dst(%dma_wait3A_143 : memref<10112x64xf32, #tpu.memory_space<vmem_shared>>)
          tpu.yield
        }) : () -> ()
        %add3A_125 = arith.constant 6 : i32
        %add3A_126 = arith.addi %add3A_104, %add3A_125 : i32
        %lt3A_127 = arith.constant 79 : i32
        %lt3A_128 = arith.cmpi slt, %add3A_126, %lt3A_127 : i32
        %convert_element_type3A_129 = arith.extui %lt3A_128 : i1 to i32
        %cond3A_130 = arith.constant 0 : i32
        %cond3A_131 = arith.cmpi ne, %convert_element_type3A_129, %cond3A_130 : i32
        scf.if %cond3A_131 {
          %add3A_132 = arith.constant 6 : i32
          %add3A_133 = arith.addi %add3A_104, %add3A_132 : i32
          %dma_start3A_134 = arith.constant 0 : i32
          %dma_start3A_135 = tpu.memref_slice %arg7[%add3A_133, %dma_start3A_134] : memref<79x128xi32, #tpu.memory_space<vmem>> -> memref<1x128xi32, #tpu.memory_space<vmem>>
          %dma_start3A_136 = tpu.memref_squeeze %dma_start3A_135 : memref<1x128xi32, #tpu.memory_space<vmem>> -> memref<128xi32, #tpu.memory_space<vmem>>
          %dma_start3A_137 = arith.constant 0 : i32
          %dma_start3A_138 = arith.constant 0 : i32
          %dma_start3A_139 = tpu.memref_slice %arg2[%dma_start3A_137, %dma_start3A_138] : memref<10240x64xf32, #tpu.memory_space<hbm>> -> memref<10240x64xf32, #tpu.memory_space<hbm>>
          tpu.enqueue_indirect_dma source(%dma_start3A_139 : memref<10240x64xf32, #tpu.memory_space<hbm>>) target(%arg13 : memref<128x64xf32, #tpu.memory_space<vmem>>) offsets(%dma_start3A_136 : memref<128xi32, #tpu.memory_space<vmem>>) semaphore(%arg21 : memref<!tpu.dma_semaphore, #tpu.memory_space<semaphore_mem>>)
        } else {
        }
      } else {
      }
      %mul3A_110 = arith.constant 6 : i32
      %mul3A_111 = arith.muli %scan3A_67, %mul3A_110 : i32
      %add3A_112 = arith.constant 5 : i32
      %add3A_113 = arith.addi %mul3A_111, %add3A_112 : i32
      %lt3A_114 = arith.constant 79 : i32
      %lt3A_115 = arith.cmpi slt, %add3A_113, %lt3A_114 : i32
      %convert_element_type3A_116 = arith.extui %lt3A_115 : i1 to i32
      %cond3A_117 = arith.constant 0 : i32
      %cond3A_118 = arith.cmpi ne, %convert_element_type3A_116, %cond3A_117 : i32
      scf.if %cond3A_118 {
        %dma_wait3A_119 = arith.constant 0 : i32
        %dma_wait3A_120 = tpu.memref_slice %arg7[%add3A_113, %dma_wait3A_119] : memref<79x128xi32, #tpu.memory_space<vmem>> -> memref<1x128xi32, #tpu.memory_space<vmem>>
        %dma_wait3A_121 = tpu.memref_squeeze %dma_wait3A_120 : memref<1x128xi32, #tpu.memory_space<vmem>> -> memref<128xi32, #tpu.memory_space<vmem>>
        %dma_wait3A_122 = arith.constant 0 : i32
        %dma_wait3A_123 = arith.constant 0 : i32
        %dma_wait3A_124 = tpu.memref_slice %arg2[%dma_wait3A_122, %dma_wait3A_123] : memref<10240x64xf32, #tpu.memory_space<hbm>> -> memref<10240x64xf32, #tpu.memory_space<hbm>>
        tpu.wait_indirect_dma semaphore(%arg22 : memref<!tpu.dma_semaphore, #tpu.memory_space<semaphore_mem>>) src(%dma_wait3A_124 : memref<10240x64xf32, #tpu.memory_space<hbm>>) dst(%arg14 : memref<128x64xf32, #tpu.memory_space<vmem>>)
        "tpu.region"() ({
          %run_scoped3A = tpu.sem_alloc : memref<!tpu.dma_semaphore, #tpu.memory_space<semaphore_mem>>
          %dma_start3A_132 = arith.constant 0 : i32
          %dma_start3A_133 = tpu.memref_slice %arg8[%add3A_113, %dma_start3A_132] : memref<79x128xi32, #tpu.memory_space<vmem>> -> memref<1x128xi32, #tpu.memory_space<vmem>>
          %dma_start3A_134 = tpu.memref_squeeze %dma_start3A_133 : memref<1x128xi32, #tpu.memory_space<vmem>> -> memref<128xi32, #tpu.memory_space<vmem>>
          %dma_start3A_135 = arith.constant 0 : i32
          %dma_start3A_136 = arith.constant 0 : i32
          %dma_start3A_137 = tpu.memref_slice %arg15[%dma_start3A_135, %dma_start3A_136] : memref<10112x64xf32, #tpu.memory_space<vmem_shared>> -> memref<10112x64xf32, #tpu.memory_space<vmem_shared>>
          tpu.enqueue_indirect_dma source(%arg14 : memref<128x64xf32, #tpu.memory_space<vmem>>) target(%dma_start3A_137 : memref<10112x64xf32, #tpu.memory_space<vmem_shared>>) offsets(%dma_start3A_134 : memref<128xi32, #tpu.memory_space<vmem>>) semaphore(%run_scoped3A : memref<!tpu.dma_semaphore, #tpu.memory_space<semaphore_mem>>) {add = true}
          %dma_wait3A_138 = arith.constant 0 : i32
          %dma_wait3A_139 = tpu.memref_slice %arg8[%add3A_113, %dma_wait3A_138] : memref<79x128xi32, #tpu.memory_space<vmem>> -> memref<1x128xi32, #tpu.memory_space<vmem>>
          %dma_wait3A_140 = tpu.memref_squeeze %dma_wait3A_139 : memref<1x128xi32, #tpu.memory_space<vmem>> -> memref<128xi32, #tpu.memory_space<vmem>>
          %dma_wait3A_141 = arith.constant 0 : i32
          %dma_wait3A_142 = arith.constant 0 : i32
          %dma_wait3A_143 = tpu.memref_slice %arg15[%dma_wait3A_141, %dma_wait3A_142] : memref<10112x64xf32, #tpu.memory_space<vmem_shared>> -> memref<10112x64xf32, #tpu.memory_space<vmem_shared>>
          tpu.wait_indirect_dma semaphore(%run_scoped3A : memref<!tpu.dma_semaphore, #tpu.memory_space<semaphore_mem>>) src(%arg14 : memref<128x64xf32, #tpu.memory_space<vmem>>) dst(%dma_wait3A_143 : memref<10112x64xf32, #tpu.memory_space<vmem_shared>>)
          tpu.yield
        }) : () -> ()
        %add3A_125 = arith.constant 6 : i32
        %add3A_126 = arith.addi %add3A_113, %add3A_125 : i32
        %lt3A_127 = arith.constant 79 : i32
        %lt3A_128 = arith.cmpi slt, %add3A_126, %lt3A_127 : i32
        %convert_element_type3A_129 = arith.extui %lt3A_128 : i1 to i32
        %cond3A_130 = arith.constant 0 : i32
        %cond3A_131 = arith.cmpi ne, %convert_element_type3A_129, %cond3A_130 : i32
        scf.if %cond3A_131 {
          %add3A_132 = arith.constant 6 : i32
          %add3A_133 = arith.addi %add3A_113, %add3A_132 : i32
          %dma_start3A_134 = arith.constant 0 : i32
          %dma_start3A_135 = tpu.memref_slice %arg7[%add3A_133, %dma_start3A_134] : memref<79x128xi32, #tpu.memory_space<vmem>> -> memref<1x128xi32, #tpu.memory_space<vmem>>
          %dma_start3A_136 = tpu.memref_squeeze %dma_start3A_135 : memref<1x128xi32, #tpu.memory_space<vmem>> -> memref<128xi32, #tpu.memory_space<vmem>>
          %dma_start3A_137 = arith.constant 0 : i32
          %dma_start3A_138 = arith.constant 0 : i32
          %dma_start3A_139 = tpu.memref_slice %arg2[%dma_start3A_137, %dma_start3A_138] : memref<10240x64xf32, #tpu.memory_space<hbm>> -> memref<10240x64xf32, #tpu.memory_space<hbm>>
          tpu.enqueue_indirect_dma source(%dma_start3A_139 : memref<10240x64xf32, #tpu.memory_space<hbm>>) target(%arg14 : memref<128x64xf32, #tpu.memory_space<vmem>>) offsets(%dma_start3A_136 : memref<128xi32, #tpu.memory_space<vmem>>) semaphore(%arg22 : memref<!tpu.dma_semaphore, #tpu.memory_space<semaphore_mem>>)
        } else {
        }
      } else {
      }
    }
    %scan3A_61 = arith.constant 14 : i32
    %barrier3A_62 = arith.constant 0 : index
    tpu.barrier barrier_id(%barrier3A_62)
    %mul3A_63 = arith.constant 632 : i32
    %mul3A_64 = arith.muli %arg1, %mul3A_63 : i32
    %mul3A_65 = arith.constant 632 : i32
    %mul3A_66 = arith.muli %arg1, %mul3A_65 : i32
    "tpu.region"() ({
      %run_scoped3A = tpu.sem_alloc : memref<!tpu.dma_semaphore, #tpu.memory_space<semaphore_mem>>
      %dma_start3A_67 = arith.constant 0 : i32
      %dma_start3A_68 = tpu.memref_slice %arg6[%arg0, %mul3A_66, %dma_start3A_67] : memref<2x10112x64xf32, #tpu.memory_space<hbm>> -> memref<1x632x64xf32, #tpu.memory_space<hbm>>
      %dma_start3A_69 = tpu.memref_squeeze %dma_start3A_68 : memref<1x632x64xf32, #tpu.memory_space<hbm>> -> memref<632x64xf32, #tpu.memory_space<hbm>>
      %dma_start3A_70 = arith.constant 0 : i32
      %dma_start3A_71 = tpu.memref_slice %arg15[%mul3A_64, %dma_start3A_70] : memref<10112x64xf32, #tpu.memory_space<vmem_shared>> -> memref<632x64xf32, #tpu.memory_space<vmem_shared>>
      tpu.enqueue_dma source(%dma_start3A_71 : memref<632x64xf32, #tpu.memory_space<vmem_shared>>) target(%dma_start3A_69 : memref<632x64xf32, #tpu.memory_space<hbm>>) target_semaphore(%run_scoped3A : memref<!tpu.dma_semaphore, #tpu.memory_space<semaphore_mem>>)
      %dma_wait3A_72 = arith.constant 0 : i32
      %dma_wait3A_73 = tpu.memref_slice %arg6[%arg0, %mul3A_66, %dma_wait3A_72] : memref<2x10112x64xf32, #tpu.memory_space<hbm>> -> memref<1x632x64xf32, #tpu.memory_space<hbm>>
      %dma_wait3A_74 = tpu.memref_squeeze %dma_wait3A_73 : memref<1x632x64xf32, #tpu.memory_space<hbm>> -> memref<632x64xf32, #tpu.memory_space<hbm>>
      %dma_wait3A_75 = arith.constant 0 : i32
      %dma_wait3A_76 = tpu.memref_slice %arg15[%mul3A_64, %dma_wait3A_75] : memref<10112x64xf32, #tpu.memory_space<vmem_shared>> -> memref<632x64xf32, #tpu.memory_space<vmem_shared>>
      tpu.wait_dma2 semaphore(%run_scoped3A : memref<!tpu.dma_semaphore, #tpu.memory_space<semaphore_mem>>) src(%dma_wait3A_76 : memref<632x64xf32, #tpu.memory_space<vmem_shared>>) dst(%dma_wait3A_74 : memref<632x64xf32, #tpu.memory_space<hbm>>)
      tpu.yield
    }) : () -> ()
    return
  }
}

#map = affine_map<(d0, d1) -> (0, 0)>
#map1 = affine_map<(d0, d1) -> (0, 0, 0)>
module attributes {stable_mosaic.version = 14 : i64} {
  func.func @body(%arg0: i32, %arg1: i32, %arg2: memref<10240x64xf32, #tpu.memory_space<hbm>>, %arg3: memref<32x79x128xi32, #tpu.memory_space<hbm>>, %arg4: memref<32x79x128xi32, #tpu.memory_space<hbm>>, %arg5: memref<10112x64xf32, #tpu.memory_space<hbm>>, %arg6: memref<2x10112x64xf32, #tpu.memory_space<hbm>>, %arg7: memref<79x128xi32, #tpu.memory_space<vmem>>, %arg8: memref<79x128xi32, #tpu.memory_space<vmem>>, %arg9: memref<128x64xf32, #tpu.memory_space<vmem>>, %arg10: memref<128x64xf32, #tpu.memory_space<vmem>>, %arg11: memref<128x64xf32, #tpu.memory_space<vmem>>, %arg12: memref<128x64xf32, #tpu.memory_space<vmem>>, %arg13: memref<128x64xf32, #tpu.memory_space<vmem>>, %arg14: memref<128x64xf32, #tpu.memory_space<vmem>>, %arg15: memref<10112x64xf32, #tpu.memory_space<vmem_shared>>, %arg16: memref<!tpu.dma_semaphore, #tpu.memory_space<semaphore_mem>>, %arg17: memref<!tpu.dma_semaphore, #tpu.memory_space<semaphore_mem>>, %arg18: memref<!tpu.dma_semaphore, #tpu.memory_space<semaphore_mem>>, %arg19: memref<!tpu.dma_semaphore, #tpu.memory_space<semaphore_mem>>, %arg20: memref<!tpu.dma_semaphore, #tpu.memory_space<semaphore_mem>>, %arg21: memref<!tpu.dma_semaphore, #tpu.memory_space<semaphore_mem>>, %arg22: memref<!tpu.dma_semaphore, #tpu.memory_space<semaphore_mem>>) attributes {dimension_semantics = [#tpu.dimension_semantics<core_parallel>, #tpu.dimension_semantics<subcore_parallel>], iteration_bounds = array<i64: 2, 16>, scalar_prefetch = 0 : i64, scratch_operands = 16 : i64, tpu.core_type = #tpu.core_type<sc_vector_subcore>, window_params = [{transform_indices = #map}, {transform_indices = #map1}, {transform_indices = #map1}, {transform_indices = #map}, {transform_indices = #map1}]} {
    %mul3A = arith.constant 16 : i32
    %mul3A_0 = arith.muli %arg0, %mul3A : i32
    %add3A = arith.addi %mul3A_0, %arg1 : i32
    %mul3A_1 = arith.constant 632 : i32
    %mul3A_2 = arith.muli %arg1, %mul3A_1 : i32
    %mul3A_3 = arith.constant 632 : i32
    %mul3A_4 = arith.muli %arg1, %mul3A_3 : i32
    %dma_start3A = arith.constant 0 : i32
    %dma_start3A_5 = tpu.memref_slice %arg15[%mul3A_4, %dma_start3A] : memref<10112x64xf32, #tpu.memory_space<vmem_shared>> -> memref<632x64xf32, #tpu.memory_space<vmem_shared>>
    %dma_start3A_6 = arith.constant 0 : i32
    %dma_start3A_7 = tpu.memref_slice %arg5[%mul3A_2, %dma_start3A_6] : memref<10112x64xf32, #tpu.memory_space<hbm>> -> memref<632x64xf32, #tpu.memory_space<hbm>>
    tpu.enqueue_dma source(%dma_start3A_7 : memref<632x64xf32, #tpu.memory_space<hbm>>) target(%dma_start3A_5 : memref<632x64xf32, #tpu.memory_space<vmem_shared>>) target_semaphore(%arg16 : memref<!tpu.dma_semaphore, #tpu.memory_space<semaphore_mem>>)
    "tpu.region"() ({
      %run_scoped3A = tpu.sem_alloc : memref<!tpu.dma_semaphore, #tpu.memory_space<semaphore_mem>>
      %dma_start3A_67 = arith.constant 0 : i32
      %dma_start3A_68 = arith.constant 0 : i32
      %dma_start3A_69 = tpu.memref_slice %arg3[%add3A, %dma_start3A_67, %dma_start3A_68] : memref<32x79x128xi32, #tpu.memory_space<hbm>> -> memref<1x79x128xi32, #tpu.memory_space<hbm>>
      %dma_start3A_70 = tpu.memref_squeeze %dma_start3A_69 : memref<1x79x128xi32, #tpu.memory_space<hbm>> -> memref<79x128xi32, #tpu.memory_space<hbm>>
      %dma_start3A_71 = arith.constant 0 : i32
      %dma_start3A_72 = arith.constant 0 : i32
      %dma_start3A_73 = tpu.memref_slice %arg3[%add3A, %dma_start3A_71, %dma_start3A_72] : memref<32x79x128xi32, #tpu.memory_space<hbm>> -> memref<1x79x128xi32, #tpu.memory_space<hbm>>
      %dma_start3A_74 = tpu.memref_squeeze %dma_start3A_73 : memref<1x79x128xi32, #tpu.memory_space<hbm>> -> memref<79x128xi32, #tpu.memory_space<hbm>>
      tpu.enqueue_dma source(%dma_start3A_74 : memref<79x128xi32, #tpu.memory_space<hbm>>) target(%arg7 : memref<79x128xi32, #tpu.memory_space<vmem>>) target_semaphore(%run_scoped3A : memref<!tpu.dma_semaphore, #tpu.memory_space<semaphore_mem>>)
      %dma_wait3A_75 = arith.constant 0 : i32
      %dma_wait3A_76 = arith.constant 0 : i32
      %dma_wait3A_77 = tpu.memref_slice %arg3[%add3A, %dma_wait3A_75, %dma_wait3A_76] : memref<32x79x128xi32, #tpu.memory_space<hbm>> -> memref<1x79x128xi32, #tpu.memory_space<hbm>>
      %dma_wait3A_78 = tpu.memref_squeeze %dma_wait3A_77 : memref<1x79x128xi32, #tpu.memory_space<hbm>> -> memref<79x128xi32, #tpu.memory_space<hbm>>
      %dma_wait3A_79 = arith.constant 0 : i32
      %dma_wait3A_80 = arith.constant 0 : i32
      %dma_wait3A_81 = tpu.memref_slice %arg3[%add3A, %dma_wait3A_79, %dma_wait3A_80] : memref<32x79x128xi32, #tpu.memory_space<hbm>> -> memref<1x79x128xi32, #tpu.memory_space<hbm>>
      %dma_wait3A_82 = tpu.memref_squeeze %dma_wait3A_81 : memref<1x79x128xi32, #tpu.memory_space<hbm>> -> memref<79x128xi32, #tpu.memory_space<hbm>>
      tpu.wait_dma2 semaphore(%run_scoped3A : memref<!tpu.dma_semaphore, #tpu.memory_space<semaphore_mem>>) src(%dma_wait3A_82 : memref<79x128xi32, #tpu.memory_space<hbm>>) dst(%arg7 : memref<79x128xi32, #tpu.memory_space<vmem>>)
      tpu.yield
    }) : () -> ()
    "tpu.region"() ({
      %run_scoped3A = tpu.sem_alloc : memref<!tpu.dma_semaphore, #tpu.memory_space<semaphore_mem>>
      %dma_start3A_67 = arith.constant 0 : i32
      %dma_start3A_68 = arith.constant 0 : i32
      %dma_start3A_69 = tpu.memref_slice %arg4[%add3A, %dma_start3A_67, %dma_start3A_68] : memref<32x79x128xi32, #tpu.memory_space<hbm>> -> memref<1x79x128xi32, #tpu.memory_space<hbm>>
      %dma_start3A_70 = tpu.memref_squeeze %dma_start3A_69 : memref<1x79x128xi32, #tpu.memory_space<hbm>> -> memref<79x128xi32, #tpu.memory_space<hbm>>
      %dma_start3A_71 = arith.constant 0 : i32
      %dma_start3A_72 = arith.constant 0 : i32
      %dma_start3A_73 = tpu.memref_slice %arg4[%add3A, %dma_start3A_71, %dma_start3A_72] : memref<32x79x128xi32, #tpu.memory_space<hbm>> -> memref<1x79x128xi32, #tpu.memory_space<hbm>>
      %dma_start3A_74 = tpu.memref_squeeze %dma_start3A_73 : memref<1x79x128xi32, #tpu.memory_space<hbm>> -> memref<79x128xi32, #tpu.memory_space<hbm>>
      tpu.enqueue_dma source(%dma_start3A_74 : memref<79x128xi32, #tpu.memory_space<hbm>>) target(%arg8 : memref<79x128xi32, #tpu.memory_space<vmem>>) target_semaphore(%run_scoped3A : memref<!tpu.dma_semaphore, #tpu.memory_space<semaphore_mem>>)
      %dma_wait3A_75 = arith.constant 0 : i32
      %dma_wait3A_76 = arith.constant 0 : i32
      %dma_wait3A_77 = tpu.memref_slice %arg4[%add3A, %dma_wait3A_75, %dma_wait3A_76] : memref<32x79x128xi32, #tpu.memory_space<hbm>> -> memref<1x79x128xi32, #tpu.memory_space<hbm>>
      %dma_wait3A_78 = tpu.memref_squeeze %dma_wait3A_77 : memref<1x79x128xi32, #tpu.memory_space<hbm>> -> memref<79x128xi32, #tpu.memory_space<hbm>>
      %dma_wait3A_79 = arith.constant 0 : i32
      %dma_wait3A_80 = arith.constant 0 : i32
      %dma_wait3A_81 = tpu.memref_slice %arg4[%add3A, %dma_wait3A_79, %dma_wait3A_80] : memref<32x79x128xi32, #tpu.memory_space<hbm>> -> memref<1x79x128xi32, #tpu.memory_space<hbm>>
      %dma_wait3A_82 = tpu.memref_squeeze %dma_wait3A_81 : memref<1x79x128xi32, #tpu.memory_space<hbm>> -> memref<79x128xi32, #tpu.memory_space<hbm>>
      tpu.wait_dma2 semaphore(%run_scoped3A : memref<!tpu.dma_semaphore, #tpu.memory_space<semaphore_mem>>) src(%dma_wait3A_82 : memref<79x128xi32, #tpu.memory_space<hbm>>) dst(%arg8 : memref<79x128xi32, #tpu.memory_space<vmem>>)
      tpu.yield
    }) : () -> ()
    %mul3A_8 = arith.constant 632 : i32
    %mul3A_9 = arith.muli %arg1, %mul3A_8 : i32
    %mul3A_10 = arith.constant 632 : i32
    %mul3A_11 = arith.muli %arg1, %mul3A_10 : i32
    %dma_wait3A = arith.constant 0 : i32
    %dma_wait3A_12 = tpu.memref_slice %arg15[%mul3A_11, %dma_wait3A] : memref<10112x64xf32, #tpu.memory_space<vmem_shared>> -> memref<632x64xf32, #tpu.memory_space<vmem_shared>>
    %dma_wait3A_13 = arith.constant 0 : i32
    %dma_wait3A_14 = tpu.memref_slice %arg5[%mul3A_9, %dma_wait3A_13] : memref<10112x64xf32, #tpu.memory_space<hbm>> -> memref<632x64xf32, #tpu.memory_space<hbm>>
    tpu.wait_dma2 semaphore(%arg16 : memref<!tpu.dma_semaphore, #tpu.memory_space<semaphore_mem>>) src(%dma_wait3A_14 : memref<632x64xf32, #tpu.memory_space<hbm>>) dst(%dma_wait3A_12 : memref<632x64xf32, #tpu.memory_space<vmem_shared>>)
    %barrier3A = arith.constant 0 : index
    tpu.barrier barrier_id(%barrier3A)
    %dma_start3A_15 = arith.constant 0 : i32
    %dma_start3A_16 = arith.constant 0 : i32
    %dma_start3A_17 = tpu.memref_slice %arg7[%dma_start3A_15, %dma_start3A_16] : memref<79x128xi32, #tpu.memory_space<vmem>> -> memref<1x128xi32, #tpu.memory_space<vmem>>
    %dma_start3A_18 = tpu.memref_squeeze %dma_start3A_17 : memref<1x128xi32, #tpu.memory_space<vmem>> -> memref<128xi32, #tpu.memory_space<vmem>>
    %dma_start3A_19 = arith.constant 0 : i32
    %dma_start3A_20 = arith.constant 0 : i32
    %dma_start3A_21 = tpu.memref_slice %arg2[%dma_start3A_19, %dma_start3A_20] : memref<10240x64xf32, #tpu.memory_space<hbm>> -> memref<10240x64xf32, #tpu.memory_space<hbm>>
    tpu.enqueue_indirect_dma source(%dma_start3A_21 : memref<10240x64xf32, #tpu.memory_space<hbm>>) target(%arg9 : memref<128x64xf32, #tpu.memory_space<vmem>>) offsets(%dma_start3A_18 : memref<128xi32, #tpu.memory_space<vmem>>) semaphore(%arg17 : memref<!tpu.dma_semaphore, #tpu.memory_space<semaphore_mem>>)
    %dma_start3A_22 = arith.constant 1 : i32
    %dma_start3A_23 = arith.constant 0 : i32
    %dma_start3A_24 = tpu.memref_slice %arg7[%dma_start3A_22, %dma_start3A_23] : memref<79x128xi32, #tpu.memory_space<vmem>> -> memref<1x128xi32, #tpu.memory_space<vmem>>
    %dma_start3A_25 = tpu.memref_squeeze %dma_start3A_24 : memref<1x128xi32, #tpu.memory_space<vmem>> -> memref<128xi32, #tpu.memory_space<vmem>>
    %dma_start3A_26 = arith.constant 0 : i32
    %dma_start3A_27 = arith.constant 0 : i32
    %dma_start3A_28 = tpu.memref_slice %arg2[%dma_start3A_26, %dma_start3A_27] : memref<10240x64xf32, #tpu.memory_space<hbm>> -> memref<10240x64xf32, #tpu.memory_space<hbm>>
    tpu.enqueue_indirect_dma source(%dma_start3A_28 : memref<10240x64xf32, #tpu.memory_space<hbm>>) target(%arg10 : memref<128x64xf32, #tpu.memory_space<vmem>>) offsets(%dma_start3A_25 : memref<128xi32, #tpu.memory_space<vmem>>) semaphore(%arg18 : memref<!tpu.dma_semaphore, #tpu.memory_space<semaphore_mem>>)
    %dma_start3A_29 = arith.constant 2 : i32
    %dma_start3A_30 = arith.constant 0 : i32
    %dma_start3A_31 = tpu.memref_slice %arg7[%dma_start3A_29, %dma_start3A_30] : memref<79x128xi32, #tpu.memory_space<vmem>> -> memref<1x128xi32, #tpu.memory_space<vmem>>
    %dma_start3A_32 = tpu.memref_squeeze %dma_start3A_31 : memref<1x128xi32, #tpu.memory_space<vmem>> -> memref<128xi32, #tpu.memory_space<vmem>>
    %dma_start3A_33 = arith.constant 0 : i32
    %dma_start3A_34 = arith.constant 0 : i32
    %dma_start3A_35 = tpu.memref_slice %arg2[%dma_start3A_33, %dma_start3A_34] : memref<10240x64xf32, #tpu.memory_space<hbm>> -> memref<10240x64xf32, #tpu.memory_space<hbm>>
    tpu.enqueue_indirect_dma source(%dma_start3A_35 : memref<10240x64xf32, #tpu.memory_space<hbm>>) target(%arg11 : memref<128x64xf32, #tpu.memory_space<vmem>>) offsets(%dma_start3A_32 : memref<128xi32, #tpu.memory_space<vmem>>) semaphore(%arg19 : memref<!tpu.dma_semaphore, #tpu.memory_space<semaphore_mem>>)
    %dma_start3A_36 = arith.constant 3 : i32
    %dma_start3A_37 = arith.constant 0 : i32
    %dma_start3A_38 = tpu.memref_slice %arg7[%dma_start3A_36, %dma_start3A_37] : memref<79x128xi32, #tpu.memory_space<vmem>> -> memref<1x128xi32, #tpu.memory_space<vmem>>
    %dma_start3A_39 = tpu.memref_squeeze %dma_start3A_38 : memref<1x128xi32, #tpu.memory_space<vmem>> -> memref<128xi32, #tpu.memory_space<vmem>>
    %dma_start3A_40 = arith.constant 0 : i32
    %dma_start3A_41 = arith.constant 0 : i32
    %dma_start3A_42 = tpu.memref_slice %arg2[%dma_start3A_40, %dma_start3A_41] : memref<10240x64xf32, #tpu.memory_space<hbm>> -> memref<10240x64xf32, #tpu.memory_space<hbm>>
    tpu.enqueue_indirect_dma source(%dma_start3A_42 : memref<10240x64xf32, #tpu.memory_space<hbm>>) target(%arg12 : memref<128x64xf32, #tpu.memory_space<vmem>>) offsets(%dma_start3A_39 : memref<128xi32, #tpu.memory_space<vmem>>) semaphore(%arg20 : memref<!tpu.dma_semaphore, #tpu.memory_space<semaphore_mem>>)
    %dma_start3A_43 = arith.constant 4 : i32
    %dma_start3A_44 = arith.constant 0 : i32
    %dma_start3A_45 = tpu.memref_slice %arg7[%dma_start3A_43, %dma_start3A_44] : memref<79x128xi32, #tpu.memory_space<vmem>> -> memref<1x128xi32, #tpu.memory_space<vmem>>
    %dma_start3A_46 = tpu.memref_squeeze %dma_start3A_45 : memref<1x128xi32, #tpu.memory_space<vmem>> -> memref<128xi32, #tpu.memory_space<vmem>>
    %dma_start3A_47 = arith.constant 0 : i32
    %dma_start3A_48 = arith.constant 0 : i32
    %dma_start3A_49 = tpu.memref_slice %arg2[%dma_start3A_47, %dma_start3A_48] : memref<10240x64xf32, #tpu.memory_space<hbm>> -> memref<10240x64xf32, #tpu.memory_space<hbm>>
    tpu.enqueue_indirect_dma source(%dma_start3A_49 : memref<10240x64xf32, #tpu.memory_space<hbm>>) target(%arg13 : memref<128x64xf32, #tpu.memory_space<vmem>>) offsets(%dma_start3A_46 : memref<128xi32, #tpu.memory_space<vmem>>) semaphore(%arg21 : memref<!tpu.dma_semaphore, #tpu.memory_space<semaphore_mem>>)
    %dma_start3A_50 = arith.constant 5 : i32
    %dma_start3A_51 = arith.constant 0 : i32
    %dma_start3A_52 = tpu.memref_slice %arg7[%dma_start3A_50, %dma_start3A_51] : memref<79x128xi32, #tpu.memory_space<vmem>> -> memref<1x128xi32, #tpu.memory_space<vmem>>
    %dma_start3A_53 = tpu.memref_squeeze %dma_start3A_52 : memref<1x128xi32, #tpu.memory_space<vmem>> -> memref<128xi32, #tpu.memory_space<vmem>>
    %dma_start3A_54 = arith.constant 0 : i32
    %dma_start3A_55 = arith.constant 0 : i32
    %dma_start3A_56 = tpu.memref_slice %arg2[%dma_start3A_54, %dma_start3A_55] : memref<10240x64xf32, #tpu.memory_space<hbm>> -> memref<10240x64xf32, #tpu.memory_space<hbm>>
    tpu.enqueue_indirect_dma source(%dma_start3A_56 : memref<10240x64xf32, #tpu.memory_space<hbm>>) target(%arg14 : memref<128x64xf32, #tpu.memory_space<vmem>>) offsets(%dma_start3A_53 : memref<128xi32, #tpu.memory_space<vmem>>) semaphore(%arg22 : memref<!tpu.dma_semaphore, #tpu.memory_space<semaphore_mem>>)
    %scan3A = arith.constant 0 : i32
    %scan3A_57 = arith.constant 0 : i32
    %scan3A_58 = arith.constant 14 : i32
    %scan3A_59 = arith.addi %scan3A_57, %scan3A_58 : i32
    %scan3A_60 = arith.constant 1 : i32
    scf.for %scan3A_67 = %scan3A_57 to %scan3A_59 step %scan3A_60  : i32 {
      %mul3A_68 = arith.constant 6 : i32
      %mul3A_69 = arith.muli %scan3A_67, %mul3A_68 : i32
      %add3A_70 = arith.constant 0 : i32
      %add3A_71 = arith.addi %mul3A_69, %add3A_70 : i32
      %lt3A = arith.constant 79 : i32
      %lt3A_72 = arith.cmpi slt, %add3A_71, %lt3A : i32
      %convert_element_type3A = arith.extui %lt3A_72 : i1 to i32
      %cond3A = arith.constant 0 : i32
      %cond3A_73 = arith.cmpi ne, %convert_element_type3A, %cond3A : i32
      scf.if %cond3A_73 {
        %dma_wait3A_119 = arith.constant 0 : i32
        %dma_wait3A_120 = tpu.memref_slice %arg7[%add3A_71, %dma_wait3A_119] : memref<79x128xi32, #tpu.memory_space<vmem>> -> memref<1x128xi32, #tpu.memory_space<vmem>>
        %dma_wait3A_121 = tpu.memref_squeeze %dma_wait3A_120 : memref<1x128xi32, #tpu.memory_space<vmem>> -> memref<128xi32, #tpu.memory_space<vmem>>
        %dma_wait3A_122 = arith.constant 0 : i32
        %dma_wait3A_123 = arith.constant 0 : i32
        %dma_wait3A_124 = tpu.memref_slice %arg2[%dma_wait3A_122, %dma_wait3A_123] : memref<10240x64xf32, #tpu.memory_space<hbm>> -> memref<10240x64xf32, #tpu.memory_space<hbm>>
        tpu.wait_indirect_dma semaphore(%arg17 : memref<!tpu.dma_semaphore, #tpu.memory_space<semaphore_mem>>) src(%dma_wait3A_124 : memref<10240x64xf32, #tpu.memory_space<hbm>>) dst(%arg9 : memref<128x64xf32, #tpu.memory_space<vmem>>)
        "tpu.region"() ({
          %run_scoped3A = tpu.sem_alloc : memref<!tpu.dma_semaphore, #tpu.memory_space<semaphore_mem>>
          %dma_start3A_132 = arith.constant 0 : i32
          %dma_start3A_133 = tpu.memref_slice %arg8[%add3A_71, %dma_start3A_132] : memref<79x128xi32, #tpu.memory_space<vmem>> -> memref<1x128xi32, #tpu.memory_space<vmem>>
          %dma_start3A_134 = tpu.memref_squeeze %dma_start3A_133 : memref<1x128xi32, #tpu.memory_space<vmem>> -> memref<128xi32, #tpu.memory_space<vmem>>
          %dma_start3A_135 = arith.constant 0 : i32
          %dma_start3A_136 = arith.constant 0 : i32
          %dma_start3A_137 = tpu.memref_slice %arg15[%dma_start3A_135, %dma_start3A_136] : memref<10112x64xf32, #tpu.memory_space<vmem_shared>> -> memref<10112x64xf32, #tpu.memory_space<vmem_shared>>
          tpu.enqueue_indirect_dma source(%arg9 : memref<128x64xf32, #tpu.memory_space<vmem>>) target(%dma_start3A_137 : memref<10112x64xf32, #tpu.memory_space<vmem_shared>>) offsets(%dma_start3A_134 : memref<128xi32, #tpu.memory_space<vmem>>) semaphore(%run_scoped3A : memref<!tpu.dma_semaphore, #tpu.memory_space<semaphore_mem>>) {add = true}
          %dma_wait3A_138 = arith.constant 0 : i32
          %dma_wait3A_139 = tpu.memref_slice %arg8[%add3A_71, %dma_wait3A_138] : memref<79x128xi32, #tpu.memory_space<vmem>> -> memref<1x128xi32, #tpu.memory_space<vmem>>
          %dma_wait3A_140 = tpu.memref_squeeze %dma_wait3A_139 : memref<1x128xi32, #tpu.memory_space<vmem>> -> memref<128xi32, #tpu.memory_space<vmem>>
          %dma_wait3A_141 = arith.constant 0 : i32
          %dma_wait3A_142 = arith.constant 0 : i32
          %dma_wait3A_143 = tpu.memref_slice %arg15[%dma_wait3A_141, %dma_wait3A_142] : memref<10112x64xf32, #tpu.memory_space<vmem_shared>> -> memref<10112x64xf32, #tpu.memory_space<vmem_shared>>
          tpu.wait_indirect_dma semaphore(%run_scoped3A : memref<!tpu.dma_semaphore, #tpu.memory_space<semaphore_mem>>) src(%arg9 : memref<128x64xf32, #tpu.memory_space<vmem>>) dst(%dma_wait3A_143 : memref<10112x64xf32, #tpu.memory_space<vmem_shared>>)
          tpu.yield
        }) : () -> ()
        %add3A_125 = arith.constant 6 : i32
        %add3A_126 = arith.addi %add3A_71, %add3A_125 : i32
        %lt3A_127 = arith.constant 79 : i32
        %lt3A_128 = arith.cmpi slt, %add3A_126, %lt3A_127 : i32
        %convert_element_type3A_129 = arith.extui %lt3A_128 : i1 to i32
        %cond3A_130 = arith.constant 0 : i32
        %cond3A_131 = arith.cmpi ne, %convert_element_type3A_129, %cond3A_130 : i32
        scf.if %cond3A_131 {
          %add3A_132 = arith.constant 6 : i32
          %add3A_133 = arith.addi %add3A_71, %add3A_132 : i32
          %dma_start3A_134 = arith.constant 0 : i32
          %dma_start3A_135 = tpu.memref_slice %arg7[%add3A_133, %dma_start3A_134] : memref<79x128xi32, #tpu.memory_space<vmem>> -> memref<1x128xi32, #tpu.memory_space<vmem>>
          %dma_start3A_136 = tpu.memref_squeeze %dma_start3A_135 : memref<1x128xi32, #tpu.memory_space<vmem>> -> memref<128xi32, #tpu.memory_space<vmem>>
          %dma_start3A_137 = arith.constant 0 : i32
          %dma_start3A_138 = arith.constant 0 : i32
          %dma_start3A_139 = tpu.memref_slice %arg2[%dma_start3A_137, %dma_start3A_138] : memref<10240x64xf32, #tpu.memory_space<hbm>> -> memref<10240x64xf32, #tpu.memory_space<hbm>>
          tpu.enqueue_indirect_dma source(%dma_start3A_139 : memref<10240x64xf32, #tpu.memory_space<hbm>>) target(%arg9 : memref<128x64xf32, #tpu.memory_space<vmem>>) offsets(%dma_start3A_136 : memref<128xi32, #tpu.memory_space<vmem>>) semaphore(%arg17 : memref<!tpu.dma_semaphore, #tpu.memory_space<semaphore_mem>>)
        } else {
        }
      } else {
      }
      %mul3A_74 = arith.constant 6 : i32
      %mul3A_75 = arith.muli %scan3A_67, %mul3A_74 : i32
      %add3A_76 = arith.constant 1 : i32
      %add3A_77 = arith.addi %mul3A_75, %add3A_76 : i32
      %lt3A_78 = arith.constant 79 : i32
      %lt3A_79 = arith.cmpi slt, %add3A_77, %lt3A_78 : i32
      %convert_element_type3A_80 = arith.extui %lt3A_79 : i1 to i32
      %cond3A_81 = arith.constant 0 : i32
      %cond3A_82 = arith.cmpi ne, %convert_element_type3A_80, %cond3A_81 : i32
      scf.if %cond3A_82 {
        %dma_wait3A_119 = arith.constant 0 : i32
        %dma_wait3A_120 = tpu.memref_slice %arg7[%add3A_77, %dma_wait3A_119] : memref<79x128xi32, #tpu.memory_space<vmem>> -> memref<1x128xi32, #tpu.memory_space<vmem>>
        %dma_wait3A_121 = tpu.memref_squeeze %dma_wait3A_120 : memref<1x128xi32, #tpu.memory_space<vmem>> -> memref<128xi32, #tpu.memory_space<vmem>>
        %dma_wait3A_122 = arith.constant 0 : i32
        %dma_wait3A_123 = arith.constant 0 : i32
        %dma_wait3A_124 = tpu.memref_slice %arg2[%dma_wait3A_122, %dma_wait3A_123] : memref<10240x64xf32, #tpu.memory_space<hbm>> -> memref<10240x64xf32, #tpu.memory_space<hbm>>
        tpu.wait_indirect_dma semaphore(%arg18 : memref<!tpu.dma_semaphore, #tpu.memory_space<semaphore_mem>>) src(%dma_wait3A_124 : memref<10240x64xf32, #tpu.memory_space<hbm>>) dst(%arg10 : memref<128x64xf32, #tpu.memory_space<vmem>>)
        "tpu.region"() ({
          %run_scoped3A = tpu.sem_alloc : memref<!tpu.dma_semaphore, #tpu.memory_space<semaphore_mem>>
          %dma_start3A_132 = arith.constant 0 : i32
          %dma_start3A_133 = tpu.memref_slice %arg8[%add3A_77, %dma_start3A_132] : memref<79x128xi32, #tpu.memory_space<vmem>> -> memref<1x128xi32, #tpu.memory_space<vmem>>
          %dma_start3A_134 = tpu.memref_squeeze %dma_start3A_133 : memref<1x128xi32, #tpu.memory_space<vmem>> -> memref<128xi32, #tpu.memory_space<vmem>>
          %dma_start3A_135 = arith.constant 0 : i32
          %dma_start3A_136 = arith.constant 0 : i32
          %dma_start3A_137 = tpu.memref_slice %arg15[%dma_start3A_135, %dma_start3A_136] : memref<10112x64xf32, #tpu.memory_space<vmem_shared>> -> memref<10112x64xf32, #tpu.memory_space<vmem_shared>>
          tpu.enqueue_indirect_dma source(%arg10 : memref<128x64xf32, #tpu.memory_space<vmem>>) target(%dma_start3A_137 : memref<10112x64xf32, #tpu.memory_space<vmem_shared>>) offsets(%dma_start3A_134 : memref<128xi32, #tpu.memory_space<vmem>>) semaphore(%run_scoped3A : memref<!tpu.dma_semaphore, #tpu.memory_space<semaphore_mem>>) {add = true}
          %dma_wait3A_138 = arith.constant 0 : i32
          %dma_wait3A_139 = tpu.memref_slice %arg8[%add3A_77, %dma_wait3A_138] : memref<79x128xi32, #tpu.memory_space<vmem>> -> memref<1x128xi32, #tpu.memory_space<vmem>>
          %dma_wait3A_140 = tpu.memref_squeeze %dma_wait3A_139 : memref<1x128xi32, #tpu.memory_space<vmem>> -> memref<128xi32, #tpu.memory_space<vmem>>
          %dma_wait3A_141 = arith.constant 0 : i32
          %dma_wait3A_142 = arith.constant 0 : i32
          %dma_wait3A_143 = tpu.memref_slice %arg15[%dma_wait3A_141, %dma_wait3A_142] : memref<10112x64xf32, #tpu.memory_space<vmem_shared>> -> memref<10112x64xf32, #tpu.memory_space<vmem_shared>>
          tpu.wait_indirect_dma semaphore(%run_scoped3A : memref<!tpu.dma_semaphore, #tpu.memory_space<semaphore_mem>>) src(%arg10 : memref<128x64xf32, #tpu.memory_space<vmem>>) dst(%dma_wait3A_143 : memref<10112x64xf32, #tpu.memory_space<vmem_shared>>)
          tpu.yield
        }) : () -> ()
        %add3A_125 = arith.constant 6 : i32
        %add3A_126 = arith.addi %add3A_77, %add3A_125 : i32
        %lt3A_127 = arith.constant 79 : i32
        %lt3A_128 = arith.cmpi slt, %add3A_126, %lt3A_127 : i32
        %convert_element_type3A_129 = arith.extui %lt3A_128 : i1 to i32
        %cond3A_130 = arith.constant 0 : i32
        %cond3A_131 = arith.cmpi ne, %convert_element_type3A_129, %cond3A_130 : i32
        scf.if %cond3A_131 {
          %add3A_132 = arith.constant 6 : i32
          %add3A_133 = arith.addi %add3A_77, %add3A_132 : i32
          %dma_start3A_134 = arith.constant 0 : i32
          %dma_start3A_135 = tpu.memref_slice %arg7[%add3A_133, %dma_start3A_134] : memref<79x128xi32, #tpu.memory_space<vmem>> -> memref<1x128xi32, #tpu.memory_space<vmem>>
          %dma_start3A_136 = tpu.memref_squeeze %dma_start3A_135 : memref<1x128xi32, #tpu.memory_space<vmem>> -> memref<128xi32, #tpu.memory_space<vmem>>
          %dma_start3A_137 = arith.constant 0 : i32
          %dma_start3A_138 = arith.constant 0 : i32
          %dma_start3A_139 = tpu.memref_slice %arg2[%dma_start3A_137, %dma_start3A_138] : memref<10240x64xf32, #tpu.memory_space<hbm>> -> memref<10240x64xf32, #tpu.memory_space<hbm>>
          tpu.enqueue_indirect_dma source(%dma_start3A_139 : memref<10240x64xf32, #tpu.memory_space<hbm>>) target(%arg10 : memref<128x64xf32, #tpu.memory_space<vmem>>) offsets(%dma_start3A_136 : memref<128xi32, #tpu.memory_space<vmem>>) semaphore(%arg18 : memref<!tpu.dma_semaphore, #tpu.memory_space<semaphore_mem>>)
        } else {
        }
      } else {
      }
      %mul3A_83 = arith.constant 6 : i32
      %mul3A_84 = arith.muli %scan3A_67, %mul3A_83 : i32
      %add3A_85 = arith.constant 2 : i32
      %add3A_86 = arith.addi %mul3A_84, %add3A_85 : i32
      %lt3A_87 = arith.constant 79 : i32
      %lt3A_88 = arith.cmpi slt, %add3A_86, %lt3A_87 : i32
      %convert_element_type3A_89 = arith.extui %lt3A_88 : i1 to i32
      %cond3A_90 = arith.constant 0 : i32
      %cond3A_91 = arith.cmpi ne, %convert_element_type3A_89, %cond3A_90 : i32
      scf.if %cond3A_91 {
        %dma_wait3A_119 = arith.constant 0 : i32
        %dma_wait3A_120 = tpu.memref_slice %arg7[%add3A_86, %dma_wait3A_119] : memref<79x128xi32, #tpu.memory_space<vmem>> -> memref<1x128xi32, #tpu.memory_space<vmem>>
        %dma_wait3A_121 = tpu.memref_squeeze %dma_wait3A_120 : memref<1x128xi32, #tpu.memory_space<vmem>> -> memref<128xi32, #tpu.memory_space<vmem>>
        %dma_wait3A_122 = arith.constant 0 : i32
        %dma_wait3A_123 = arith.constant 0 : i32
        %dma_wait3A_124 = tpu.memref_slice %arg2[%dma_wait3A_122, %dma_wait3A_123] : memref<10240x64xf32, #tpu.memory_space<hbm>> -> memref<10240x64xf32, #tpu.memory_space<hbm>>
        tpu.wait_indirect_dma semaphore(%arg19 : memref<!tpu.dma_semaphore, #tpu.memory_space<semaphore_mem>>) src(%dma_wait3A_124 : memref<10240x64xf32, #tpu.memory_space<hbm>>) dst(%arg11 : memref<128x64xf32, #tpu.memory_space<vmem>>)
        "tpu.region"() ({
          %run_scoped3A = tpu.sem_alloc : memref<!tpu.dma_semaphore, #tpu.memory_space<semaphore_mem>>
          %dma_start3A_132 = arith.constant 0 : i32
          %dma_start3A_133 = tpu.memref_slice %arg8[%add3A_86, %dma_start3A_132] : memref<79x128xi32, #tpu.memory_space<vmem>> -> memref<1x128xi32, #tpu.memory_space<vmem>>
          %dma_start3A_134 = tpu.memref_squeeze %dma_start3A_133 : memref<1x128xi32, #tpu.memory_space<vmem>> -> memref<128xi32, #tpu.memory_space<vmem>>
          %dma_start3A_135 = arith.constant 0 : i32
          %dma_start3A_136 = arith.constant 0 : i32
          %dma_start3A_137 = tpu.memref_slice %arg15[%dma_start3A_135, %dma_start3A_136] : memref<10112x64xf32, #tpu.memory_space<vmem_shared>> -> memref<10112x64xf32, #tpu.memory_space<vmem_shared>>
          tpu.enqueue_indirect_dma source(%arg11 : memref<128x64xf32, #tpu.memory_space<vmem>>) target(%dma_start3A_137 : memref<10112x64xf32, #tpu.memory_space<vmem_shared>>) offsets(%dma_start3A_134 : memref<128xi32, #tpu.memory_space<vmem>>) semaphore(%run_scoped3A : memref<!tpu.dma_semaphore, #tpu.memory_space<semaphore_mem>>) {add = true}
          %dma_wait3A_138 = arith.constant 0 : i32
          %dma_wait3A_139 = tpu.memref_slice %arg8[%add3A_86, %dma_wait3A_138] : memref<79x128xi32, #tpu.memory_space<vmem>> -> memref<1x128xi32, #tpu.memory_space<vmem>>
          %dma_wait3A_140 = tpu.memref_squeeze %dma_wait3A_139 : memref<1x128xi32, #tpu.memory_space<vmem>> -> memref<128xi32, #tpu.memory_space<vmem>>
          %dma_wait3A_141 = arith.constant 0 : i32
          %dma_wait3A_142 = arith.constant 0 : i32
          %dma_wait3A_143 = tpu.memref_slice %arg15[%dma_wait3A_141, %dma_wait3A_142] : memref<10112x64xf32, #tpu.memory_space<vmem_shared>> -> memref<10112x64xf32, #tpu.memory_space<vmem_shared>>
          tpu.wait_indirect_dma semaphore(%run_scoped3A : memref<!tpu.dma_semaphore, #tpu.memory_space<semaphore_mem>>) src(%arg11 : memref<128x64xf32, #tpu.memory_space<vmem>>) dst(%dma_wait3A_143 : memref<10112x64xf32, #tpu.memory_space<vmem_shared>>)
          tpu.yield
        }) : () -> ()
        %add3A_125 = arith.constant 6 : i32
        %add3A_126 = arith.addi %add3A_86, %add3A_125 : i32
        %lt3A_127 = arith.constant 79 : i32
        %lt3A_128 = arith.cmpi slt, %add3A_126, %lt3A_127 : i32
        %convert_element_type3A_129 = arith.extui %lt3A_128 : i1 to i32
        %cond3A_130 = arith.constant 0 : i32
        %cond3A_131 = arith.cmpi ne, %convert_element_type3A_129, %cond3A_130 : i32
        scf.if %cond3A_131 {
          %add3A_132 = arith.constant 6 : i32
          %add3A_133 = arith.addi %add3A_86, %add3A_132 : i32
          %dma_start3A_134 = arith.constant 0 : i32
          %dma_start3A_135 = tpu.memref_slice %arg7[%add3A_133, %dma_start3A_134] : memref<79x128xi32, #tpu.memory_space<vmem>> -> memref<1x128xi32, #tpu.memory_space<vmem>>
          %dma_start3A_136 = tpu.memref_squeeze %dma_start3A_135 : memref<1x128xi32, #tpu.memory_space<vmem>> -> memref<128xi32, #tpu.memory_space<vmem>>
          %dma_start3A_137 = arith.constant 0 : i32
          %dma_start3A_138 = arith.constant 0 : i32
          %dma_start3A_139 = tpu.memref_slice %arg2[%dma_start3A_137, %dma_start3A_138] : memref<10240x64xf32, #tpu.memory_space<hbm>> -> memref<10240x64xf32, #tpu.memory_space<hbm>>
          tpu.enqueue_indirect_dma source(%dma_start3A_139 : memref<10240x64xf32, #tpu.memory_space<hbm>>) target(%arg11 : memref<128x64xf32, #tpu.memory_space<vmem>>) offsets(%dma_start3A_136 : memref<128xi32, #tpu.memory_space<vmem>>) semaphore(%arg19 : memref<!tpu.dma_semaphore, #tpu.memory_space<semaphore_mem>>)
        } else {
        }
      } else {
      }
      %mul3A_92 = arith.constant 6 : i32
      %mul3A_93 = arith.muli %scan3A_67, %mul3A_92 : i32
      %add3A_94 = arith.constant 3 : i32
      %add3A_95 = arith.addi %mul3A_93, %add3A_94 : i32
      %lt3A_96 = arith.constant 79 : i32
      %lt3A_97 = arith.cmpi slt, %add3A_95, %lt3A_96 : i32
      %convert_element_type3A_98 = arith.extui %lt3A_97 : i1 to i32
      %cond3A_99 = arith.constant 0 : i32
      %cond3A_100 = arith.cmpi ne, %convert_element_type3A_98, %cond3A_99 : i32
      scf.if %cond3A_100 {
        %dma_wait3A_119 = arith.constant 0 : i32
        %dma_wait3A_120 = tpu.memref_slice %arg7[%add3A_95, %dma_wait3A_119] : memref<79x128xi32, #tpu.memory_space<vmem>> -> memref<1x128xi32, #tpu.memory_space<vmem>>
        %dma_wait3A_121 = tpu.memref_squeeze %dma_wait3A_120 : memref<1x128xi32, #tpu.memory_space<vmem>> -> memref<128xi32, #tpu.memory_space<vmem>>
        %dma_wait3A_122 = arith.constant 0 : i32
        %dma_wait3A_123 = arith.constant 0 : i32
        %dma_wait3A_124 = tpu.memref_slice %arg2[%dma_wait3A_122, %dma_wait3A_123] : memref<10240x64xf32, #tpu.memory_space<hbm>> -> memref<10240x64xf32, #tpu.memory_space<hbm>>
        tpu.wait_indirect_dma semaphore(%arg20 : memref<!tpu.dma_semaphore, #tpu.memory_space<semaphore_mem>>) src(%dma_wait3A_124 : memref<10240x64xf32, #tpu.memory_space<hbm>>) dst(%arg12 : memref<128x64xf32, #tpu.memory_space<vmem>>)
        "tpu.region"() ({
          %run_scoped3A = tpu.sem_alloc : memref<!tpu.dma_semaphore, #tpu.memory_space<semaphore_mem>>
          %dma_start3A_132 = arith.constant 0 : i32
          %dma_start3A_133 = tpu.memref_slice %arg8[%add3A_95, %dma_start3A_132] : memref<79x128xi32, #tpu.memory_space<vmem>> -> memref<1x128xi32, #tpu.memory_space<vmem>>
          %dma_start3A_134 = tpu.memref_squeeze %dma_start3A_133 : memref<1x128xi32, #tpu.memory_space<vmem>> -> memref<128xi32, #tpu.memory_space<vmem>>
          %dma_start3A_135 = arith.constant 0 : i32
          %dma_start3A_136 = arith.constant 0 : i32
          %dma_start3A_137 = tpu.memref_slice %arg15[%dma_start3A_135, %dma_start3A_136] : memref<10112x64xf32, #tpu.memory_space<vmem_shared>> -> memref<10112x64xf32, #tpu.memory_space<vmem_shared>>
          tpu.enqueue_indirect_dma source(%arg12 : memref<128x64xf32, #tpu.memory_space<vmem>>) target(%dma_start3A_137 : memref<10112x64xf32, #tpu.memory_space<vmem_shared>>) offsets(%dma_start3A_134 : memref<128xi32, #tpu.memory_space<vmem>>) semaphore(%run_scoped3A : memref<!tpu.dma_semaphore, #tpu.memory_space<semaphore_mem>>) {add = true}
          %dma_wait3A_138 = arith.constant 0 : i32
          %dma_wait3A_139 = tpu.memref_slice %arg8[%add3A_95, %dma_wait3A_138] : memref<79x128xi32, #tpu.memory_space<vmem>> -> memref<1x128xi32, #tpu.memory_space<vmem>>
          %dma_wait3A_140 = tpu.memref_squeeze %dma_wait3A_139 : memref<1x128xi32, #tpu.memory_space<vmem>> -> memref<128xi32, #tpu.memory_space<vmem>>
          %dma_wait3A_141 = arith.constant 0 : i32
          %dma_wait3A_142 = arith.constant 0 : i32
          %dma_wait3A_143 = tpu.memref_slice %arg15[%dma_wait3A_141, %dma_wait3A_142] : memref<10112x64xf32, #tpu.memory_space<vmem_shared>> -> memref<10112x64xf32, #tpu.memory_space<vmem_shared>>
          tpu.wait_indirect_dma semaphore(%run_scoped3A : memref<!tpu.dma_semaphore, #tpu.memory_space<semaphore_mem>>) src(%arg12 : memref<128x64xf32, #tpu.memory_space<vmem>>) dst(%dma_wait3A_143 : memref<10112x64xf32, #tpu.memory_space<vmem_shared>>)
          tpu.yield
        }) : () -> ()
        %add3A_125 = arith.constant 6 : i32
        %add3A_126 = arith.addi %add3A_95, %add3A_125 : i32
        %lt3A_127 = arith.constant 79 : i32
        %lt3A_128 = arith.cmpi slt, %add3A_126, %lt3A_127 : i32
        %convert_element_type3A_129 = arith.extui %lt3A_128 : i1 to i32
        %cond3A_130 = arith.constant 0 : i32
        %cond3A_131 = arith.cmpi ne, %convert_element_type3A_129, %cond3A_130 : i32
        scf.if %cond3A_131 {
          %add3A_132 = arith.constant 6 : i32
          %add3A_133 = arith.addi %add3A_95, %add3A_132 : i32
          %dma_start3A_134 = arith.constant 0 : i32
          %dma_start3A_135 = tpu.memref_slice %arg7[%add3A_133, %dma_start3A_134] : memref<79x128xi32, #tpu.memory_space<vmem>> -> memref<1x128xi32, #tpu.memory_space<vmem>>
          %dma_start3A_136 = tpu.memref_squeeze %dma_start3A_135 : memref<1x128xi32, #tpu.memory_space<vmem>> -> memref<128xi32, #tpu.memory_space<vmem>>
          %dma_start3A_137 = arith.constant 0 : i32
          %dma_start3A_138 = arith.constant 0 : i32
          %dma_start3A_139 = tpu.memref_slice %arg2[%dma_start3A_137, %dma_start3A_138] : memref<10240x64xf32, #tpu.memory_space<hbm>> -> memref<10240x64xf32, #tpu.memory_space<hbm>>
          tpu.enqueue_indirect_dma source(%dma_start3A_139 : memref<10240x64xf32, #tpu.memory_space<hbm>>) target(%arg12 : memref<128x64xf32, #tpu.memory_space<vmem>>) offsets(%dma_start3A_136 : memref<128xi32, #tpu.memory_space<vmem>>) semaphore(%arg20 : memref<!tpu.dma_semaphore, #tpu.memory_space<semaphore_mem>>)
        } else {
        }
      } else {
      }
      %mul3A_101 = arith.constant 6 : i32
      %mul3A_102 = arith.muli %scan3A_67, %mul3A_101 : i32
      %add3A_103 = arith.constant 4 : i32
      %add3A_104 = arith.addi %mul3A_102, %add3A_103 : i32
      %lt3A_105 = arith.constant 79 : i32
      %lt3A_106 = arith.cmpi slt, %add3A_104, %lt3A_105 : i32
      %convert_element_type3A_107 = arith.extui %lt3A_106 : i1 to i32
      %cond3A_108 = arith.constant 0 : i32
      %cond3A_109 = arith.cmpi ne, %convert_element_type3A_107, %cond3A_108 : i32
      scf.if %cond3A_109 {
        %dma_wait3A_119 = arith.constant 0 : i32
        %dma_wait3A_120 = tpu.memref_slice %arg7[%add3A_104, %dma_wait3A_119] : memref<79x128xi32, #tpu.memory_space<vmem>> -> memref<1x128xi32, #tpu.memory_space<vmem>>
        %dma_wait3A_121 = tpu.memref_squeeze %dma_wait3A_120 : memref<1x128xi32, #tpu.memory_space<vmem>> -> memref<128xi32, #tpu.memory_space<vmem>>
        %dma_wait3A_122 = arith.constant 0 : i32
        %dma_wait3A_123 = arith.constant 0 : i32
        %dma_wait3A_124 = tpu.memref_slice %arg2[%dma_wait3A_122, %dma_wait3A_123] : memref<10240x64xf32, #tpu.memory_space<hbm>> -> memref<10240x64xf32, #tpu.memory_space<hbm>>
        tpu.wait_indirect_dma semaphore(%arg21 : memref<!tpu.dma_semaphore, #tpu.memory_space<semaphore_mem>>) src(%dma_wait3A_124 : memref<10240x64xf32, #tpu.memory_space<hbm>>) dst(%arg13 : memref<128x64xf32, #tpu.memory_space<vmem>>)
        "tpu.region"() ({
          %run_scoped3A = tpu.sem_alloc : memref<!tpu.dma_semaphore, #tpu.memory_space<semaphore_mem>>
          %dma_start3A_132 = arith.constant 0 : i32
          %dma_start3A_133 = tpu.memref_slice %arg8[%add3A_104, %dma_start3A_132] : memref<79x128xi32, #tpu.memory_space<vmem>> -> memref<1x128xi32, #tpu.memory_space<vmem>>
          %dma_start3A_134 = tpu.memref_squeeze %dma_start3A_133 : memref<1x128xi32, #tpu.memory_space<vmem>> -> memref<128xi32, #tpu.memory_space<vmem>>
          %dma_start3A_135 = arith.constant 0 : i32
          %dma_start3A_136 = arith.constant 0 : i32
          %dma_start3A_137 = tpu.memref_slice %arg15[%dma_start3A_135, %dma_start3A_136] : memref<10112x64xf32, #tpu.memory_space<vmem_shared>> -> memref<10112x64xf32, #tpu.memory_space<vmem_shared>>
          tpu.enqueue_indirect_dma source(%arg13 : memref<128x64xf32, #tpu.memory_space<vmem>>) target(%dma_start3A_137 : memref<10112x64xf32, #tpu.memory_space<vmem_shared>>) offsets(%dma_start3A_134 : memref<128xi32, #tpu.memory_space<vmem>>) semaphore(%run_scoped3A : memref<!tpu.dma_semaphore, #tpu.memory_space<semaphore_mem>>) {add = true}
          %dma_wait3A_138 = arith.constant 0 : i32
          %dma_wait3A_139 = tpu.memref_slice %arg8[%add3A_104, %dma_wait3A_138] : memref<79x128xi32, #tpu.memory_space<vmem>> -> memref<1x128xi32, #tpu.memory_space<vmem>>
          %dma_wait3A_140 = tpu.memref_squeeze %dma_wait3A_139 : memref<1x128xi32, #tpu.memory_space<vmem>> -> memref<128xi32, #tpu.memory_space<vmem>>
          %dma_wait3A_141 = arith.constant 0 : i32
          %dma_wait3A_142 = arith.constant 0 : i32
          %dma_wait3A_143 = tpu.memref_slice %arg15[%dma_wait3A_141, %dma_wait3A_142] : memref<10112x64xf32, #tpu.memory_space<vmem_shared>> -> memref<10112x64xf32, #tpu.memory_space<vmem_shared>>
          tpu.wait_indirect_dma semaphore(%run_scoped3A : memref<!tpu.dma_semaphore, #tpu.memory_space<semaphore_mem>>) src(%arg13 : memref<128x64xf32, #tpu.memory_space<vmem>>) dst(%dma_wait3A_143 : memref<10112x64xf32, #tpu.memory_space<vmem_shared>>)
          tpu.yield
        }) : () -> ()
        %add3A_125 = arith.constant 6 : i32
        %add3A_126 = arith.addi %add3A_104, %add3A_125 : i32
        %lt3A_127 = arith.constant 79 : i32
        %lt3A_128 = arith.cmpi slt, %add3A_126, %lt3A_127 : i32
        %convert_element_type3A_129 = arith.extui %lt3A_128 : i1 to i32
        %cond3A_130 = arith.constant 0 : i32
        %cond3A_131 = arith.cmpi ne, %convert_element_type3A_129, %cond3A_130 : i32
        scf.if %cond3A_131 {
          %add3A_132 = arith.constant 6 : i32
          %add3A_133 = arith.addi %add3A_104, %add3A_132 : i32
          %dma_start3A_134 = arith.constant 0 : i32
          %dma_start3A_135 = tpu.memref_slice %arg7[%add3A_133, %dma_start3A_134] : memref<79x128xi32, #tpu.memory_space<vmem>> -> memref<1x128xi32, #tpu.memory_space<vmem>>
          %dma_start3A_136 = tpu.memref_squeeze %dma_start3A_135 : memref<1x128xi32, #tpu.memory_space<vmem>> -> memref<128xi32, #tpu.memory_space<vmem>>
          %dma_start3A_137 = arith.constant 0 : i32
          %dma_start3A_138 = arith.constant 0 : i32
          %dma_start3A_139 = tpu.memref_slice %arg2[%dma_start3A_137, %dma_start3A_138] : memref<10240x64xf32, #tpu.memory_space<hbm>> -> memref<10240x64xf32, #tpu.memory_space<hbm>>
          tpu.enqueue_indirect_dma source(%dma_start3A_139 : memref<10240x64xf32, #tpu.memory_space<hbm>>) target(%arg13 : memref<128x64xf32, #tpu.memory_space<vmem>>) offsets(%dma_start3A_136 : memref<128xi32, #tpu.memory_space<vmem>>) semaphore(%arg21 : memref<!tpu.dma_semaphore, #tpu.memory_space<semaphore_mem>>)
        } else {
        }
      } else {
      }
      %mul3A_110 = arith.constant 6 : i32
      %mul3A_111 = arith.muli %scan3A_67, %mul3A_110 : i32
      %add3A_112 = arith.constant 5 : i32
      %add3A_113 = arith.addi %mul3A_111, %add3A_112 : i32
      %lt3A_114 = arith.constant 79 : i32
      %lt3A_115 = arith.cmpi slt, %add3A_113, %lt3A_114 : i32
      %convert_element_type3A_116 = arith.extui %lt3A_115 : i1 to i32
      %cond3A_117 = arith.constant 0 : i32
      %cond3A_118 = arith.cmpi ne, %convert_element_type3A_116, %cond3A_117 : i32
      scf.if %cond3A_118 {
        %dma_wait3A_119 = arith.constant 0 : i32
        %dma_wait3A_120 = tpu.memref_slice %arg7[%add3A_113, %dma_wait3A_119] : memref<79x128xi32, #tpu.memory_space<vmem>> -> memref<1x128xi32, #tpu.memory_space<vmem>>
        %dma_wait3A_121 = tpu.memref_squeeze %dma_wait3A_120 : memref<1x128xi32, #tpu.memory_space<vmem>> -> memref<128xi32, #tpu.memory_space<vmem>>
        %dma_wait3A_122 = arith.constant 0 : i32
        %dma_wait3A_123 = arith.constant 0 : i32
        %dma_wait3A_124 = tpu.memref_slice %arg2[%dma_wait3A_122, %dma_wait3A_123] : memref<10240x64xf32, #tpu.memory_space<hbm>> -> memref<10240x64xf32, #tpu.memory_space<hbm>>
        tpu.wait_indirect_dma semaphore(%arg22 : memref<!tpu.dma_semaphore, #tpu.memory_space<semaphore_mem>>) src(%dma_wait3A_124 : memref<10240x64xf32, #tpu.memory_space<hbm>>) dst(%arg14 : memref<128x64xf32, #tpu.memory_space<vmem>>)
        "tpu.region"() ({
          %run_scoped3A = tpu.sem_alloc : memref<!tpu.dma_semaphore, #tpu.memory_space<semaphore_mem>>
          %dma_start3A_132 = arith.constant 0 : i32
          %dma_start3A_133 = tpu.memref_slice %arg8[%add3A_113, %dma_start3A_132] : memref<79x128xi32, #tpu.memory_space<vmem>> -> memref<1x128xi32, #tpu.memory_space<vmem>>
          %dma_start3A_134 = tpu.memref_squeeze %dma_start3A_133 : memref<1x128xi32, #tpu.memory_space<vmem>> -> memref<128xi32, #tpu.memory_space<vmem>>
          %dma_start3A_135 = arith.constant 0 : i32
          %dma_start3A_136 = arith.constant 0 : i32
          %dma_start3A_137 = tpu.memref_slice %arg15[%dma_start3A_135, %dma_start3A_136] : memref<10112x64xf32, #tpu.memory_space<vmem_shared>> -> memref<10112x64xf32, #tpu.memory_space<vmem_shared>>
          tpu.enqueue_indirect_dma source(%arg14 : memref<128x64xf32, #tpu.memory_space<vmem>>) target(%dma_start3A_137 : memref<10112x64xf32, #tpu.memory_space<vmem_shared>>) offsets(%dma_start3A_134 : memref<128xi32, #tpu.memory_space<vmem>>) semaphore(%run_scoped3A : memref<!tpu.dma_semaphore, #tpu.memory_space<semaphore_mem>>) {add = true}
          %dma_wait3A_138 = arith.constant 0 : i32
          %dma_wait3A_139 = tpu.memref_slice %arg8[%add3A_113, %dma_wait3A_138] : memref<79x128xi32, #tpu.memory_space<vmem>> -> memref<1x128xi32, #tpu.memory_space<vmem>>
          %dma_wait3A_140 = tpu.memref_squeeze %dma_wait3A_139 : memref<1x128xi32, #tpu.memory_space<vmem>> -> memref<128xi32, #tpu.memory_space<vmem>>
          %dma_wait3A_141 = arith.constant 0 : i32
          %dma_wait3A_142 = arith.constant 0 : i32
          %dma_wait3A_143 = tpu.memref_slice %arg15[%dma_wait3A_141, %dma_wait3A_142] : memref<10112x64xf32, #tpu.memory_space<vmem_shared>> -> memref<10112x64xf32, #tpu.memory_space<vmem_shared>>
          tpu.wait_indirect_dma semaphore(%run_scoped3A : memref<!tpu.dma_semaphore, #tpu.memory_space<semaphore_mem>>) src(%arg14 : memref<128x64xf32, #tpu.memory_space<vmem>>) dst(%dma_wait3A_143 : memref<10112x64xf32, #tpu.memory_space<vmem_shared>>)
          tpu.yield
        }) : () -> ()
        %add3A_125 = arith.constant 6 : i32
        %add3A_126 = arith.addi %add3A_113, %add3A_125 : i32
        %lt3A_127 = arith.constant 79 : i32
        %lt3A_128 = arith.cmpi slt, %add3A_126, %lt3A_127 : i32
        %convert_element_type3A_129 = arith.extui %lt3A_128 : i1 to i32
        %cond3A_130 = arith.constant 0 : i32
        %cond3A_131 = arith.cmpi ne, %convert_element_type3A_129, %cond3A_130 : i32
        scf.if %cond3A_131 {
          %add3A_132 = arith.constant 6 : i32
          %add3A_133 = arith.addi %add3A_113, %add3A_132 : i32
          %dma_start3A_134 = arith.constant 0 : i32
          %dma_start3A_135 = tpu.memref_slice %arg7[%add3A_133, %dma_start3A_134] : memref<79x128xi32, #tpu.memory_space<vmem>> -> memref<1x128xi32, #tpu.memory_space<vmem>>
          %dma_start3A_136 = tpu.memref_squeeze %dma_start3A_135 : memref<1x128xi32, #tpu.memory_space<vmem>> -> memref<128xi32, #tpu.memory_space<vmem>>
          %dma_start3A_137 = arith.constant 0 : i32
          %dma_start3A_138 = arith.constant 0 : i32
          %dma_start3A_139 = tpu.memref_slice %arg2[%dma_start3A_137, %dma_start3A_138] : memref<10240x64xf32, #tpu.memory_space<hbm>> -> memref<10240x64xf32, #tpu.memory_space<hbm>>
          tpu.enqueue_indirect_dma source(%dma_start3A_139 : memref<10240x64xf32, #tpu.memory_space<hbm>>) target(%arg14 : memref<128x64xf32, #tpu.memory_space<vmem>>) offsets(%dma_start3A_136 : memref<128xi32, #tpu.memory_space<vmem>>) semaphore(%arg22 : memref<!tpu.dma_semaphore, #tpu.memory_space<semaphore_mem>>)
        } else {
        }
      } else {
      }
    }
    %scan3A_61 = arith.constant 14 : i32
    %barrier3A_62 = arith.constant 0 : index
    tpu.barrier barrier_id(%barrier3A_62)
    %mul3A_63 = arith.constant 632 : i32
    %mul3A_64 = arith.muli %arg1, %mul3A_63 : i32
    %mul3A_65 = arith.constant 632 : i32
    %mul3A_66 = arith.muli %arg1, %mul3A_65 : i32
    "tpu.region"() ({
      %run_scoped3A = tpu.sem_alloc : memref<!tpu.dma_semaphore, #tpu.memory_space<semaphore_mem>>
      %dma_start3A_67 = arith.constant 0 : i32
      %dma_start3A_68 = tpu.memref_slice %arg6[%arg0, %mul3A_66, %dma_start3A_67] : memref<2x10112x64xf32, #tpu.memory_space<hbm>> -> memref<1x632x64xf32, #tpu.memory_space<hbm>>
      %dma_start3A_69 = tpu.memref_squeeze %dma_start3A_68 : memref<1x632x64xf32, #tpu.memory_space<hbm>> -> memref<632x64xf32, #tpu.memory_space<hbm>>
      %dma_start3A_70 = arith.constant 0 : i32
      %dma_start3A_71 = tpu.memref_slice %arg15[%mul3A_64, %dma_start3A_70] : memref<10112x64xf32, #tpu.memory_space<vmem_shared>> -> memref<632x64xf32, #tpu.memory_space<vmem_shared>>
      tpu.enqueue_dma source(%dma_start3A_71 : memref<632x64xf32, #tpu.memory_space<vmem_shared>>) target(%dma_start3A_69 : memref<632x64xf32, #tpu.memory_space<hbm>>) target_semaphore(%run_scoped3A : memref<!tpu.dma_semaphore, #tpu.memory_space<semaphore_mem>>)
      %dma_wait3A_72 = arith.constant 0 : i32
      %dma_wait3A_73 = tpu.memref_slice %arg6[%arg0, %mul3A_66, %dma_wait3A_72] : memref<2x10112x64xf32, #tpu.memory_space<hbm>> -> memref<1x632x64xf32, #tpu.memory_space<hbm>>
      %dma_wait3A_74 = tpu.memref_squeeze %dma_wait3A_73 : memref<1x632x64xf32, #tpu.memory_space<hbm>> -> memref<632x64xf32, #tpu.memory_space<hbm>>
      %dma_wait3A_75 = arith.constant 0 : i32
      %dma_wait3A_76 = tpu.memref_slice %arg15[%mul3A_64, %dma_wait3A_75] : memref<10112x64xf32, #tpu.memory_space<vmem_shared>> -> memref<632x64xf32, #tpu.memory_space<vmem_shared>>
      tpu.wait_dma2 semaphore(%run_scoped3A : memref<!tpu.dma_semaphore, #tpu.memory_space<semaphore_mem>>) src(%dma_wait3A_76 : memref<632x64xf32, #tpu.memory_space<vmem_shared>>) dst(%dma_wait3A_74 : memref<632x64xf32, #tpu.memory_space<hbm>>)
      tpu.yield
    }) : () -> ()
    return
  }
}

#map = affine_map<(d0, d1) -> (0, 0)>
#map1 = affine_map<(d0, d1) -> (0)>
#map2 = affine_map<(d0, d1) -> (0, 0, 0)>
module attributes {stable_mosaic.version = 14 : i64} {
  func.func @_sc_segmax_body(%arg0: i32, %arg1: i32, %arg2: memref<10240x64xf32, #tpu.memory_space<hbm>>, %arg3: memref<10240x64xf32, #tpu.memory_space<hbm>>, %arg4: memref<10240x64xf32, #tpu.memory_space<hbm>>, %arg5: memref<10240x64xf32, #tpu.memory_space<hbm>>, %arg6: memref<10240xi32, #tpu.memory_space<hbm>>, %arg7: memref<32x72x64xf32, #tpu.memory_space<hbm>>, %arg8: memref<32x72x64xf32, #tpu.memory_space<hbm>>, %arg9: memref<32x72x64xf32, #tpu.memory_space<hbm>>, %arg10: memref<32x72x64xf32, #tpu.memory_space<hbm>>, %arg11: memref<336xi32, #tpu.memory_space<vmem>>, %arg12: memref<320x64xf32, #tpu.memory_space<vmem>>, %arg13: memref<72x64xf32, #tpu.memory_space<vmem>>) attributes {dimension_semantics = [#tpu.dimension_semantics<core_parallel>, #tpu.dimension_semantics<subcore_parallel>], iteration_bounds = array<i64: 2, 16>, scalar_prefetch = 0 : i64, scratch_operands = 3 : i64, tpu.core_type = #tpu.core_type<sc_vector_subcore>, window_params = [{transform_indices = #map}, {transform_indices = #map}, {transform_indices = #map}, {transform_indices = #map}, {transform_indices = #map1}, {transform_indices = #map2}, {transform_indices = #map2}, {transform_indices = #map2}, {transform_indices = #map2}]} {
    %mul3A = arith.constant 16 : i32
    %mul3A_0 = arith.muli %arg0, %mul3A : i32
    %add3A = arith.addi %mul3A_0, %arg1 : i32
    %mul3A_1 = arith.constant 320 : i32
    %mul3A_2 = arith.muli %add3A, %mul3A_1 : i32
    "tpu.region"() ({
      %run_scoped3A = tpu.sem_alloc : memref<!tpu.dma_semaphore, #tpu.memory_space<semaphore_mem>>
      %dma_start3A = arith.constant 0 : i32
      %dma_start3A_51 = tpu.memref_slice %arg11[%dma_start3A] : memref<336xi32, #tpu.memory_space<vmem>> -> memref<320xi32, #tpu.memory_space<vmem>>
      %dma_start3A_52 = tpu.memref_slice %arg6[%mul3A_2] : memref<10240xi32, #tpu.memory_space<hbm>> -> memref<320xi32, #tpu.memory_space<hbm>>
      %dma_start3A_53 = arith.constant 0 : i32
      %dma_start3A_54 = tpu.memref_slice %arg11[%dma_start3A_53] : memref<336xi32, #tpu.memory_space<vmem>> -> memref<320xi32, #tpu.memory_space<vmem>>
      %dma_start3A_55 = tpu.memref_slice %arg6[%mul3A_2] : memref<10240xi32, #tpu.memory_space<hbm>> -> memref<320xi32, #tpu.memory_space<hbm>>
      tpu.enqueue_dma source(%dma_start3A_55 : memref<320xi32, #tpu.memory_space<hbm>>) target(%dma_start3A_54 : memref<320xi32, #tpu.memory_space<vmem>>) target_semaphore(%run_scoped3A : memref<!tpu.dma_semaphore, #tpu.memory_space<semaphore_mem>>)
      %dma_wait3A = arith.constant 0 : i32
      %dma_wait3A_56 = tpu.memref_slice %arg11[%dma_wait3A] : memref<336xi32, #tpu.memory_space<vmem>> -> memref<320xi32, #tpu.memory_space<vmem>>
      %dma_wait3A_57 = tpu.memref_slice %arg6[%mul3A_2] : memref<10240xi32, #tpu.memory_space<hbm>> -> memref<320xi32, #tpu.memory_space<hbm>>
      %dma_wait3A_58 = arith.constant 0 : i32
      %dma_wait3A_59 = tpu.memref_slice %arg11[%dma_wait3A_58] : memref<336xi32, #tpu.memory_space<vmem>> -> memref<320xi32, #tpu.memory_space<vmem>>
      %dma_wait3A_60 = tpu.memref_slice %arg6[%mul3A_2] : memref<10240xi32, #tpu.memory_space<hbm>> -> memref<320xi32, #tpu.memory_space<hbm>>
      tpu.wait_dma2 semaphore(%run_scoped3A : memref<!tpu.dma_semaphore, #tpu.memory_space<semaphore_mem>>) src(%dma_wait3A_60 : memref<320xi32, #tpu.memory_space<hbm>>) dst(%dma_wait3A_59 : memref<320xi32, #tpu.memory_space<vmem>>)
      tpu.yield
    }) : () -> ()
    %broadcast_in_dim3A = arith.constant 0xFF800000 : f32
    %broadcast_in_dim3A_3 = vector.broadcast %broadcast_in_dim3A : f32 to vector<16xf32>
    "tpu.region"() ({
      %run_scoped3A = tpu.sem_alloc : memref<!tpu.dma_semaphore, #tpu.memory_space<semaphore_mem>>
      %dma_start3A = arith.constant 0 : i32
      %dma_start3A_51 = tpu.memref_slice %arg2[%mul3A_2, %dma_start3A] : memref<10240x64xf32, #tpu.memory_space<hbm>> -> memref<320x64xf32, #tpu.memory_space<hbm>>
      %dma_start3A_52 = arith.constant 0 : i32
      %dma_start3A_53 = tpu.memref_slice %arg2[%mul3A_2, %dma_start3A_52] : memref<10240x64xf32, #tpu.memory_space<hbm>> -> memref<320x64xf32, #tpu.memory_space<hbm>>
      tpu.enqueue_dma source(%dma_start3A_53 : memref<320x64xf32, #tpu.memory_space<hbm>>) target(%arg12 : memref<320x64xf32, #tpu.memory_space<vmem>>) target_semaphore(%run_scoped3A : memref<!tpu.dma_semaphore, #tpu.memory_space<semaphore_mem>>)
      %dma_wait3A = arith.constant 0 : i32
      %dma_wait3A_54 = tpu.memref_slice %arg2[%mul3A_2, %dma_wait3A] : memref<10240x64xf32, #tpu.memory_space<hbm>> -> memref<320x64xf32, #tpu.memory_space<hbm>>
      %dma_wait3A_55 = arith.constant 0 : i32
      %dma_wait3A_56 = tpu.memref_slice %arg2[%mul3A_2, %dma_wait3A_55] : memref<10240x64xf32, #tpu.memory_space<hbm>> -> memref<320x64xf32, #tpu.memory_space<hbm>>
      tpu.wait_dma2 semaphore(%run_scoped3A : memref<!tpu.dma_semaphore, #tpu.memory_space<semaphore_mem>>) src(%dma_wait3A_56 : memref<320x64xf32, #tpu.memory_space<hbm>>) dst(%arg12 : memref<320x64xf32, #tpu.memory_space<vmem>>)
      tpu.yield
    }) : () -> ()
    %scan3A = arith.constant 0 : i32
    %scan3A_4 = arith.constant 0 : i32
    %scan3A_5 = arith.constant 72 : i32
    %scan3A_6 = arith.addi %scan3A_4, %scan3A_5 : i32
    %scan3A_7 = arith.constant 1 : i32
    scf.for %scan3A_51 = %scan3A_4 to %scan3A_6 step %scan3A_7  : i32 {
      %swap3A = arith.index_cast %scan3A_51 : i32 to index
      %swap3A_52 = arith.constant 0 : index
      %swap3A_53 = tpu.vector_load %arg13[%swap3A, %swap3A_52] {strides = array<i32>} : memref<72x64xf32, #tpu.memory_space<vmem>>, vector<1x16xf32>,
      %swap3A_54 = vector.shape_cast %swap3A_53 : vector<1x16xf32> to vector<16xf32>
      %swap3A_55 = vector.shape_cast %broadcast_in_dim3A_3 : vector<16xf32> to vector<1x16xf32>
      tpu.vector_store %arg13[%swap3A, %swap3A_52], %swap3A_55 {strides = array<i32>} : memref<72x64xf32, #tpu.memory_space<vmem>>, vector<1x16xf32>,
      %swap3A_56 = arith.index_cast %scan3A_51 : i32 to index
      %swap3A_57 = arith.constant 16 : index
      %swap3A_58 = tpu.vector_load %arg13[%swap3A_56, %swap3A_57] {strides = array<i32>} : memref<72x64xf32, #tpu.memory_space<vmem>>, vector<1x16xf32>,
      %swap3A_59 = vector.shape_cast %swap3A_58 : vector<1x16xf32> to vector<16xf32>
      %swap3A_60 = vector.shape_cast %broadcast_in_dim3A_3 : vector<16xf32> to vector<1x16xf32>
      tpu.vector_store %arg13[%swap3A_56, %swap3A_57], %swap3A_60 {strides = array<i32>} : memref<72x64xf32, #tpu.memory_space<vmem>>, vector<1x16xf32>,
      %swap3A_61 = arith.index_cast %scan3A_51 : i32 to index
      %swap3A_62 = arith.constant 32 : index
      %swap3A_63 = tpu.vector_load %arg13[%swap3A_61, %swap3A_62] {strides = array<i32>} : memref<72x64xf32, #tpu.memory_space<vmem>>, vector<1x16xf32>,
      %swap3A_64 = vector.shape_cast %swap3A_63 : vector<1x16xf32> to vector<16xf32>
      %swap3A_65 = vector.shape_cast %broadcast_in_dim3A_3 : vector<16xf32> to vector<1x16xf32>
      tpu.vector_store %arg13[%swap3A_61, %swap3A_62], %swap3A_65 {strides = array<i32>} : memref<72x64xf32, #tpu.memory_space<vmem>>, vector<1x16xf32>,
      %swap3A_66 = arith.index_cast %scan3A_51 : i32 to index
      %swap3A_67 = arith.constant 48 : index
      %swap3A_68 = tpu.vector_load %arg13[%swap3A_66, %swap3A_67] {strides = array<i32>} : memref<72x64xf32, #tpu.memory_space<vmem>>, vector<1x16xf32>,
      %swap3A_69 = vector.shape_cast %swap3A_68 : vector<1x16xf32> to vector<16xf32>
      %swap3A_70 = vector.shape_cast %broadcast_in_dim3A_3 : vector<16xf32> to vector<1x16xf32>
      tpu.vector_store %arg13[%swap3A_66, %swap3A_67], %swap3A_70 {strides = array<i32>} : memref<72x64xf32, #tpu.memory_space<vmem>>, vector<1x16xf32>,
    }
    %scan3A_8 = arith.constant 72 : i32
    %scan3A_9 = arith.constant 0 : i32
    %scan3A_10 = arith.constant 0 : i32
    %scan3A_11 = arith.constant 320 : i32
    %scan3A_12 = arith.addi %scan3A_10, %scan3A_11 : i32
    %scan3A_13 = arith.constant 1 : i32
    scf.for %scan3A_51 = %scan3A_10 to %scan3A_12 step %scan3A_13  : i32 {
      %get3A = arith.index_cast %scan3A_51 : i32 to index
      %get3A_52 = tpu.vector_load %arg11[%get3A] {strides = array<i32>} : memref<336xi32, #tpu.memory_space<vmem>>, vector<16xi32>,
      %get3A_53 = vector.shape_cast %get3A_52 : vector<16xi32> to vector<16xi32>
      %slice3A = vector.extract_strided_slice %get3A_53 {offsets = [0], sizes = [1], strides = [1]} : vector<16xi32> to vector<1xi32>
      %squeeze3A = vector.extract %slice3A[0] : i32 from vector<1xi32>
      %get3A_54 = arith.index_cast %squeeze3A : i32 to index
      %get3A_55 = arith.constant 0 : index
      %get3A_56 = tpu.vector_load %arg13[%get3A_54, %get3A_55] {strides = array<i32>} : memref<72x64xf32, #tpu.memory_space<vmem>>, vector<1x16xf32>,
      %get3A_57 = vector.shape_cast %get3A_56 : vector<1x16xf32> to vector<16xf32>
      %get3A_58 = arith.index_cast %scan3A_51 : i32 to index
      %get3A_59 = arith.constant 0 : index
      %get3A_60 = tpu.vector_load %arg12[%get3A_58, %get3A_59] {strides = array<i32>} : memref<320x64xf32, #tpu.memory_space<vmem>>, vector<1x16xf32>,
      %get3A_61 = vector.shape_cast %get3A_60 : vector<1x16xf32> to vector<16xf32>
      %max3A = arith.maximumf %get3A_57, %get3A_61 : vector<16xf32>
      %swap3A = arith.index_cast %squeeze3A : i32 to index
      %swap3A_62 = arith.constant 0 : index
      %swap3A_63 = tpu.vector_load %arg13[%swap3A, %swap3A_62] {strides = array<i32>} : memref<72x64xf32, #tpu.memory_space<vmem>>, vector<1x16xf32>,
      %swap3A_64 = vector.shape_cast %swap3A_63 : vector<1x16xf32> to vector<16xf32>
      %swap3A_65 = vector.shape_cast %max3A : vector<16xf32> to vector<1x16xf32>
      tpu.vector_store %arg13[%swap3A, %swap3A_62], %swap3A_65 {strides = array<i32>} : memref<72x64xf32, #tpu.memory_space<vmem>>, vector<1x16xf32>,
      %get3A_66 = arith.index_cast %squeeze3A : i32 to index
      %get3A_67 = arith.constant 16 : index
      %get3A_68 = tpu.vector_load %arg13[%get3A_66, %get3A_67] {strides = array<i32>} : memref<72x64xf32, #tpu.memory_space<vmem>>, vector<1x16xf32>,
      %get3A_69 = vector.shape_cast %get3A_68 : vector<1x16xf32> to vector<16xf32>
      %get3A_70 = arith.index_cast %scan3A_51 : i32 to index
      %get3A_71 = arith.constant 16 : index
      %get3A_72 = tpu.vector_load %arg12[%get3A_70, %get3A_71] {strides = array<i32>} : memref<320x64xf32, #tpu.memory_space<vmem>>, vector<1x16xf32>,
      %get3A_73 = vector.shape_cast %get3A_72 : vector<1x16xf32> to vector<16xf32>
      %max3A_74 = arith.maximumf %get3A_69, %get3A_73 : vector<16xf32>
      %swap3A_75 = arith.index_cast %squeeze3A : i32 to index
      %swap3A_76 = arith.constant 16 : index
      %swap3A_77 = tpu.vector_load %arg13[%swap3A_75, %swap3A_76] {strides = array<i32>} : memref<72x64xf32, #tpu.memory_space<vmem>>, vector<1x16xf32>,
      %swap3A_78 = vector.shape_cast %swap3A_77 : vector<1x16xf32> to vector<16xf32>
      %swap3A_79 = vector.shape_cast %max3A_74 : vector<16xf32> to vector<1x16xf32>
      tpu.vector_store %arg13[%swap3A_75, %swap3A_76], %swap3A_79 {strides = array<i32>} : memref<72x64xf32, #tpu.memory_space<vmem>>, vector<1x16xf32>,
      %get3A_80 = arith.index_cast %squeeze3A : i32 to index
      %get3A_81 = arith.constant 32 : index
      %get3A_82 = tpu.vector_load %arg13[%get3A_80, %get3A_81] {strides = array<i32>} : memref<72x64xf32, #tpu.memory_space<vmem>>, vector<1x16xf32>,
      %get3A_83 = vector.shape_cast %get3A_82 : vector<1x16xf32> to vector<16xf32>
      %get3A_84 = arith.index_cast %scan3A_51 : i32 to index
      %get3A_85 = arith.constant 32 : index
      %get3A_86 = tpu.vector_load %arg12[%get3A_84, %get3A_85] {strides = array<i32>} : memref<320x64xf32, #tpu.memory_space<vmem>>, vector<1x16xf32>,
      %get3A_87 = vector.shape_cast %get3A_86 : vector<1x16xf32> to vector<16xf32>
      %max3A_88 = arith.maximumf %get3A_83, %get3A_87 : vector<16xf32>
      %swap3A_89 = arith.index_cast %squeeze3A : i32 to index
      %swap3A_90 = arith.constant 32 : index
      %swap3A_91 = tpu.vector_load %arg13[%swap3A_89, %swap3A_90] {strides = array<i32>} : memref<72x64xf32, #tpu.memory_space<vmem>>, vector<1x16xf32>,
      %swap3A_92 = vector.shape_cast %swap3A_91 : vector<1x16xf32> to vector<16xf32>
      %swap3A_93 = vector.shape_cast %max3A_88 : vector<16xf32> to vector<1x16xf32>
      tpu.vector_store %arg13[%swap3A_89, %swap3A_90], %swap3A_93 {strides = array<i32>} : memref<72x64xf32, #tpu.memory_space<vmem>>, vector<1x16xf32>,
      %get3A_94 = arith.index_cast %squeeze3A : i32 to index
      %get3A_95 = arith.constant 48 : index
      %get3A_96 = tpu.vector_load %arg13[%get3A_94, %get3A_95] {strides = array<i32>} : memref<72x64xf32, #tpu.memory_space<vmem>>, vector<1x16xf32>,
      %get3A_97 = vector.shape_cast %get3A_96 : vector<1x16xf32> to vector<16xf32>
      %get3A_98 = arith.index_cast %scan3A_51 : i32 to index
      %get3A_99 = arith.constant 48 : index
      %get3A_100 = tpu.vector_load %arg12[%get3A_98, %get3A_99] {strides = array<i32>} : memref<320x64xf32, #tpu.memory_space<vmem>>, vector<1x16xf32>,
      %get3A_101 = vector.shape_cast %get3A_100 : vector<1x16xf32> to vector<16xf32>
      %max3A_102 = arith.maximumf %get3A_97, %get3A_101 : vector<16xf32>
      %swap3A_103 = arith.index_cast %squeeze3A : i32 to index
      %swap3A_104 = arith.constant 48 : index
      %swap3A_105 = tpu.vector_load %arg13[%swap3A_103, %swap3A_104] {strides = array<i32>} : memref<72x64xf32, #tpu.memory_space<vmem>>, vector<1x16xf32>,
      %swap3A_106 = vector.shape_cast %swap3A_105 : vector<1x16xf32> to vector<16xf32>
      %swap3A_107 = vector.shape_cast %max3A_102 : vector<16xf32> to vector<1x16xf32>
      tpu.vector_store %arg13[%swap3A_103, %swap3A_104], %swap3A_107 {strides = array<i32>} : memref<72x64xf32, #tpu.memory_space<vmem>>, vector<1x16xf32>,
    }
    %scan3A_14 = arith.constant 320 : i32
    "tpu.region"() ({
      %run_scoped3A = tpu.sem_alloc : memref<!tpu.dma_semaphore, #tpu.memory_space<semaphore_mem>>
      %dma_start3A = arith.constant 0 : i32
      %dma_start3A_51 = arith.constant 0 : i32
      %dma_start3A_52 = tpu.memref_slice %arg7[%add3A, %dma_start3A, %dma_start3A_51] : memref<32x72x64xf32, #tpu.memory_space<hbm>> -> memref<1x72x64xf32, #tpu.memory_space<hbm>>
      %dma_start3A_53 = tpu.memref_squeeze %dma_start3A_52 : memref<1x72x64xf32, #tpu.memory_space<hbm>> -> memref<72x64xf32, #tpu.memory_space<hbm>>
      %dma_start3A_54 = arith.constant 0 : i32
      %dma_start3A_55 = arith.constant 0 : i32
      %dma_start3A_56 = tpu.memref_slice %arg7[%add3A, %dma_start3A_54, %dma_start3A_55] : memref<32x72x64xf32, #tpu.memory_space<hbm>> -> memref<1x72x64xf32, #tpu.memory_space<hbm>>
      %dma_start3A_57 = tpu.memref_squeeze %dma_start3A_56 : memref<1x72x64xf32, #tpu.memory_space<hbm>> -> memref<72x64xf32, #tpu.memory_space<hbm>>
      tpu.enqueue_dma source(%arg13 : memref<72x64xf32, #tpu.memory_space<vmem>>) target(%dma_start3A_57 : memref<72x64xf32, #tpu.memory_space<hbm>>) target_semaphore(%run_scoped3A : memref<!tpu.dma_semaphore, #tpu.memory_space<semaphore_mem>>)
      %dma_wait3A = arith.constant 0 : i32
      %dma_wait3A_58 = arith.constant 0 : i32
      %dma_wait3A_59 = tpu.memref_slice %arg7[%add3A, %dma_wait3A, %dma_wait3A_58] : memref<32x72x64xf32, #tpu.memory_space<hbm>> -> memref<1x72x64xf32, #tpu.memory_space<hbm>>
      %dma_wait3A_60 = tpu.memref_squeeze %dma_wait3A_59 : memref<1x72x64xf32, #tpu.memory_space<hbm>> -> memref<72x64xf32, #tpu.memory_space<hbm>>
      %dma_wait3A_61 = arith.constant 0 : i32
      %dma_wait3A_62 = arith.constant 0 : i32
      %dma_wait3A_63 = tpu.memref_slice %arg7[%add3A, %dma_wait3A_61, %dma_wait3A_62] : memref<32x72x64xf32, #tpu.memory_space<hbm>> -> memref<1x72x64xf32, #tpu.memory_space<hbm>>
      %dma_wait3A_64 = tpu.memref_squeeze %dma_wait3A_63 : memref<1x72x64xf32, #tpu.memory_space<hbm>> -> memref<72x64xf32, #tpu.memory_space<hbm>>
      tpu.wait_dma2 semaphore(%run_scoped3A : memref<!tpu.dma_semaphore, #tpu.memory_space<semaphore_mem>>) src(%arg13 : memref<72x64xf32, #tpu.memory_space<vmem>>) dst(%dma_wait3A_64 : memref<72x64xf32, #tpu.memory_space<hbm>>)
      tpu.yield
    }) : () -> ()
    "tpu.region"() ({
      %run_scoped3A = tpu.sem_alloc : memref<!tpu.dma_semaphore, #tpu.memory_space<semaphore_mem>>
      %dma_start3A = arith.constant 0 : i32
      %dma_start3A_51 = tpu.memref_slice %arg3[%mul3A_2, %dma_start3A] : memref<10240x64xf32, #tpu.memory_space<hbm>> -> memref<320x64xf32, #tpu.memory_space<hbm>>
      %dma_start3A_52 = arith.constant 0 : i32
      %dma_start3A_53 = tpu.memref_slice %arg3[%mul3A_2, %dma_start3A_52] : memref<10240x64xf32, #tpu.memory_space<hbm>> -> memref<320x64xf32, #tpu.memory_space<hbm>>
      tpu.enqueue_dma source(%dma_start3A_53 : memref<320x64xf32, #tpu.memory_space<hbm>>) target(%arg12 : memref<320x64xf32, #tpu.memory_space<vmem>>) target_semaphore(%run_scoped3A : memref<!tpu.dma_semaphore, #tpu.memory_space<semaphore_mem>>)
      %dma_wait3A = arith.constant 0 : i32
      %dma_wait3A_54 = tpu.memref_slice %arg3[%mul3A_2, %dma_wait3A] : memref<10240x64xf32, #tpu.memory_space<hbm>> -> memref<320x64xf32, #tpu.memory_space<hbm>>
      %dma_wait3A_55 = arith.constant 0 : i32
      %dma_wait3A_56 = tpu.memref_slice %arg3[%mul3A_2, %dma_wait3A_55] : memref<10240x64xf32, #tpu.memory_space<hbm>> -> memref<320x64xf32, #tpu.memory_space<hbm>>
      tpu.wait_dma2 semaphore(%run_scoped3A : memref<!tpu.dma_semaphore, #tpu.memory_space<semaphore_mem>>) src(%dma_wait3A_56 : memref<320x64xf32, #tpu.memory_space<hbm>>) dst(%arg12 : memref<320x64xf32, #tpu.memory_space<vmem>>)
      tpu.yield
    }) : () -> ()
    %scan3A_15 = arith.constant 0 : i32
    %scan3A_16 = arith.constant 0 : i32
    %scan3A_17 = arith.constant 72 : i32
    %scan3A_18 = arith.addi %scan3A_16, %scan3A_17 : i32
    %scan3A_19 = arith.constant 1 : i32
    scf.for %scan3A_51 = %scan3A_16 to %scan3A_18 step %scan3A_19  : i32 {
      %swap3A = arith.index_cast %scan3A_51 : i32 to index
      %swap3A_52 = arith.constant 0 : index
      %swap3A_53 = tpu.vector_load %arg13[%swap3A, %swap3A_52] {strides = array<i32>} : memref<72x64xf32, #tpu.memory_space<vmem>>, vector<1x16xf32>,
      %swap3A_54 = vector.shape_cast %swap3A_53 : vector<1x16xf32> to vector<16xf32>
      %swap3A_55 = vector.shape_cast %broadcast_in_dim3A_3 : vector<16xf32> to vector<1x16xf32>
      tpu.vector_store %arg13[%swap3A, %swap3A_52], %swap3A_55 {strides = array<i32>} : memref<72x64xf32, #tpu.memory_space<vmem>>, vector<1x16xf32>,
      %swap3A_56 = arith.index_cast %scan3A_51 : i32 to index
      %swap3A_57 = arith.constant 16 : index
      %swap3A_58 = tpu.vector_load %arg13[%swap3A_56, %swap3A_57] {strides = array<i32>} : memref<72x64xf32, #tpu.memory_space<vmem>>, vector<1x16xf32>,
      %swap3A_59 = vector.shape_cast %swap3A_58 : vector<1x16xf32> to vector<16xf32>
      %swap3A_60 = vector.shape_cast %broadcast_in_dim3A_3 : vector<16xf32> to vector<1x16xf32>
      tpu.vector_store %arg13[%swap3A_56, %swap3A_57], %swap3A_60 {strides = array<i32>} : memref<72x64xf32, #tpu.memory_space<vmem>>, vector<1x16xf32>,
      %swap3A_61 = arith.index_cast %scan3A_51 : i32 to index
      %swap3A_62 = arith.constant 32 : index
      %swap3A_63 = tpu.vector_load %arg13[%swap3A_61, %swap3A_62] {strides = array<i32>} : memref<72x64xf32, #tpu.memory_space<vmem>>, vector<1x16xf32>,
      %swap3A_64 = vector.shape_cast %swap3A_63 : vector<1x16xf32> to vector<16xf32>
      %swap3A_65 = vector.shape_cast %broadcast_in_dim3A_3 : vector<16xf32> to vector<1x16xf32>
      tpu.vector_store %arg13[%swap3A_61, %swap3A_62], %swap3A_65 {strides = array<i32>} : memref<72x64xf32, #tpu.memory_space<vmem>>, vector<1x16xf32>,
      %swap3A_66 = arith.index_cast %scan3A_51 : i32 to index
      %swap3A_67 = arith.constant 48 : index
      %swap3A_68 = tpu.vector_load %arg13[%swap3A_66, %swap3A_67] {strides = array<i32>} : memref<72x64xf32, #tpu.memory_space<vmem>>, vector<1x16xf32>,
      %swap3A_69 = vector.shape_cast %swap3A_68 : vector<1x16xf32> to vector<16xf32>
      %swap3A_70 = vector.shape_cast %broadcast_in_dim3A_3 : vector<16xf32> to vector<1x16xf32>
      tpu.vector_store %arg13[%swap3A_66, %swap3A_67], %swap3A_70 {strides = array<i32>} : memref<72x64xf32, #tpu.memory_space<vmem>>, vector<1x16xf32>,
    }
    %scan3A_20 = arith.constant 72 : i32
    %scan3A_21 = arith.constant 0 : i32
    %scan3A_22 = arith.constant 0 : i32
    %scan3A_23 = arith.constant 320 : i32
    %scan3A_24 = arith.addi %scan3A_22, %scan3A_23 : i32
    %scan3A_25 = arith.constant 1 : i32
    scf.for %scan3A_51 = %scan3A_22 to %scan3A_24 step %scan3A_25  : i32 {
      %get3A = arith.index_cast %scan3A_51 : i32 to index
      %get3A_52 = tpu.vector_load %arg11[%get3A] {strides = array<i32>} : memref<336xi32, #tpu.memory_space<vmem>>, vector<16xi32>,
      %get3A_53 = vector.shape_cast %get3A_52 : vector<16xi32> to vector<16xi32>
      %slice3A = vector.extract_strided_slice %get3A_53 {offsets = [0], sizes = [1], strides = [1]} : vector<16xi32> to vector<1xi32>
      %squeeze3A = vector.extract %slice3A[0] : i32 from vector<1xi32>
      %get3A_54 = arith.index_cast %squeeze3A : i32 to index
      %get3A_55 = arith.constant 0 : index
      %get3A_56 = tpu.vector_load %arg13[%get3A_54, %get3A_55] {strides = array<i32>} : memref<72x64xf32, #tpu.memory_space<vmem>>, vector<1x16xf32>,
      %get3A_57 = vector.shape_cast %get3A_56 : vector<1x16xf32> to vector<16xf32>
      %get3A_58 = arith.index_cast %scan3A_51 : i32 to index
      %get3A_59 = arith.constant 0 : index
      %get3A_60 = tpu.vector_load %arg12[%get3A_58, %get3A_59] {strides = array<i32>} : memref<320x64xf32, #tpu.memory_space<vmem>>, vector<1x16xf32>,
      %get3A_61 = vector.shape_cast %get3A_60 : vector<1x16xf32> to vector<16xf32>
      %max3A = arith.maximumf %get3A_57, %get3A_61 : vector<16xf32>
      %swap3A = arith.index_cast %squeeze3A : i32 to index
      %swap3A_62 = arith.constant 0 : index
      %swap3A_63 = tpu.vector_load %arg13[%swap3A, %swap3A_62] {strides = array<i32>} : memref<72x64xf32, #tpu.memory_space<vmem>>, vector<1x16xf32>,
      %swap3A_64 = vector.shape_cast %swap3A_63 : vector<1x16xf32> to vector<16xf32>
      %swap3A_65 = vector.shape_cast %max3A : vector<16xf32> to vector<1x16xf32>
      tpu.vector_store %arg13[%swap3A, %swap3A_62], %swap3A_65 {strides = array<i32>} : memref<72x64xf32, #tpu.memory_space<vmem>>, vector<1x16xf32>,
      %get3A_66 = arith.index_cast %squeeze3A : i32 to index
      %get3A_67 = arith.constant 16 : index
      %get3A_68 = tpu.vector_load %arg13[%get3A_66, %get3A_67] {strides = array<i32>} : memref<72x64xf32, #tpu.memory_space<vmem>>, vector<1x16xf32>,
      %get3A_69 = vector.shape_cast %get3A_68 : vector<1x16xf32> to vector<16xf32>
      %get3A_70 = arith.index_cast %scan3A_51 : i32 to index
      %get3A_71 = arith.constant 16 : index
      %get3A_72 = tpu.vector_load %arg12[%get3A_70, %get3A_71] {strides = array<i32>} : memref<320x64xf32, #tpu.memory_space<vmem>>, vector<1x16xf32>,
      %get3A_73 = vector.shape_cast %get3A_72 : vector<1x16xf32> to vector<16xf32>
      %max3A_74 = arith.maximumf %get3A_69, %get3A_73 : vector<16xf32>
      %swap3A_75 = arith.index_cast %squeeze3A : i32 to index
      %swap3A_76 = arith.constant 16 : index
      %swap3A_77 = tpu.vector_load %arg13[%swap3A_75, %swap3A_76] {strides = array<i32>} : memref<72x64xf32, #tpu.memory_space<vmem>>, vector<1x16xf32>,
      %swap3A_78 = vector.shape_cast %swap3A_77 : vector<1x16xf32> to vector<16xf32>
      %swap3A_79 = vector.shape_cast %max3A_74 : vector<16xf32> to vector<1x16xf32>
      tpu.vector_store %arg13[%swap3A_75, %swap3A_76], %swap3A_79 {strides = array<i32>} : memref<72x64xf32, #tpu.memory_space<vmem>>, vector<1x16xf32>,
      %get3A_80 = arith.index_cast %squeeze3A : i32 to index
      %get3A_81 = arith.constant 32 : index
      %get3A_82 = tpu.vector_load %arg13[%get3A_80, %get3A_81] {strides = array<i32>} : memref<72x64xf32, #tpu.memory_space<vmem>>, vector<1x16xf32>,
      %get3A_83 = vector.shape_cast %get3A_82 : vector<1x16xf32> to vector<16xf32>
      %get3A_84 = arith.index_cast %scan3A_51 : i32 to index
      %get3A_85 = arith.constant 32 : index
      %get3A_86 = tpu.vector_load %arg12[%get3A_84, %get3A_85] {strides = array<i32>} : memref<320x64xf32, #tpu.memory_space<vmem>>, vector<1x16xf32>,
      %get3A_87 = vector.shape_cast %get3A_86 : vector<1x16xf32> to vector<16xf32>
      %max3A_88 = arith.maximumf %get3A_83, %get3A_87 : vector<16xf32>
      %swap3A_89 = arith.index_cast %squeeze3A : i32 to index
      %swap3A_90 = arith.constant 32 : index
      %swap3A_91 = tpu.vector_load %arg13[%swap3A_89, %swap3A_90] {strides = array<i32>} : memref<72x64xf32, #tpu.memory_space<vmem>>, vector<1x16xf32>,
      %swap3A_92 = vector.shape_cast %swap3A_91 : vector<1x16xf32> to vector<16xf32>
      %swap3A_93 = vector.shape_cast %max3A_88 : vector<16xf32> to vector<1x16xf32>
      tpu.vector_store %arg13[%swap3A_89, %swap3A_90], %swap3A_93 {strides = array<i32>} : memref<72x64xf32, #tpu.memory_space<vmem>>, vector<1x16xf32>,
      %get3A_94 = arith.index_cast %squeeze3A : i32 to index
      %get3A_95 = arith.constant 48 : index
      %get3A_96 = tpu.vector_load %arg13[%get3A_94, %get3A_95] {strides = array<i32>} : memref<72x64xf32, #tpu.memory_space<vmem>>, vector<1x16xf32>,
      %get3A_97 = vector.shape_cast %get3A_96 : vector<1x16xf32> to vector<16xf32>
      %get3A_98 = arith.index_cast %scan3A_51 : i32 to index
      %get3A_99 = arith.constant 48 : index
      %get3A_100 = tpu.vector_load %arg12[%get3A_98, %get3A_99] {strides = array<i32>} : memref<320x64xf32, #tpu.memory_space<vmem>>, vector<1x16xf32>,
      %get3A_101 = vector.shape_cast %get3A_100 : vector<1x16xf32> to vector<16xf32>
      %max3A_102 = arith.maximumf %get3A_97, %get3A_101 : vector<16xf32>
      %swap3A_103 = arith.index_cast %squeeze3A : i32 to index
      %swap3A_104 = arith.constant 48 : index
      %swap3A_105 = tpu.vector_load %arg13[%swap3A_103, %swap3A_104] {strides = array<i32>} : memref<72x64xf32, #tpu.memory_space<vmem>>, vector<1x16xf32>,
      %swap3A_106 = vector.shape_cast %swap3A_105 : vector<1x16xf32> to vector<16xf32>
      %swap3A_107 = vector.shape_cast %max3A_102 : vector<16xf32> to vector<1x16xf32>
      tpu.vector_store %arg13[%swap3A_103, %swap3A_104], %swap3A_107 {strides = array<i32>} : memref<72x64xf32, #tpu.memory_space<vmem>>, vector<1x16xf32>,
    }
    %scan3A_26 = arith.constant 320 : i32
    "tpu.region"() ({
      %run_scoped3A = tpu.sem_alloc : memref<!tpu.dma_semaphore, #tpu.memory_space<semaphore_mem>>
      %dma_start3A = arith.constant 0 : i32
      %dma_start3A_51 = arith.constant 0 : i32
      %dma_start3A_52 = tpu.memref_slice %arg8[%add3A, %dma_start3A, %dma_start3A_51] : memref<32x72x64xf32, #tpu.memory_space<hbm>> -> memref<1x72x64xf32, #tpu.memory_space<hbm>>
      %dma_start3A_53 = tpu.memref_squeeze %dma_start3A_52 : memref<1x72x64xf32, #tpu.memory_space<hbm>> -> memref<72x64xf32, #tpu.memory_space<hbm>>
      %dma_start3A_54 = arith.constant 0 : i32
      %dma_start3A_55 = arith.constant 0 : i32
      %dma_start3A_56 = tpu.memref_slice %arg8[%add3A, %dma_start3A_54, %dma_start3A_55] : memref<32x72x64xf32, #tpu.memory_space<hbm>> -> memref<1x72x64xf32, #tpu.memory_space<hbm>>
      %dma_start3A_57 = tpu.memref_squeeze %dma_start3A_56 : memref<1x72x64xf32, #tpu.memory_space<hbm>> -> memref<72x64xf32, #tpu.memory_space<hbm>>
      tpu.enqueue_dma source(%arg13 : memref<72x64xf32, #tpu.memory_space<vmem>>) target(%dma_start3A_57 : memref<72x64xf32, #tpu.memory_space<hbm>>) target_semaphore(%run_scoped3A : memref<!tpu.dma_semaphore, #tpu.memory_space<semaphore_mem>>)
      %dma_wait3A = arith.constant 0 : i32
      %dma_wait3A_58 = arith.constant 0 : i32
      %dma_wait3A_59 = tpu.memref_slice %arg8[%add3A, %dma_wait3A, %dma_wait3A_58] : memref<32x72x64xf32, #tpu.memory_space<hbm>> -> memref<1x72x64xf32, #tpu.memory_space<hbm>>
      %dma_wait3A_60 = tpu.memref_squeeze %dma_wait3A_59 : memref<1x72x64xf32, #tpu.memory_space<hbm>> -> memref<72x64xf32, #tpu.memory_space<hbm>>
      %dma_wait3A_61 = arith.constant 0 : i32
      %dma_wait3A_62 = arith.constant 0 : i32
      %dma_wait3A_63 = tpu.memref_slice %arg8[%add3A, %dma_wait3A_61, %dma_wait3A_62] : memref<32x72x64xf32, #tpu.memory_space<hbm>> -> memref<1x72x64xf32, #tpu.memory_space<hbm>>
      %dma_wait3A_64 = tpu.memref_squeeze %dma_wait3A_63 : memref<1x72x64xf32, #tpu.memory_space<hbm>> -> memref<72x64xf32, #tpu.memory_space<hbm>>
      tpu.wait_dma2 semaphore(%run_scoped3A : memref<!tpu.dma_semaphore, #tpu.memory_space<semaphore_mem>>) src(%arg13 : memref<72x64xf32, #tpu.memory_space<vmem>>) dst(%dma_wait3A_64 : memref<72x64xf32, #tpu.memory_space<hbm>>)
      tpu.yield
    }) : () -> ()
    "tpu.region"() ({
      %run_scoped3A = tpu.sem_alloc : memref<!tpu.dma_semaphore, #tpu.memory_space<semaphore_mem>>
      %dma_start3A = arith.constant 0 : i32
      %dma_start3A_51 = tpu.memref_slice %arg4[%mul3A_2, %dma_start3A] : memref<10240x64xf32, #tpu.memory_space<hbm>> -> memref<320x64xf32, #tpu.memory_space<hbm>>
      %dma_start3A_52 = arith.constant 0 : i32
      %dma_start3A_53 = tpu.memref_slice %arg4[%mul3A_2, %dma_start3A_52] : memref<10240x64xf32, #tpu.memory_space<hbm>> -> memref<320x64xf32, #tpu.memory_space<hbm>>
      tpu.enqueue_dma source(%dma_start3A_53 : memref<320x64xf32, #tpu.memory_space<hbm>>) target(%arg12 : memref<320x64xf32, #tpu.memory_space<vmem>>) target_semaphore(%run_scoped3A : memref<!tpu.dma_semaphore, #tpu.memory_space<semaphore_mem>>)
      %dma_wait3A = arith.constant 0 : i32
      %dma_wait3A_54 = tpu.memref_slice %arg4[%mul3A_2, %dma_wait3A] : memref<10240x64xf32, #tpu.memory_space<hbm>> -> memref<320x64xf32, #tpu.memory_space<hbm>>
      %dma_wait3A_55 = arith.constant 0 : i32
      %dma_wait3A_56 = tpu.memref_slice %arg4[%mul3A_2, %dma_wait3A_55] : memref<10240x64xf32, #tpu.memory_space<hbm>> -> memref<320x64xf32, #tpu.memory_space<hbm>>
      tpu.wait_dma2 semaphore(%run_scoped3A : memref<!tpu.dma_semaphore, #tpu.memory_space<semaphore_mem>>) src(%dma_wait3A_56 : memref<320x64xf32, #tpu.memory_space<hbm>>) dst(%arg12 : memref<320x64xf32, #tpu.memory_space<vmem>>)
      tpu.yield
    }) : () -> ()
    %scan3A_27 = arith.constant 0 : i32
    %scan3A_28 = arith.constant 0 : i32
    %scan3A_29 = arith.constant 72 : i32
    %scan3A_30 = arith.addi %scan3A_28, %scan3A_29 : i32
    %scan3A_31 = arith.constant 1 : i32
    scf.for %scan3A_51 = %scan3A_28 to %scan3A_30 step %scan3A_31  : i32 {
      %swap3A = arith.index_cast %scan3A_51 : i32 to index
      %swap3A_52 = arith.constant 0 : index
      %swap3A_53 = tpu.vector_load %arg13[%swap3A, %swap3A_52] {strides = array<i32>} : memref<72x64xf32, #tpu.memory_space<vmem>>, vector<1x16xf32>,
      %swap3A_54 = vector.shape_cast %swap3A_53 : vector<1x16xf32> to vector<16xf32>
      %swap3A_55 = vector.shape_cast %broadcast_in_dim3A_3 : vector<16xf32> to vector<1x16xf32>
      tpu.vector_store %arg13[%swap3A, %swap3A_52], %swap3A_55 {strides = array<i32>} : memref<72x64xf32, #tpu.memory_space<vmem>>, vector<1x16xf32>,
      %swap3A_56 = arith.index_cast %scan3A_51 : i32 to index
      %swap3A_57 = arith.constant 16 : index
      %swap3A_58 = tpu.vector_load %arg13[%swap3A_56, %swap3A_57] {strides = array<i32>} : memref<72x64xf32, #tpu.memory_space<vmem>>, vector<1x16xf32>,
      %swap3A_59 = vector.shape_cast %swap3A_58 : vector<1x16xf32> to vector<16xf32>
      %swap3A_60 = vector.shape_cast %broadcast_in_dim3A_3 : vector<16xf32> to vector<1x16xf32>
      tpu.vector_store %arg13[%swap3A_56, %swap3A_57], %swap3A_60 {strides = array<i32>} : memref<72x64xf32, #tpu.memory_space<vmem>>, vector<1x16xf32>,
      %swap3A_61 = arith.index_cast %scan3A_51 : i32 to index
      %swap3A_62 = arith.constant 32 : index
      %swap3A_63 = tpu.vector_load %arg13[%swap3A_61, %swap3A_62] {strides = array<i32>} : memref<72x64xf32, #tpu.memory_space<vmem>>, vector<1x16xf32>,
      %swap3A_64 = vector.shape_cast %swap3A_63 : vector<1x16xf32> to vector<16xf32>
      %swap3A_65 = vector.shape_cast %broadcast_in_dim3A_3 : vector<16xf32> to vector<1x16xf32>
      tpu.vector_store %arg13[%swap3A_61, %swap3A_62], %swap3A_65 {strides = array<i32>} : memref<72x64xf32, #tpu.memory_space<vmem>>, vector<1x16xf32>,
      %swap3A_66 = arith.index_cast %scan3A_51 : i32 to index
      %swap3A_67 = arith.constant 48 : index
      %swap3A_68 = tpu.vector_load %arg13[%swap3A_66, %swap3A_67] {strides = array<i32>} : memref<72x64xf32, #tpu.memory_space<vmem>>, vector<1x16xf32>,
      %swap3A_69 = vector.shape_cast %swap3A_68 : vector<1x16xf32> to vector<16xf32>
      %swap3A_70 = vector.shape_cast %broadcast_in_dim3A_3 : vector<16xf32> to vector<1x16xf32>
      tpu.vector_store %arg13[%swap3A_66, %swap3A_67], %swap3A_70 {strides = array<i32>} : memref<72x64xf32, #tpu.memory_space<vmem>>, vector<1x16xf32>,
    }
    %scan3A_32 = arith.constant 72 : i32
    %scan3A_33 = arith.constant 0 : i32
    %scan3A_34 = arith.constant 0 : i32
    %scan3A_35 = arith.constant 320 : i32
    %scan3A_36 = arith.addi %scan3A_34, %scan3A_35 : i32
    %scan3A_37 = arith.constant 1 : i32
    scf.for %scan3A_51 = %scan3A_34 to %scan3A_36 step %scan3A_37  : i32 {
      %get3A = arith.index_cast %scan3A_51 : i32 to index
      %get3A_52 = tpu.vector_load %arg11[%get3A] {strides = array<i32>} : memref<336xi32, #tpu.memory_space<vmem>>, vector<16xi32>,
      %get3A_53 = vector.shape_cast %get3A_52 : vector<16xi32> to vector<16xi32>
      %slice3A = vector.extract_strided_slice %get3A_53 {offsets = [0], sizes = [1], strides = [1]} : vector<16xi32> to vector<1xi32>
      %squeeze3A = vector.extract %slice3A[0] : i32 from vector<1xi32>
      %get3A_54 = arith.index_cast %squeeze3A : i32 to index
      %get3A_55 = arith.constant 0 : index
      %get3A_56 = tpu.vector_load %arg13[%get3A_54, %get3A_55] {strides = array<i32>} : memref<72x64xf32, #tpu.memory_space<vmem>>, vector<1x16xf32>,
      %get3A_57 = vector.shape_cast %get3A_56 : vector<1x16xf32> to vector<16xf32>
      %get3A_58 = arith.index_cast %scan3A_51 : i32 to index
      %get3A_59 = arith.constant 0 : index
      %get3A_60 = tpu.vector_load %arg12[%get3A_58, %get3A_59] {strides = array<i32>} : memref<320x64xf32, #tpu.memory_space<vmem>>, vector<1x16xf32>,
      %get3A_61 = vector.shape_cast %get3A_60 : vector<1x16xf32> to vector<16xf32>
      %max3A = arith.maximumf %get3A_57, %get3A_61 : vector<16xf32>
      %swap3A = arith.index_cast %squeeze3A : i32 to index
      %swap3A_62 = arith.constant 0 : index
      %swap3A_63 = tpu.vector_load %arg13[%swap3A, %swap3A_62] {strides = array<i32>} : memref<72x64xf32, #tpu.memory_space<vmem>>, vector<1x16xf32>,
      %swap3A_64 = vector.shape_cast %swap3A_63 : vector<1x16xf32> to vector<16xf32>
      %swap3A_65 = vector.shape_cast %max3A : vector<16xf32> to vector<1x16xf32>
      tpu.vector_store %arg13[%swap3A, %swap3A_62], %swap3A_65 {strides = array<i32>} : memref<72x64xf32, #tpu.memory_space<vmem>>, vector<1x16xf32>,
      %get3A_66 = arith.index_cast %squeeze3A : i32 to index
      %get3A_67 = arith.constant 16 : index
      %get3A_68 = tpu.vector_load %arg13[%get3A_66, %get3A_67] {strides = array<i32>} : memref<72x64xf32, #tpu.memory_space<vmem>>, vector<1x16xf32>,
      %get3A_69 = vector.shape_cast %get3A_68 : vector<1x16xf32> to vector<16xf32>
      %get3A_70 = arith.index_cast %scan3A_51 : i32 to index
      %get3A_71 = arith.constant 16 : index
      %get3A_72 = tpu.vector_load %arg12[%get3A_70, %get3A_71] {strides = array<i32>} : memref<320x64xf32, #tpu.memory_space<vmem>>, vector<1x16xf32>,
      %get3A_73 = vector.shape_cast %get3A_72 : vector<1x16xf32> to vector<16xf32>
      %max3A_74 = arith.maximumf %get3A_69, %get3A_73 : vector<16xf32>
      %swap3A_75 = arith.index_cast %squeeze3A : i32 to index
      %swap3A_76 = arith.constant 16 : index
      %swap3A_77 = tpu.vector_load %arg13[%swap3A_75, %swap3A_76] {strides = array<i32>} : memref<72x64xf32, #tpu.memory_space<vmem>>, vector<1x16xf32>,
      %swap3A_78 = vector.shape_cast %swap3A_77 : vector<1x16xf32> to vector<16xf32>
      %swap3A_79 = vector.shape_cast %max3A_74 : vector<16xf32> to vector<1x16xf32>
      tpu.vector_store %arg13[%swap3A_75, %swap3A_76], %swap3A_79 {strides = array<i32>} : memref<72x64xf32, #tpu.memory_space<vmem>>, vector<1x16xf32>,
      %get3A_80 = arith.index_cast %squeeze3A : i32 to index
      %get3A_81 = arith.constant 32 : index
      %get3A_82 = tpu.vector_load %arg13[%get3A_80, %get3A_81] {strides = array<i32>} : memref<72x64xf32, #tpu.memory_space<vmem>>, vector<1x16xf32>,
      %get3A_83 = vector.shape_cast %get3A_82 : vector<1x16xf32> to vector<16xf32>
      %get3A_84 = arith.index_cast %scan3A_51 : i32 to index
      %get3A_85 = arith.constant 32 : index
      %get3A_86 = tpu.vector_load %arg12[%get3A_84, %get3A_85] {strides = array<i32>} : memref<320x64xf32, #tpu.memory_space<vmem>>, vector<1x16xf32>,
      %get3A_87 = vector.shape_cast %get3A_86 : vector<1x16xf32> to vector<16xf32>
      %max3A_88 = arith.maximumf %get3A_83, %get3A_87 : vector<16xf32>
      %swap3A_89 = arith.index_cast %squeeze3A : i32 to index
      %swap3A_90 = arith.constant 32 : index
      %swap3A_91 = tpu.vector_load %arg13[%swap3A_89, %swap3A_90] {strides = array<i32>} : memref<72x64xf32, #tpu.memory_space<vmem>>, vector<1x16xf32>,
      %swap3A_92 = vector.shape_cast %swap3A_91 : vector<1x16xf32> to vector<16xf32>
      %swap3A_93 = vector.shape_cast %max3A_88 : vector<16xf32> to vector<1x16xf32>
      tpu.vector_store %arg13[%swap3A_89, %swap3A_90], %swap3A_93 {strides = array<i32>} : memref<72x64xf32, #tpu.memory_space<vmem>>, vector<1x16xf32>,
      %get3A_94 = arith.index_cast %squeeze3A : i32 to index
      %get3A_95 = arith.constant 48 : index
      %get3A_96 = tpu.vector_load %arg13[%get3A_94, %get3A_95] {strides = array<i32>} : memref<72x64xf32, #tpu.memory_space<vmem>>, vector<1x16xf32>,
      %get3A_97 = vector.shape_cast %get3A_96 : vector<1x16xf32> to vector<16xf32>
      %get3A_98 = arith.index_cast %scan3A_51 : i32 to index
      %get3A_99 = arith.constant 48 : index
      %get3A_100 = tpu.vector_load %arg12[%get3A_98, %get3A_99] {strides = array<i32>} : memref<320x64xf32, #tpu.memory_space<vmem>>, vector<1x16xf32>,
      %get3A_101 = vector.shape_cast %get3A_100 : vector<1x16xf32> to vector<16xf32>
      %max3A_102 = arith.maximumf %get3A_97, %get3A_101 : vector<16xf32>
      %swap3A_103 = arith.index_cast %squeeze3A : i32 to index
      %swap3A_104 = arith.constant 48 : index
      %swap3A_105 = tpu.vector_load %arg13[%swap3A_103, %swap3A_104] {strides = array<i32>} : memref<72x64xf32, #tpu.memory_space<vmem>>, vector<1x16xf32>,
      %swap3A_106 = vector.shape_cast %swap3A_105 : vector<1x16xf32> to vector<16xf32>
      %swap3A_107 = vector.shape_cast %max3A_102 : vector<16xf32> to vector<1x16xf32>
      tpu.vector_store %arg13[%swap3A_103, %swap3A_104], %swap3A_107 {strides = array<i32>} : memref<72x64xf32, #tpu.memory_space<vmem>>, vector<1x16xf32>,
    }
    %scan3A_38 = arith.constant 320 : i32
    "tpu.region"() ({
      %run_scoped3A = tpu.sem_alloc : memref<!tpu.dma_semaphore, #tpu.memory_space<semaphore_mem>>
      %dma_start3A = arith.constant 0 : i32
      %dma_start3A_51 = arith.constant 0 : i32
      %dma_start3A_52 = tpu.memref_slice %arg9[%add3A, %dma_start3A, %dma_start3A_51] : memref<32x72x64xf32, #tpu.memory_space<hbm>> -> memref<1x72x64xf32, #tpu.memory_space<hbm>>
      %dma_start3A_53 = tpu.memref_squeeze %dma_start3A_52 : memref<1x72x64xf32, #tpu.memory_space<hbm>> -> memref<72x64xf32, #tpu.memory_space<hbm>>
      %dma_start3A_54 = arith.constant 0 : i32
      %dma_start3A_55 = arith.constant 0 : i32
      %dma_start3A_56 = tpu.memref_slice %arg9[%add3A, %dma_start3A_54, %dma_start3A_55] : memref<32x72x64xf32, #tpu.memory_space<hbm>> -> memref<1x72x64xf32, #tpu.memory_space<hbm>>
      %dma_start3A_57 = tpu.memref_squeeze %dma_start3A_56 : memref<1x72x64xf32, #tpu.memory_space<hbm>> -> memref<72x64xf32, #tpu.memory_space<hbm>>
      tpu.enqueue_dma source(%arg13 : memref<72x64xf32, #tpu.memory_space<vmem>>) target(%dma_start3A_57 : memref<72x64xf32, #tpu.memory_space<hbm>>) target_semaphore(%run_scoped3A : memref<!tpu.dma_semaphore, #tpu.memory_space<semaphore_mem>>)
      %dma_wait3A = arith.constant 0 : i32
      %dma_wait3A_58 = arith.constant 0 : i32
      %dma_wait3A_59 = tpu.memref_slice %arg9[%add3A, %dma_wait3A, %dma_wait3A_58] : memref<32x72x64xf32, #tpu.memory_space<hbm>> -> memref<1x72x64xf32, #tpu.memory_space<hbm>>
      %dma_wait3A_60 = tpu.memref_squeeze %dma_wait3A_59 : memref<1x72x64xf32, #tpu.memory_space<hbm>> -> memref<72x64xf32, #tpu.memory_space<hbm>>
      %dma_wait3A_61 = arith.constant 0 : i32
      %dma_wait3A_62 = arith.constant 0 : i32
      %dma_wait3A_63 = tpu.memref_slice %arg9[%add3A, %dma_wait3A_61, %dma_wait3A_62] : memref<32x72x64xf32, #tpu.memory_space<hbm>> -> memref<1x72x64xf32, #tpu.memory_space<hbm>>
      %dma_wait3A_64 = tpu.memref_squeeze %dma_wait3A_63 : memref<1x72x64xf32, #tpu.memory_space<hbm>> -> memref<72x64xf32, #tpu.memory_space<hbm>>
      tpu.wait_dma2 semaphore(%run_scoped3A : memref<!tpu.dma_semaphore, #tpu.memory_space<semaphore_mem>>) src(%arg13 : memref<72x64xf32, #tpu.memory_space<vmem>>) dst(%dma_wait3A_64 : memref<72x64xf32, #tpu.memory_space<hbm>>)
      tpu.yield
    }) : () -> ()
    "tpu.region"() ({
      %run_scoped3A = tpu.sem_alloc : memref<!tpu.dma_semaphore, #tpu.memory_space<semaphore_mem>>
      %dma_start3A = arith.constant 0 : i32
      %dma_start3A_51 = tpu.memref_slice %arg5[%mul3A_2, %dma_start3A] : memref<10240x64xf32, #tpu.memory_space<hbm>> -> memref<320x64xf32, #tpu.memory_space<hbm>>
      %dma_start3A_52 = arith.constant 0 : i32
      %dma_start3A_53 = tpu.memref_slice %arg5[%mul3A_2, %dma_start3A_52] : memref<10240x64xf32, #tpu.memory_space<hbm>> -> memref<320x64xf32, #tpu.memory_space<hbm>>
      tpu.enqueue_dma source(%dma_start3A_53 : memref<320x64xf32, #tpu.memory_space<hbm>>) target(%arg12 : memref<320x64xf32, #tpu.memory_space<vmem>>) target_semaphore(%run_scoped3A : memref<!tpu.dma_semaphore, #tpu.memory_space<semaphore_mem>>)
      %dma_wait3A = arith.constant 0 : i32
      %dma_wait3A_54 = tpu.memref_slice %arg5[%mul3A_2, %dma_wait3A] : memref<10240x64xf32, #tpu.memory_space<hbm>> -> memref<320x64xf32, #tpu.memory_space<hbm>>
      %dma_wait3A_55 = arith.constant 0 : i32
      %dma_wait3A_56 = tpu.memref_slice %arg5[%mul3A_2, %dma_wait3A_55] : memref<10240x64xf32, #tpu.memory_space<hbm>> -> memref<320x64xf32, #tpu.memory_space<hbm>>
      tpu.wait_dma2 semaphore(%run_scoped3A : memref<!tpu.dma_semaphore, #tpu.memory_space<semaphore_mem>>) src(%dma_wait3A_56 : memref<320x64xf32, #tpu.memory_space<hbm>>) dst(%arg12 : memref<320x64xf32, #tpu.memory_space<vmem>>)
      tpu.yield
    }) : () -> ()
    %scan3A_39 = arith.constant 0 : i32
    %scan3A_40 = arith.constant 0 : i32
    %scan3A_41 = arith.constant 72 : i32
    %scan3A_42 = arith.addi %scan3A_40, %scan3A_41 : i32
    %scan3A_43 = arith.constant 1 : i32
    scf.for %scan3A_51 = %scan3A_40 to %scan3A_42 step %scan3A_43  : i32 {
      %swap3A = arith.index_cast %scan3A_51 : i32 to index
      %swap3A_52 = arith.constant 0 : index
      %swap3A_53 = tpu.vector_load %arg13[%swap3A, %swap3A_52] {strides = array<i32>} : memref<72x64xf32, #tpu.memory_space<vmem>>, vector<1x16xf32>,
      %swap3A_54 = vector.shape_cast %swap3A_53 : vector<1x16xf32> to vector<16xf32>
      %swap3A_55 = vector.shape_cast %broadcast_in_dim3A_3 : vector<16xf32> to vector<1x16xf32>
      tpu.vector_store %arg13[%swap3A, %swap3A_52], %swap3A_55 {strides = array<i32>} : memref<72x64xf32, #tpu.memory_space<vmem>>, vector<1x16xf32>,
      %swap3A_56 = arith.index_cast %scan3A_51 : i32 to index
      %swap3A_57 = arith.constant 16 : index
      %swap3A_58 = tpu.vector_load %arg13[%swap3A_56, %swap3A_57] {strides = array<i32>} : memref<72x64xf32, #tpu.memory_space<vmem>>, vector<1x16xf32>,
      %swap3A_59 = vector.shape_cast %swap3A_58 : vector<1x16xf32> to vector<16xf32>
      %swap3A_60 = vector.shape_cast %broadcast_in_dim3A_3 : vector<16xf32> to vector<1x16xf32>
      tpu.vector_store %arg13[%swap3A_56, %swap3A_57], %swap3A_60 {strides = array<i32>} : memref<72x64xf32, #tpu.memory_space<vmem>>, vector<1x16xf32>,
      %swap3A_61 = arith.index_cast %scan3A_51 : i32 to index
      %swap3A_62 = arith.constant 32 : index
      %swap3A_63 = tpu.vector_load %arg13[%swap3A_61, %swap3A_62] {strides = array<i32>} : memref<72x64xf32, #tpu.memory_space<vmem>>, vector<1x16xf32>,
      %swap3A_64 = vector.shape_cast %swap3A_63 : vector<1x16xf32> to vector<16xf32>
      %swap3A_65 = vector.shape_cast %broadcast_in_dim3A_3 : vector<16xf32> to vector<1x16xf32>
      tpu.vector_store %arg13[%swap3A_61, %swap3A_62], %swap3A_65 {strides = array<i32>} : memref<72x64xf32, #tpu.memory_space<vmem>>, vector<1x16xf32>,
      %swap3A_66 = arith.index_cast %scan3A_51 : i32 to index
      %swap3A_67 = arith.constant 48 : index
      %swap3A_68 = tpu.vector_load %arg13[%swap3A_66, %swap3A_67] {strides = array<i32>} : memref<72x64xf32, #tpu.memory_space<vmem>>, vector<1x16xf32>,
      %swap3A_69 = vector.shape_cast %swap3A_68 : vector<1x16xf32> to vector<16xf32>
      %swap3A_70 = vector.shape_cast %broadcast_in_dim3A_3 : vector<16xf32> to vector<1x16xf32>
      tpu.vector_store %arg13[%swap3A_66, %swap3A_67], %swap3A_70 {strides = array<i32>} : memref<72x64xf32, #tpu.memory_space<vmem>>, vector<1x16xf32>,
    }
    %scan3A_44 = arith.constant 72 : i32
    %scan3A_45 = arith.constant 0 : i32
    %scan3A_46 = arith.constant 0 : i32
    %scan3A_47 = arith.constant 320 : i32
    %scan3A_48 = arith.addi %scan3A_46, %scan3A_47 : i32
    %scan3A_49 = arith.constant 1 : i32
    scf.for %scan3A_51 = %scan3A_46 to %scan3A_48 step %scan3A_49  : i32 {
      %get3A = arith.index_cast %scan3A_51 : i32 to index
      %get3A_52 = tpu.vector_load %arg11[%get3A] {strides = array<i32>} : memref<336xi32, #tpu.memory_space<vmem>>, vector<16xi32>,
      %get3A_53 = vector.shape_cast %get3A_52 : vector<16xi32> to vector<16xi32>
      %slice3A = vector.extract_strided_slice %get3A_53 {offsets = [0], sizes = [1], strides = [1]} : vector<16xi32> to vector<1xi32>
      %squeeze3A = vector.extract %slice3A[0] : i32 from vector<1xi32>
      %get3A_54 = arith.index_cast %squeeze3A : i32 to index
      %get3A_55 = arith.constant 0 : index
      %get3A_56 = tpu.vector_load %arg13[%get3A_54, %get3A_55] {strides = array<i32>} : memref<72x64xf32, #tpu.memory_space<vmem>>, vector<1x16xf32>,
      %get3A_57 = vector.shape_cast %get3A_56 : vector<1x16xf32> to vector<16xf32>
      %get3A_58 = arith.index_cast %scan3A_51 : i32 to index
      %get3A_59 = arith.constant 0 : index
      %get3A_60 = tpu.vector_load %arg12[%get3A_58, %get3A_59] {strides = array<i32>} : memref<320x64xf32, #tpu.memory_space<vmem>>, vector<1x16xf32>,
      %get3A_61 = vector.shape_cast %get3A_60 : vector<1x16xf32> to vector<16xf32>
      %max3A = arith.maximumf %get3A_57, %get3A_61 : vector<16xf32>
      %swap3A = arith.index_cast %squeeze3A : i32 to index
      %swap3A_62 = arith.constant 0 : index
      %swap3A_63 = tpu.vector_load %arg13[%swap3A, %swap3A_62] {strides = array<i32>} : memref<72x64xf32, #tpu.memory_space<vmem>>, vector<1x16xf32>,
      %swap3A_64 = vector.shape_cast %swap3A_63 : vector<1x16xf32> to vector<16xf32>
      %swap3A_65 = vector.shape_cast %max3A : vector<16xf32> to vector<1x16xf32>
      tpu.vector_store %arg13[%swap3A, %swap3A_62], %swap3A_65 {strides = array<i32>} : memref<72x64xf32, #tpu.memory_space<vmem>>, vector<1x16xf32>,
      %get3A_66 = arith.index_cast %squeeze3A : i32 to index
      %get3A_67 = arith.constant 16 : index
      %get3A_68 = tpu.vector_load %arg13[%get3A_66, %get3A_67] {strides = array<i32>} : memref<72x64xf32, #tpu.memory_space<vmem>>, vector<1x16xf32>,
      %get3A_69 = vector.shape_cast %get3A_68 : vector<1x16xf32> to vector<16xf32>
      %get3A_70 = arith.index_cast %scan3A_51 : i32 to index
      %get3A_71 = arith.constant 16 : index
      %get3A_72 = tpu.vector_load %arg12[%get3A_70, %get3A_71] {strides = array<i32>} : memref<320x64xf32, #tpu.memory_space<vmem>>, vector<1x16xf32>,
      %get3A_73 = vector.shape_cast %get3A_72 : vector<1x16xf32> to vector<16xf32>
      %max3A_74 = arith.maximumf %get3A_69, %get3A_73 : vector<16xf32>
      %swap3A_75 = arith.index_cast %squeeze3A : i32 to index
      %swap3A_76 = arith.constant 16 : index
      %swap3A_77 = tpu.vector_load %arg13[%swap3A_75, %swap3A_76] {strides = array<i32>} : memref<72x64xf32, #tpu.memory_space<vmem>>, vector<1x16xf32>,
      %swap3A_78 = vector.shape_cast %swap3A_77 : vector<1x16xf32> to vector<16xf32>
      %swap3A_79 = vector.shape_cast %max3A_74 : vector<16xf32> to vector<1x16xf32>
      tpu.vector_store %arg13[%swap3A_75, %swap3A_76], %swap3A_79 {strides = array<i32>} : memref<72x64xf32, #tpu.memory_space<vmem>>, vector<1x16xf32>,
      %get3A_80 = arith.index_cast %squeeze3A : i32 to index
      %get3A_81 = arith.constant 32 : index
      %get3A_82 = tpu.vector_load %arg13[%get3A_80, %get3A_81] {strides = array<i32>} : memref<72x64xf32, #tpu.memory_space<vmem>>, vector<1x16xf32>,
      %get3A_83 = vector.shape_cast %get3A_82 : vector<1x16xf32> to vector<16xf32>
      %get3A_84 = arith.index_cast %scan3A_51 : i32 to index
      %get3A_85 = arith.constant 32 : index
      %get3A_86 = tpu.vector_load %arg12[%get3A_84, %get3A_85] {strides = array<i32>} : memref<320x64xf32, #tpu.memory_space<vmem>>, vector<1x16xf32>,
      %get3A_87 = vector.shape_cast %get3A_86 : vector<1x16xf32> to vector<16xf32>
      %max3A_88 = arith.maximumf %get3A_83, %get3A_87 : vector<16xf32>
      %swap3A_89 = arith.index_cast %squeeze3A : i32 to index
      %swap3A_90 = arith.constant 32 : index
      %swap3A_91 = tpu.vector_load %arg13[%swap3A_89, %swap3A_90] {strides = array<i32>} : memref<72x64xf32, #tpu.memory_space<vmem>>, vector<1x16xf32>,
      %swap3A_92 = vector.shape_cast %swap3A_91 : vector<1x16xf32> to vector<16xf32>
      %swap3A_93 = vector.shape_cast %max3A_88 : vector<16xf32> to vector<1x16xf32>
      tpu.vector_store %arg13[%swap3A_89, %swap3A_90], %swap3A_93 {strides = array<i32>} : memref<72x64xf32, #tpu.memory_space<vmem>>, vector<1x16xf32>,
      %get3A_94 = arith.index_cast %squeeze3A : i32 to index
      %get3A_95 = arith.constant 48 : index
      %get3A_96 = tpu.vector_load %arg13[%get3A_94, %get3A_95] {strides = array<i32>} : memref<72x64xf32, #tpu.memory_space<vmem>>, vector<1x16xf32>,
      %get3A_97 = vector.shape_cast %get3A_96 : vector<1x16xf32> to vector<16xf32>
      %get3A_98 = arith.index_cast %scan3A_51 : i32 to index
      %get3A_99 = arith.constant 48 : index
      %get3A_100 = tpu.vector_load %arg12[%get3A_98, %get3A_99] {strides = array<i32>} : memref<320x64xf32, #tpu.memory_space<vmem>>, vector<1x16xf32>,
      %get3A_101 = vector.shape_cast %get3A_100 : vector<1x16xf32> to vector<16xf32>
      %max3A_102 = arith.maximumf %get3A_97, %get3A_101 : vector<16xf32>
      %swap3A_103 = arith.index_cast %squeeze3A : i32 to index
      %swap3A_104 = arith.constant 48 : index
      %swap3A_105 = tpu.vector_load %arg13[%swap3A_103, %swap3A_104] {strides = array<i32>} : memref<72x64xf32, #tpu.memory_space<vmem>>, vector<1x16xf32>,
      %swap3A_106 = vector.shape_cast %swap3A_105 : vector<1x16xf32> to vector<16xf32>
      %swap3A_107 = vector.shape_cast %max3A_102 : vector<16xf32> to vector<1x16xf32>
      tpu.vector_store %arg13[%swap3A_103, %swap3A_104], %swap3A_107 {strides = array<i32>} : memref<72x64xf32, #tpu.memory_space<vmem>>, vector<1x16xf32>,
    }
    %scan3A_50 = arith.constant 320 : i32
    "tpu.region"() ({
      %run_scoped3A = tpu.sem_alloc : memref<!tpu.dma_semaphore, #tpu.memory_space<semaphore_mem>>
      %dma_start3A = arith.constant 0 : i32
      %dma_start3A_51 = arith.constant 0 : i32
      %dma_start3A_52 = tpu.memref_slice %arg10[%add3A, %dma_start3A, %dma_start3A_51] : memref<32x72x64xf32, #tpu.memory_space<hbm>> -> memref<1x72x64xf32, #tpu.memory_space<hbm>>
      %dma_start3A_53 = tpu.memref_squeeze %dma_start3A_52 : memref<1x72x64xf32, #tpu.memory_space<hbm>> -> memref<72x64xf32, #tpu.memory_space<hbm>>
      %dma_start3A_54 = arith.constant 0 : i32
      %dma_start3A_55 = arith.constant 0 : i32
      %dma_start3A_56 = tpu.memref_slice %arg10[%add3A, %dma_start3A_54, %dma_start3A_55] : memref<32x72x64xf32, #tpu.memory_space<hbm>> -> memref<1x72x64xf32, #tpu.memory_space<hbm>>
      %dma_start3A_57 = tpu.memref_squeeze %dma_start3A_56 : memref<1x72x64xf32, #tpu.memory_space<hbm>> -> memref<72x64xf32, #tpu.memory_space<hbm>>
      tpu.enqueue_dma source(%arg13 : memref<72x64xf32, #tpu.memory_space<vmem>>) target(%dma_start3A_57 : memref<72x64xf32, #tpu.memory_space<hbm>>) target_semaphore(%run_scoped3A : memref<!tpu.dma_semaphore, #tpu.memory_space<semaphore_mem>>)
      %dma_wait3A = arith.constant 0 : i32
      %dma_wait3A_58 = arith.constant 0 : i32
      %dma_wait3A_59 = tpu.memref_slice %arg10[%add3A, %dma_wait3A, %dma_wait3A_58] : memref<32x72x64xf32, #tpu.memory_space<hbm>> -> memref<1x72x64xf32, #tpu.memory_space<hbm>>
      %dma_wait3A_60 = tpu.memref_squeeze %dma_wait3A_59 : memref<1x72x64xf32, #tpu.memory_space<hbm>> -> memref<72x64xf32, #tpu.memory_space<hbm>>
      %dma_wait3A_61 = arith.constant 0 : i32
      %dma_wait3A_62 = arith.constant 0 : i32
      %dma_wait3A_63 = tpu.memref_slice %arg10[%add3A, %dma_wait3A_61, %dma_wait3A_62] : memref<32x72x64xf32, #tpu.memory_space<hbm>> -> memref<1x72x64xf32, #tpu.memory_space<hbm>>
      %dma_wait3A_64 = tpu.memref_squeeze %dma_wait3A_63 : memref<1x72x64xf32, #tpu.memory_space<hbm>> -> memref<72x64xf32, #tpu.memory_space<hbm>>
      tpu.wait_dma2 semaphore(%run_scoped3A : memref<!tpu.dma_semaphore, #tpu.memory_space<semaphore_mem>>) src(%arg13 : memref<72x64xf32, #tpu.memory_space<vmem>>) dst(%dma_wait3A_64 : memref<72x64xf32, #tpu.memory_space<hbm>>)
      tpu.yield
    }) : () -> ()
    return
  }
}

module attributes {stable_mosaic.version = 14 : i64} {
  func.func @_tc_layer_body(%arg0: memref<10000x128xf32, #tpu.memory_space<vmem>>, %arg1: memref<2x10112x128xf32, #tpu.memory_space<vmem>>, %arg2: memref<128x64xf32, #tpu.memory_space<vmem>>, %arg3: memref<1x64xf32, #tpu.memory_space<vmem>>, %arg4: memref<1x64xf32, #tpu.memory_space<vmem>>, %arg5: memref<1x64xf32, #tpu.memory_space<vmem>>, %arg6: memref<64x64xf32, #tpu.memory_space<vmem>>, %arg7: memref<1x64xf32, #tpu.memory_space<vmem>>, %arg8: memref<1x64xf32, #tpu.memory_space<vmem>>, %arg9: memref<1x64xf32, #tpu.memory_space<vmem>>, %arg10: memref<64x64xf32, #tpu.memory_space<vmem>>, %arg11: memref<1x64xf32, #tpu.memory_space<vmem>>, %arg12: memref<10240x64xf32, #tpu.memory_space<vmem>>) attributes {dimension_semantics = [], scalar_prefetch = 0 : i64, scratch_operands = 0 : i64, tpu.core_type = #tpu.core_type<tc>} {
    %get3A = arith.constant 0 : index
    %get3A_0 = arith.constant 0 : index
    %get3A_1 = vector.load %arg0[%get3A, %get3A_0] : memref<10000x128xf32, #tpu.memory_space<vmem>>, vector<10000x128xf32>
    %get3A_2 = arith.constant 0 : index
    %get3A_3 = arith.constant 0 : index
    %get3A_4 = arith.constant 0 : index
    %get3A_5 = vector.load %arg1[%get3A_2, %get3A_3, %get3A_4] : memref<2x10112x128xf32, #tpu.memory_space<vmem>>, vector<1x10000x128xf32>
    %get3A_6 = vector.shape_cast %get3A_5 : vector<1x10000x128xf32> to vector<10000x128xf32>
    %add3A = arith.addf %get3A_1, %get3A_6 : vector<10000x128xf32>
    %get3A_7 = arith.constant 1 : index
    %get3A_8 = arith.constant 0 : index
    %get3A_9 = arith.constant 0 : index
    %get3A_10 = vector.load %arg1[%get3A_7, %get3A_8, %get3A_9] : memref<2x10112x128xf32, #tpu.memory_space<vmem>>, vector<1x10000x128xf32>
    %get3A_11 = vector.shape_cast %get3A_10 : vector<1x10000x128xf32> to vector<10000x128xf32>
    %add3A_12 = arith.addf %add3A, %get3A_11 : vector<10000x128xf32>
    %get3A_13 = arith.constant 0 : index
    %get3A_14 = arith.constant 0 : index
    %get3A_15 = vector.load %arg2[%get3A_13, %get3A_14] : memref<128x64xf32, #tpu.memory_space<vmem>>, vector<128x64xf32>
    %convert_element_type3A = arith.truncf %add3A_12 : vector<10000x128xf32> to vector<10000x128xbf16>
    %convert_element_type3A_16 = arith.truncf %get3A_15 : vector<128x64xf32> to vector<128x64xbf16>
    %dot_general3A = arith.constant dense<0.000000e+00> : vector<10000x64xf32>
    %dot_general3A_17 = tpu.matmul %convert_element_type3A, %convert_element_type3A_16, %dot_general3A {dimension_numbers = #tpu.dot_dimension_numbers<[1], [0], [0], [1], [0, 0, 1, 1], [], []>, transpose_lhs_hint = false} : vector<10000x128xbf16>, vector<128x64xbf16>, vector<10000x64xf32> -> vector<10000x64xf32>
    %get3A_18 = arith.constant 0 : index
    %get3A_19 = arith.constant 0 : index
    %get3A_20 = vector.load %arg3[%get3A_18, %get3A_19] : memref<1x64xf32, #tpu.memory_space<vmem>>, vector<1x64xf32>
    %add3A_21 = vector.broadcast %get3A_20 : vector<1x64xf32> to vector<10000x64xf32>
    %add3A_22 = arith.addf %dot_general3A_17, %add3A_21 : vector<10000x64xf32>
    %get3A_23 = arith.constant 0 : index
    %get3A_24 = arith.constant 0 : index
    %get3A_25 = vector.load %arg4[%get3A_23, %get3A_24] : memref<1x64xf32, #tpu.memory_space<vmem>>, vector<1x64xf32>
    %get3A_26 = arith.constant 0 : index
    %get3A_27 = arith.constant 0 : index
    %get3A_28 = vector.load %arg5[%get3A_26, %get3A_27] : memref<1x64xf32, #tpu.memory_space<vmem>>, vector<1x64xf32>
    %reduce_sum3A = arith.constant dense<0.000000e+00> : vector<64xf32>
    %reduce_sum3A_29 = vector.multi_reduction <add>, %add3A_22, %reduce_sum3A [0] : vector<10000x64xf32> to vector<64xf32>
    %broadcast_in_dim3A = vector.shape_cast %reduce_sum3A_29 : vector<64xf32> to vector<1x64xf32>
    %div3A = arith.constant 1.000000e+04 : f32
    %div3A_30 = vector.broadcast %div3A : f32 to vector<1x64xf32>
    %div3A_31 = arith.divf %broadcast_in_dim3A, %div3A_30 : vector<1x64xf32>
    %sub3A = vector.broadcast %div3A_31 : vector<1x64xf32> to vector<10000x64xf32>
    %sub3A_32 = arith.subf %add3A_22, %sub3A : vector<10000x64xf32>
    %mul3A = arith.mulf %sub3A_32, %sub3A_32 : vector<10000x64xf32>
    %reduce_sum3A_33 = arith.constant dense<0.000000e+00> : vector<64xf32>
    %reduce_sum3A_34 = vector.multi_reduction <add>, %mul3A, %reduce_sum3A_33 [0] : vector<10000x64xf32> to vector<64xf32>
    %broadcast_in_dim3A_35 = vector.shape_cast %reduce_sum3A_34 : vector<64xf32> to vector<1x64xf32>
    %div3A_36 = arith.constant 1.000000e+04 : f32
    %div3A_37 = vector.broadcast %div3A_36 : f32 to vector<1x64xf32>
    %div3A_38 = arith.divf %broadcast_in_dim3A_35, %div3A_37 : vector<1x64xf32>
    %add3A_39 = arith.constant 9.99999974E-6 : f32
    %add3A_40 = vector.broadcast %add3A_39 : f32 to vector<1x64xf32>
    %add3A_41 = arith.addf %div3A_38, %add3A_40 : vector<1x64xf32>
    %rsqrt3A = math.rsqrt %add3A_41 : vector<1x64xf32>
    %mul3A_42 = vector.broadcast %rsqrt3A : vector<1x64xf32> to vector<10000x64xf32>
    %mul3A_43 = arith.mulf %sub3A_32, %mul3A_42 : vector<10000x64xf32>
    %mul3A_44 = vector.broadcast %get3A_25 : vector<1x64xf32> to vector<10000x64xf32>
    %mul3A_45 = arith.mulf %mul3A_44, %mul3A_43 : vector<10000x64xf32>
    %add3A_46 = vector.broadcast %get3A_28 : vector<1x64xf32> to vector<10000x64xf32>
    %add3A_47 = arith.addf %mul3A_45, %add3A_46 : vector<10000x64xf32>
    %max3A = arith.constant 0.000000e+00 : f32
    %max3A_48 = vector.broadcast %max3A : f32 to vector<10000x64xf32>
    %max3A_49 = arith.maximumf %add3A_47, %max3A_48 : vector<10000x64xf32>
    %get3A_50 = arith.constant 0 : index
    %get3A_51 = arith.constant 0 : index
    %get3A_52 = vector.load %arg6[%get3A_50, %get3A_51] : memref<64x64xf32, #tpu.memory_space<vmem>>, vector<64x64xf32>
    %convert_element_type3A_53 = arith.truncf %max3A_49 : vector<10000x64xf32> to vector<10000x64xbf16>
    %convert_element_type3A_54 = arith.truncf %get3A_52 : vector<64x64xf32> to vector<64x64xbf16>
    %dot_general3A_55 = arith.constant dense<0.000000e+00> : vector<10000x64xf32>
    %dot_general3A_56 = tpu.matmul %convert_element_type3A_53, %convert_element_type3A_54, %dot_general3A_55 {dimension_numbers = #tpu.dot_dimension_numbers<[1], [0], [0], [1], [0, 0, 1, 1], [], []>, transpose_lhs_hint = false} : vector<10000x64xbf16>, vector<64x64xbf16>, vector<10000x64xf32> -> vector<10000x64xf32>
    %get3A_57 = arith.constant 0 : index
    %get3A_58 = arith.constant 0 : index
    %get3A_59 = vector.load %arg7[%get3A_57, %get3A_58] : memref<1x64xf32, #tpu.memory_space<vmem>>, vector<1x64xf32>
    %add3A_60 = vector.broadcast %get3A_59 : vector<1x64xf32> to vector<10000x64xf32>
    %add3A_61 = arith.addf %dot_general3A_56, %add3A_60 : vector<10000x64xf32>
    %get3A_62 = arith.constant 0 : index
    %get3A_63 = arith.constant 0 : index
    %get3A_64 = vector.load %arg8[%get3A_62, %get3A_63] : memref<1x64xf32, #tpu.memory_space<vmem>>, vector<1x64xf32>
    %get3A_65 = arith.constant 0 : index
    %get3A_66 = arith.constant 0 : index
    %get3A_67 = vector.load %arg9[%get3A_65, %get3A_66] : memref<1x64xf32, #tpu.memory_space<vmem>>, vector<1x64xf32>
    %reduce_sum3A_68 = arith.constant dense<0.000000e+00> : vector<64xf32>
    %reduce_sum3A_69 = vector.multi_reduction <add>, %add3A_61, %reduce_sum3A_68 [0] : vector<10000x64xf32> to vector<64xf32>
    %broadcast_in_dim3A_70 = vector.shape_cast %reduce_sum3A_69 : vector<64xf32> to vector<1x64xf32>
    %div3A_71 = arith.constant 1.000000e+04 : f32
    %div3A_72 = vector.broadcast %div3A_71 : f32 to vector<1x64xf32>
    %div3A_73 = arith.divf %broadcast_in_dim3A_70, %div3A_72 : vector<1x64xf32>
    %sub3A_74 = vector.broadcast %div3A_73 : vector<1x64xf32> to vector<10000x64xf32>
    %sub3A_75 = arith.subf %add3A_61, %sub3A_74 : vector<10000x64xf32>
    %mul3A_76 = arith.mulf %sub3A_75, %sub3A_75 : vector<10000x64xf32>
    %reduce_sum3A_77 = arith.constant dense<0.000000e+00> : vector<64xf32>
    %reduce_sum3A_78 = vector.multi_reduction <add>, %mul3A_76, %reduce_sum3A_77 [0] : vector<10000x64xf32> to vector<64xf32>
    %broadcast_in_dim3A_79 = vector.shape_cast %reduce_sum3A_78 : vector<64xf32> to vector<1x64xf32>
    %div3A_80 = arith.constant 1.000000e+04 : f32
    %div3A_81 = vector.broadcast %div3A_80 : f32 to vector<1x64xf32>
    %div3A_82 = arith.divf %broadcast_in_dim3A_79, %div3A_81 : vector<1x64xf32>
    %add3A_83 = arith.constant 9.99999974E-6 : f32
    %add3A_84 = vector.broadcast %add3A_83 : f32 to vector<1x64xf32>
    %add3A_85 = arith.addf %div3A_82, %add3A_84 : vector<1x64xf32>
    %rsqrt3A_86 = math.rsqrt %add3A_85 : vector<1x64xf32>
    %mul3A_87 = vector.broadcast %rsqrt3A_86 : vector<1x64xf32> to vector<10000x64xf32>
    %mul3A_88 = arith.mulf %sub3A_75, %mul3A_87 : vector<10000x64xf32>
    %mul3A_89 = vector.broadcast %get3A_64 : vector<1x64xf32> to vector<10000x64xf32>
    %mul3A_90 = arith.mulf %mul3A_89, %mul3A_88 : vector<10000x64xf32>
    %add3A_91 = vector.broadcast %get3A_67 : vector<1x64xf32> to vector<10000x64xf32>
    %add3A_92 = arith.addf %mul3A_90, %add3A_91 : vector<10000x64xf32>
    %max3A_93 = arith.constant 0.000000e+00 : f32
    %max3A_94 = vector.broadcast %max3A_93 : f32 to vector<10000x64xf32>
    %max3A_95 = arith.maximumf %add3A_92, %max3A_94 : vector<10000x64xf32>
    %get3A_96 = arith.constant 0 : index
    %get3A_97 = arith.constant 0 : index
    %get3A_98 = vector.load %arg10[%get3A_96, %get3A_97] : memref<64x64xf32, #tpu.memory_space<vmem>>, vector<64x64xf32>
    %convert_element_type3A_99 = arith.truncf %max3A_95 : vector<10000x64xf32> to vector<10000x64xbf16>
    %convert_element_type3A_100 = arith.truncf %get3A_98 : vector<64x64xf32> to vector<64x64xbf16>
    %dot_general3A_101 = arith.constant dense<0.000000e+00> : vector<10000x64xf32>
    %dot_general3A_102 = tpu.matmul %convert_element_type3A_99, %convert_element_type3A_100, %dot_general3A_101 {dimension_numbers = #tpu.dot_dimension_numbers<[1], [0], [0], [1], [0, 0, 1, 1], [], []>, transpose_lhs_hint = false} : vector<10000x64xbf16>, vector<64x64xbf16>, vector<10000x64xf32> -> vector<10000x64xf32>
    %get3A_103 = arith.constant 0 : index
    %get3A_104 = arith.constant 0 : index
    %get3A_105 = vector.load %arg11[%get3A_103, %get3A_104] : memref<1x64xf32, #tpu.memory_space<vmem>>, vector<1x64xf32>
    %add3A_106 = vector.broadcast %get3A_105 : vector<1x64xf32> to vector<10000x64xf32>
    %add3A_107 = arith.addf %dot_general3A_102, %add3A_106 : vector<10000x64xf32>
    %max3A_108 = arith.constant 0.000000e+00 : f32
    %max3A_109 = vector.broadcast %max3A_108 : f32 to vector<10000x64xf32>
    %max3A_110 = arith.maximumf %add3A_107, %max3A_109 : vector<10000x64xf32>
    %swap3A = arith.constant 0 : index
    %swap3A_111 = arith.constant 0 : index
    %swap3A_112 = vector.load %arg12[%swap3A, %swap3A_111] : memref<10240x64xf32, #tpu.memory_space<vmem>>, vector<10000x64xf32>
    tpu.vector_store %arg12[%swap3A, %swap3A_111], %max3A_110 {strides = array<i32>} : memref<10240x64xf32, #tpu.memory_space<vmem>>, vector<10000x64xf32>,
    %broadcast_in_dim3A_113 = arith.constant 0.000000e+00 : f32
    %broadcast_in_dim3A_114 = vector.broadcast %broadcast_in_dim3A_113 : f32 to vector<240x64xf32>
    %swap3A_115 = arith.constant 10000 : index
    %swap3A_116 = arith.constant 0 : index
    %swap3A_117 = vector.load %arg12[%swap3A_115, %swap3A_116] : memref<10240x64xf32, #tpu.memory_space<vmem>>, vector<240x64xf32>
    tpu.vector_store %arg12[%swap3A_115, %swap3A_116], %broadcast_in_dim3A_114 {strides = array<i32>} : memref<10240x64xf32, #tpu.memory_space<vmem>>, vector<240x64xf32>,
    return
  }
}

module attributes {stable_mosaic.version = 14 : i64} {
  func.func @_tc_layer_body(%arg0: memref<10240x64xf32, #tpu.memory_space<vmem>>, %arg1: memref<2x10112x64xf32, #tpu.memory_space<vmem>>, %arg2: memref<64x64xf32, #tpu.memory_space<vmem>>, %arg3: memref<1x64xf32, #tpu.memory_space<vmem>>, %arg4: memref<1x64xf32, #tpu.memory_space<vmem>>, %arg5: memref<1x64xf32, #tpu.memory_space<vmem>>, %arg6: memref<64x64xf32, #tpu.memory_space<vmem>>, %arg7: memref<1x64xf32, #tpu.memory_space<vmem>>, %arg8: memref<1x64xf32, #tpu.memory_space<vmem>>, %arg9: memref<1x64xf32, #tpu.memory_space<vmem>>, %arg10: memref<64x64xf32, #tpu.memory_space<vmem>>, %arg11: memref<1x64xf32, #tpu.memory_space<vmem>>, %arg12: memref<10240x64xf32, #tpu.memory_space<vmem>>) attributes {dimension_semantics = [], scalar_prefetch = 0 : i64, scratch_operands = 0 : i64, tpu.core_type = #tpu.core_type<tc>} {
    %get3A = arith.constant 0 : index
    %get3A_0 = arith.constant 0 : index
    %get3A_1 = vector.load %arg0[%get3A, %get3A_0] : memref<10240x64xf32, #tpu.memory_space<vmem>>, vector<10000x64xf32>
    %get3A_2 = arith.constant 0 : index
    %get3A_3 = arith.constant 0 : index
    %get3A_4 = arith.constant 0 : index
    %get3A_5 = vector.load %arg1[%get3A_2, %get3A_3, %get3A_4] : memref<2x10112x64xf32, #tpu.memory_space<vmem>>, vector<1x10000x64xf32>
    %get3A_6 = vector.shape_cast %get3A_5 : vector<1x10000x64xf32> to vector<10000x64xf32>
    %add3A = arith.addf %get3A_1, %get3A_6 : vector<10000x64xf32>
    %get3A_7 = arith.constant 1 : index
    %get3A_8 = arith.constant 0 : index
    %get3A_9 = arith.constant 0 : index
    %get3A_10 = vector.load %arg1[%get3A_7, %get3A_8, %get3A_9] : memref<2x10112x64xf32, #tpu.memory_space<vmem>>, vector<1x10000x64xf32>
    %get3A_11 = vector.shape_cast %get3A_10 : vector<1x10000x64xf32> to vector<10000x64xf32>
    %add3A_12 = arith.addf %add3A, %get3A_11 : vector<10000x64xf32>
    %get3A_13 = arith.constant 0 : index
    %get3A_14 = arith.constant 0 : index
    %get3A_15 = vector.load %arg2[%get3A_13, %get3A_14] : memref<64x64xf32, #tpu.memory_space<vmem>>, vector<64x64xf32>
    %convert_element_type3A = arith.truncf %add3A_12 : vector<10000x64xf32> to vector<10000x64xbf16>
    %convert_element_type3A_16 = arith.truncf %get3A_15 : vector<64x64xf32> to vector<64x64xbf16>
    %dot_general3A = arith.constant dense<0.000000e+00> : vector<10000x64xf32>
    %dot_general3A_17 = tpu.matmul %convert_element_type3A, %convert_element_type3A_16, %dot_general3A {dimension_numbers = #tpu.dot_dimension_numbers<[1], [0], [0], [1], [0, 0, 1, 1], [], []>, transpose_lhs_hint = false} : vector<10000x64xbf16>, vector<64x64xbf16>, vector<10000x64xf32> -> vector<10000x64xf32>
    %get3A_18 = arith.constant 0 : index
    %get3A_19 = arith.constant 0 : index
    %get3A_20 = vector.load %arg3[%get3A_18, %get3A_19] : memref<1x64xf32, #tpu.memory_space<vmem>>, vector<1x64xf32>
    %add3A_21 = vector.broadcast %get3A_20 : vector<1x64xf32> to vector<10000x64xf32>
    %add3A_22 = arith.addf %dot_general3A_17, %add3A_21 : vector<10000x64xf32>
    %get3A_23 = arith.constant 0 : index
    %get3A_24 = arith.constant 0 : index
    %get3A_25 = vector.load %arg4[%get3A_23, %get3A_24] : memref<1x64xf32, #tpu.memory_space<vmem>>, vector<1x64xf32>
    %get3A_26 = arith.constant 0 : index
    %get3A_27 = arith.constant 0 : index
    %get3A_28 = vector.load %arg5[%get3A_26, %get3A_27] : memref<1x64xf32, #tpu.memory_space<vmem>>, vector<1x64xf32>
    %reduce_sum3A = arith.constant dense<0.000000e+00> : vector<64xf32>
    %reduce_sum3A_29 = vector.multi_reduction <add>, %add3A_22, %reduce_sum3A [0] : vector<10000x64xf32> to vector<64xf32>
    %broadcast_in_dim3A = vector.shape_cast %reduce_sum3A_29 : vector<64xf32> to vector<1x64xf32>
    %div3A = arith.constant 1.000000e+04 : f32
    %div3A_30 = vector.broadcast %div3A : f32 to vector<1x64xf32>
    %div3A_31 = arith.divf %broadcast_in_dim3A, %div3A_30 : vector<1x64xf32>
    %sub3A = vector.broadcast %div3A_31 : vector<1x64xf32> to vector<10000x64xf32>
    %sub3A_32 = arith.subf %add3A_22, %sub3A : vector<10000x64xf32>
    %mul3A = arith.mulf %sub3A_32, %sub3A_32 : vector<10000x64xf32>
    %reduce_sum3A_33 = arith.constant dense<0.000000e+00> : vector<64xf32>
    %reduce_sum3A_34 = vector.multi_reduction <add>, %mul3A, %reduce_sum3A_33 [0] : vector<10000x64xf32> to vector<64xf32>
    %broadcast_in_dim3A_35 = vector.shape_cast %reduce_sum3A_34 : vector<64xf32> to vector<1x64xf32>
    %div3A_36 = arith.constant 1.000000e+04 : f32
    %div3A_37 = vector.broadcast %div3A_36 : f32 to vector<1x64xf32>
    %div3A_38 = arith.divf %broadcast_in_dim3A_35, %div3A_37 : vector<1x64xf32>
    %add3A_39 = arith.constant 9.99999974E-6 : f32
    %add3A_40 = vector.broadcast %add3A_39 : f32 to vector<1x64xf32>
    %add3A_41 = arith.addf %div3A_38, %add3A_40 : vector<1x64xf32>
    %rsqrt3A = math.rsqrt %add3A_41 : vector<1x64xf32>
    %mul3A_42 = vector.broadcast %rsqrt3A : vector<1x64xf32> to vector<10000x64xf32>
    %mul3A_43 = arith.mulf %sub3A_32, %mul3A_42 : vector<10000x64xf32>
    %mul3A_44 = vector.broadcast %get3A_25 : vector<1x64xf32> to vector<10000x64xf32>
    %mul3A_45 = arith.mulf %mul3A_44, %mul3A_43 : vector<10000x64xf32>
    %add3A_46 = vector.broadcast %get3A_28 : vector<1x64xf32> to vector<10000x64xf32>
    %add3A_47 = arith.addf %mul3A_45, %add3A_46 : vector<10000x64xf32>
    %max3A = arith.constant 0.000000e+00 : f32
    %max3A_48 = vector.broadcast %max3A : f32 to vector<10000x64xf32>
    %max3A_49 = arith.maximumf %add3A_47, %max3A_48 : vector<10000x64xf32>
    %get3A_50 = arith.constant 0 : index
    %get3A_51 = arith.constant 0 : index
    %get3A_52 = vector.load %arg6[%get3A_50, %get3A_51] : memref<64x64xf32, #tpu.memory_space<vmem>>, vector<64x64xf32>
    %convert_element_type3A_53 = arith.truncf %max3A_49 : vector<10000x64xf32> to vector<10000x64xbf16>
    %convert_element_type3A_54 = arith.truncf %get3A_52 : vector<64x64xf32> to vector<64x64xbf16>
    %dot_general3A_55 = arith.constant dense<0.000000e+00> : vector<10000x64xf32>
    %dot_general3A_56 = tpu.matmul %convert_element_type3A_53, %convert_element_type3A_54, %dot_general3A_55 {dimension_numbers = #tpu.dot_dimension_numbers<[1], [0], [0], [1], [0, 0, 1, 1], [], []>, transpose_lhs_hint = false} : vector<10000x64xbf16>, vector<64x64xbf16>, vector<10000x64xf32> -> vector<10000x64xf32>
    %get3A_57 = arith.constant 0 : index
    %get3A_58 = arith.constant 0 : index
    %get3A_59 = vector.load %arg7[%get3A_57, %get3A_58] : memref<1x64xf32, #tpu.memory_space<vmem>>, vector<1x64xf32>
    %add3A_60 = vector.broadcast %get3A_59 : vector<1x64xf32> to vector<10000x64xf32>
    %add3A_61 = arith.addf %dot_general3A_56, %add3A_60 : vector<10000x64xf32>
    %get3A_62 = arith.constant 0 : index
    %get3A_63 = arith.constant 0 : index
    %get3A_64 = vector.load %arg8[%get3A_62, %get3A_63] : memref<1x64xf32, #tpu.memory_space<vmem>>, vector<1x64xf32>
    %get3A_65 = arith.constant 0 : index
    %get3A_66 = arith.constant 0 : index
    %get3A_67 = vector.load %arg9[%get3A_65, %get3A_66] : memref<1x64xf32, #tpu.memory_space<vmem>>, vector<1x64xf32>
    %reduce_sum3A_68 = arith.constant dense<0.000000e+00> : vector<64xf32>
    %reduce_sum3A_69 = vector.multi_reduction <add>, %add3A_61, %reduce_sum3A_68 [0] : vector<10000x64xf32> to vector<64xf32>
    %broadcast_in_dim3A_70 = vector.shape_cast %reduce_sum3A_69 : vector<64xf32> to vector<1x64xf32>
    %div3A_71 = arith.constant 1.000000e+04 : f32
    %div3A_72 = vector.broadcast %div3A_71 : f32 to vector<1x64xf32>
    %div3A_73 = arith.divf %broadcast_in_dim3A_70, %div3A_72 : vector<1x64xf32>
    %sub3A_74 = vector.broadcast %div3A_73 : vector<1x64xf32> to vector<10000x64xf32>
    %sub3A_75 = arith.subf %add3A_61, %sub3A_74 : vector<10000x64xf32>
    %mul3A_76 = arith.mulf %sub3A_75, %sub3A_75 : vector<10000x64xf32>
    %reduce_sum3A_77 = arith.constant dense<0.000000e+00> : vector<64xf32>
    %reduce_sum3A_78 = vector.multi_reduction <add>, %mul3A_76, %reduce_sum3A_77 [0] : vector<10000x64xf32> to vector<64xf32>
    %broadcast_in_dim3A_79 = vector.shape_cast %reduce_sum3A_78 : vector<64xf32> to vector<1x64xf32>
    %div3A_80 = arith.constant 1.000000e+04 : f32
    %div3A_81 = vector.broadcast %div3A_80 : f32 to vector<1x64xf32>
    %div3A_82 = arith.divf %broadcast_in_dim3A_79, %div3A_81 : vector<1x64xf32>
    %add3A_83 = arith.constant 9.99999974E-6 : f32
    %add3A_84 = vector.broadcast %add3A_83 : f32 to vector<1x64xf32>
    %add3A_85 = arith.addf %div3A_82, %add3A_84 : vector<1x64xf32>
    %rsqrt3A_86 = math.rsqrt %add3A_85 : vector<1x64xf32>
    %mul3A_87 = vector.broadcast %rsqrt3A_86 : vector<1x64xf32> to vector<10000x64xf32>
    %mul3A_88 = arith.mulf %sub3A_75, %mul3A_87 : vector<10000x64xf32>
    %mul3A_89 = vector.broadcast %get3A_64 : vector<1x64xf32> to vector<10000x64xf32>
    %mul3A_90 = arith.mulf %mul3A_89, %mul3A_88 : vector<10000x64xf32>
    %add3A_91 = vector.broadcast %get3A_67 : vector<1x64xf32> to vector<10000x64xf32>
    %add3A_92 = arith.addf %mul3A_90, %add3A_91 : vector<10000x64xf32>
    %max3A_93 = arith.constant 0.000000e+00 : f32
    %max3A_94 = vector.broadcast %max3A_93 : f32 to vector<10000x64xf32>
    %max3A_95 = arith.maximumf %add3A_92, %max3A_94 : vector<10000x64xf32>
    %get3A_96 = arith.constant 0 : index
    %get3A_97 = arith.constant 0 : index
    %get3A_98 = vector.load %arg10[%get3A_96, %get3A_97] : memref<64x64xf32, #tpu.memory_space<vmem>>, vector<64x64xf32>
    %convert_element_type3A_99 = arith.truncf %max3A_95 : vector<10000x64xf32> to vector<10000x64xbf16>
    %convert_element_type3A_100 = arith.truncf %get3A_98 : vector<64x64xf32> to vector<64x64xbf16>
    %dot_general3A_101 = arith.constant dense<0.000000e+00> : vector<10000x64xf32>
    %dot_general3A_102 = tpu.matmul %convert_element_type3A_99, %convert_element_type3A_100, %dot_general3A_101 {dimension_numbers = #tpu.dot_dimension_numbers<[1], [0], [0], [1], [0, 0, 1, 1], [], []>, transpose_lhs_hint = false} : vector<10000x64xbf16>, vector<64x64xbf16>, vector<10000x64xf32> -> vector<10000x64xf32>
    %get3A_103 = arith.constant 0 : index
    %get3A_104 = arith.constant 0 : index
    %get3A_105 = vector.load %arg11[%get3A_103, %get3A_104] : memref<1x64xf32, #tpu.memory_space<vmem>>, vector<1x64xf32>
    %add3A_106 = vector.broadcast %get3A_105 : vector<1x64xf32> to vector<10000x64xf32>
    %add3A_107 = arith.addf %dot_general3A_102, %add3A_106 : vector<10000x64xf32>
    %max3A_108 = arith.constant 0.000000e+00 : f32
    %max3A_109 = vector.broadcast %max3A_108 : f32 to vector<10000x64xf32>
    %max3A_110 = arith.maximumf %add3A_107, %max3A_109 : vector<10000x64xf32>
    %swap3A = arith.constant 0 : index
    %swap3A_111 = arith.constant 0 : index
    %swap3A_112 = vector.load %arg12[%swap3A, %swap3A_111] : memref<10240x64xf32, #tpu.memory_space<vmem>>, vector<10000x64xf32>
    tpu.vector_store %arg12[%swap3A, %swap3A_111], %max3A_110 {strides = array<i32>} : memref<10240x64xf32, #tpu.memory_space<vmem>>, vector<10000x64xf32>,
    %broadcast_in_dim3A_113 = arith.constant 0.000000e+00 : f32
    %broadcast_in_dim3A_114 = vector.broadcast %broadcast_in_dim3A_113 : f32 to vector<240x64xf32>
    %swap3A_115 = arith.constant 10000 : index
    %swap3A_116 = arith.constant 0 : index
    %swap3A_117 = vector.load %arg12[%swap3A_115, %swap3A_116] : memref<10240x64xf32, #tpu.memory_space<vmem>>, vector<240x64xf32>
    tpu.vector_store %arg12[%swap3A_115, %swap3A_116], %broadcast_in_dim3A_114 {strides = array<i32>} : memref<10240x64xf32, #tpu.memory_space<vmem>>, vector<240x64xf32>,
    return
  }
}

module attributes {stable_mosaic.version = 14 : i64} {
  func.func @_tc_head_body(%arg0: memref<32x72x64xf32, #tpu.memory_space<vmem>>, %arg1: memref<32x72x64xf32, #tpu.memory_space<vmem>>, %arg2: memref<32x72x64xf32, #tpu.memory_space<vmem>>, %arg3: memref<32x72x64xf32, #tpu.memory_space<vmem>>, %arg4: memref<256x64xf32, #tpu.memory_space<vmem>>, %arg5: memref<1x64xf32, #tpu.memory_space<vmem>>, %arg6: memref<64x10xf32, #tpu.memory_space<vmem>>, %arg7: memref<1x10xf32, #tpu.memory_space<vmem>>, %arg8: memref<64x10xf32, #tpu.memory_space<vmem>>) attributes {dimension_semantics = [], scalar_prefetch = 0 : i64, scratch_operands = 0 : i64, tpu.core_type = #tpu.core_type<tc>} {
    %get3A = arith.constant 0 : index
    %get3A_0 = arith.constant 0 : index
    %get3A_1 = arith.constant 0 : index
    %get3A_2 = vector.load %arg0[%get3A, %get3A_0, %get3A_1] : memref<32x72x64xf32, #tpu.memory_space<vmem>>, vector<32x72x64xf32>
    %slice3A = vector.extract_strided_slice %get3A_2 {offsets = [0, 0, 0], sizes = [32, 64, 64], strides = [1, 1, 1]} : vector<32x72x64xf32> to vector<32x64x64xf32>
    %reduce_max3A = arith.constant dense<0xFF800000> : vector<64x64xf32>
    %reduce_max3A_3 = vector.multi_reduction <maximumf>, %slice3A, %reduce_max3A [0] : vector<32x64x64xf32> to vector<64x64xf32>
    %get3A_4 = arith.constant 0 : index
    %get3A_5 = arith.constant 0 : index
    %get3A_6 = arith.constant 0 : index
    %get3A_7 = vector.load %arg1[%get3A_4, %get3A_5, %get3A_6] : memref<32x72x64xf32, #tpu.memory_space<vmem>>, vector<32x72x64xf32>
    %slice3A_8 = vector.extract_strided_slice %get3A_7 {offsets = [0, 0, 0], sizes = [32, 64, 64], strides = [1, 1, 1]} : vector<32x72x64xf32> to vector<32x64x64xf32>
    %reduce_max3A_9 = arith.constant dense<0xFF800000> : vector<64x64xf32>
    %reduce_max3A_10 = vector.multi_reduction <maximumf>, %slice3A_8, %reduce_max3A_9 [0] : vector<32x64x64xf32> to vector<64x64xf32>
    %get3A_11 = arith.constant 0 : index
    %get3A_12 = arith.constant 0 : index
    %get3A_13 = arith.constant 0 : index
    %get3A_14 = vector.load %arg2[%get3A_11, %get3A_12, %get3A_13] : memref<32x72x64xf32, #tpu.memory_space<vmem>>, vector<32x72x64xf32>
    %slice3A_15 = vector.extract_strided_slice %get3A_14 {offsets = [0, 0, 0], sizes = [32, 64, 64], strides = [1, 1, 1]} : vector<32x72x64xf32> to vector<32x64x64xf32>
    %reduce_max3A_16 = arith.constant dense<0xFF800000> : vector<64x64xf32>
    %reduce_max3A_17 = vector.multi_reduction <maximumf>, %slice3A_15, %reduce_max3A_16 [0] : vector<32x64x64xf32> to vector<64x64xf32>
    %get3A_18 = arith.constant 0 : index
    %get3A_19 = arith.constant 0 : index
    %get3A_20 = arith.constant 0 : index
    %get3A_21 = vector.load %arg3[%get3A_18, %get3A_19, %get3A_20] : memref<32x72x64xf32, #tpu.memory_space<vmem>>, vector<32x72x64xf32>
    %slice3A_22 = vector.extract_strided_slice %get3A_21 {offsets = [0, 0, 0], sizes = [32, 64, 64], strides = [1, 1, 1]} : vector<32x72x64xf32> to vector<32x64x64xf32>
    %reduce_max3A_23 = arith.constant dense<0xFF800000> : vector<64x64xf32>
    %reduce_max3A_24 = vector.multi_reduction <maximumf>, %slice3A_22, %reduce_max3A_23 [0] : vector<32x64x64xf32> to vector<64x64xf32>
    %concatenate3A = tpu.concatenate %reduce_max3A_3, %reduce_max3A_10, %reduce_max3A_17, %reduce_max3A_24 in 1 : vector<64x64xf32>, vector<64x64xf32>, vector<64x64xf32>, vector<64x64xf32> -> vector<64x256xf32>
    %get3A_25 = arith.constant 0 : index
    %get3A_26 = arith.constant 0 : index
    %get3A_27 = vector.load %arg4[%get3A_25, %get3A_26] : memref<256x64xf32, #tpu.memory_space<vmem>>, vector<256x64xf32>
    %convert_element_type3A = arith.truncf %concatenate3A : vector<64x256xf32> to vector<64x256xbf16>
    %convert_element_type3A_28 = arith.truncf %get3A_27 : vector<256x64xf32> to vector<256x64xbf16>
    %dot_general3A = arith.constant dense<0.000000e+00> : vector<64x64xf32>
    %dot_general3A_29 = tpu.matmul %convert_element_type3A, %convert_element_type3A_28, %dot_general3A {dimension_numbers = #tpu.dot_dimension_numbers<[1], [0], [0], [1], [0, 0, 1, 1], [], []>, transpose_lhs_hint = false} : vector<64x256xbf16>, vector<256x64xbf16>, vector<64x64xf32> -> vector<64x64xf32>
    %get3A_30 = arith.constant 0 : index
    %get3A_31 = arith.constant 0 : index
    %get3A_32 = vector.load %arg5[%get3A_30, %get3A_31] : memref<1x64xf32, #tpu.memory_space<vmem>>, vector<1x64xf32>
    %add3A = vector.broadcast %get3A_32 : vector<1x64xf32> to vector<64x64xf32>
    %add3A_33 = arith.addf %dot_general3A_29, %add3A : vector<64x64xf32>
    %max3A = arith.constant 0.000000e+00 : f32
    %max3A_34 = vector.broadcast %max3A : f32 to vector<64x64xf32>
    %max3A_35 = arith.maximumf %add3A_33, %max3A_34 : vector<64x64xf32>
    %get3A_36 = arith.constant 0 : index
    %get3A_37 = arith.constant 0 : index
    %get3A_38 = vector.load %arg6[%get3A_36, %get3A_37] : memref<64x10xf32, #tpu.memory_space<vmem>>, vector<64x10xf32>
    %convert_element_type3A_39 = arith.truncf %max3A_35 : vector<64x64xf32> to vector<64x64xbf16>
    %convert_element_type3A_40 = arith.truncf %get3A_38 : vector<64x10xf32> to vector<64x10xbf16>
    %dot_general3A_41 = arith.constant dense<0.000000e+00> : vector<64x10xf32>
    %dot_general3A_42 = tpu.matmul %convert_element_type3A_39, %convert_element_type3A_40, %dot_general3A_41 {dimension_numbers = #tpu.dot_dimension_numbers<[1], [0], [0], [1], [0, 0, 1, 1], [], []>, transpose_lhs_hint = false} : vector<64x64xbf16>, vector<64x10xbf16>, vector<64x10xf32> -> vector<64x10xf32>
    %get3A_43 = arith.constant 0 : index
    %get3A_44 = arith.constant 0 : index
    %get3A_45 = vector.load %arg7[%get3A_43, %get3A_44] : memref<1x10xf32, #tpu.memory_space<vmem>>, vector<1x10xf32>
    %add3A_46 = vector.broadcast %get3A_45 : vector<1x10xf32> to vector<64x10xf32>
    %add3A_47 = arith.addf %dot_general3A_42, %add3A_46 : vector<64x10xf32>
    %swap3A = arith.constant 0 : index
    %swap3A_48 = arith.constant 0 : index
    %swap3A_49 = vector.load %arg8[%swap3A, %swap3A_48] : memref<64x10xf32, #tpu.memory_space<vmem>>, vector<64x10xf32>
    tpu.vector_store %arg8[%swap3A, %swap3A_48], %add3A_47 {strides = array<i32>} : memref<64x10xf32, #tpu.memory_space<vmem>>, vector<64x10xf32>,
    return
  }
}

</mosaic_0001>

<sc_bundles>
// kernel: kernel.12.cloned.1.call-start
scs
__scs_entry_jumppad:
0x0: {  	(pc) =	sbr.rel $0x88, $3  }
0x1: {  	(tag) =	ssettag $0x0;
	lr =	simm.s32 $0x1  }
0x2: {  	[smem:$0x3F78] =	sst lr;
	_ =	strace $0xD0000000  }
0x3: {  	_ = 	snop  }
0x4: {  	_ = 	snop  }
0x5: {  	_ = 	snop  }
0x6: {  	_ = 	snop  }
0x7: {  	_ = 	snop  }
__scs_overlays_trampoline_lowered:
0x8: {  	[smem:$0x3F87] =	sst s0  }
0x9: {  	[smem:$0x3F88] =	sst s1  }
0xa: {  	[smem:$0x3F89] =	sst s2  }
0xb: {  	[smem:$0x3F8A] =	sst s3  }
0xc: {  	[smem:$0x3F8B] =	sst s4  }
0xd: {  	[smem:$0x3F8C] =	sst s5  }
0xe: {  	[smem:$0x3F8D] =	sst s6  }
0xf: {  	[smem:$0x3F8E] =	sst s7  }
0x10: {  	[smem:$0x3F8F] =	sst s8  }
0x11: {  	[smem:$0x3F90] =	sst s9;
	s0 =	simm.s32 @!p0 $0x0  }
0x12: {  	s1 =	sld [smem:$0x3F76];
	s0 =	simm.s32 @p0 $0x1  }
0x13: {  	[smem:$0x3F91] =	sst s0;
	s0 =	simm.s32 @!p1 $0x0  }
0x14: {  	s2 =	sld [smem:$0x3F75];
	s0 =	simm.s32 @p1 $0x1  }
0x15: {  	[smem:$0x3F92] =	sst s0;
	s0 =	simm.s32 @!p2 $0x0  }
0x16: {  	s3 =	sld [smem:$0x3FDB];
	s0 =	simm.s32 @p2 $0x1  }
0x17: {  	s4 =	simm.s32 $0x1BF5;
	[smem:$0x3F94] =	sst s0  }
0x18: {  	s0 =	sld [smem:$0x3F77];
	_ =	swait.ge [sflag:s4], $0x0  }
0x19: {  	s7 =	sld [smem:$0x3F78]  }
0x1a: {  	s8 =	sadd.s32 $0xFFFFE003, lr  }
0x1b: {  	s9 =	sadd.s32 $0xFFFFFEF7, lr;
	s5 =	simm.s32 $0xFFFFFFFF;
	p2 =	slt.u32 s8, $0xFFFFF086  }
0x1c: {  	p1 =	slt.u32 s9, $0xF7A;
	s5 =	simm.s32 @!p2 $0x0  }
0x1d: {  	s5 =	simm.s32 @p1 $0x1;
	p0 =	seq.s32 s7, s2  }
0x1e: {  	s7 =	smul.u32 @!p0 $0xF7A, s2;
	p2 =	seq.s32 @!p0 s5, $0x0  }
0x1f: {  	s9 =	smul.u32 $0xF7A, s1;
	s8 =	simm.s32 @!p0 $0x1BF5;
	p2 =	por !p2, p0  }
0x20: {  	[sflag:s8] =	ssyncset.s32 @!p0 $0xFFFFF086;
	s6 =	sadd.s32 @!p0 s3, s7;
	s7 =	simm.s32 @!p0 $0x108  }
0x21: {  	s3 =	sadd.s32 s3, s9;
	s6 =	sadd.s32 @!p0 $0x88, s6;
	s7 =	simm.s32 @p2 $0x1082  }
0x22: {  	[simem:s7], [sflag:s8] =	dma.local @!p0 [hbm:s6], $0xF7A  }
0x23: {  	s9 =	sor.u32 $0xD0000000, s2;
	s6 =	simm.s32 $0x108;
	_ =	swait.ge @!p0 [sflag:s8], $0x0  }
0x24: {  	s3 =	sadd.s32 $0x88, s3;
	s6 =	simm.s32 @!p1 $0x1082;
	[sflag:s4] =	ssyncset.s32 $0xFFFFF086  }
0x25: {  	[simem:s6], [sflag:s4] =	dma.local [hbm:s3], $0xF7A  }
0x26: {  	[smem:$0x3F78] =	sst s1;
	(tag) =	ssettag s2;
	_ =	strace s9  }
0x27: {  	s1 =	sld [smem:$0x3F88]  }
0x28: {  	s2 =	sld [smem:$0x3F89]  }
0x29: {  	s4 =	sld [smem:$0x3F8B]  }
0x2a: {  	p0 =	seq.s32 s5, $0x0;
	s5 =	sld [smem:$0x3F8C]  }
0x2b: {  	s6 =	sld [smem:$0x3F8D]  }
0x2c: {  	s7 =	sld [smem:$0x3F8E]  }
0x2d: {  	s3 =	simm.s32 $0x108;
	s8 =	sld [smem:$0x3F8F]  }
0x2e: {  	s3 =	simm.s32 @!p0 $0x1082;
	s9 =	sld [smem:$0x3F90]  }
0x2f: {  	lr =	sadd.s32 s0, s3;
	s0 =	sld [smem:$0x3F87]  }
0x30: {  	s3 =	sld [smem:$0x3F8A]  }
0x31: {  	[smem:$0x3F93] =	sst s10  }
0x32: {  	s10 =	sld [smem:$0x3F91];
	_ =	sdelay $0x3  }
0x33: {  	p0 =	seq.s32 s10, $0x1;
	s10 =	sld [smem:$0x3F93];
	_ =	sdelay $0x3  }
0x34: {  	[smem:$0x3F93] =	sst s10  }
0x35: {  	s10 =	sld [smem:$0x3F92];
	_ =	sdelay $0x3  }
0x36: {  	p1 =	seq.s32 s10, $0x1;
	s10 =	sld [smem:$0x3F93];
	_ =	sdelay $0x3  }
0x37: {  	[smem:$0x3F93] =	sst s10  }
0x38: {  	s10 =	sld [smem:$0x3F94]  }
0x39: {  	_ = 	snop;
	(pc) =	sbr.ind lr, $3  }
0x3a: {  	_ = 	snop  }
0x3b: {  	_ = 	snop  }
0x3c: {  	p2 =	seq.s32 s10, $0x1;
	s10 =	sld [smem:$0x3F93]  }
0x3d: {  	_ =	shalt  }
0x3e: {  	_ =	shalt  }
0x3f: {  	_ =	shalt  }
0x40: {  	_ =	shalt  }
0x41: {  	_ =	shalt  }
0x42: {  	_ =	shalt  }
0x43: {  	_ =	shalt  }
0x44: {  	_ =	shalt  }
0x45: {  	_ =	shalt  }
0x46: {  	_ =	shalt  }
0x47: {  	_ =	shalt  }
0x48: {  	_ =	shalt  }
0x49: {  	_ =	shalt  }
0x4a: {  	_ =	shalt  }
0x4b: {  	_ =	shalt  }
0x4c: {  	_ =	shalt  }
0x4d: {  	_ =	shalt  }
0x4e: {  	_ =	shalt  }
0x4f: {  	_ =	shalt  }
0x50: {  	_ =	shalt  }
0x51: {  	_ =	shalt  }
0x52: {  	_ =	shalt  }
0x53: {  	_ =	shalt  }
0x54: {  	_ =	shalt  }
0x55: {  	_ =	shalt  }
0x56: {  	_ =	shalt  }
0x57: {  	_ =	shalt  }
0x58: {  	_ =	shalt  }
0x59: {  	_ =	shalt  }
0x5a: {  	_ =	shalt  }
0x5b: {  	_ =	shalt  }
0x5c: {  	_ =	shalt  }
0x5d: {  	_ =	shalt  }
0x5e: {  	_ =	shalt  }
0x5f: {  	_ =	shalt  }
0x60: {  	_ =	shalt  }
0x61: {  	_ =	shalt  }
0x62: {  	_ =	shalt  }
0x63: {  	_ =	shalt  }
0x64: {  	_ =	shalt  }
0x65: {  	_ =	shalt  }
0x66: {  	_ =	shalt  }
0x67: {  	_ =	shalt  }
0x68: {  	_ =	shalt  }
0x69: {  	_ =	shalt  }
0x6a: {  	_ =	shalt  }
0x6b: {  	_ =	shalt  }
0x6c: {  	_ =	shalt  }
0x6d: {  	_ =	shalt  }
0x6e: {  	_ =	shalt  }
0x6f: {  	_ =	shalt  }
0x70: {  	_ =	shalt  }
0x71: {  	_ =	shalt  }
0x72: {  	_ =	shalt  }
0x73: {  	_ =	shalt  }
0x74: {  	_ =	shalt  }
0x75: {  	_ =	shalt  }
0x76: {  	_ =	shalt  }
0x77: {  	_ =	shalt  }
0x78: {  	_ =	shalt  }
0x79: {  	_ =	shalt  }
0x7a: {  	_ =	shalt  }
0x7b: {  	_ =	shalt  }
0x7c: {  	_ =	shalt  }
0x7d: {  	_ =	shalt  }
0x7e: {  	_ =	shalt  }
0x7f: {  	_ =	shalt  }
0x80: {  	_ =	shalt  }
0x81: {  	_ =	shalt  }
0x82: {  	_ =	shalt  }
0x83: {  	_ =	shalt  }
0x84: {  	_ =	shalt  }
0x85: {  	_ =	shalt  }
0x86: {  	_ =	shalt  }
0x87: {  	_ =	shalt  }
.Lfunc_end0:
.L_simem_size_0:
called_computation_lowered:
.L_overlay_start_0:
0x88: {  	s2 =	sld [smem:$0x3FD9]  }
0x89: {  	s3 =	sld [smem:$0x3FFE];
	_ =	sdelay $0x1  }
0x8a: {  	s1 =	srdreg.scid  }
0x8b: {  	s0 =	sand.u32 $0x1, s1  }
0x8c: {  	s17 =	sshll.u32 s0, $0xA;
	s2 =	sadd.s32 s3, s2  }
0x8d: {  	s2 =	sadd.s32 s2, s17  }
0x8e: {  	[smem:$0x3F9F] =	sst s2  }
0x8f: {  	_ = 	snop  }
0x90: {  	s2 =	sld [smem:$0x3FC9];
	(tm) =	ssettm $0x1  }
0x91: {  	s18 =	sld [smem:$0x3FFB];
	_ =	sdelay $0x3  }
0x92: {  	_ =	strace s18  }
0x93: {  	s3 =	sld [smem:$0x3FFC];
	_ =	sdelay $0x3  }
0x94: {  	_ =	strace s3  }
0x95: {  	s3 =	sld [smem:$0x3FFD];
	_ =	sdelay $0x3  }
0x96: {  	_ =	strace s3  }
0x97: {  	_ =	strace $0x8FFFFFFF  }
0x98: {  	s19 =	sld [smem:$0x3FDB];
	_ =	sdelay $0x1  }
0x99: {  	s4 =	simm.s32 $_scs_section_size  }
0x9a: {  	s5 =	simm.s32 $_size__tile_overlayer_lowered;
	s6 =	simm.s32 $_tile_overlayer_lowered  }
0x9b: {  	s22 =	simm.s32 $0x1BFF;
	s21 =	sshll.u32 s6, $0x1;
	s3 =	sadd.s32 s4, s19  }
0x9c: {  	s7 =	simm.s32 $0x0;
	s20 =	sshll.u32 s5, $0x1;
	s5 =	sadd.s32 s21, s3  }
0x9d: {  	[timem:s7], [sflag:s22] =	dma.local [hbm:s5], s20  }
0x9e: {  	_ =	swait.ge [sflag:s22], s20  }
0x9f: {  	s4 =	ssub.s32 $0x0, s20;
	[sflag:s22] =	ssyncset.done $0x0  }
0xa0: {  	[sflag:s22] =	ssyncadd.s32 s4;
	_ =	sdelay $0x1  }
0xa1: {  	s23 =	simm.s32 $0x1B8B  }
0xa2: {  	_ =	swait.ge [sflag:s23], $0x1  }
0xa3: {  	[sflag:s23] =	ssyncset.done $0x0  }
0xa4: {  	s25 =	simm.s32 $0x1B8E;
	s24 =	sld [smem:$0x3FFE];
	[sflag:s23] =	ssyncadd.s32 $0xFFFFFFFF  }
0xa5: {  	s26 =	simm.s32 $execute0_lowered;
	[smem:$0x3FD2] =	sst s25  }
0xa6: {  	s5 =	sshll.u32 s26, $0x1;
	_ =	strace $0x80000046;
	[dreg:$0x1] =	wrdreg $0xFFFFFFFF  }
0xa7: {  	s28 =	simm.s32 $_size_execute0_lowered;
	s3 =	sadd.s32 s3, s5;
	[dreg:$0x0] =	wrdreg $0x0  }
0xa8: {  	s5 =	sshll.u32 s28, $0x1;
	[dreg:$0x2] =	wrdreg s3  }
0xa9: {  	[dreg:$0x3] =	wrdreg s5  }
0xaa: {  	[dreg:$0x4] =	wrdreg $0xC0  }
0xab: {  	_ =	task [dreg:s7], $0x5FFFF  }
0xac: {  	[dreg:$0x1] =	wrdreg $0xFFFFFFFF  }
0xad: {  	[dreg:$0x0] =	wrdreg $0x60  }
0xae: {  	[dreg:$0x2] =	wrdreg s2  }
0xaf: {  	[dreg:$0x3] =	wrdreg s24  }
0xb0: {  	[dreg:$0x4] =	wrdreg $0xAF000  }
0xb1: {  	[dreg:$0x5] =	wrdreg $0x9  }
0xb2: {  	_ =	task.clear_ibuf [dreg:s7], $0x6FFFF;
	_ =	strace $0x90000046  }
0xb3: {  	s29 =	simm.s32 $0x9;
	_ =	strace $0x80000048  }
0xb4: {  	_ =	swait.ge [sflag:s29], $0x1  }
0xb5: {  	[sflag:s29] =	ssyncadd.s32 $0xFFFFFFFF  }
0xb6: {  	_ =	strace $0x90000048  }
0xb7: {  	_ =	sfence  }
0xb8: {  	s30 =	sld [smem:$0x0];
	_ =	sdelay $0x2  }
0xb9: {  	s31 =	sshll.u32 s1, $0xD;
	s1 =	sshrl.u32 s1, $0x2  }
0xba: {  	s3 =	sand.u32 $0x4000, s31;
	s1 =	sadd.s32 s1, s30  }
0xbb: {  	s0 =	sor.u32 s3, s0;
	s1 =	sshll.u32 s1, $0x11  }
0xbc: {  	s0 =	sor.u32 s1, s0  }
0xbd: {  	s0 =	sadd.s32 $0x8F2B, s0  }
0xbe: {  	[sflag:s0] =	ssyncadd.remote.s32 $0x1  }
0xbf: {  	_ =	sfence.sel $0xFFFF  }
0xc0: {  	[dreg:$0x0] =	wrdreg $0xFFFFFFFF;
	(pc) =	sbr.abs _section_cstart, $3  }
0xc1: {  	[dreg:$0x1] =	wrdreg $0xFFFFFFFF  }
0xc2: {  	_ =	task.clear_ibuf [dreg:s7], $0x2FFFF;
	_ =	strace $0x9FFFFFFF  }
0xc3: {  	(tm) =	ssettm $0x7FFFFFFF  }
tec
execute0_lowered:
.L_overlay_start_1:
0x0: {  	(tag) =	ssettag $0x1  }
0x1: {  	s2 =	rddreg [dreg:$0x0]  }
0x2: {  	s6 =	rddreg [dreg:$0x1]  }
0x3: {  	s0 =	srdreg.scid;
	s3 =	rddreg [dreg:$0x2];
	s4 =	simm.s32 $0x0  }
0x4: {  	s14 =	simm.s32 $0x2780;
	s15 =	simm.s32 $0x1;
	s16 =	simm.s32 $0x40  }
0x5: {  	s17 =	simm.s32 $0x4F00;
	s18 =	simm.s32 $0x6F00;
	s19 =	simm.s32 $0x80  }
0x6: {  	s20 =	simm.s32 $0x8F00;
	s21 =	simm.s32 $0x2;
	s22 =	simm.s32 $0x3  }
0x7: {  	s23 =	simm.s32 $0x4;
	s24 =	simm.s32 $0x4E80;
	s25 =	simm.s32 $0x4EC0  }
0x8: {  	s26 =	simm.s32 $0x0;
	s5 =	sand.u32 $0x1, s0;
	s0 =	stileid.u32  }
0x9: {  	[smem:$0x7FF] =	sst s4;
	s1 =	sshll.u32 s5, $0x4;
	s8 =	smul.u32 $0x13C00, s0  }
0xa: {  	s9 =	smul.u32 $0x13C000, s5;
	s5 =	ssub.s32 $0x2, s5;
	s1 =	sor.u32 s0, s1  }
0xb: {  	s31 =	sshrl.u32 s5, $0x1;
	s7 =	smul.u32 $0x4F0, s1;
	s1 =	rddreg [dreg:$0x3]  }
0xc: {  	_ =	strace $0x80000047;
	s29 =	sadd.s32 s8, s9;
	s30 =	sshrl.u32 s8, $0x3  }
0xd: {  	s12 =	ssub.s32 s5, s31;
	s13 =	sadd.s32 s8, s3;
	s5 =	sshll.u32 s0, $0x6  }
0xe: {  	s9 =	sadd.s32 s30, s6;
	s10 =	sadd.s32 s7, s6;
	s7 =	sshrl.u32 s29, $0x3  }
0xf: {  	s11 =	sadd.s32 s7, s6;
	s6 =	sadd.s32 $0x1A800, s9;
	s7 =	sor.u32 $0x1C01, s5  }
0x10: {  	s8 =	sadd.s32 $0x10A00, s10;
	s9 =	sadd.s32 $0x6C00, s10;
	s10 =	sadd.s32 $0x42000, s11  }
0x11: {  	s11 =	smax.u32 s12, $0x1;
	s12 =	sshrl.u32 s13, $0x3;
	s13 =	simm.s32 $0x5  }
.LBB2_1:
0x12: {  	[spmem:s12], [sflag:s7] =	dma.local [hbm:s6], $0x2780  }
0x13: {  	[tilespmem:s4], [sflag:$0x5] =	stream.linear.gather [hbm4b:s8+s4], $0x2780, $0x38;
	[tilespmem:$0x1EB00] =	vst v63  }
0x14: {  	_ =	swait.ge [sflag:s13], $0x2780  }
0x15: {  	[sflag:s13] =	ssyncset.done $0x0  }
0x16: {  	[sflag:s13] =	ssyncadd.s32 $0xFFFFD880  }
0x17: {  	[tilespmem:s14], [sflag:$0x5] =	stream.linear.gather [hbm4b:s9+s4], $0x2780, $0x38;
	[tilespmem:$0x1EB00] =	vst v63  }
0x18: {  	_ =	swait.ge [sflag:s13], $0x2780  }
0x19: {  	[sflag:s13] =	ssyncset.done $0x0  }
0x1a: {  	[sflag:s13] =	ssyncadd.s32 $0xFFFFD880  }
0x1b: {  	_ =	swait.ge [sflag:s15], $0x2780  }
0x1c: {  	[sflag:s15] =	ssyncset.done $0x0  }
0x1d: {  	[sflag:s15] =	ssyncadd.s32 $0xFFFFD880  }
0x1e: {  	[bflag:$0x0] =	sbarrier.arrive $0xFFFF  }
0x1f: {  	[tilespmem:s17], [sflag:$0x2] =	stream.indirect.gather [hbm4b:s2+s16], $0x80, s4, s16, $0xb8;
	[tilespmem:$0x1EB00] =	vst v63  }
0x20: {  	_ = 	snop  }
0x21: {  	[tilespmem:s18], [sflag:$0x3] =	stream.indirect.gather [hbm4b:s2+s16], $0x80, s16, s16, $0xb8;
	[tilespmem:$0x1EB00] =	vst v63  }
0x22: {  	_ = 	snop  }
0x23: {  	[tilespmem:s20], [sflag:$0x4] =	stream.indirect.gather [hbm4b:s2+s16], $0x80, s19, s16, $0xb8;
	[tilespmem:$0x1EB00] =	vst v63  }
0x24: {  	_ =	swait.ge [sflag:s21], $0x2000  }
0x25: {  	[sflag:s21] =	ssyncset.done $0x0  }
0x26: {  	s28 =	simm.s32 $0x2780;
	[sflag:s21] =	ssyncadd.s32 $0xFFFFE000  }
0x27: {  	[spmem:s3] =	stream.indirect.scatter.add.f32 [tilespmem:s17], [sflag:$0x5], $0x80, s28, s16, $0xb8;
	[tilespmem:$0x1EB00] =	vst v63  }
0x28: {  	_ =	swait.ge [sflag:s13], $0x2000  }
0x29: {  	[sflag:s13] =	ssyncset.done $0x0  }
0x2a: {  	s28 =	simm.s32 $0xC0;
	[sflag:s13] =	ssyncadd.s32 $0xFFFFE000  }
0x2b: {  	[tilespmem:s17], [sflag:$0x2] =	stream.indirect.gather [hbm4b:s2+s16], $0x80, s28, s16, $0xb8;
	[tilespmem:$0x1EB00] =	vst v63  }
0x2c: {  	_ =	swait.ge [sflag:s22], $0x2000  }
0x2d: {  	[sflag:s22] =	ssyncset.done $0x0  }
0x2e: {  	s28 =	simm.s32 $0x27C0;
	[sflag:s22] =	ssyncadd.s32 $0xFFFFE000  }
0x2f: {  	[spmem:s3] =	stream.indirect.scatter.add.f32 [tilespmem:s18], [sflag:$0x5], $0x80, s28, s16, $0xb8;
	[tilespmem:$0x1EB00] =	vst v63  }
0x30: {  	_ =	swait.ge [sflag:s13], $0x2000  }
0x31: {  	[sflag:s13] =	ssyncset.done $0x0  }
0x32: {  	s28 =	simm.s32 $0x100;
	[sflag:s13] =	ssyncadd.s32 $0xFFFFE000  }
0x33: {  	[tilespmem:s18], [sflag:$0x3] =	stream.indirect.gather [hbm4b:s2+s16], $0x80, s28, s16, $0xb8;
	[tilespmem:$0x1EB00] =	vst v63  }
0x34: {  	_ =	swait.ge [sflag:s23], $0x2000  }
0x35: {  	[sflag:s23] =	ssyncset.done $0x0  }
0x36: {  	s28 =	simm.s32 $0x2800;
	[sflag:s23] =	ssyncadd.s32 $0xFFFFE000  }
0x37: {  	[spmem:s3] =	stream.indirect.scatter.add.f32 [tilespmem:s20], [sflag:$0x5], $0x80, s28, s16, $0xb8;
	[tilespmem:$0x1EB00] =	vst v63  }
0x38: {  	_ =	swait.ge [sflag:s13], $0x2000  }
0x39: {  	[sflag:s13] =	ssyncset.done $0x0  }
0x3a: {  	s29 =	simm.s32 $0x140;
	s28 =	simm.s32 $0x300;
	[sflag:s13] =	ssyncadd.s32 $0xFFFFE000  }
.LBB2_2:
0x3b: {  	[tilespmem:s20], [sflag:$0x4] =	stream.indirect.gather [hbm4b:s2+s16], $0x80, s29, s16, $0xb8;
	[tilespmem:$0x1EB00] =	vst v63  }
0x3c: {  	s29 =	smov.u32 s28;
	s28 =	sadd.s32 $0x300, s28;
	_ =	swait.ge [sflag:s21], $0x2000  }
0x3d: {  	s29 =	sshra.s32 s29, $0x2;
	p0 =	sne.s32 s28, $0x9900;
	[sflag:s21] =	ssyncset.done $0x0  }
0x3e: {  	s30 =	sadd.s32 $0x2780, s29;
	[sflag:s21] =	ssyncadd.s32 $0xFFFFE000  }
0x3f: {  	[spmem:s3] =	stream.indirect.scatter.add.f32 [tilespmem:s17], [sflag:$0x5], $0x80, s30, s16, $0xb8;
	[tilespmem:$0x1EB00] =	vst v63  }
0x40: {  	_ =	swait.ge [sflag:s13], $0x2000  }
0x41: {  	[sflag:s13] =	ssyncset.done $0x0  }
0x42: {  	s30 =	sadd.s32 $0xC0, s29;
	[sflag:s13] =	ssyncadd.s32 $0xFFFFE000  }
0x43: {  	[tilespmem:s17], [sflag:$0x2] =	stream.indirect.gather [hbm4b:s2+s16], $0x80, s30, s16, $0xb8;
	[tilespmem:$0x1EB00] =	vst v63  }
0x44: {  	_ =	swait.ge [sflag:s22], $0x2000  }
0x45: {  	[sflag:s22] =	ssyncset.done $0x0  }
0x46: {  	s30 =	sadd.s32 $0x27C0, s29;
	[sflag:s22] =	ssyncadd.s32 $0xFFFFE000  }
0x47: {  	[spmem:s3] =	stream.indirect.scatter.add.f32 [tilespmem:s18], [sflag:$0x5], $0x80, s30, s16, $0xb8;
	[tilespmem:$0x1EB00] =	vst v63  }
0x48: {  	_ =	swait.ge [sflag:s13], $0x2000  }
0x49: {  	[sflag:s13] =	ssyncset.done $0x0  }
0x4a: {  	s30 =	sadd.s32 $0x100, s29;
	[sflag:s13] =	ssyncadd.s32 $0xFFFFE000  }
0x4b: {  	[tilespmem:s18], [sflag:$0x3] =	stream.indirect.gather [hbm4b:s2+s16], $0x80, s30, s16, $0xb8;
	[tilespmem:$0x1EB00] =	vst v63  }
0x4c: {  	_ =	swait.ge [sflag:s23], $0x2000  }
0x4d: {  	[sflag:s23] =	ssyncset.done $0x0  }
.Ltmp0:
0x4e: {  	s30 =	sadd.s32 $0x2800, s29;
	[sflag:s23] =	ssyncadd.s32 $0xFFFFE000;
	(pc) =	sbr.rel @p0 .LBB2_2-.Ltmp0, $4  }
0x4f: {  	[spmem:s3] =	stream.indirect.scatter.add.f32 [tilespmem:s20], [sflag:$0x5], $0x80, s30, s16, $0xb8;
	[tilespmem:$0x1EB00] =	vst v63  }
0x50: {  	_ =	swait.ge [sflag:s13], $0x2000  }
0x51: {  	[sflag:s13] =	ssyncset.done $0x0  }
0x52: {  	s29 =	sadd.s32 $0x140, s29;
	[sflag:s13] =	ssyncadd.s32 $0xFFFFE000  }
0x53: {  	[tilespmem:s20], [sflag:$0x4] =	stream.indirect.gather [hbm4b:s2+s16], $0x80, s29, s16, $0xb8;
	[tilespmem:$0x1EB00] =	vst v63  }
0x54: {  	_ =	swait.ge [sflag:s21], $0x2000  }
0x55: {  	s28 =	sshra.s32 s28, $0x2;
	[sflag:s21] =	ssyncset.done $0x0  }
0x56: {  	s31 =	sadd.s32 $0x2780, s28;
	[sflag:s21] =	ssyncadd.s32 $0xFFFFE000  }
0x57: {  	[spmem:s3] =	stream.indirect.scatter.add.f32 [tilespmem:s17], [sflag:$0x5], $0x80, s31, s16, $0xb8;
	[tilespmem:$0x1EB00] =	vst v63  }
0x58: {  	_ =	swait.ge [sflag:s13], $0x2000  }
0x59: {  	[sflag:s13] =	ssyncset.done $0x0  }
0x5a: {  	s30 =	sadd.s32 $0xC0, s28;
	[sflag:s13] =	ssyncadd.s32 $0xFFFFE000  }
0x5b: {  	[tilespmem:s17], [sflag:$0x2] =	stream.indirect.gather [hbm4b:s2+s16], $0x80, s30, s16, $0xb8;
	[tilespmem:$0x1EB00] =	vst v63  }
0x5c: {  	_ =	swait.ge [sflag:s22], $0x2000  }
0x5d: {  	[sflag:s22] =	ssyncset.done $0x0  }
0x5e: {  	s31 =	sadd.s32 $0x27C0, s28;
	[sflag:s22] =	ssyncadd.s32 $0xFFFFE000  }
0x5f: {  	[spmem:s3] =	stream.indirect.scatter.add.f32 [tilespmem:s18], [sflag:$0x5], $0x80, s31, s16, $0xb8;
	[tilespmem:$0x1EB00] =	vst v63  }
0x60: {  	_ =	swait.ge [sflag:s13], $0x2000  }
0x61: {  	[sflag:s13] =	ssyncset.done $0x0  }
0x62: {  	s30 =	sadd.s32 $0x100, s28;
	[sflag:s13] =	ssyncadd.s32 $0xFFFFE000  }
0x63: {  	[tilespmem:s18], [sflag:$0x3] =	stream.indirect.gather [hbm4b:s2+s16], $0x80, s30, s16, $0xb8;
	[tilespmem:$0x1EB00] =	vst v63  }
0x64: {  	_ =	swait.ge [sflag:s23], $0x2000  }
0x65: {  	[sflag:s23] =	ssyncset.done $0x0  }
0x66: {  	s28 =	sadd.s32 $0x2800, s28;
	[sflag:s23] =	ssyncadd.s32 $0xFFFFE000  }
0x67: {  	[spmem:s3] =	stream.indirect.scatter.add.f32 [tilespmem:s20], [sflag:$0x5], $0x80, s28, s16, $0xb8;
	[tilespmem:$0x1EB00] =	vst v63  }
0x68: {  	_ =	swait.ge [sflag:s13], $0x2000  }
0x69: {  	[sflag:s13] =	ssyncset.done $0x0  }
0x6a: {  	[sflag:s13] =	ssyncadd.s32 $0xFFFFE000  }
0x6b: {  	_ =	swait.ge [sflag:s21], $0x2000  }
0x6c: {  	[sflag:s21] =	ssyncset.done $0x0  }
0x6d: {  	[sflag:s21] =	ssyncadd.s32 $0xFFFFE000  }
0x6e: {  	[spmem:s3] =	stream.indirect.scatter.add.f32 [tilespmem:s17], [sflag:$0x5], $0x80, s24, s16, $0xb8;
	[tilespmem:$0x1EB00] =	vst v63  }
0x6f: {  	_ =	swait.ge [sflag:s13], $0x2000  }
0x70: {  	[sflag:s13] =	ssyncset.done $0x0  }
0x71: {  	[sflag:s13] =	ssyncadd.s32 $0xFFFFE000  }
0x72: {  	_ =	swait.ge [sflag:s22], $0x2000  }
0x73: {  	[sflag:s22] =	ssyncset.done $0x0  }
0x74: {  	[sflag:s22] =	ssyncadd.s32 $0xFFFFE000  }
0x75: {  	[spmem:s3] =	stream.indirect.scatter.add.f32 [tilespmem:s18], [sflag:$0x5], $0x80, s25, s16, $0xb8;
	[tilespmem:$0x1EB00] =	vst v63  }
0x76: {  	_ =	swait.ge [sflag:s13], $0x2000  }
0x77: {  	s26 =	sadd.s32 $0x1, s26;
	[sflag:s13] =	ssyncset.done $0x0  }
0x78: {  	p0 =	sne.s32 s26, s11;
	[sflag:s13] =	ssyncadd.s32 $0xFFFFE000  }
.Ltmp1:
0x79: {  	s31 =	sor.u32 $0x1C05, s5;
	[bflag:$0x0] =	sbarrier.arrive $0xFFFF;
	(pc) =	sbr.rel @p0 .LBB2_1-.Ltmp1, $4  }
0x7a: {  	[hbm:s10], [sflag:s31] =	dma.local [spmem:s12], $0x2780  }
0x7b: {  	_ =	swait.ge [sflag:s13], $0x2780  }
0x7c: {  	[sflag:s13] =	ssyncset.done $0x0  }
0x7d: {  	[sflag:s13] =	ssyncadd.s32 $0xFFFFD880  }
0x7e: {  	_ =	sfence.sel $0x180000  }
0x7f: {  	[bflag:$0x0] =	sbarrier.arrive $0xFFFF  }
0x80: {  	p0 =	sne.s32 s0, $0x0;
	_ =	strace $0x90000047  }
0x81: {  	s0 =	sadd.s32 @!p0 $0x100000, s1;
	[bflag:$0x2] =	sbarrier.arrive $0xFFFF  }
0x82: {  	[sflag:s0] =	ssyncadd.tile.s32 @!p0 $0x1;
	_ =	shalt  }
.Lfunc_end2:
_tile_overlayer_lowered:
.L_overlay_start_2:
0x83: {  	(tag) =	ssettag $0x2  }
0x84: {  	s0 =	rddreg [dreg:$0x0];
	s2 =	stileid.u32  }
0x85: {  	s1 =	rddreg [dreg:$0x1];
	p0 =	sne.s32 s2, $0x0  }
0x86: {  	s3 =	rddreg [dreg:$0x2];
	[bflag:$0x3] =	sbarrier.arrive $0xFFFF;
	s2 =	simm.s32 @!p0 $0x1C05  }
0x87: {  	[timem:s3], [sflag:s2] =	dma.local @!p0 [hbm:s0], s1  }
0x88: {  	s0 =	simm.s32 @!p0 $0x5  }
0x89: {  	_ =	swait.ge @!p0 [sflag:s0], s1  }
0x8a: {  	s1 =	ssub.s32 @!p0 $0x0, s1;
	[sflag:s0] =	ssyncset.done @!p0 $0x0  }
0x8b: {  	[sflag:s0] =	ssyncadd.s32 @!p0 s1  }
0x8c: {  	[bflag:$0x3] =	sbarrier.arrive $0xFFFF  }
0x8d: {  	_ =	shalt  }

// kernel: kernel.15.cloned.1.call-start
scs
__scs_entry_jumppad:
0x0: {  	(pc) =	sbr.rel $0x88, $3  }
0x1: {  	(tag) =	ssettag $0x0;
	lr =	simm.s32 $0x1  }
0x2: {  	[smem:$0x3F78] =	sst lr;
	_ =	strace $0xD0000000  }
0x3: {  	_ = 	snop  }
0x4: {  	_ = 	snop  }
0x5: {  	_ = 	snop  }
0x6: {  	_ = 	snop  }
0x7: {  	_ = 	snop  }
__scs_overlays_trampoline_lowered:
0x8: {  	[smem:$0x3F87] =	sst s0  }
0x9: {  	[smem:$0x3F88] =	sst s1  }
0xa: {  	[smem:$0x3F89] =	sst s2  }
0xb: {  	[smem:$0x3F8A] =	sst s3  }
0xc: {  	[smem:$0x3F8B] =	sst s4  }
0xd: {  	[smem:$0x3F8C] =	sst s5  }
0xe: {  	[smem:$0x3F8D] =	sst s6  }
0xf: {  	[smem:$0x3F8E] =	sst s7  }
0x10: {  	[smem:$0x3F8F] =	sst s8  }
0x11: {  	[smem:$0x3F90] =	sst s9;
	s0 =	simm.s32 @!p0 $0x0  }
0x12: {  	s1 =	sld [smem:$0x3F76];
	s0 =	simm.s32 @p0 $0x1  }
0x13: {  	[smem:$0x3F91] =	sst s0;
	s0 =	simm.s32 @!p1 $0x0  }
0x14: {  	s2 =	sld [smem:$0x3F75];
	s0 =	simm.s32 @p1 $0x1  }
0x15: {  	[smem:$0x3F92] =	sst s0;
	s0 =	simm.s32 @!p2 $0x0  }
0x16: {  	s3 =	sld [smem:$0x3FDB];
	s0 =	simm.s32 @p2 $0x1  }
0x17: {  	s4 =	simm.s32 $0x1BF5;
	[smem:$0x3F94] =	sst s0  }
0x18: {  	s0 =	sld [smem:$0x3F77];
	_ =	swait.ge [sflag:s4], $0x0  }
0x19: {  	s7 =	sld [smem:$0x3F78]  }
0x1a: {  	s8 =	sadd.s32 $0xFFFFE003, lr  }
0x1b: {  	s9 =	sadd.s32 $0xFFFFFEF7, lr;
	s5 =	simm.s32 $0xFFFFFFFF;
	p2 =	slt.u32 s8, $0xFFFFF086  }
0x1c: {  	p1 =	slt.u32 s9, $0xF7A;
	s5 =	simm.s32 @!p2 $0x0  }
0x1d: {  	s5 =	simm.s32 @p1 $0x1;
	p0 =	seq.s32 s7, s2  }
0x1e: {  	s7 =	smul.u32 @!p0 $0xF7A, s2;
	p2 =	seq.s32 @!p0 s5, $0x0  }
0x1f: {  	s9 =	smul.u32 $0xF7A, s1;
	s8 =	simm.s32 @!p0 $0x1BF5;
	p2 =	por !p2, p0  }
0x20: {  	[sflag:s8] =	ssyncset.s32 @!p0 $0xFFFFF086;
	s6 =	sadd.s32 @!p0 s3, s7;
	s7 =	simm.s32 @!p0 $0x108  }
0x21: {  	s3 =	sadd.s32 s3, s9;
	s6 =	sadd.s32 @!p0 $0x88, s6;
	s7 =	simm.s32 @p2 $0x1082  }
0x22: {  	[simem:s7], [sflag:s8] =	dma.local @!p0 [hbm:s6], $0xF7A  }
0x23: {  	s9 =	sor.u32 $0xD0000000, s2;
	s6 =	simm.s32 $0x108;
	_ =	swait.ge @!p0 [sflag:s8], $0x0  }
0x24: {  	s3 =	sadd.s32 $0x88, s3;
	s6 =	simm.s32 @!p1 $0x1082;
	[sflag:s4] =	ssyncset.s32 $0xFFFFF086  }
0x25: {  	[simem:s6], [sflag:s4] =	dma.local [hbm:s3], $0xF7A  }
0x26: {  	[smem:$0x3F78] =	sst s1;
	(tag) =	ssettag s2;
	_ =	strace s9  }
0x27: {  	s1 =	sld [smem:$0x3F88]  }
0x28: {  	s2 =	sld [smem:$0x3F89]  }
0x29: {  	s4 =	sld [smem:$0x3F8B]  }
0x2a: {  	p0 =	seq.s32 s5, $0x0;
	s5 =	sld [smem:$0x3F8C]  }
0x2b: {  	s6 =	sld [smem:$0x3F8D]  }
0x2c: {  	s7 =	sld [smem:$0x3F8E]  }
0x2d: {  	s3 =	simm.s32 $0x108;
	s8 =	sld [smem:$0x3F8F]  }
0x2e: {  	s3 =	simm.s32 @!p0 $0x1082;
	s9 =	sld [smem:$0x3F90]  }
0x2f: {  	lr =	sadd.s32 s0, s3;
	s0 =	sld [smem:$0x3F87]  }
0x30: {  	s3 =	sld [smem:$0x3F8A]  }
0x31: {  	[smem:$0x3F93] =	sst s10  }
0x32: {  	s10 =	sld [smem:$0x3F91];
	_ =	sdelay $0x3  }
0x33: {  	p0 =	seq.s32 s10, $0x1;
	s10 =	sld [smem:$0x3F93];
	_ =	sdelay $0x3  }
0x34: {  	[smem:$0x3F93] =	sst s10  }
0x35: {  	s10 =	sld [smem:$0x3F92];
	_ =	sdelay $0x3  }
0x36: {  	p1 =	seq.s32 s10, $0x1;
	s10 =	sld [smem:$0x3F93];
	_ =	sdelay $0x3  }
0x37: {  	[smem:$0x3F93] =	sst s10  }
0x38: {  	s10 =	sld [smem:$0x3F94]  }
0x39: {  	_ = 	snop;
	(pc) =	sbr.ind lr, $3  }
0x3a: {  	_ = 	snop  }
0x3b: {  	_ = 	snop  }
0x3c: {  	p2 =	seq.s32 s10, $0x1;
	s10 =	sld [smem:$0x3F93]  }
0x3d: {  	_ =	shalt  }
0x3e: {  	_ =	shalt  }
0x3f: {  	_ =	shalt  }
0x40: {  	_ =	shalt  }
0x41: {  	_ =	shalt  }
0x42: {  	_ =	shalt  }
0x43: {  	_ =	shalt  }
0x44: {  	_ =	shalt  }
0x45: {  	_ =	shalt  }
0x46: {  	_ =	shalt  }
0x47: {  	_ =	shalt  }
0x48: {  	_ =	shalt  }
0x49: {  	_ =	shalt  }
0x4a: {  	_ =	shalt  }
0x4b: {  	_ =	shalt  }
0x4c: {  	_ =	shalt  }
0x4d: {  	_ =	shalt  }
0x4e: {  	_ =	shalt  }
0x4f: {  	_ =	shalt  }
0x50: {  	_ =	shalt  }
0x51: {  	_ =	shalt  }
0x52: {  	_ =	shalt  }
0x53: {  	_ =	shalt  }
0x54: {  	_ =	shalt  }
0x55: {  	_ =	shalt  }
0x56: {  	_ =	shalt  }
0x57: {  	_ =	shalt  }
0x58: {  	_ =	shalt  }
0x59: {  	_ =	shalt  }
0x5a: {  	_ =	shalt  }
0x5b: {  	_ =	shalt  }
0x5c: {  	_ =	shalt  }
0x5d: {  	_ =	shalt  }
0x5e: {  	_ =	shalt  }
0x5f: {  	_ =	shalt  }
0x60: {  	_ =	shalt  }
0x61: {  	_ =	shalt  }
0x62: {  	_ =	shalt  }
0x63: {  	_ =	shalt  }
0x64: {  	_ =	shalt  }
0x65: {  	_ =	shalt  }
0x66: {  	_ =	shalt  }
0x67: {  	_ =	shalt  }
0x68: {  	_ =	shalt  }
0x69: {  	_ =	shalt  }
0x6a: {  	_ =	shalt  }
0x6b: {  	_ =	shalt  }
0x6c: {  	_ =	shalt  }
0x6d: {  	_ =	shalt  }
0x6e: {  	_ =	shalt  }
0x6f: {  	_ =	shalt  }
0x70: {  	_ =	shalt  }
0x71: {  	_ =	shalt  }
0x72: {  	_ =	shalt  }
0x73: {  	_ =	shalt  }
0x74: {  	_ =	shalt  }
0x75: {  	_ =	shalt  }
0x76: {  	_ =	shalt  }
0x77: {  	_ =	shalt  }
0x78: {  	_ =	shalt  }
0x79: {  	_ =	shalt  }
0x7a: {  	_ =	shalt  }
0x7b: {  	_ =	shalt  }
0x7c: {  	_ =	shalt  }
0x7d: {  	_ =	shalt  }
0x7e: {  	_ =	shalt  }
0x7f: {  	_ =	shalt  }
0x80: {  	_ =	shalt  }
0x81: {  	_ =	shalt  }
0x82: {  	_ =	shalt  }
0x83: {  	_ =	shalt  }
0x84: {  	_ =	shalt  }
0x85: {  	_ =	shalt  }
0x86: {  	_ =	shalt  }
0x87: {  	_ =	shalt  }
.Lfunc_end0:
.L_simem_size_0:
called_computation.1_lowered:
.L_overlay_start_0:
0x88: {  	s2 =	sld [smem:$0x3FD9]  }
0x89: {  	s3 =	sld [smem:$0x3FFE];
	_ =	sdelay $0x1  }
0x8a: {  	s1 =	srdreg.scid  }
0x8b: {  	s0 =	sand.u32 $0x1, s1  }
0x8c: {  	s16 =	sshll.u32 s0, $0xA;
	s2 =	sadd.s32 s3, s2  }
0x8d: {  	s2 =	sadd.s32 s2, s16  }
0x8e: {  	[smem:$0x3F9F] =	sst s2  }
0x8f: {  	_ = 	snop  }
0x90: {  	(tm) =	ssettm $0x1  }
0x91: {  	s17 =	sld [smem:$0x3FFB];
	_ =	sdelay $0x3  }
0x92: {  	_ =	strace s17  }
0x93: {  	s2 =	sld [smem:$0x3FFC];
	_ =	sdelay $0x3  }
0x94: {  	_ =	strace s2  }
0x95: {  	s2 =	sld [smem:$0x3FFD];
	_ =	sdelay $0x3  }
0x96: {  	_ =	strace s2  }
0x97: {  	_ =	strace $0x8FFFFFFF  }
0x98: {  	s18 =	sld [smem:$0x3FDB];
	_ =	sdelay $0x1  }
0x99: {  	s19 =	simm.s32 $_scs_section_size  }
0x9a: {  	s4 =	simm.s32 $_size__tile_overlayer_lowered;
	s5 =	simm.s32 $_tile_overlayer_lowered  }
0x9b: {  	s22 =	simm.s32 $0x1BFF;
	s21 =	sshll.u32 s5, $0x1;
	s2 =	sadd.s32 s19, s18  }
0x9c: {  	s6 =	simm.s32 $0x0;
	s20 =	sshll.u32 s4, $0x1;
	s4 =	sadd.s32 s21, s2  }
0x9d: {  	[timem:s6], [sflag:s22] =	dma.local [hbm:s4], s20  }
0x9e: {  	_ =	swait.ge [sflag:s22], s20  }
0x9f: {  	s3 =	ssub.s32 $0x0, s20;
	[sflag:s22] =	ssyncset.done $0x0  }
0xa0: {  	[sflag:s22] =	ssyncadd.s32 s3;
	_ =	sdelay $0x1  }
0xa1: {  	s23 =	simm.s32 $0x1B8B  }
0xa2: {  	_ =	swait.ge [sflag:s23], $0x1  }
0xa3: {  	[sflag:s23] =	ssyncset.done $0x0  }
0xa4: {  	s25 =	simm.s32 $0x1B8E;
	s24 =	sld [smem:$0x3FFE];
	[sflag:s23] =	ssyncadd.s32 $0xFFFFFFFF  }
0xa5: {  	s26 =	simm.s32 $execute0_lowered;
	[smem:$0x3FD2] =	sst s25  }
0xa6: {  	s4 =	sshll.u32 s26, $0x1;
	_ =	strace $0x80000049;
	[dreg:$0x1] =	wrdreg $0xFFFFFFFF  }
0xa7: {  	s28 =	simm.s32 $_size_execute0_lowered;
	s2 =	sadd.s32 s2, s4;
	[dreg:$0x0] =	wrdreg $0x0  }
0xa8: {  	s4 =	sshll.u32 s28, $0x1;
	[dreg:$0x2] =	wrdreg s2  }
0xa9: {  	[dreg:$0x3] =	wrdreg s4  }
0xaa: {  	[dreg:$0x4] =	wrdreg $0xC0  }
0xab: {  	_ =	task [dreg:s6], $0x5FFFF  }
0xac: {  	[dreg:$0x1] =	wrdreg $0xFFFFFFFF  }
0xad: {  	[dreg:$0x0] =	wrdreg $0x60  }
0xae: {  	[dreg:$0x2] =	wrdreg s24  }
0xaf: {  	[dreg:$0x3] =	wrdreg $0x10F000  }
0xb0: {  	[dreg:$0x4] =	wrdreg $0x9  }
0xb1: {  	_ =	task.clear_ibuf [dreg:s6], $0x5FFFF;
	_ =	strace $0x90000049  }
0xb2: {  	s29 =	simm.s32 $0x9;
	_ =	strace $0x8000004B  }
0xb3: {  	_ =	swait.ge [sflag:s29], $0x1  }
0xb4: {  	[sflag:s29] =	ssyncadd.s32 $0xFFFFFFFF  }
0xb5: {  	_ =	strace $0x9000004B  }
0xb6: {  	_ =	sfence  }
0xb7: {  	s30 =	sld [smem:$0x0];
	_ =	sdelay $0x2  }
0xb8: {  	s31 =	sshll.u32 s1, $0xD;
	s1 =	sshrl.u32 s1, $0x2  }
0xb9: {  	s3 =	sand.u32 $0x4000, s31;
	s1 =	sadd.s32 s1, s30  }
0xba: {  	s0 =	sor.u32 s3, s0;
	s1 =	sshll.u32 s1, $0x11  }
0xbb: {  	s0 =	sor.u32 s1, s0  }
0xbc: {  	s0 =	sadd.s32 $0x8F2B, s0  }
0xbd: {  	[sflag:s0] =	ssyncadd.remote.s32 $0x1  }
0xbe: {  	_ =	sfence.sel $0xFFFF  }
0xbf: {  	[dreg:$0x0] =	wrdreg $0xFFFFFFFF;
	(pc) =	sbr.abs _section_cstart, $3  }
0xc0: {  	[dreg:$0x1] =	wrdreg $0xFFFFFFFF  }
0xc1: {  	_ =	task.clear_ibuf [dreg:s6], $0x2FFFF;
	_ =	strace $0x9FFFFFFF  }
0xc2: {  	(tm) =	ssettm $0x7FFFFFFF  }
0xc3: {  	_ =	shalt  }
tec
execute0_lowered:
.L_overlay_start_1:
0x0: {  	(tag) =	ssettag $0x1  }
0x1: {  	s0 =	srdreg.scid;
	s5 =	rddreg [dreg:$0x0]  }
0x2: {  	s11 =	stileid.u32;
	s2 =	rddreg [dreg:$0x1];
	s3 =	simm.s32 $0x0  }
0x3: {  	s13 =	simm.s32 $0x8;
	s15 =	simm.s32 $0x80;
	s16 =	simm.s32 $0x4F00  }
0x4: {  	s25 =	simm.s32 $0xEF00;
	s26 =	simm.s32 $0x2;
	s28 =	simm.s32 $0x0  }
0x5: {  	s0 =	sand.u32 $0x1, s0;
	s6 =	smul.u32 $0x9E00, s11;
	[smem:$0x7FF] =	sst s3  }
0x6: {  	s4 =	sadd.s32 $0x1A800, s5;
	s1 =	sshll.u32 s0, $0x4;
	s7 =	smul.u32 $0x9E000, s0  }
0x7: {  	_ =	strace $0x8000004A;
	s0 =	ssub.s32 $0x2, s0;
	s1 =	sor.u32 s11, s1  }
0x8: {  	s8 =	sshrl.u32 s6, $0x3;
	s9 =	sshrl.u32 s0, $0x1;
	s12 =	sadd.s32 s6, s2  }
0x9: {  	s1 =	smul.u32 $0x4F0, s1;
	s7 =	sadd.s32 s6, s7;
	s8 =	sadd.s32 s8, s5  }
0xa: {  	s0 =	ssub.s32 s0, s9;
	s6 =	sshll.u32 s11, $0x6;
	s12 =	sshrl.u32 s12, $0x3  }
0xb: {  	s7 =	sshrl.u32 s7, $0x3;
	s11 =	smax.u32 s0, $0x1;
	s1 =	sadd.s32 s1, s5  }
0xc: {  	s10 =	sadd.s32 s7, s5;
	s5 =	sadd.s32 $0x2E800, s8;
	s7 =	sor.u32 $0x1C01, s6  }
0xd: {  	s8 =	sadd.s32 $0x10A00, s1;
	s9 =	sadd.s32 $0x6C00, s1;
	s10 =	sadd.s32 $0x42400, s10  }
.LBB2_1:
0xe: {  	[spmem:s12], [sflag:s7] =	dma.local [hbm:s5], $0x13C0  }
0xf: {  	[tilespmem:s3], [sflag:$0x8] =	stream.linear.gather [hbm4b:s8+s3], $0x2780, $0x38;
	[tilespmem:$0x1AD00] =	vst v63  }
0x10: {  	_ =	swait.ge [sflag:s13], $0x2780  }
0x11: {  	[sflag:s13] =	ssyncset.done $0x0  }
0x12: {  	s0 =	simm.s32 $0x2780;
	[sflag:s13] =	ssyncadd.s32 $0xFFFFD880  }
0x13: {  	[tilespmem:s0], [sflag:$0x8] =	stream.linear.gather [hbm4b:s9+s3], $0x2780, $0x38;
	[tilespmem:$0x1AD00] =	vst v63  }
0x14: {  	_ =	swait.ge [sflag:s13], $0x2780  }
0x15: {  	[sflag:s13] =	ssyncset.done $0x0  }
0x16: {  	s29 =	simm.s32 $0x1;
	[sflag:s13] =	ssyncadd.s32 $0xFFFFD880  }
0x17: {  	_ =	swait.ge [sflag:s29], $0x13C0  }
0x18: {  	[sflag:s29] =	ssyncset.done $0x0  }
0x19: {  	[sflag:s29] =	ssyncadd.s32 $0xFFFFEC40  }
0x1a: {  	[bflag:$0x0] =	sbarrier.arrive $0xFFFF  }
0x1b: {  	[tilespmem:s16], [sflag:$0x2] =	stream.indirect.gather [hbm4b:s4+s15], $0x40, s3, s15, $0xb8;
	[tilespmem:$0x1AD00] =	vst v63  }
0x1c: {  	s18 =	simm.s32 $0x6F00  }
0x1d: {  	[tilespmem:s18], [sflag:$0x3] =	stream.indirect.gather [hbm4b:s4+s15], $0x40, s15, s15, $0xb8;
	[tilespmem:$0x1AD00] =	vst v63  }
0x1e: {  	s19 =	simm.s32 $0x100;
	s1 =	simm.s32 $0x8F00  }
0x1f: {  	[tilespmem:s1], [sflag:$0x4] =	stream.indirect.gather [hbm4b:s4+s15], $0x40, s19, s15, $0xb8;
	[tilespmem:$0x1AD00] =	vst v63  }
0x20: {  	s20 =	simm.s32 $0x180;
	s21 =	simm.s32 $0xAF00  }
0x21: {  	[tilespmem:s21], [sflag:$0x5] =	stream.indirect.gather [hbm4b:s4+s15], $0x40, s20, s15, $0xb8;
	[tilespmem:$0x1AD00] =	vst v63  }
0x22: {  	s22 =	simm.s32 $0x200;
	s23 =	simm.s32 $0xCF00  }
0x23: {  	[tilespmem:s23], [sflag:$0x6] =	stream.indirect.gather [hbm4b:s4+s15], $0x40, s22, s15, $0xb8;
	[tilespmem:$0x1AD00] =	vst v63  }
0x24: {  	s24 =	simm.s32 $0x280;
	s30 =	simm.s32 $0x0;
	s31 =	simm.s32 $0x0  }
0x25: {  	[tilespmem:s25], [sflag:$0x7] =	stream.indirect.gather [hbm4b:s4+s15], $0x40, s24, s15, $0xb8;
	[tilespmem:$0x1AD00] =	vst v63  }
.LBB2_2:
0x26: {  	_ =	swait.ge [sflag:s26], $0x2000  }
0x27: {  	s0 =	sshra.s32 s30, $0x2;
	[sflag:s26] =	ssyncset.done $0x0  }
0x28: {  	p0 =	seq.s32 s30, $0x9C00;
	s0 =	sadd.s32 $0x2780, s0;
	[sflag:s26] =	ssyncadd.s32 $0xFFFFE000  }
0x29: {  	[spmem:s2] =	stream.indirect.scatter.add.f32 [tilespmem:s16], [sflag:$0x8], $0x40, s0, s15, $0xb8;
	[tilespmem:$0x1AD00] =	vst v63  }
0x2a: {  	s1 =	sshra.s32 @!p0 s30, $0x2;
	s17 =	simm.s32 @!p0 $0x4F00;
	_ =	swait.ge [sflag:s13], $0x2000  }
0x2b: {  	p2 =	sgt.u32 @!p0 s29, $0x4E;
	s14 =	sadd.s32 @!p0 $0x300, s1;
	[sflag:s13] =	ssyncset.done $0x0  }
0x2c: {  	p1 =	por p2, p0;
	s0 =	simm.s32 @!p0 $0x80;
	[sflag:s13] =	ssyncadd.s32 $0xFFFFE000  }
0x2d: {  	[tilespmem:s17], [sflag:$0x2] =	stream.indirect.gather @!p0 [hbm4b:s4+s0], $0x40, s14, s0, $0xb8;
	[tilespmem:$0x1AD00] =	vst v63  }
0x2e: {  	s14 =	simm.s32 @!p1 $0x3  }
0x2f: {  	_ =	swait.ge @!p1 [sflag:s14], $0x2000  }
0x30: {  	[sflag:s14] =	ssyncset.done @!p1 $0x0  }
0x31: {  	[sflag:s14] =	ssyncadd.s32 @!p1 $0xFFFFE000;
	s14 =	sshra.s32 @!p1 s30, $0x2  }
0x32: {  	s18 =	simm.s32 @!p1 $0x6F00;
	s17 =	simm.s32 @!p1 $0x80;
	s14 =	sadd.s32 @!p1 $0x2800, s14  }
0x33: {  	[spmem:s2] =	stream.indirect.scatter.add.f32 @!p1 [tilespmem:s18], [sflag:$0x8], $0x40, s14, s17, $0xb8;
	[tilespmem:$0x1AD00] =	vst v63  }
0x34: {  	p3 =	sgt.u32 @!p1 s31, $0xB;
	s14 =	simm.s32 @!p1 $0x8  }
0x35: {  	p2 =	por @!p0 p3, p2;
	_ =	swait.ge @!p1 [sflag:s14], $0x2000  }
0x36: {  	p2 =	por p2, p0;
	[sflag:s14] =	ssyncset.done @!p1 $0x0  }
0x37: {  	[sflag:s14] =	ssyncadd.s32 @!p1 $0xFFFFE000;
	s14 =	sshra.s32 @!p2 s30, $0x2  }
0x38: {  	s17 =	simm.s32 @!p2 $0x80;
	s18 =	simm.s32 @!p2 $0x6F00;
	s14 =	sadd.s32 @!p2 $0x380, s14  }
0x39: {  	[tilespmem:s18], [sflag:$0x3] =	stream.indirect.gather @!p2 [hbm4b:s4+s17], $0x40, s14, s17, $0xb8;
	[tilespmem:$0x1AD00] =	vst v63  }
0x3a: {  	s14 =	simm.s32 @!p0 $0x4  }
0x3b: {  	_ =	swait.ge @!p0 [sflag:s14], $0x2000  }
0x3c: {  	[sflag:s14] =	ssyncset.done @!p0 $0x0  }
0x3d: {  	s17 =	simm.s32 @!p0 $0x8F00;
	[sflag:s14] =	ssyncadd.s32 @!p0 $0xFFFFE000;
	s14 =	sadd.s32 @!p0 $0x2880, s1  }
0x3e: {  	[spmem:s2] =	stream.indirect.scatter.add.f32 @!p0 [tilespmem:s17], [sflag:$0x8], $0x40, s14, s0, $0xb8;
	[tilespmem:$0x1AD00] =	vst v63  }
0x3f: {  	s14 =	simm.s32 @!p0 $0x8  }
0x40: {  	p1 =	sgt.u32 @!p0 s31, $0xB;
	_ =	swait.ge @!p0 [sflag:s14], $0x2000  }
0x41: {  	p2 =	por !p1, p0;
	[sflag:s14] =	ssyncset.done @!p0 $0x0  }
0x42: {  	s17 =	simm.s32 @!p2 $0x5;
	[sflag:s14] =	ssyncadd.s32 @!p0 $0xFFFFE000  }
0x43: {  	_ =	swait.ge @!p2 [sflag:s17], $0x2000  }
0x44: {  	[sflag:s17] =	ssyncset.done @!p2 $0x0  }
0x45: {  	[sflag:s17] =	ssyncadd.s32 @!p2 $0xFFFFE000;
	s17 =	sshra.s32 @!p2 s30, $0x2  }
0x46: {  	s19 =	simm.s32 @!p2 $0x80;
	s20 =	simm.s32 @!p2 $0xAF00;
	s18 =	sadd.s32 @!p2 $0x2900, s17  }
0x47: {  	[spmem:s2] =	stream.indirect.scatter.add.f32 @!p2 [tilespmem:s20], [sflag:$0x8], $0x40, s18, s19, $0xb8;
	[tilespmem:$0x1AD00] =	vst v63  }
0x48: {  	s18 =	simm.s32 @!p2 $0x8  }
0x49: {  	p1 =	por p1, p0;
	_ =	swait.ge @!p2 [sflag:s18], $0x2000  }
0x4a: {  	s22 =	simm.s32 @!p1 $0x80;
	s20 =	sshra.s32 @!p1 s30, $0x2;
	[sflag:s18] =	ssyncset.done @!p2 $0x0  }
0x4b: {  	s23 =	simm.s32 @!p1 $0x8F00;
	s21 =	sadd.s32 @!p1 $0x400, s20;
	[sflag:s18] =	ssyncadd.s32 @!p2 $0xFFFFE000  }
0x4c: {  	[tilespmem:s23], [sflag:$0x4] =	stream.indirect.gather @!p1 [hbm4b:s4+s22], $0x40, s21, s22, $0xb8;
	[tilespmem:$0x1AD00] =	vst v63  }
0x4d: {  	s21 =	simm.s32 @!p1 $0x5  }
0x4e: {  	_ =	swait.ge @!p1 [sflag:s21], $0x2000  }
0x4f: {  	[sflag:s21] =	ssyncset.done @!p1 $0x0  }
0x50: {  	s23 =	simm.s32 @!p1 $0xAF00;
	[sflag:s21] =	ssyncadd.s32 @!p1 $0xFFFFE000;
	s21 =	sadd.s32 @!p1 $0x2900, s20  }
0x51: {  	[spmem:s2] =	stream.indirect.scatter.add.f32 @!p1 [tilespmem:s23], [sflag:$0x8], $0x40, s21, s22, $0xb8;
	[tilespmem:$0x1AD00] =	vst v63  }
0x52: {  	s21 =	simm.s32 @!p1 $0x8  }
0x53: {  	_ =	swait.ge @!p1 [sflag:s21], $0x2000  }
0x54: {  	[sflag:s21] =	ssyncset.done @!p1 $0x0  }
0x55: {  	s24 =	sadd.s32 @!p1 $0x480, s20;
	[sflag:s21] =	ssyncadd.s32 @!p1 $0xFFFFE000  }
0x56: {  	[tilespmem:s23], [sflag:$0x5] =	stream.indirect.gather @!p1 [hbm4b:s4+s22], $0x40, s24, s22, $0xb8;
	[tilespmem:$0x1AD00] =	vst v63  }
0x57: {  	s23 =	simm.s32 @!p0 $0x6  }
0x58: {  	_ =	swait.ge @!p0 [sflag:s23], $0x2000  }
0x59: {  	[sflag:s23] =	ssyncset.done @!p0 $0x0  }
0x5a: {  	s1 =	sadd.s32 @!p0 $0x2980, s1;
	[sflag:s23] =	ssyncadd.s32 @!p0 $0xFFFFE000;
	s23 =	simm.s32 @!p0 $0xCF00  }
0x5b: {  	[spmem:s2] =	stream.indirect.scatter.add.f32 @!p0 [tilespmem:s23], [sflag:$0x8], $0x40, s1, s0, $0xb8;
	[tilespmem:$0x1AD00] =	vst v63  }
0x5c: {  	_ =	swait.ge @!p0 [sflag:s14], $0x2000  }
0x5d: {  	[sflag:s14] =	ssyncset.done @!p0 $0x0  }
0x5e: {  	s0 =	simm.s32 @!p2 $0x7;
	[sflag:s14] =	ssyncadd.s32 @!p0 $0xFFFFE000  }
0x5f: {  	_ =	swait.ge @!p2 [sflag:s0], $0x2000  }
0x60: {  	[sflag:s0] =	ssyncset.done @!p2 $0x0  }
0x61: {  	s1 =	simm.s32 @!p2 $0xEF00;
	[sflag:s0] =	ssyncadd.s32 @!p2 $0xFFFFE000;
	s0 =	sadd.s32 @!p2 $0x2A00, s17  }
0x62: {  	[spmem:s2] =	stream.indirect.scatter.add.f32 @!p2 [tilespmem:s1], [sflag:$0x8], $0x40, s0, s19, $0xb8;
	[tilespmem:$0x1AD00] =	vst v63  }
0x63: {  	_ =	swait.ge @!p2 [sflag:s18], $0x2000  }
0x64: {  	[sflag:s18] =	ssyncset.done @!p2 $0x0  }
0x65: {  	s0 =	sadd.s32 @!p1 $0x500, s20;
	s1 =	simm.s32 @!p1 $0xCF00;
	[sflag:s18] =	ssyncadd.s32 @!p2 $0xFFFFE000  }
0x66: {  	[tilespmem:s1], [sflag:$0x6] =	stream.indirect.gather @!p1 [hbm4b:s4+s22], $0x40, s0, s22, $0xb8;
	[tilespmem:$0x1AD00] =	vst v63  }
0x67: {  	s0 =	simm.s32 @!p1 $0x7  }
0x68: {  	_ =	swait.ge @!p1 [sflag:s0], $0x2000  }
0x69: {  	[sflag:s0] =	ssyncset.done @!p1 $0x0  }
0x6a: {  	s1 =	simm.s32 @!p1 $0xEF00;
	[sflag:s0] =	ssyncadd.s32 @!p1 $0xFFFFE000;
	s0 =	sadd.s32 @!p1 $0x2A00, s20  }
0x6b: {  	[spmem:s2] =	stream.indirect.scatter.add.f32 @!p1 [tilespmem:s1], [sflag:$0x8], $0x40, s0, s22, $0xb8;
	[tilespmem:$0x1AD00] =	vst v63  }
0x6c: {  	_ =	swait.ge @!p1 [sflag:s21], $0x2000  }
0x6d: {  	[sflag:s21] =	ssyncset.done @!p1 $0x0  }
0x6e: {  	s30 =	sadd.s32 @!p0 $0xC00, s30;
	s0 =	sadd.s32 @!p1 $0x580, s20;
	[sflag:s21] =	ssyncadd.s32 @!p1 $0xFFFFE000  }
0x6f: {  	[tilespmem:s1], [sflag:$0x7] =	stream.indirect.gather @!p1 [hbm4b:s4+s22], $0x40, s0, s22, $0xb8;
	[tilespmem:$0x1AD00] =	vst v63  }
0x70: {  	p1 =	sne.s32 @!p0 s30, $0xA800  }
0x71: {  	p1 =	por p0, !p1  }
.Ltmp0:
0x72: {  	_ = 	snop;
	(pc) =	sbr.rel @!p1 .LBB2_2-.Ltmp0, $2  }
0x73: {  	_ =	sdelay $0x2  }
0x74: {  	s29 =	sadd.s32 @!p0 $0x6, s29;
	s31 =	sadd.s32 @!p0 $0x1, s31  }
0x75: {  	s28 =	sadd.s32 $0x1, s28  }
0x76: {  	p0 =	sne.s32 s28, s11  }
.Ltmp1:
0x77: {  	[bflag:$0x0] =	sbarrier.arrive $0xFFFF;
	s0 =	sor.u32 $0x1C08, s6;
	(pc) =	sbr.rel @p0 .LBB2_1-.Ltmp1, $4  }
0x78: {  	[hbm:s10], [sflag:s0] =	dma.local [spmem:s12], $0x13C0  }
0x79: {  	_ =	swait.ge [sflag:s13], $0x13C0  }
0x7a: {  	[sflag:s13] =	ssyncset.done $0x0  }
0x7b: {  	[sflag:s13] =	ssyncadd.s32 $0xFFFFEC40  }
0x7c: {  	_ =	sfence.sel $0x180000  }
0x7d: {  	[bflag:$0x0] =	sbarrier.arrive $0xFFFF  }
0x7e: {  	_ =	strace $0x9000004A  }
0x7f: {  	s0 =	stileid.u32;
	[bflag:$0x2] =	sbarrier.arrive $0xFFFF  }
0x80: {  	p0 =	sne.s32 s0, $0x0;
	s0 =	rddreg [dreg:$0x2]  }
0x81: {  	s0 =	sadd.s32 @!p0 $0x100000, s0  }
0x82: {  	[sflag:s0] =	ssyncadd.tile.s32 @!p0 $0x1;
	_ =	shalt  }
.Lfunc_end2:
_tile_overlayer_lowered:
.L_overlay_start_2:
0x83: {  	(tag) =	ssettag $0x2  }
0x84: {  	s0 =	rddreg [dreg:$0x0];
	s2 =	stileid.u32  }
0x85: {  	s1 =	rddreg [dreg:$0x1];
	p0 =	sne.s32 s2, $0x0  }
0x86: {  	s3 =	rddreg [dreg:$0x2];
	[bflag:$0x3] =	sbarrier.arrive $0xFFFF;
	s2 =	simm.s32 @!p0 $0x1C08  }
0x87: {  	[timem:s3], [sflag:s2] =	dma.local @!p0 [hbm:s0], s1  }
0x88: {  	s0 =	simm.s32 @!p0 $0x8  }
0x89: {  	_ =	swait.ge @!p0 [sflag:s0], s1  }
0x8a: {  	s1 =	ssub.s32 @!p0 $0x0, s1;
	[sflag:s0] =	ssyncset.done @!p0 $0x0  }
0x8b: {  	[sflag:s0] =	ssyncadd.s32 @!p0 s1  }
0x8c: {  	[bflag:$0x3] =	sbarrier.arrive $0xFFFF  }
0x8d: {  	_ =	shalt  }

// kernel: kernel.18.cloned.1.call-start
scs
__scs_entry_jumppad:
0x0: {  	(pc) =	sbr.rel $0x88, $3  }
0x1: {  	(tag) =	ssettag $0x0;
	lr =	simm.s32 $0x1  }
0x2: {  	[smem:$0x3F78] =	sst lr;
	_ =	strace $0xD0000000  }
0x3: {  	_ = 	snop  }
0x4: {  	_ = 	snop  }
0x5: {  	_ = 	snop  }
0x6: {  	_ = 	snop  }
0x7: {  	_ = 	snop  }
__scs_overlays_trampoline_lowered:
0x8: {  	[smem:$0x3F87] =	sst s0  }
0x9: {  	[smem:$0x3F88] =	sst s1  }
0xa: {  	[smem:$0x3F89] =	sst s2  }
0xb: {  	[smem:$0x3F8A] =	sst s3  }
0xc: {  	[smem:$0x3F8B] =	sst s4  }
0xd: {  	[smem:$0x3F8C] =	sst s5  }
0xe: {  	[smem:$0x3F8D] =	sst s6  }
0xf: {  	[smem:$0x3F8E] =	sst s7  }
0x10: {  	[smem:$0x3F8F] =	sst s8  }
0x11: {  	[smem:$0x3F90] =	sst s9;
	s0 =	simm.s32 @!p0 $0x0  }
0x12: {  	s1 =	sld [smem:$0x3F76];
	s0 =	simm.s32 @p0 $0x1  }
0x13: {  	[smem:$0x3F91] =	sst s0;
	s0 =	simm.s32 @!p1 $0x0  }
0x14: {  	s2 =	sld [smem:$0x3F75];
	s0 =	simm.s32 @p1 $0x1  }
0x15: {  	[smem:$0x3F92] =	sst s0;
	s0 =	simm.s32 @!p2 $0x0  }
0x16: {  	s3 =	sld [smem:$0x3FDB];
	s0 =	simm.s32 @p2 $0x1  }
0x17: {  	s4 =	simm.s32 $0x1BF5;
	[smem:$0x3F94] =	sst s0  }
0x18: {  	s0 =	sld [smem:$0x3F77];
	_ =	swait.ge [sflag:s4], $0x0  }
0x19: {  	s7 =	sld [smem:$0x3F78]  }
0x1a: {  	s8 =	sadd.s32 $0xFFFFE003, lr  }
0x1b: {  	s9 =	sadd.s32 $0xFFFFFEF7, lr;
	s5 =	simm.s32 $0xFFFFFFFF;
	p2 =	slt.u32 s8, $0xFFFFF086  }
0x1c: {  	p1 =	slt.u32 s9, $0xF7A;
	s5 =	simm.s32 @!p2 $0x0  }
0x1d: {  	s5 =	simm.s32 @p1 $0x1;
	p0 =	seq.s32 s7, s2  }
0x1e: {  	s7 =	smul.u32 @!p0 $0xF7A, s2;
	p2 =	seq.s32 @!p0 s5, $0x0  }
0x1f: {  	s9 =	smul.u32 $0xF7A, s1;
	s8 =	simm.s32 @!p0 $0x1BF5;
	p2 =	por !p2, p0  }
0x20: {  	[sflag:s8] =	ssyncset.s32 @!p0 $0xFFFFF086;
	s6 =	sadd.s32 @!p0 s3, s7;
	s7 =	simm.s32 @!p0 $0x108  }
0x21: {  	s3 =	sadd.s32 s3, s9;
	s6 =	sadd.s32 @!p0 $0x88, s6;
	s7 =	simm.s32 @p2 $0x1082  }
0x22: {  	[simem:s7], [sflag:s8] =	dma.local @!p0 [hbm:s6], $0xF7A  }
0x23: {  	s9 =	sor.u32 $0xD0000000, s2;
	s6 =	simm.s32 $0x108;
	_ =	swait.ge @!p0 [sflag:s8], $0x0  }
0x24: {  	s3 =	sadd.s32 $0x88, s3;
	s6 =	simm.s32 @!p1 $0x1082;
	[sflag:s4] =	ssyncset.s32 $0xFFFFF086  }
0x25: {  	[simem:s6], [sflag:s4] =	dma.local [hbm:s3], $0xF7A  }
0x26: {  	[smem:$0x3F78] =	sst s1;
	(tag) =	ssettag s2;
	_ =	strace s9  }
0x27: {  	s1 =	sld [smem:$0x3F88]  }
0x28: {  	s2 =	sld [smem:$0x3F89]  }
0x29: {  	s4 =	sld [smem:$0x3F8B]  }
0x2a: {  	p0 =	seq.s32 s5, $0x0;
	s5 =	sld [smem:$0x3F8C]  }
0x2b: {  	s6 =	sld [smem:$0x3F8D]  }
0x2c: {  	s7 =	sld [smem:$0x3F8E]  }
0x2d: {  	s3 =	simm.s32 $0x108;
	s8 =	sld [smem:$0x3F8F]  }
0x2e: {  	s3 =	simm.s32 @!p0 $0x1082;
	s9 =	sld [smem:$0x3F90]  }
0x2f: {  	lr =	sadd.s32 s0, s3;
	s0 =	sld [smem:$0x3F87]  }
0x30: {  	s3 =	sld [smem:$0x3F8A]  }
0x31: {  	[smem:$0x3F93] =	sst s10  }
0x32: {  	s10 =	sld [smem:$0x3F91];
	_ =	sdelay $0x3  }
0x33: {  	p0 =	seq.s32 s10, $0x1;
	s10 =	sld [smem:$0x3F93];
	_ =	sdelay $0x3  }
0x34: {  	[smem:$0x3F93] =	sst s10  }
0x35: {  	s10 =	sld [smem:$0x3F92];
	_ =	sdelay $0x3  }
0x36: {  	p1 =	seq.s32 s10, $0x1;
	s10 =	sld [smem:$0x3F93];
	_ =	sdelay $0x3  }
0x37: {  	[smem:$0x3F93] =	sst s10  }
0x38: {  	s10 =	sld [smem:$0x3F94]  }
0x39: {  	_ = 	snop;
	(pc) =	sbr.ind lr, $3  }
0x3a: {  	_ = 	snop  }
0x3b: {  	_ = 	snop  }
0x3c: {  	p2 =	seq.s32 s10, $0x1;
	s10 =	sld [smem:$0x3F93]  }
0x3d: {  	_ =	shalt  }
0x3e: {  	_ =	shalt  }
0x3f: {  	_ =	shalt  }
0x40: {  	_ =	shalt  }
0x41: {  	_ =	shalt  }
0x42: {  	_ =	shalt  }
0x43: {  	_ =	shalt  }
0x44: {  	_ =	shalt  }
0x45: {  	_ =	shalt  }
0x46: {  	_ =	shalt  }
0x47: {  	_ =	shalt  }
0x48: {  	_ =	shalt  }
0x49: {  	_ =	shalt  }
0x4a: {  	_ =	shalt  }
0x4b: {  	_ =	shalt  }
0x4c: {  	_ =	shalt  }
0x4d: {  	_ =	shalt  }
0x4e: {  	_ =	shalt  }
0x4f: {  	_ =	shalt  }
0x50: {  	_ =	shalt  }
0x51: {  	_ =	shalt  }
0x52: {  	_ =	shalt  }
0x53: {  	_ =	shalt  }
0x54: {  	_ =	shalt  }
0x55: {  	_ =	shalt  }
0x56: {  	_ =	shalt  }
0x57: {  	_ =	shalt  }
0x58: {  	_ =	shalt  }
0x59: {  	_ =	shalt  }
0x5a: {  	_ =	shalt  }
0x5b: {  	_ =	shalt  }
0x5c: {  	_ =	shalt  }
0x5d: {  	_ =	shalt  }
0x5e: {  	_ =	shalt  }
0x5f: {  	_ =	shalt  }
0x60: {  	_ =	shalt  }
0x61: {  	_ =	shalt  }
0x62: {  	_ =	shalt  }
0x63: {  	_ =	shalt  }
0x64: {  	_ =	shalt  }
0x65: {  	_ =	shalt  }
0x66: {  	_ =	shalt  }
0x67: {  	_ =	shalt  }
0x68: {  	_ =	shalt  }
0x69: {  	_ =	shalt  }
0x6a: {  	_ =	shalt  }
0x6b: {  	_ =	shalt  }
0x6c: {  	_ =	shalt  }
0x6d: {  	_ =	shalt  }
0x6e: {  	_ =	shalt  }
0x6f: {  	_ =	shalt  }
0x70: {  	_ =	shalt  }
0x71: {  	_ =	shalt  }
0x72: {  	_ =	shalt  }
0x73: {  	_ =	shalt  }
0x74: {  	_ =	shalt  }
0x75: {  	_ =	shalt  }
0x76: {  	_ =	shalt  }
0x77: {  	_ =	shalt  }
0x78: {  	_ =	shalt  }
0x79: {  	_ =	shalt  }
0x7a: {  	_ =	shalt  }
0x7b: {  	_ =	shalt  }
0x7c: {  	_ =	shalt  }
0x7d: {  	_ =	shalt  }
0x7e: {  	_ =	shalt  }
0x7f: {  	_ =	shalt  }
0x80: {  	_ =	shalt  }
0x81: {  	_ =	shalt  }
0x82: {  	_ =	shalt  }
0x83: {  	_ =	shalt  }
0x84: {  	_ =	shalt  }
0x85: {  	_ =	shalt  }
0x86: {  	_ =	shalt  }
0x87: {  	_ =	shalt  }
.Lfunc_end0:
.L_simem_size_0:
called_computation.2_lowered:
.L_overlay_start_0:
0x88: {  	s2 =	sld [smem:$0x3FD9]  }
0x89: {  	s3 =	sld [smem:$0x3FFE];
	_ =	sdelay $0x1  }
0x8a: {  	s1 =	srdreg.scid  }
0x8b: {  	s0 =	sand.u32 $0x1, s1  }
0x8c: {  	s16 =	sshll.u32 s0, $0xA;
	s2 =	sadd.s32 s3, s2  }
0x8d: {  	s2 =	sadd.s32 s2, s16  }
0x8e: {  	[smem:$0x3F9F] =	sst s2  }
0x8f: {  	_ = 	snop  }
0x90: {  	(tm) =	ssettm $0x1  }
0x91: {  	s17 =	sld [smem:$0x3FFB];
	_ =	sdelay $0x3  }
0x92: {  	_ =	strace s17  }
0x93: {  	s2 =	sld [smem:$0x3FFC];
	_ =	sdelay $0x3  }
0x94: {  	_ =	strace s2  }
0x95: {  	s2 =	sld [smem:$0x3FFD];
	_ =	sdelay $0x3  }
0x96: {  	_ =	strace s2  }
0x97: {  	_ =	strace $0x8FFFFFFF  }
0x98: {  	s18 =	sld [smem:$0x3FDB];
	_ =	sdelay $0x1  }
0x99: {  	s19 =	simm.s32 $_scs_section_size  }
0x9a: {  	s4 =	simm.s32 $_size__tile_overlayer_lowered;
	s5 =	simm.s32 $_tile_overlayer_lowered  }
0x9b: {  	s22 =	simm.s32 $0x1BFF;
	s21 =	sshll.u32 s5, $0x1;
	s2 =	sadd.s32 s19, s18  }
0x9c: {  	s6 =	simm.s32 $0x0;
	s20 =	sshll.u32 s4, $0x1;
	s4 =	sadd.s32 s21, s2  }
0x9d: {  	[timem:s6], [sflag:s22] =	dma.local [hbm:s4], s20  }
0x9e: {  	_ =	swait.ge [sflag:s22], s20  }
0x9f: {  	s3 =	ssub.s32 $0x0, s20;
	[sflag:s22] =	ssyncset.done $0x0  }
0xa0: {  	[sflag:s22] =	ssyncadd.s32 s3;
	_ =	sdelay $0x1  }
0xa1: {  	s23 =	simm.s32 $0x1B8B  }
0xa2: {  	_ =	swait.ge [sflag:s23], $0x1  }
0xa3: {  	[sflag:s23] =	ssyncset.done $0x0  }
0xa4: {  	s25 =	simm.s32 $0x1B8E;
	s24 =	sld [smem:$0x3FFE];
	[sflag:s23] =	ssyncadd.s32 $0xFFFFFFFF  }
0xa5: {  	s26 =	simm.s32 $execute0_lowered;
	[smem:$0x3FD2] =	sst s25  }
0xa6: {  	s4 =	sshll.u32 s26, $0x1;
	_ =	strace $0x8000004C;
	[dreg:$0x1] =	wrdreg $0xFFFFFFFF  }
0xa7: {  	s28 =	simm.s32 $_size_execute0_lowered;
	s2 =	sadd.s32 s2, s4;
	[dreg:$0x0] =	wrdreg $0x0  }
0xa8: {  	s4 =	sshll.u32 s28, $0x1;
	[dreg:$0x2] =	wrdreg s2  }
0xa9: {  	[dreg:$0x3] =	wrdreg s4  }
0xaa: {  	[dreg:$0x4] =	wrdreg $0xC0  }
0xab: {  	_ =	task [dreg:s6], $0x5FFFF  }
0xac: {  	[dreg:$0x1] =	wrdreg $0xFFFFFFFF  }
0xad: {  	[dreg:$0x0] =	wrdreg $0x60  }
0xae: {  	[dreg:$0x2] =	wrdreg s24  }
0xaf: {  	[dreg:$0x3] =	wrdreg $0x10F000  }
0xb0: {  	[dreg:$0x4] =	wrdreg $0x9  }
0xb1: {  	_ =	task.clear_ibuf [dreg:s6], $0x5FFFF;
	_ =	strace $0x9000004C  }
0xb2: {  	s29 =	simm.s32 $0x9;
	_ =	strace $0x8000004E  }
0xb3: {  	_ =	swait.ge [sflag:s29], $0x1  }
0xb4: {  	[sflag:s29] =	ssyncadd.s32 $0xFFFFFFFF  }
0xb5: {  	_ =	strace $0x9000004E  }
0xb6: {  	_ =	sfence  }
0xb7: {  	s30 =	sld [smem:$0x0];
	_ =	sdelay $0x2  }
0xb8: {  	s31 =	sshll.u32 s1, $0xD;
	s1 =	sshrl.u32 s1, $0x2  }
0xb9: {  	s3 =	sand.u32 $0x4000, s31;
	s1 =	sadd.s32 s1, s30  }
0xba: {  	s0 =	sor.u32 s3, s0;
	s1 =	sshll.u32 s1, $0x11  }
0xbb: {  	s0 =	sor.u32 s1, s0  }
0xbc: {  	s0 =	sadd.s32 $0x8F2B, s0  }
0xbd: {  	[sflag:s0] =	ssyncadd.remote.s32 $0x1  }
0xbe: {  	_ =	sfence.sel $0xFFFF  }
0xbf: {  	[dreg:$0x0] =	wrdreg $0xFFFFFFFF;
	(pc) =	sbr.abs _section_cstart, $3  }
0xc0: {  	[dreg:$0x1] =	wrdreg $0xFFFFFFFF  }
0xc1: {  	_ =	task.clear_ibuf [dreg:s6], $0x2FFFF;
	_ =	strace $0x9FFFFFFF  }
0xc2: {  	(tm) =	ssettm $0x7FFFFFFF  }
0xc3: {  	_ =	shalt  }
tec
execute0_lowered:
.L_overlay_start_1:
0x0: {  	(tag) =	ssettag $0x1  }
0x1: {  	s0 =	srdreg.scid;
	s5 =	rddreg [dreg:$0x0]  }
0x2: {  	s11 =	stileid.u32;
	s2 =	rddreg [dreg:$0x1];
	s3 =	simm.s32 $0x0  }
0x3: {  	s13 =	simm.s32 $0x8;
	s15 =	simm.s32 $0x80;
	s16 =	simm.s32 $0x4F00  }
0x4: {  	s25 =	simm.s32 $0xEF00;
	s26 =	simm.s32 $0x2;
	s28 =	simm.s32 $0x0  }
0x5: {  	s0 =	sand.u32 $0x1, s0;
	s6 =	smul.u32 $0x9E00, s11;
	[smem:$0x7FF] =	sst s3  }
0x6: {  	s4 =	sadd.s32 $0x42400, s5;
	s1 =	sshll.u32 s0, $0x4;
	s7 =	smul.u32 $0x9E000, s0  }
0x7: {  	_ =	strace $0x8000004D;
	s0 =	ssub.s32 $0x2, s0;
	s1 =	sor.u32 s11, s1  }
0x8: {  	s8 =	sshrl.u32 s6, $0x3;
	s9 =	sshrl.u32 s0, $0x1;
	s12 =	sadd.s32 s6, s2  }
0x9: {  	s1 =	smul.u32 $0x4F0, s1;
	s7 =	sadd.s32 s6, s7;
	s8 =	sadd.s32 s8, s5  }
0xa: {  	s0 =	ssub.s32 s0, s9;
	s6 =	sshll.u32 s11, $0x6;
	s12 =	sshrl.u32 s12, $0x3  }
0xb: {  	s7 =	sshrl.u32 s7, $0x3;
	s11 =	smax.u32 s0, $0x1;
	s1 =	sadd.s32 s1, s5  }
0xc: {  	s10 =	sadd.s32 s7, s5;
	s5 =	sadd.s32 $0x2E800, s8;
	s7 =	sor.u32 $0x1C01, s6  }
0xd: {  	s8 =	sadd.s32 $0x10A00, s1;
	s9 =	sadd.s32 $0x6C00, s1;
	s10 =	sadd.s32 $0x56400, s10  }
.LBB2_1:
0xe: {  	[spmem:s12], [sflag:s7] =	dma.local [hbm:s5], $0x13C0  }
0xf: {  	[tilespmem:s3], [sflag:$0x8] =	stream.linear.gather [hbm4b:s8+s3], $0x2780, $0x38;
	[tilespmem:$0x1AD00] =	vst v63  }
0x10: {  	_ =	swait.ge [sflag:s13], $0x2780  }
0x11: {  	[sflag:s13] =	ssyncset.done $0x0  }
0x12: {  	s0 =	simm.s32 $0x2780;
	[sflag:s13] =	ssyncadd.s32 $0xFFFFD880  }
0x13: {  	[tilespmem:s0], [sflag:$0x8] =	stream.linear.gather [hbm4b:s9+s3], $0x2780, $0x38;
	[tilespmem:$0x1AD00] =	vst v63  }
0x14: {  	_ =	swait.ge [sflag:s13], $0x2780  }
0x15: {  	[sflag:s13] =	ssyncset.done $0x0  }
0x16: {  	s29 =	simm.s32 $0x1;
	[sflag:s13] =	ssyncadd.s32 $0xFFFFD880  }
0x17: {  	_ =	swait.ge [sflag:s29], $0x13C0  }
0x18: {  	[sflag:s29] =	ssyncset.done $0x0  }
0x19: {  	[sflag:s29] =	ssyncadd.s32 $0xFFFFEC40  }
0x1a: {  	[bflag:$0x0] =	sbarrier.arrive $0xFFFF  }
0x1b: {  	[tilespmem:s16], [sflag:$0x2] =	stream.indirect.gather [hbm4b:s4+s15], $0x40, s3, s15, $0xb8;
	[tilespmem:$0x1AD00] =	vst v63  }
0x1c: {  	s18 =	simm.s32 $0x6F00  }
0x1d: {  	[tilespmem:s18], [sflag:$0x3] =	stream.indirect.gather [hbm4b:s4+s15], $0x40, s15, s15, $0xb8;
	[tilespmem:$0x1AD00] =	vst v63  }
0x1e: {  	s19 =	simm.s32 $0x100;
	s1 =	simm.s32 $0x8F00  }
0x1f: {  	[tilespmem:s1], [sflag:$0x4] =	stream.indirect.gather [hbm4b:s4+s15], $0x40, s19, s15, $0xb8;
	[tilespmem:$0x1AD00] =	vst v63  }
0x20: {  	s20 =	simm.s32 $0x180;
	s21 =	simm.s32 $0xAF00  }
0x21: {  	[tilespmem:s21], [sflag:$0x5] =	stream.indirect.gather [hbm4b:s4+s15], $0x40, s20, s15, $0xb8;
	[tilespmem:$0x1AD00] =	vst v63  }
0x22: {  	s22 =	simm.s32 $0x200;
	s23 =	simm.s32 $0xCF00  }
0x23: {  	[tilespmem:s23], [sflag:$0x6] =	stream.indirect.gather [hbm4b:s4+s15], $0x40, s22, s15, $0xb8;
	[tilespmem:$0x1AD00] =	vst v63  }
0x24: {  	s24 =	simm.s32 $0x280;
	s30 =	simm.s32 $0x0;
	s31 =	simm.s32 $0x0  }
0x25: {  	[tilespmem:s25], [sflag:$0x7] =	stream.indirect.gather [hbm4b:s4+s15], $0x40, s24, s15, $0xb8;
	[tilespmem:$0x1AD00] =	vst v63  }
.LBB2_2:
0x26: {  	_ =	swait.ge [sflag:s26], $0x2000  }
0x27: {  	s0 =	sshra.s32 s30, $0x2;
	[sflag:s26] =	ssyncset.done $0x0  }
0x28: {  	p0 =	seq.s32 s30, $0x9C00;
	s0 =	sadd.s32 $0x2780, s0;
	[sflag:s26] =	ssyncadd.s32 $0xFFFFE000  }
0x29: {  	[spmem:s2] =	stream.indirect.scatter.add.f32 [tilespmem:s16], [sflag:$0x8], $0x40, s0, s15, $0xb8;
	[tilespmem:$0x1AD00] =	vst v63  }
0x2a: {  	s1 =	sshra.s32 @!p0 s30, $0x2;
	s17 =	simm.s32 @!p0 $0x4F00;
	_ =	swait.ge [sflag:s13], $0x2000  }
0x2b: {  	p2 =	sgt.u32 @!p0 s29, $0x4E;
	s14 =	sadd.s32 @!p0 $0x300, s1;
	[sflag:s13] =	ssyncset.done $0x0  }
0x2c: {  	p1 =	por p2, p0;
	s0 =	simm.s32 @!p0 $0x80;
	[sflag:s13] =	ssyncadd.s32 $0xFFFFE000  }
0x2d: {  	[tilespmem:s17], [sflag:$0x2] =	stream.indirect.gather @!p0 [hbm4b:s4+s0], $0x40, s14, s0, $0xb8;
	[tilespmem:$0x1AD00] =	vst v63  }
0x2e: {  	s14 =	simm.s32 @!p1 $0x3  }
0x2f: {  	_ =	swait.ge @!p1 [sflag:s14], $0x2000  }
0x30: {  	[sflag:s14] =	ssyncset.done @!p1 $0x0  }
0x31: {  	[sflag:s14] =	ssyncadd.s32 @!p1 $0xFFFFE000;
	s14 =	sshra.s32 @!p1 s30, $0x2  }
0x32: {  	s18 =	simm.s32 @!p1 $0x6F00;
	s17 =	simm.s32 @!p1 $0x80;
	s14 =	sadd.s32 @!p1 $0x2800, s14  }
0x33: {  	[spmem:s2] =	stream.indirect.scatter.add.f32 @!p1 [tilespmem:s18], [sflag:$0x8], $0x40, s14, s17, $0xb8;
	[tilespmem:$0x1AD00] =	vst v63  }
0x34: {  	p3 =	sgt.u32 @!p1 s31, $0xB;
	s14 =	simm.s32 @!p1 $0x8  }
0x35: {  	p2 =	por @!p0 p3, p2;
	_ =	swait.ge @!p1 [sflag:s14], $0x2000  }
0x36: {  	p2 =	por p2, p0;
	[sflag:s14] =	ssyncset.done @!p1 $0x0  }
0x37: {  	[sflag:s14] =	ssyncadd.s32 @!p1 $0xFFFFE000;
	s14 =	sshra.s32 @!p2 s30, $0x2  }
0x38: {  	s17 =	simm.s32 @!p2 $0x80;
	s18 =	simm.s32 @!p2 $0x6F00;
	s14 =	sadd.s32 @!p2 $0x380, s14  }
0x39: {  	[tilespmem:s18], [sflag:$0x3] =	stream.indirect.gather @!p2 [hbm4b:s4+s17], $0x40, s14, s17, $0xb8;
	[tilespmem:$0x1AD00] =	vst v63  }
0x3a: {  	s14 =	simm.s32 @!p0 $0x4  }
0x3b: {  	_ =	swait.ge @!p0 [sflag:s14], $0x2000  }
0x3c: {  	[sflag:s14] =	ssyncset.done @!p0 $0x0  }
0x3d: {  	s17 =	simm.s32 @!p0 $0x8F00;
	[sflag:s14] =	ssyncadd.s32 @!p0 $0xFFFFE000;
	s14 =	sadd.s32 @!p0 $0x2880, s1  }
0x3e: {  	[spmem:s2] =	stream.indirect.scatter.add.f32 @!p0 [tilespmem:s17], [sflag:$0x8], $0x40, s14, s0, $0xb8;
	[tilespmem:$0x1AD00] =	vst v63  }
0x3f: {  	s14 =	simm.s32 @!p0 $0x8  }
0x40: {  	p1 =	sgt.u32 @!p0 s31, $0xB;
	_ =	swait.ge @!p0 [sflag:s14], $0x2000  }
0x41: {  	p2 =	por !p1, p0;
	[sflag:s14] =	ssyncset.done @!p0 $0x0  }
0x42: {  	s17 =	simm.s32 @!p2 $0x5;
	[sflag:s14] =	ssyncadd.s32 @!p0 $0xFFFFE000  }
0x43: {  	_ =	swait.ge @!p2 [sflag:s17], $0x2000  }
0x44: {  	[sflag:s17] =	ssyncset.done @!p2 $0x0  }
0x45: {  	[sflag:s17] =	ssyncadd.s32 @!p2 $0xFFFFE000;
	s17 =	sshra.s32 @!p2 s30, $0x2  }
0x46: {  	s19 =	simm.s32 @!p2 $0x80;
	s20 =	simm.s32 @!p2 $0xAF00;
	s18 =	sadd.s32 @!p2 $0x2900, s17  }
0x47: {  	[spmem:s2] =	stream.indirect.scatter.add.f32 @!p2 [tilespmem:s20], [sflag:$0x8], $0x40, s18, s19, $0xb8;
	[tilespmem:$0x1AD00] =	vst v63  }
0x48: {  	s18 =	simm.s32 @!p2 $0x8  }
0x49: {  	p1 =	por p1, p0;
	_ =	swait.ge @!p2 [sflag:s18], $0x2000  }
0x4a: {  	s22 =	simm.s32 @!p1 $0x80;
	s20 =	sshra.s32 @!p1 s30, $0x2;
	[sflag:s18] =	ssyncset.done @!p2 $0x0  }
0x4b: {  	s23 =	simm.s32 @!p1 $0x8F00;
	s21 =	sadd.s32 @!p1 $0x400, s20;
	[sflag:s18] =	ssyncadd.s32 @!p2 $0xFFFFE000  }
0x4c: {  	[tilespmem:s23], [sflag:$0x4] =	stream.indirect.gather @!p1 [hbm4b:s4+s22], $0x40, s21, s22, $0xb8;
	[tilespmem:$0x1AD00] =	vst v63  }
0x4d: {  	s21 =	simm.s32 @!p1 $0x5  }
0x4e: {  	_ =	swait.ge @!p1 [sflag:s21], $0x2000  }
0x4f: {  	[sflag:s21] =	ssyncset.done @!p1 $0x0  }
0x50: {  	s23 =	simm.s32 @!p1 $0xAF00;
	[sflag:s21] =	ssyncadd.s32 @!p1 $0xFFFFE000;
	s21 =	sadd.s32 @!p1 $0x2900, s20  }
0x51: {  	[spmem:s2] =	stream.indirect.scatter.add.f32 @!p1 [tilespmem:s23], [sflag:$0x8], $0x40, s21, s22, $0xb8;
	[tilespmem:$0x1AD00] =	vst v63  }
0x52: {  	s21 =	simm.s32 @!p1 $0x8  }
0x53: {  	_ =	swait.ge @!p1 [sflag:s21], $0x2000  }
0x54: {  	[sflag:s21] =	ssyncset.done @!p1 $0x0  }
0x55: {  	s24 =	sadd.s32 @!p1 $0x480, s20;
	[sflag:s21] =	ssyncadd.s32 @!p1 $0xFFFFE000  }
0x56: {  	[tilespmem:s23], [sflag:$0x5] =	stream.indirect.gather @!p1 [hbm4b:s4+s22], $0x40, s24, s22, $0xb8;
	[tilespmem:$0x1AD00] =	vst v63  }
0x57: {  	s23 =	simm.s32 @!p0 $0x6  }
0x58: {  	_ =	swait.ge @!p0 [sflag:s23], $0x2000  }
0x59: {  	[sflag:s23] =	ssyncset.done @!p0 $0x0  }
0x5a: {  	s1 =	sadd.s32 @!p0 $0x2980, s1;
	[sflag:s23] =	ssyncadd.s32 @!p0 $0xFFFFE000;
	s23 =	simm.s32 @!p0 $0xCF00  }
0x5b: {  	[spmem:s2] =	stream.indirect.scatter.add.f32 @!p0 [tilespmem:s23], [sflag:$0x8], $0x40, s1, s0, $0xb8;
	[tilespmem:$0x1AD00] =	vst v63  }
0x5c: {  	_ =	swait.ge @!p0 [sflag:s14], $0x2000  }
0x5d: {  	[sflag:s14] =	ssyncset.done @!p0 $0x0  }
0x5e: {  	s0 =	simm.s32 @!p2 $0x7;
	[sflag:s14] =	ssyncadd.s32 @!p0 $0xFFFFE000  }
0x5f: {  	_ =	swait.ge @!p2 [sflag:s0], $0x2000  }
0x60: {  	[sflag:s0] =	ssyncset.done @!p2 $0x0  }
0x61: {  	s1 =	simm.s32 @!p2 $0xEF00;
	[sflag:s0] =	ssyncadd.s32 @!p2 $0xFFFFE000;
	s0 =	sadd.s32 @!p2 $0x2A00, s17  }
0x62: {  	[spmem:s2] =	stream.indirect.scatter.add.f32 @!p2 [tilespmem:s1], [sflag:$0x8], $0x40, s0, s19, $0xb8;
	[tilespmem:$0x1AD00] =	vst v63  }
0x63: {  	_ =	swait.ge @!p2 [sflag:s18], $0x2000  }
0x64: {  	[sflag:s18] =	ssyncset.done @!p2 $0x0  }
0x65: {  	s0 =	sadd.s32 @!p1 $0x500, s20;
	s1 =	simm.s32 @!p1 $0xCF00;
	[sflag:s18] =	ssyncadd.s32 @!p2 $0xFFFFE000  }
0x66: {  	[tilespmem:s1], [sflag:$0x6] =	stream.indirect.gather @!p1 [hbm4b:s4+s22], $0x40, s0, s22, $0xb8;
	[tilespmem:$0x1AD00] =	vst v63  }
0x67: {  	s0 =	simm.s32 @!p1 $0x7  }
0x68: {  	_ =	swait.ge @!p1 [sflag:s0], $0x2000  }
0x69: {  	[sflag:s0] =	ssyncset.done @!p1 $0x0  }
0x6a: {  	s1 =	simm.s32 @!p1 $0xEF00;
	[sflag:s0] =	ssyncadd.s32 @!p1 $0xFFFFE000;
	s0 =	sadd.s32 @!p1 $0x2A00, s20  }
0x6b: {  	[spmem:s2] =	stream.indirect.scatter.add.f32 @!p1 [tilespmem:s1], [sflag:$0x8], $0x40, s0, s22, $0xb8;
	[tilespmem:$0x1AD00] =	vst v63  }
0x6c: {  	_ =	swait.ge @!p1 [sflag:s21], $0x2000  }
0x6d: {  	[sflag:s21] =	ssyncset.done @!p1 $0x0  }
0x6e: {  	s30 =	sadd.s32 @!p0 $0xC00, s30;
	s0 =	sadd.s32 @!p1 $0x580, s20;
	[sflag:s21] =	ssyncadd.s32 @!p1 $0xFFFFE000  }
0x6f: {  	[tilespmem:s1], [sflag:$0x7] =	stream.indirect.gather @!p1 [hbm4b:s4+s22], $0x40, s0, s22, $0xb8;
	[tilespmem:$0x1AD00] =	vst v63  }
0x70: {  	p1 =	sne.s32 @!p0 s30, $0xA800  }
0x71: {  	p1 =	por p0, !p1  }
.Ltmp0:
0x72: {  	_ = 	snop;
	(pc) =	sbr.rel @!p1 .LBB2_2-.Ltmp0, $2  }
0x73: {  	_ =	sdelay $0x2  }
0x74: {  	s29 =	sadd.s32 @!p0 $0x6, s29;
	s31 =	sadd.s32 @!p0 $0x1, s31  }
0x75: {  	s28 =	sadd.s32 $0x1, s28  }
0x76: {  	p0 =	sne.s32 s28, s11  }
.Ltmp1:
0x77: {  	[bflag:$0x0] =	sbarrier.arrive $0xFFFF;
	s0 =	sor.u32 $0x1C08, s6;
	(pc) =	sbr.rel @p0 .LBB2_1-.Ltmp1, $4  }
0x78: {  	[hbm:s10], [sflag:s0] =	dma.local [spmem:s12], $0x13C0  }
0x79: {  	_ =	swait.ge [sflag:s13], $0x13C0  }
0x7a: {  	[sflag:s13] =	ssyncset.done $0x0  }
0x7b: {  	[sflag:s13] =	ssyncadd.s32 $0xFFFFEC40  }
0x7c: {  	_ =	sfence.sel $0x180000  }
0x7d: {  	[bflag:$0x0] =	sbarrier.arrive $0xFFFF  }
0x7e: {  	_ =	strace $0x9000004D  }
0x7f: {  	s0 =	stileid.u32;
	[bflag:$0x2] =	sbarrier.arrive $0xFFFF  }
0x80: {  	p0 =	sne.s32 s0, $0x0;
	s0 =	rddreg [dreg:$0x2]  }
0x81: {  	s0 =	sadd.s32 @!p0 $0x100000, s0  }
0x82: {  	[sflag:s0] =	ssyncadd.tile.s32 @!p0 $0x1;
	_ =	shalt  }
.Lfunc_end2:
_tile_overlayer_lowered:
.L_overlay_start_2:
0x83: {  	(tag) =	ssettag $0x2  }
0x84: {  	s0 =	rddreg [dreg:$0x0];
	s2 =	stileid.u32  }
0x85: {  	s1 =	rddreg [dreg:$0x1];
	p0 =	sne.s32 s2, $0x0  }
0x86: {  	s3 =	rddreg [dreg:$0x2];
	[bflag:$0x3] =	sbarrier.arrive $0xFFFF;
	s2 =	simm.s32 @!p0 $0x1C08  }
0x87: {  	[timem:s3], [sflag:s2] =	dma.local @!p0 [hbm:s0], s1  }
0x88: {  	s0 =	simm.s32 @!p0 $0x8  }
0x89: {  	_ =	swait.ge @!p0 [sflag:s0], s1  }
0x8a: {  	s1 =	ssub.s32 @!p0 $0x0, s1;
	[sflag:s0] =	ssyncset.done @!p0 $0x0  }
0x8b: {  	[sflag:s0] =	ssyncadd.s32 @!p0 s1  }
0x8c: {  	[bflag:$0x3] =	sbarrier.arrive $0xFFFF  }
0x8d: {  	_ =	shalt  }

// kernel: kernel.21.cloned.1.call-start
scs
__scs_entry_jumppad:
0x0: {  	(pc) =	sbr.rel $0x88, $3  }
0x1: {  	(tag) =	ssettag $0x0;
	lr =	simm.s32 $0x1  }
0x2: {  	[smem:$0x3F78] =	sst lr;
	_ =	strace $0xD0000000  }
0x3: {  	_ = 	snop  }
0x4: {  	_ = 	snop  }
0x5: {  	_ = 	snop  }
0x6: {  	_ = 	snop  }
0x7: {  	_ = 	snop  }
__scs_overlays_trampoline_lowered:
0x8: {  	[smem:$0x3F87] =	sst s0  }
0x9: {  	[smem:$0x3F88] =	sst s1  }
0xa: {  	[smem:$0x3F89] =	sst s2  }
0xb: {  	[smem:$0x3F8A] =	sst s3  }
0xc: {  	[smem:$0x3F8B] =	sst s4  }
0xd: {  	[smem:$0x3F8C] =	sst s5  }
0xe: {  	[smem:$0x3F8D] =	sst s6  }
0xf: {  	[smem:$0x3F8E] =	sst s7  }
0x10: {  	[smem:$0x3F8F] =	sst s8  }
0x11: {  	[smem:$0x3F90] =	sst s9;
	s0 =	simm.s32 @!p0 $0x0  }
0x12: {  	s1 =	sld [smem:$0x3F76];
	s0 =	simm.s32 @p0 $0x1  }
0x13: {  	[smem:$0x3F91] =	sst s0;
	s0 =	simm.s32 @!p1 $0x0  }
0x14: {  	s2 =	sld [smem:$0x3F75];
	s0 =	simm.s32 @p1 $0x1  }
0x15: {  	[smem:$0x3F92] =	sst s0;
	s0 =	simm.s32 @!p2 $0x0  }
0x16: {  	s3 =	sld [smem:$0x3FDB];
	s0 =	simm.s32 @p2 $0x1  }
0x17: {  	s4 =	simm.s32 $0x1BF5;
	[smem:$0x3F94] =	sst s0  }
0x18: {  	s0 =	sld [smem:$0x3F77];
	_ =	swait.ge [sflag:s4], $0x0  }
0x19: {  	s7 =	sld [smem:$0x3F78]  }
0x1a: {  	s8 =	sadd.s32 $0xFFFFE003, lr  }
0x1b: {  	s9 =	sadd.s32 $0xFFFFFEF7, lr;
	s5 =	simm.s32 $0xFFFFFFFF;
	p2 =	slt.u32 s8, $0xFFFFF086  }
0x1c: {  	p1 =	slt.u32 s9, $0xF7A;
	s5 =	simm.s32 @!p2 $0x0  }
0x1d: {  	s5 =	simm.s32 @p1 $0x1;
	p0 =	seq.s32 s7, s2  }
0x1e: {  	s7 =	smul.u32 @!p0 $0xF7A, s2;
	p2 =	seq.s32 @!p0 s5, $0x0  }
0x1f: {  	s9 =	smul.u32 $0xF7A, s1;
	s8 =	simm.s32 @!p0 $0x1BF5;
	p2 =	por !p2, p0  }
0x20: {  	[sflag:s8] =	ssyncset.s32 @!p0 $0xFFFFF086;
	s6 =	sadd.s32 @!p0 s3, s7;
	s7 =	simm.s32 @!p0 $0x108  }
0x21: {  	s3 =	sadd.s32 s3, s9;
	s6 =	sadd.s32 @!p0 $0x88, s6;
	s7 =	simm.s32 @p2 $0x1082  }
0x22: {  	[simem:s7], [sflag:s8] =	dma.local @!p0 [hbm:s6], $0xF7A  }
0x23: {  	s9 =	sor.u32 $0xD0000000, s2;
	s6 =	simm.s32 $0x108;
	_ =	swait.ge @!p0 [sflag:s8], $0x0  }
0x24: {  	s3 =	sadd.s32 $0x88, s3;
	s6 =	simm.s32 @!p1 $0x1082;
	[sflag:s4] =	ssyncset.s32 $0xFFFFF086  }
0x25: {  	[simem:s6], [sflag:s4] =	dma.local [hbm:s3], $0xF7A  }
0x26: {  	[smem:$0x3F78] =	sst s1;
	(tag) =	ssettag s2;
	_ =	strace s9  }
0x27: {  	s1 =	sld [smem:$0x3F88]  }
0x28: {  	s2 =	sld [smem:$0x3F89]  }
0x29: {  	s4 =	sld [smem:$0x3F8B]  }
0x2a: {  	p0 =	seq.s32 s5, $0x0;
	s5 =	sld [smem:$0x3F8C]  }
0x2b: {  	s6 =	sld [smem:$0x3F8D]  }
0x2c: {  	s7 =	sld [smem:$0x3F8E]  }
0x2d: {  	s3 =	simm.s32 $0x108;
	s8 =	sld [smem:$0x3F8F]  }
0x2e: {  	s3 =	simm.s32 @!p0 $0x1082;
	s9 =	sld [smem:$0x3F90]  }
0x2f: {  	lr =	sadd.s32 s0, s3;
	s0 =	sld [smem:$0x3F87]  }
0x30: {  	s3 =	sld [smem:$0x3F8A]  }
0x31: {  	[smem:$0x3F93] =	sst s10  }
0x32: {  	s10 =	sld [smem:$0x3F91];
	_ =	sdelay $0x3  }
0x33: {  	p0 =	seq.s32 s10, $0x1;
	s10 =	sld [smem:$0x3F93];
	_ =	sdelay $0x3  }
0x34: {  	[smem:$0x3F93] =	sst s10  }
0x35: {  	s10 =	sld [smem:$0x3F92];
	_ =	sdelay $0x3  }
0x36: {  	p1 =	seq.s32 s10, $0x1;
	s10 =	sld [smem:$0x3F93];
	_ =	sdelay $0x3  }
0x37: {  	[smem:$0x3F93] =	sst s10  }
0x38: {  	s10 =	sld [smem:$0x3F94]  }
0x39: {  	_ = 	snop;
	(pc) =	sbr.ind lr, $3  }
0x3a: {  	_ = 	snop  }
0x3b: {  	_ = 	snop  }
0x3c: {  	p2 =	seq.s32 s10, $0x1;
	s10 =	sld [smem:$0x3F93]  }
0x3d: {  	_ =	shalt  }
0x3e: {  	_ =	shalt  }
0x3f: {  	_ =	shalt  }
0x40: {  	_ =	shalt  }
0x41: {  	_ =	shalt  }
0x42: {  	_ =	shalt  }
0x43: {  	_ =	shalt  }
0x44: {  	_ =	shalt  }
0x45: {  	_ =	shalt  }
0x46: {  	_ =	shalt  }
0x47: {  	_ =	shalt  }
0x48: {  	_ =	shalt  }
0x49: {  	_ =	shalt  }
0x4a: {  	_ =	shalt  }
0x4b: {  	_ =	shalt  }
0x4c: {  	_ =	shalt  }
0x4d: {  	_ =	shalt  }
0x4e: {  	_ =	shalt  }
0x4f: {  	_ =	shalt  }
0x50: {  	_ =	shalt  }
0x51: {  	_ =	shalt  }
0x52: {  	_ =	shalt  }
0x53: {  	_ =	shalt  }
0x54: {  	_ =	shalt  }
0x55: {  	_ =	shalt  }
0x56: {  	_ =	shalt  }
0x57: {  	_ =	shalt  }
0x58: {  	_ =	shalt  }
0x59: {  	_ =	shalt  }
0x5a: {  	_ =	shalt  }
0x5b: {  	_ =	shalt  }
0x5c: {  	_ =	shalt  }
0x5d: {  	_ =	shalt  }
0x5e: {  	_ =	shalt  }
0x5f: {  	_ =	shalt  }
0x60: {  	_ =	shalt  }
0x61: {  	_ =	shalt  }
0x62: {  	_ =	shalt  }
0x63: {  	_ =	shalt  }
0x64: {  	_ =	shalt  }
0x65: {  	_ =	shalt  }
0x66: {  	_ =	shalt  }
0x67: {  	_ =	shalt  }
0x68: {  	_ =	shalt  }
0x69: {  	_ =	shalt  }
0x6a: {  	_ =	shalt  }
0x6b: {  	_ =	shalt  }
0x6c: {  	_ =	shalt  }
0x6d: {  	_ =	shalt  }
0x6e: {  	_ =	shalt  }
0x6f: {  	_ =	shalt  }
0x70: {  	_ =	shalt  }
0x71: {  	_ =	shalt  }
0x72: {  	_ =	shalt  }
0x73: {  	_ =	shalt  }
0x74: {  	_ =	shalt  }
0x75: {  	_ =	shalt  }
0x76: {  	_ =	shalt  }
0x77: {  	_ =	shalt  }
0x78: {  	_ =	shalt  }
0x79: {  	_ =	shalt  }
0x7a: {  	_ =	shalt  }
0x7b: {  	_ =	shalt  }
0x7c: {  	_ =	shalt  }
0x7d: {  	_ =	shalt  }
0x7e: {  	_ =	shalt  }
0x7f: {  	_ =	shalt  }
0x80: {  	_ =	shalt  }
0x81: {  	_ =	shalt  }
0x82: {  	_ =	shalt  }
0x83: {  	_ =	shalt  }
0x84: {  	_ =	shalt  }
0x85: {  	_ =	shalt  }
0x86: {  	_ =	shalt  }
0x87: {  	_ =	shalt  }
.Lfunc_end0:
.L_simem_size_0:
called_computation.3_lowered:
.L_overlay_start_0:
0x88: {  	s2 =	sld [smem:$0x3FD9]  }
0x89: {  	s3 =	sld [smem:$0x3FFE];
	_ =	sdelay $0x1  }
0x8a: {  	s1 =	srdreg.scid  }
0x8b: {  	s0 =	sand.u32 $0x1, s1  }
0x8c: {  	s16 =	sshll.u32 s0, $0xA;
	s2 =	sadd.s32 s3, s2  }
0x8d: {  	s2 =	sadd.s32 s2, s16  }
0x8e: {  	[smem:$0x3F9F] =	sst s2  }
0x8f: {  	_ = 	snop  }
0x90: {  	(tm) =	ssettm $0x1  }
0x91: {  	s17 =	sld [smem:$0x3FFB];
	_ =	sdelay $0x3  }
0x92: {  	_ =	strace s17  }
0x93: {  	s2 =	sld [smem:$0x3FFC];
	_ =	sdelay $0x3  }
0x94: {  	_ =	strace s2  }
0x95: {  	s2 =	sld [smem:$0x3FFD];
	_ =	sdelay $0x3  }
0x96: {  	_ =	strace s2  }
0x97: {  	_ =	strace $0x8FFFFFFF  }
0x98: {  	s18 =	sld [smem:$0x3FDB];
	_ =	sdelay $0x1  }
0x99: {  	s19 =	simm.s32 $_scs_section_size  }
0x9a: {  	s4 =	simm.s32 $_size__tile_overlayer_lowered;
	s5 =	simm.s32 $_tile_overlayer_lowered  }
0x9b: {  	s22 =	simm.s32 $0x1BFF;
	s21 =	sshll.u32 s5, $0x1;
	s2 =	sadd.s32 s19, s18  }
0x9c: {  	s6 =	simm.s32 $0x0;
	s20 =	sshll.u32 s4, $0x1;
	s4 =	sadd.s32 s21, s2  }
0x9d: {  	[timem:s6], [sflag:s22] =	dma.local [hbm:s4], s20  }
0x9e: {  	_ =	swait.ge [sflag:s22], s20  }
0x9f: {  	s3 =	ssub.s32 $0x0, s20;
	[sflag:s22] =	ssyncset.done $0x0  }
0xa0: {  	[sflag:s22] =	ssyncadd.s32 s3;
	_ =	sdelay $0x1  }
0xa1: {  	s23 =	simm.s32 $0x1B8B  }
0xa2: {  	_ =	swait.ge [sflag:s23], $0x1  }
0xa3: {  	[sflag:s23] =	ssyncset.done $0x0  }
0xa4: {  	s25 =	simm.s32 $0x1B8E;
	s24 =	sld [smem:$0x3FFE];
	[sflag:s23] =	ssyncadd.s32 $0xFFFFFFFF  }
0xa5: {  	s26 =	simm.s32 $execute0_lowered;
	[smem:$0x3FD2] =	sst s25  }
0xa6: {  	s4 =	sshll.u32 s26, $0x1;
	_ =	strace $0x8000004F;
	[dreg:$0x1] =	wrdreg $0xFFFFFFFF  }
0xa7: {  	s28 =	simm.s32 $_size_execute0_lowered;
	s2 =	sadd.s32 s2, s4;
	[dreg:$0x0] =	wrdreg $0x0  }
0xa8: {  	s4 =	sshll.u32 s28, $0x1;
	[dreg:$0x2] =	wrdreg s2  }
0xa9: {  	[dreg:$0x3] =	wrdreg s4  }
0xaa: {  	[dreg:$0x4] =	wrdreg $0xC0  }
0xab: {  	_ =	task [dreg:s6], $0x5FFFF  }
0xac: {  	[dreg:$0x1] =	wrdreg $0xFFFFFFFF  }
0xad: {  	[dreg:$0x0] =	wrdreg $0x60  }
0xae: {  	[dreg:$0x2] =	wrdreg s24  }
0xaf: {  	[dreg:$0x3] =	wrdreg $0x10F000  }
0xb0: {  	[dreg:$0x4] =	wrdreg $0x9  }
0xb1: {  	_ =	task.clear_ibuf [dreg:s6], $0x5FFFF;
	_ =	strace $0x9000004F  }
0xb2: {  	s29 =	simm.s32 $0x9;
	_ =	strace $0x80000051  }
0xb3: {  	_ =	swait.ge [sflag:s29], $0x1  }
0xb4: {  	[sflag:s29] =	ssyncadd.s32 $0xFFFFFFFF  }
0xb5: {  	_ =	strace $0x90000051  }
0xb6: {  	_ =	sfence  }
0xb7: {  	s30 =	sld [smem:$0x0];
	_ =	sdelay $0x2  }
0xb8: {  	s31 =	sshll.u32 s1, $0xD;
	s1 =	sshrl.u32 s1, $0x2  }
0xb9: {  	s3 =	sand.u32 $0x4000, s31;
	s1 =	sadd.s32 s1, s30  }
0xba: {  	s0 =	sor.u32 s3, s0;
	s1 =	sshll.u32 s1, $0x11  }
0xbb: {  	s0 =	sor.u32 s1, s0  }
0xbc: {  	s0 =	sadd.s32 $0x8F2B, s0  }
0xbd: {  	[sflag:s0] =	ssyncadd.remote.s32 $0x1  }
0xbe: {  	_ =	sfence.sel $0xFFFF  }
0xbf: {  	[dreg:$0x0] =	wrdreg $0xFFFFFFFF;
	(pc) =	sbr.abs _section_cstart, $3  }
0xc0: {  	[dreg:$0x1] =	wrdreg $0xFFFFFFFF  }
0xc1: {  	_ =	task.clear_ibuf [dreg:s6], $0x2FFFF;
	_ =	strace $0x9FFFFFFF  }
0xc2: {  	(tm) =	ssettm $0x7FFFFFFF  }
0xc3: {  	_ =	shalt  }
tec
execute0_lowered:
.L_overlay_start_1:
0x0: {  	(tag) =	ssettag $0x1  }
0x1: {  	s0 =	srdreg.scid;
	s5 =	rddreg [dreg:$0x0]  }
0x2: {  	s11 =	stileid.u32;
	s2 =	rddreg [dreg:$0x1];
	s3 =	simm.s32 $0x0  }
0x3: {  	s13 =	simm.s32 $0x8;
	s15 =	simm.s32 $0x80;
	s16 =	simm.s32 $0x4F00  }
0x4: {  	s25 =	simm.s32 $0xEF00;
	s26 =	simm.s32 $0x2;
	s28 =	simm.s32 $0x0  }
0x5: {  	s0 =	sand.u32 $0x1, s0;
	s6 =	smul.u32 $0x9E00, s11;
	[smem:$0x7FF] =	sst s3  }
0x6: {  	s4 =	sadd.s32 $0x56400, s5;
	s1 =	sshll.u32 s0, $0x4;
	s7 =	smul.u32 $0x9E000, s0  }
0x7: {  	_ =	strace $0x80000050;
	s0 =	ssub.s32 $0x2, s0;
	s1 =	sor.u32 s11, s1  }
0x8: {  	s8 =	sshrl.u32 s6, $0x3;
	s9 =	sshrl.u32 s0, $0x1;
	s12 =	sadd.s32 s6, s2  }
0x9: {  	s1 =	smul.u32 $0x4F0, s1;
	s7 =	sadd.s32 s6, s7;
	s8 =	sadd.s32 s8, s5  }
0xa: {  	s0 =	ssub.s32 s0, s9;
	s6 =	sshll.u32 s11, $0x6;
	s12 =	sshrl.u32 s12, $0x3  }
0xb: {  	s7 =	sshrl.u32 s7, $0x3;
	s11 =	smax.u32 s0, $0x1;
	s1 =	sadd.s32 s1, s5  }
0xc: {  	s10 =	sadd.s32 s7, s5;
	s5 =	sadd.s32 $0x2E800, s8;
	s7 =	sor.u32 $0x1C01, s6  }
0xd: {  	s8 =	sadd.s32 $0x10A00, s1;
	s9 =	sadd.s32 $0x6C00, s1;
	s10 =	sadd.s32 $0x6A400, s10  }
.LBB2_1:
0xe: {  	[spmem:s12], [sflag:s7] =	dma.local [hbm:s5], $0x13C0  }
0xf: {  	[tilespmem:s3], [sflag:$0x8] =	stream.linear.gather [hbm4b:s8+s3], $0x2780, $0x38;
	[tilespmem:$0x1AD00] =	vst v63  }
0x10: {  	_ =	swait.ge [sflag:s13], $0x2780  }
0x11: {  	[sflag:s13] =	ssyncset.done $0x0  }
0x12: {  	s0 =	simm.s32 $0x2780;
	[sflag:s13] =	ssyncadd.s32 $0xFFFFD880  }
0x13: {  	[tilespmem:s0], [sflag:$0x8] =	stream.linear.gather [hbm4b:s9+s3], $0x2780, $0x38;
	[tilespmem:$0x1AD00] =	vst v63  }
0x14: {  	_ =	swait.ge [sflag:s13], $0x2780  }
0x15: {  	[sflag:s13] =	ssyncset.done $0x0  }
0x16: {  	s29 =	simm.s32 $0x1;
	[sflag:s13] =	ssyncadd.s32 $0xFFFFD880  }
0x17: {  	_ =	swait.ge [sflag:s29], $0x13C0  }
0x18: {  	[sflag:s29] =	ssyncset.done $0x0  }
0x19: {  	[sflag:s29] =	ssyncadd.s32 $0xFFFFEC40  }
0x1a: {  	[bflag:$0x0] =	sbarrier.arrive $0xFFFF  }
0x1b: {  	[tilespmem:s16], [sflag:$0x2] =	stream.indirect.gather [hbm4b:s4+s15], $0x40, s3, s15, $0xb8;
	[tilespmem:$0x1AD00] =	vst v63  }
0x1c: {  	s18 =	simm.s32 $0x6F00  }
0x1d: {  	[tilespmem:s18], [sflag:$0x3] =	stream.indirect.gather [hbm4b:s4+s15], $0x40, s15, s15, $0xb8;
	[tilespmem:$0x1AD00] =	vst v63  }
0x1e: {  	s19 =	simm.s32 $0x100;
	s1 =	simm.s32 $0x8F00  }
0x1f: {  	[tilespmem:s1], [sflag:$0x4] =	stream.indirect.gather [hbm4b:s4+s15], $0x40, s19, s15, $0xb8;
	[tilespmem:$0x1AD00] =	vst v63  }
0x20: {  	s20 =	simm.s32 $0x180;
	s21 =	simm.s32 $0xAF00  }
0x21: {  	[tilespmem:s21], [sflag:$0x5] =	stream.indirect.gather [hbm4b:s4+s15], $0x40, s20, s15, $0xb8;
	[tilespmem:$0x1AD00] =	vst v63  }
0x22: {  	s22 =	simm.s32 $0x200;
	s23 =	simm.s32 $0xCF00  }
0x23: {  	[tilespmem:s23], [sflag:$0x6] =	stream.indirect.gather [hbm4b:s4+s15], $0x40, s22, s15, $0xb8;
	[tilespmem:$0x1AD00] =	vst v63  }
0x24: {  	s24 =	simm.s32 $0x280;
	s30 =	simm.s32 $0x0;
	s31 =	simm.s32 $0x0  }
0x25: {  	[tilespmem:s25], [sflag:$0x7] =	stream.indirect.gather [hbm4b:s4+s15], $0x40, s24, s15, $0xb8;
	[tilespmem:$0x1AD00] =	vst v63  }
.LBB2_2:
0x26: {  	_ =	swait.ge [sflag:s26], $0x2000  }
0x27: {  	s0 =	sshra.s32 s30, $0x2;
	[sflag:s26] =	ssyncset.done $0x0  }
0x28: {  	p0 =	seq.s32 s30, $0x9C00;
	s0 =	sadd.s32 $0x2780, s0;
	[sflag:s26] =	ssyncadd.s32 $0xFFFFE000  }
0x29: {  	[spmem:s2] =	stream.indirect.scatter.add.f32 [tilespmem:s16], [sflag:$0x8], $0x40, s0, s15, $0xb8;
	[tilespmem:$0x1AD00] =	vst v63  }
0x2a: {  	s1 =	sshra.s32 @!p0 s30, $0x2;
	s17 =	simm.s32 @!p0 $0x4F00;
	_ =	swait.ge [sflag:s13], $0x2000  }
0x2b: {  	p2 =	sgt.u32 @!p0 s29, $0x4E;
	s14 =	sadd.s32 @!p0 $0x300, s1;
	[sflag:s13] =	ssyncset.done $0x0  }
0x2c: {  	p1 =	por p2, p0;
	s0 =	simm.s32 @!p0 $0x80;
	[sflag:s13] =	ssyncadd.s32 $0xFFFFE000  }
0x2d: {  	[tilespmem:s17], [sflag:$0x2] =	stream.indirect.gather @!p0 [hbm4b:s4+s0], $0x40, s14, s0, $0xb8;
	[tilespmem:$0x1AD00] =	vst v63  }
0x2e: {  	s14 =	simm.s32 @!p1 $0x3  }
0x2f: {  	_ =	swait.ge @!p1 [sflag:s14], $0x2000  }
0x30: {  	[sflag:s14] =	ssyncset.done @!p1 $0x0  }
0x31: {  	[sflag:s14] =	ssyncadd.s32 @!p1 $0xFFFFE000;
	s14 =	sshra.s32 @!p1 s30, $0x2  }
0x32: {  	s18 =	simm.s32 @!p1 $0x6F00;
	s17 =	simm.s32 @!p1 $0x80;
	s14 =	sadd.s32 @!p1 $0x2800, s14  }
0x33: {  	[spmem:s2] =	stream.indirect.scatter.add.f32 @!p1 [tilespmem:s18], [sflag:$0x8], $0x40, s14, s17, $0xb8;
	[tilespmem:$0x1AD00] =	vst v63  }
0x34: {  	p3 =	sgt.u32 @!p1 s31, $0xB;
	s14 =	simm.s32 @!p1 $0x8  }
0x35: {  	p2 =	por @!p0 p3, p2;
	_ =	swait.ge @!p1 [sflag:s14], $0x2000  }
0x36: {  	p2 =	por p2, p0;
	[sflag:s14] =	ssyncset.done @!p1 $0x0  }
0x37: {  	[sflag:s14] =	ssyncadd.s32 @!p1 $0xFFFFE000;
	s14 =	sshra.s32 @!p2 s30, $0x2  }
0x38: {  	s17 =	simm.s32 @!p2 $0x80;
	s18 =	simm.s32 @!p2 $0x6F00;
	s14 =	sadd.s32 @!p2 $0x380, s14  }
0x39: {  	[tilespmem:s18], [sflag:$0x3] =	stream.indirect.gather @!p2 [hbm4b:s4+s17], $0x40, s14, s17, $0xb8;
	[tilespmem:$0x1AD00] =	vst v63  }
0x3a: {  	s14 =	simm.s32 @!p0 $0x4  }
0x3b: {  	_ =	swait.ge @!p0 [sflag:s14], $0x2000  }
0x3c: {  	[sflag:s14] =	ssyncset.done @!p0 $0x0  }
0x3d: {  	s17 =	simm.s32 @!p0 $0x8F00;
	[sflag:s14] =	ssyncadd.s32 @!p0 $0xFFFFE000;
	s14 =	sadd.s32 @!p0 $0x2880, s1  }
0x3e: {  	[spmem:s2] =	stream.indirect.scatter.add.f32 @!p0 [tilespmem:s17], [sflag:$0x8], $0x40, s14, s0, $0xb8;
	[tilespmem:$0x1AD00] =	vst v63  }
0x3f: {  	s14 =	simm.s32 @!p0 $0x8  }
0x40: {  	p1 =	sgt.u32 @!p0 s31, $0xB;
	_ =	swait.ge @!p0 [sflag:s14], $0x2000  }
0x41: {  	p2 =	por !p1, p0;
	[sflag:s14] =	ssyncset.done @!p0 $0x0  }
0x42: {  	s17 =	simm.s32 @!p2 $0x5;
	[sflag:s14] =	ssyncadd.s32 @!p0 $0xFFFFE000  }
0x43: {  	_ =	swait.ge @!p2 [sflag:s17], $0x2000  }
0x44: {  	[sflag:s17] =	ssyncset.done @!p2 $0x0  }
0x45: {  	[sflag:s17] =	ssyncadd.s32 @!p2 $0xFFFFE000;
	s17 =	sshra.s32 @!p2 s30, $0x2  }
0x46: {  	s19 =	simm.s32 @!p2 $0x80;
	s20 =	simm.s32 @!p2 $0xAF00;
	s18 =	sadd.s32 @!p2 $0x2900, s17  }
0x47: {  	[spmem:s2] =	stream.indirect.scatter.add.f32 @!p2 [tilespmem:s20], [sflag:$0x8], $0x40, s18, s19, $0xb8;
	[tilespmem:$0x1AD00] =	vst v63  }
0x48: {  	s18 =	simm.s32 @!p2 $0x8  }
0x49: {  	p1 =	por p1, p0;
	_ =	swait.ge @!p2 [sflag:s18], $0x2000  }
0x4a: {  	s22 =	simm.s32 @!p1 $0x80;
	s20 =	sshra.s32 @!p1 s30, $0x2;
	[sflag:s18] =	ssyncset.done @!p2 $0x0  }
0x4b: {  	s23 =	simm.s32 @!p1 $0x8F00;
	s21 =	sadd.s32 @!p1 $0x400, s20;
	[sflag:s18] =	ssyncadd.s32 @!p2 $0xFFFFE000  }
0x4c: {  	[tilespmem:s23], [sflag:$0x4] =	stream.indirect.gather @!p1 [hbm4b:s4+s22], $0x40, s21, s22, $0xb8;
	[tilespmem:$0x1AD00] =	vst v63  }
0x4d: {  	s21 =	simm.s32 @!p1 $0x5  }
0x4e: {  	_ =	swait.ge @!p1 [sflag:s21], $0x2000  }
0x4f: {  	[sflag:s21] =	ssyncset.done @!p1 $0x0  }
0x50: {  	s23 =	simm.s32 @!p1 $0xAF00;
	[sflag:s21] =	ssyncadd.s32 @!p1 $0xFFFFE000;
	s21 =	sadd.s32 @!p1 $0x2900, s20  }
0x51: {  	[spmem:s2] =	stream.indirect.scatter.add.f32 @!p1 [tilespmem:s23], [sflag:$0x8], $0x40, s21, s22, $0xb8;
	[tilespmem:$0x1AD00] =	vst v63  }
0x52: {  	s21 =	simm.s32 @!p1 $0x8  }
0x53: {  	_ =	swait.ge @!p1 [sflag:s21], $0x2000  }
0x54: {  	[sflag:s21] =	ssyncset.done @!p1 $0x0  }
0x55: {  	s24 =	sadd.s32 @!p1 $0x480, s20;
	[sflag:s21] =	ssyncadd.s32 @!p1 $0xFFFFE000  }
0x56: {  	[tilespmem:s23], [sflag:$0x5] =	stream.indirect.gather @!p1 [hbm4b:s4+s22], $0x40, s24, s22, $0xb8;
	[tilespmem:$0x1AD00] =	vst v63  }
0x57: {  	s23 =	simm.s32 @!p0 $0x6  }
0x58: {  	_ =	swait.ge @!p0 [sflag:s23], $0x2000  }
0x59: {  	[sflag:s23] =	ssyncset.done @!p0 $0x0  }
0x5a: {  	s1 =	sadd.s32 @!p0 $0x2980, s1;
	[sflag:s23] =	ssyncadd.s32 @!p0 $0xFFFFE000;
	s23 =	simm.s32 @!p0 $0xCF00  }
0x5b: {  	[spmem:s2] =	stream.indirect.scatter.add.f32 @!p0 [tilespmem:s23], [sflag:$0x8], $0x40, s1, s0, $0xb8;
	[tilespmem:$0x1AD00] =	vst v63  }
0x5c: {  	_ =	swait.ge @!p0 [sflag:s14], $0x2000  }
0x5d: {  	[sflag:s14] =	ssyncset.done @!p0 $0x0  }
0x5e: {  	s0 =	simm.s32 @!p2 $0x7;
	[sflag:s14] =	ssyncadd.s32 @!p0 $0xFFFFE000  }
0x5f: {  	_ =	swait.ge @!p2 [sflag:s0], $0x2000  }
0x60: {  	[sflag:s0] =	ssyncset.done @!p2 $0x0  }
0x61: {  	s1 =	simm.s32 @!p2 $0xEF00;
	[sflag:s0] =	ssyncadd.s32 @!p2 $0xFFFFE000;
	s0 =	sadd.s32 @!p2 $0x2A00, s17  }
0x62: {  	[spmem:s2] =	stream.indirect.scatter.add.f32 @!p2 [tilespmem:s1], [sflag:$0x8], $0x40, s0, s19, $0xb8;
	[tilespmem:$0x1AD00] =	vst v63  }
0x63: {  	_ =	swait.ge @!p2 [sflag:s18], $0x2000  }
0x64: {  	[sflag:s18] =	ssyncset.done @!p2 $0x0  }
0x65: {  	s0 =	sadd.s32 @!p1 $0x500, s20;
	s1 =	simm.s32 @!p1 $0xCF00;
	[sflag:s18] =	ssyncadd.s32 @!p2 $0xFFFFE000  }
0x66: {  	[tilespmem:s1], [sflag:$0x6] =	stream.indirect.gather @!p1 [hbm4b:s4+s22], $0x40, s0, s22, $0xb8;
	[tilespmem:$0x1AD00] =	vst v63  }
0x67: {  	s0 =	simm.s32 @!p1 $0x7  }
0x68: {  	_ =	swait.ge @!p1 [sflag:s0], $0x2000  }
0x69: {  	[sflag:s0] =	ssyncset.done @!p1 $0x0  }
0x6a: {  	s1 =	simm.s32 @!p1 $0xEF00;
	[sflag:s0] =	ssyncadd.s32 @!p1 $0xFFFFE000;
	s0 =	sadd.s32 @!p1 $0x2A00, s20  }
0x6b: {  	[spmem:s2] =	stream.indirect.scatter.add.f32 @!p1 [tilespmem:s1], [sflag:$0x8], $0x40, s0, s22, $0xb8;
	[tilespmem:$0x1AD00] =	vst v63  }
0x6c: {  	_ =	swait.ge @!p1 [sflag:s21], $0x2000  }
0x6d: {  	[sflag:s21] =	ssyncset.done @!p1 $0x0  }
0x6e: {  	s30 =	sadd.s32 @!p0 $0xC00, s30;
	s0 =	sadd.s32 @!p1 $0x580, s20;
	[sflag:s21] =	ssyncadd.s32 @!p1 $0xFFFFE000  }
0x6f: {  	[tilespmem:s1], [sflag:$0x7] =	stream.indirect.gather @!p1 [hbm4b:s4+s22], $0x40, s0, s22, $0xb8;
	[tilespmem:$0x1AD00] =	vst v63  }
0x70: {  	p1 =	sne.s32 @!p0 s30, $0xA800  }
0x71: {  	p1 =	por p0, !p1  }
.Ltmp0:
0x72: {  	_ = 	snop;
	(pc) =	sbr.rel @!p1 .LBB2_2-.Ltmp0, $2  }
0x73: {  	_ =	sdelay $0x2  }
0x74: {  	s29 =	sadd.s32 @!p0 $0x6, s29;
	s31 =	sadd.s32 @!p0 $0x1, s31  }
0x75: {  	s28 =	sadd.s32 $0x1, s28  }
0x76: {  	p0 =	sne.s32 s28, s11  }
.Ltmp1:
0x77: {  	[bflag:$0x0] =	sbarrier.arrive $0xFFFF;
	s0 =	sor.u32 $0x1C08, s6;
	(pc) =	sbr.rel @p0 .LBB2_1-.Ltmp1, $4  }
0x78: {  	[hbm:s10], [sflag:s0] =	dma.local [spmem:s12], $0x13C0  }
0x79: {  	_ =	swait.ge [sflag:s13], $0x13C0  }
0x7a: {  	[sflag:s13] =	ssyncset.done $0x0  }
0x7b: {  	[sflag:s13] =	ssyncadd.s32 $0xFFFFEC40  }
0x7c: {  	_ =	sfence.sel $0x180000  }
0x7d: {  	[bflag:$0x0] =	sbarrier.arrive $0xFFFF  }
0x7e: {  	_ =	strace $0x90000050  }
0x7f: {  	s0 =	stileid.u32;
	[bflag:$0x2] =	sbarrier.arrive $0xFFFF  }
0x80: {  	p0 =	sne.s32 s0, $0x0;
	s0 =	rddreg [dreg:$0x2]  }
0x81: {  	s0 =	sadd.s32 @!p0 $0x100000, s0  }
0x82: {  	[sflag:s0] =	ssyncadd.tile.s32 @!p0 $0x1;
	_ =	shalt  }
.Lfunc_end2:
_tile_overlayer_lowered:
.L_overlay_start_2:
0x83: {  	(tag) =	ssettag $0x2  }
0x84: {  	s0 =	rddreg [dreg:$0x0];
	s2 =	stileid.u32  }
0x85: {  	s1 =	rddreg [dreg:$0x1];
	p0 =	sne.s32 s2, $0x0  }
0x86: {  	s3 =	rddreg [dreg:$0x2];
	[bflag:$0x3] =	sbarrier.arrive $0xFFFF;
	s2 =	simm.s32 @!p0 $0x1C08  }
0x87: {  	[timem:s3], [sflag:s2] =	dma.local @!p0 [hbm:s0], s1  }
0x88: {  	s0 =	simm.s32 @!p0 $0x8  }
0x89: {  	_ =	swait.ge @!p0 [sflag:s0], s1  }
0x8a: {  	s1 =	ssub.s32 @!p0 $0x0, s1;
	[sflag:s0] =	ssyncset.done @!p0 $0x0  }
0x8b: {  	[sflag:s0] =	ssyncadd.s32 @!p0 s1  }
0x8c: {  	[bflag:$0x3] =	sbarrier.arrive $0xFFFF  }
0x8d: {  	_ =	shalt  }

// kernel: kernel.24.cloned.1.call-start
scs
__scs_entry_jumppad:
0x0: {  	(pc) =	sbr.rel $0x88, $3  }
0x1: {  	(tag) =	ssettag $0x0;
	lr =	simm.s32 $0x1  }
0x2: {  	[smem:$0x3F78] =	sst lr;
	_ =	strace $0xD0000000  }
0x3: {  	_ = 	snop  }
0x4: {  	_ = 	snop  }
0x5: {  	_ = 	snop  }
0x6: {  	_ = 	snop  }
0x7: {  	_ = 	snop  }
__scs_overlays_trampoline_lowered:
0x8: {  	[smem:$0x3F87] =	sst s0  }
0x9: {  	[smem:$0x3F88] =	sst s1  }
0xa: {  	[smem:$0x3F89] =	sst s2  }
0xb: {  	[smem:$0x3F8A] =	sst s3  }
0xc: {  	[smem:$0x3F8B] =	sst s4  }
0xd: {  	[smem:$0x3F8C] =	sst s5  }
0xe: {  	[smem:$0x3F8D] =	sst s6  }
0xf: {  	[smem:$0x3F8E] =	sst s7  }
0x10: {  	[smem:$0x3F8F] =	sst s8  }
0x11: {  	[smem:$0x3F90] =	sst s9;
	s0 =	simm.s32 @!p0 $0x0  }
0x12: {  	s1 =	sld [smem:$0x3F76];
	s0 =	simm.s32 @p0 $0x1  }
0x13: {  	[smem:$0x3F91] =	sst s0;
	s0 =	simm.s32 @!p1 $0x0  }
0x14: {  	s2 =	sld [smem:$0x3F75];
	s0 =	simm.s32 @p1 $0x1  }
0x15: {  	[smem:$0x3F92] =	sst s0;
	s0 =	simm.s32 @!p2 $0x0  }
0x16: {  	s3 =	sld [smem:$0x3FDB];
	s0 =	simm.s32 @p2 $0x1  }
0x17: {  	s4 =	simm.s32 $0x1BF5;
	[smem:$0x3F94] =	sst s0  }
0x18: {  	s0 =	sld [smem:$0x3F77];
	_ =	swait.ge [sflag:s4], $0x0  }
0x19: {  	s7 =	sld [smem:$0x3F78]  }
0x1a: {  	s8 =	sadd.s32 $0xFFFFE003, lr  }
0x1b: {  	s9 =	sadd.s32 $0xFFFFFEF7, lr;
	s5 =	simm.s32 $0xFFFFFFFF;
	p2 =	slt.u32 s8, $0xFFFFF086  }
0x1c: {  	p1 =	slt.u32 s9, $0xF7A;
	s5 =	simm.s32 @!p2 $0x0  }
0x1d: {  	s5 =	simm.s32 @p1 $0x1;
	p0 =	seq.s32 s7, s2  }
0x1e: {  	s7 =	smul.u32 @!p0 $0xF7A, s2;
	p2 =	seq.s32 @!p0 s5, $0x0  }
0x1f: {  	s9 =	smul.u32 $0xF7A, s1;
	s8 =	simm.s32 @!p0 $0x1BF5;
	p2 =	por !p2, p0  }
0x20: {  	[sflag:s8] =	ssyncset.s32 @!p0 $0xFFFFF086;
	s6 =	sadd.s32 @!p0 s3, s7;
	s7 =	simm.s32 @!p0 $0x108  }
0x21: {  	s3 =	sadd.s32 s3, s9;
	s6 =	sadd.s32 @!p0 $0x88, s6;
	s7 =	simm.s32 @p2 $0x1082  }
0x22: {  	[simem:s7], [sflag:s8] =	dma.local @!p0 [hbm:s6], $0xF7A  }
0x23: {  	s9 =	sor.u32 $0xD0000000, s2;
	s6 =	simm.s32 $0x108;
	_ =	swait.ge @!p0 [sflag:s8], $0x0  }
0x24: {  	s3 =	sadd.s32 $0x88, s3;
	s6 =	simm.s32 @!p1 $0x1082;
	[sflag:s4] =	ssyncset.s32 $0xFFFFF086  }
0x25: {  	[simem:s6], [sflag:s4] =	dma.local [hbm:s3], $0xF7A  }
0x26: {  	[smem:$0x3F78] =	sst s1;
	(tag) =	ssettag s2;
	_ =	strace s9  }
0x27: {  	s1 =	sld [smem:$0x3F88]  }
0x28: {  	s2 =	sld [smem:$0x3F89]  }
0x29: {  	s4 =	sld [smem:$0x3F8B]  }
0x2a: {  	p0 =	seq.s32 s5, $0x0;
	s5 =	sld [smem:$0x3F8C]  }
0x2b: {  	s6 =	sld [smem:$0x3F8D]  }
0x2c: {  	s7 =	sld [smem:$0x3F8E]  }
0x2d: {  	s3 =	simm.s32 $0x108;
	s8 =	sld [smem:$0x3F8F]  }
0x2e: {  	s3 =	simm.s32 @!p0 $0x1082;
	s9 =	sld [smem:$0x3F90]  }
0x2f: {  	lr =	sadd.s32 s0, s3;
	s0 =	sld [smem:$0x3F87]  }
0x30: {  	s3 =	sld [smem:$0x3F8A]  }
0x31: {  	[smem:$0x3F93] =	sst s10  }
0x32: {  	s10 =	sld [smem:$0x3F91];
	_ =	sdelay $0x3  }
0x33: {  	p0 =	seq.s32 s10, $0x1;
	s10 =	sld [smem:$0x3F93];
	_ =	sdelay $0x3  }
0x34: {  	[smem:$0x3F93] =	sst s10  }
0x35: {  	s10 =	sld [smem:$0x3F92];
	_ =	sdelay $0x3  }
0x36: {  	p1 =	seq.s32 s10, $0x1;
	s10 =	sld [smem:$0x3F93];
	_ =	sdelay $0x3  }
0x37: {  	[smem:$0x3F93] =	sst s10  }
0x38: {  	s10 =	sld [smem:$0x3F94]  }
0x39: {  	_ = 	snop;
	(pc) =	sbr.ind lr, $3  }
0x3a: {  	_ = 	snop  }
0x3b: {  	_ = 	snop  }
0x3c: {  	p2 =	seq.s32 s10, $0x1;
	s10 =	sld [smem:$0x3F93]  }
0x3d: {  	_ =	shalt  }
0x3e: {  	_ =	shalt  }
0x3f: {  	_ =	shalt  }
0x40: {  	_ =	shalt  }
0x41: {  	_ =	shalt  }
0x42: {  	_ =	shalt  }
0x43: {  	_ =	shalt  }
0x44: {  	_ =	shalt  }
0x45: {  	_ =	shalt  }
0x46: {  	_ =	shalt  }
0x47: {  	_ =	shalt  }
0x48: {  	_ =	shalt  }
0x49: {  	_ =	shalt  }
0x4a: {  	_ =	shalt  }
0x4b: {  	_ =	shalt  }
0x4c: {  	_ =	shalt  }
0x4d: {  	_ =	shalt  }
0x4e: {  	_ =	shalt  }
0x4f: {  	_ =	shalt  }
0x50: {  	_ =	shalt  }
0x51: {  	_ =	shalt  }
0x52: {  	_ =	shalt  }
0x53: {  	_ =	shalt  }
0x54: {  	_ =	shalt  }
0x55: {  	_ =	shalt  }
0x56: {  	_ =	shalt  }
0x57: {  	_ =	shalt  }
0x58: {  	_ =	shalt  }
0x59: {  	_ =	shalt  }
0x5a: {  	_ =	shalt  }
0x5b: {  	_ =	shalt  }
0x5c: {  	_ =	shalt  }
0x5d: {  	_ =	shalt  }
0x5e: {  	_ =	shalt  }
0x5f: {  	_ =	shalt  }
0x60: {  	_ =	shalt  }
0x61: {  	_ =	shalt  }
0x62: {  	_ =	shalt  }
0x63: {  	_ =	shalt  }
0x64: {  	_ =	shalt  }
0x65: {  	_ =	shalt  }
0x66: {  	_ =	shalt  }
0x67: {  	_ =	shalt  }
0x68: {  	_ =	shalt  }
0x69: {  	_ =	shalt  }
0x6a: {  	_ =	shalt  }
0x6b: {  	_ =	shalt  }
0x6c: {  	_ =	shalt  }
0x6d: {  	_ =	shalt  }
0x6e: {  	_ =	shalt  }
0x6f: {  	_ =	shalt  }
0x70: {  	_ =	shalt  }
0x71: {  	_ =	shalt  }
0x72: {  	_ =	shalt  }
0x73: {  	_ =	shalt  }
0x74: {  	_ =	shalt  }
0x75: {  	_ =	shalt  }
0x76: {  	_ =	shalt  }
0x77: {  	_ =	shalt  }
0x78: {  	_ =	shalt  }
0x79: {  	_ =	shalt  }
0x7a: {  	_ =	shalt  }
0x7b: {  	_ =	shalt  }
0x7c: {  	_ =	shalt  }
0x7d: {  	_ =	shalt  }
0x7e: {  	_ =	shalt  }
0x7f: {  	_ =	shalt  }
0x80: {  	_ =	shalt  }
0x81: {  	_ =	shalt  }
0x82: {  	_ =	shalt  }
0x83: {  	_ =	shalt  }
0x84: {  	_ =	shalt  }
0x85: {  	_ =	shalt  }
0x86: {  	_ =	shalt  }
0x87: {  	_ =	shalt  }
.Lfunc_end0:
.L_simem_size_0:
called_computation.4_lowered:
.L_overlay_start_0:
0x88: {  	s2 =	sld [smem:$0x3FD9]  }
0x89: {  	s3 =	sld [smem:$0x3FFE];
	_ =	sdelay $0x1  }
0x8a: {  	s1 =	srdreg.scid  }
0x8b: {  	s0 =	sand.u32 $0x1, s1  }
0x8c: {  	s16 =	sshll.u32 s0, $0xA;
	s2 =	sadd.s32 s3, s2  }
0x8d: {  	s2 =	sadd.s32 s2, s16  }
0x8e: {  	[smem:$0x3F9F] =	sst s2  }
0x8f: {  	_ = 	snop  }
0x90: {  	(tm) =	ssettm $0x1  }
0x91: {  	s17 =	sld [smem:$0x3FFB];
	_ =	sdelay $0x3  }
0x92: {  	_ =	strace s17  }
0x93: {  	s2 =	sld [smem:$0x3FFC];
	_ =	sdelay $0x3  }
0x94: {  	_ =	strace s2  }
0x95: {  	s2 =	sld [smem:$0x3FFD];
	_ =	sdelay $0x3  }
0x96: {  	_ =	strace s2  }
0x97: {  	_ =	strace $0x8FFFFFFF  }
0x98: {  	s18 =	sld [smem:$0x3FDB];
	_ =	sdelay $0x1  }
0x99: {  	s19 =	simm.s32 $_scs_section_size  }
0x9a: {  	s4 =	simm.s32 $_size__tile_overlayer_lowered;
	s5 =	simm.s32 $_tile_overlayer_lowered  }
0x9b: {  	s22 =	simm.s32 $0x1BFF;
	s21 =	sshll.u32 s5, $0x1;
	s2 =	sadd.s32 s19, s18  }
0x9c: {  	s6 =	simm.s32 $0x0;
	s20 =	sshll.u32 s4, $0x1;
	s4 =	sadd.s32 s21, s2  }
0x9d: {  	[timem:s6], [sflag:s22] =	dma.local [hbm:s4], s20  }
0x9e: {  	_ =	swait.ge [sflag:s22], s20  }
0x9f: {  	s3 =	ssub.s32 $0x0, s20;
	[sflag:s22] =	ssyncset.done $0x0  }
0xa0: {  	[sflag:s22] =	ssyncadd.s32 s3;
	_ =	sdelay $0x1  }
0xa1: {  	s23 =	simm.s32 $0x1B8B  }
0xa2: {  	_ =	swait.ge [sflag:s23], $0x1  }
0xa3: {  	[sflag:s23] =	ssyncset.done $0x0  }
0xa4: {  	s25 =	simm.s32 $0x1B8E;
	s24 =	sld [smem:$0x3FFE];
	[sflag:s23] =	ssyncadd.s32 $0xFFFFFFFF  }
0xa5: {  	s26 =	simm.s32 $execute0_lowered;
	[smem:$0x3FD2] =	sst s25  }
0xa6: {  	s4 =	sshll.u32 s26, $0x1;
	_ =	strace $0x80000052;
	[dreg:$0x1] =	wrdreg $0xFFFFFFFF  }
0xa7: {  	s28 =	simm.s32 $_size_execute0_lowered;
	s2 =	sadd.s32 s2, s4;
	[dreg:$0x0] =	wrdreg $0x0  }
0xa8: {  	s4 =	sshll.u32 s28, $0x1;
	[dreg:$0x2] =	wrdreg s2  }
0xa9: {  	[dreg:$0x3] =	wrdreg s4  }
0xaa: {  	[dreg:$0x4] =	wrdreg $0xC0  }
0xab: {  	_ =	task [dreg:s6], $0x5FFFF  }
0xac: {  	[dreg:$0x1] =	wrdreg $0xFFFFFFFF  }
0xad: {  	[dreg:$0x0] =	wrdreg $0x60  }
0xae: {  	[dreg:$0x2] =	wrdreg s24  }
0xaf: {  	[dreg:$0x3] =	wrdreg $0x9  }
0xb0: {  	_ =	task.clear_ibuf [dreg:s6], $0x4FFFF;
	_ =	strace $0x90000052  }
0xb1: {  	s29 =	simm.s32 $0x9;
	_ =	strace $0x80000054  }
0xb2: {  	_ =	swait.ge [sflag:s29], $0x1  }
0xb3: {  	[sflag:s29] =	ssyncadd.s32 $0xFFFFFFFF  }
0xb4: {  	_ =	strace $0x90000054  }
0xb5: {  	_ =	sfence  }
0xb6: {  	s30 =	sld [smem:$0x0];
	_ =	sdelay $0x2  }
0xb7: {  	s31 =	sshll.u32 s1, $0xD;
	s1 =	sshrl.u32 s1, $0x2  }
0xb8: {  	s3 =	sand.u32 $0x4000, s31;
	s1 =	sadd.s32 s1, s30  }
0xb9: {  	s0 =	sor.u32 s3, s0;
	s1 =	sshll.u32 s1, $0x11  }
0xba: {  	s0 =	sor.u32 s1, s0  }
0xbb: {  	s0 =	sadd.s32 $0x8F2B, s0  }
0xbc: {  	[sflag:s0] =	ssyncadd.remote.s32 $0x1  }
0xbd: {  	_ =	sfence.sel $0xFFFF  }
0xbe: {  	[dreg:$0x0] =	wrdreg $0xFFFFFFFF;
	(pc) =	sbr.abs _section_cstart, $3  }
0xbf: {  	[dreg:$0x1] =	wrdreg $0xFFFFFFFF  }
0xc0: {  	_ =	task.clear_ibuf [dreg:s6], $0x2FFFF;
	_ =	strace $0x9FFFFFFF  }
0xc1: {  	(tm) =	ssettm $0x7FFFFFFF  }
tec
execute0_lowered:
.L_overlay_start_1:
0x0: {  	(tag) =	ssettag $0x1  }
0x1: {  	s0 =	srdreg.scid  }
0x2: {  	s5 =	rddreg [dreg:$0x0];
	s3 =	sand.u32 $0x1, s0  }
0x3: {  	s2 =	simm.s32 $0x0;
	s0 =	stileid.u32;
	s1 =	sshll.u32 s3, $0x4  }
0x4: {  	s13 =	simm.s32 $0x1;
	s14 =	simm.s32 $0x150;
	s4 =	sor.u32 s0, s1  }
0x5: {  	s15 =	simm.s32 $0x5150;
	s3 =	ssub.s32 $0x2, s3;
	s6 =	smul.u32 $0xA00, s4  }
0x6: {  	s16 =	simm.s32 $0x0;
	s31 =	sshrl.u32 s3, $0x1;
	s7 =	smul.u32 $0x28, s4  }
0x7: {  	[smem:$0x7FF] =	sst s2;
	s4 =	smul.u32 $0x240, s4;
	s12 =	ssub.s32 s3, s31  }
0x8: {  	s1 =	rddreg [dreg:$0x1];
	_ =	strace $0x80000053;
	s12 =	smax.u32 s12, $0x1  }
0x9: {  	s10 =	sadd.s32 s6, s5;
	s30 =	sadd.s32 s7, s5;
	s11 =	sadd.s32 s4, s5  }
0xa: {  	s3 =	sadd.s32 $0x91C00, s30;
	s4 =	sadd.s32 $0x1A800, s10;
	s5 =	sadd.s32 $0x8BC00, s11  }
0xb: {  	s6 =	sadd.s32 $0x42400, s10;
	s7 =	sadd.s32 $0x87400, s11;
	s8 =	sadd.s32 $0x56400, s10  }
0xc: {  	v0 =	vimm.f32 $-Inf;
	s9 =	sadd.s32 $0x82C00, s11;
	s10 =	sadd.s32 $0x6A400, s10;
	s11 =	sadd.s32 $0x7E400, s11  }
.LBB2_1:
0xd: {  	[tilespmem:s2], [sflag:$0x1] =	stream.linear.gather [hbm4b:s3+s2], $0x140, $0x38;
	[tilespmem:$0x6350] =	vst v63  }
0xe: {  	_ =	swait.ge [sflag:s13], $0x140  }
0xf: {  	[sflag:s13] =	ssyncset.done $0x0  }
0x10: {  	[sflag:s13] =	ssyncadd.s32 $0xFFFFFEC0  }
0x11: {  	[tilespmem:s14], [sflag:$0x1] =	stream.linear.gather [hbm4b:s4+s2], $0x5000, $0x38;
	[tilespmem:$0x6350] =	vst v63  }
0x12: {  	_ =	swait.ge [sflag:s13], $0x5000  }
0x13: {  	[sflag:s13] =	ssyncset.done $0x0  }
0x14: {  	s17 =	simm.s32 $0x0;
	[sflag:s13] =	ssyncadd.s32 $0xFFFFB000  }
.LBB2_2:
0x15: {  	p0 =	sne.s32 s17, $0x4700  }
.Ltmp0:
0x16: {  	s18 =	sshra.s32 s17, $0x2;
	(pc) =	sbr.rel @p0 .LBB2_2-.Ltmp0, $4  }
0x17: {  	[tilespmem:s18+$0x5150] =	vst v0  }
0x18: {  	[tilespmem:s18+$0x5160] =	vst v0  }
0x19: {  	[tilespmem:s18+$0x5170] =	vst v0  }
0x1a: {  	s17 =	sadd.s32 $0x100, s17;
	[tilespmem:s18+$0x5180] =	vst v0  }
0x1b: {  	s17 =	simm.s32 $0x0  }
0x1c: {  	v1 =	vld [tilespmem:s17+$0x0];
	_ =	sdelay $0x4  }
0x1d: {  	(v2sf) =	vpush v1, $0x0;
	_ =	sdelay $0xe  }
0x1e: {  	s18 =	spop (v2sf)  }
0x1f: {  	s17 =	simm.s32 $0x170;
	s18 =	sshll.u32 s18, $0x8  }
0x20: {  	v1 =	vld [tilespmem:s17+$0xFFFFFFE0];
	s20 =	sshra.s32 s18, $0x2  }
0x21: {  	v2 =	vld [tilespmem:s20+$0x5150];
	_ =	sdelay $0x4  }
0x22: {  	v1 =	vmax.f32 v2, v1  }
0x23: {  	[tilespmem:s20+$0x5150] =	vst v1;
	v1 =	vld [tilespmem:s20+$0x5160]  }
0x24: {  	v2 =	vld [tilespmem:s17+$0xFFFFFFF0];
	_ =	sdelay $0x4  }
0x25: {  	v1 =	vmax.f32 v1, v2  }
0x26: {  	[tilespmem:s20+$0x5160] =	vst v1;
	v1 =	vld [tilespmem:s20+$0x5170]  }
0x27: {  	v2 =	vld [tilespmem:s17+$0x0];
	_ =	sdelay $0x4  }
0x28: {  	v1 =	vmax.f32 v1, v2  }
0x29: {  	[tilespmem:s20+$0x5170] =	vst v1;
	v1 =	vld [tilespmem:s20+$0x5180]  }
0x2a: {  	v2 =	vld [tilespmem:s17+$0x10];
	_ =	sdelay $0x4  }
0x2b: {  	s21 =	simm.s32 $0x8;
	s18 =	simm.s32 $0x4;
	v1 =	vmax.f32 v1, v2  }
.LBB2_4:
0x2c: {  	s22 =	sshra.s32 s18, $0x2  }
0x2d: {  	[tilespmem:s20+$0x5180] =	vst v1;
	s17 =	sadd.s32 $0x40, s17;
	s18 =	smov.u32 s21;
	s19 =	sadd.s32 $0x4, s21  }
0x2e: {  	p0 =	sne.s32 s21, $0x4FC;
	v1 =	vld [tilespmem:s22+$0x0];
	_ =	sdelay $0x4  }
0x2f: {  	(v2sf) =	vpush v1, $0x0;
	_ =	sdelay $0xe  }
0x30: {  	s20 =	spop (v2sf)  }
0x31: {  	s20 =	sshll.u32 s20, $0x8  }
0x32: {  	s20 =	sshra.s32 s20, $0x2;
	v1 =	vld [tilespmem:s17+$0xFFFFFFE0]  }
0x33: {  	v2 =	vld [tilespmem:s20+$0x5150];
	_ =	sdelay $0x4  }
0x34: {  	v1 =	vmax.f32 v2, v1  }
0x35: {  	[tilespmem:s20+$0x5150] =	vst v1;
	v1 =	vld [tilespmem:s20+$0x5160]  }
0x36: {  	v2 =	vld [tilespmem:s17+$0xFFFFFFF0];
	_ =	sdelay $0x4  }
0x37: {  	v1 =	vmax.f32 v1, v2  }
0x38: {  	[tilespmem:s20+$0x5160] =	vst v1;
	v1 =	vld [tilespmem:s20+$0x5170]  }
0x39: {  	v2 =	vld [tilespmem:s17+$0x0];
	_ =	sdelay $0x4  }
0x3a: {  	v1 =	vmax.f32 v1, v2  }
0x3b: {  	[tilespmem:s20+$0x5170] =	vst v1;
	v1 =	vld [tilespmem:s20+$0x5180]  }
0x3c: {  	v2 =	vld [tilespmem:s17+$0x10]  }
.Ltmp1:
0x3d: {  	(pc) =	sbr.rel @p0 .LBB2_4-.Ltmp1, $2  }
0x3e: {  	_ =	sdelay $0x2  }
0x3f: {  	s21 =	smov.u32 s19;
	v1 =	vmax.f32 v1, v2  }
0x40: {  	s18 =	sshra.s32 s18, $0x2;
	[tilespmem:s20+$0x5180] =	vst v1  }
0x41: {  	v1 =	vld [tilespmem:s18+$0x0];
	_ =	sdelay $0x4  }
0x42: {  	(v2sf) =	vpush v1, $0x0;
	_ =	sdelay $0xe  }
0x43: {  	s31 =	spop (v2sf)  }
0x44: {  	s17 =	sadd.s32 $0x40, s17;
	s18 =	sshll.u32 s31, $0x8  }
0x45: {  	v1 =	vld [tilespmem:s17+$0xFFFFFFE0];
	s18 =	sshra.s32 s18, $0x2  }
0x46: {  	v2 =	vld [tilespmem:s18+$0x5150];
	_ =	sdelay $0x4  }
0x47: {  	v1 =	vmax.f32 v2, v1  }
0x48: {  	[tilespmem:s18+$0x5150] =	vst v1;
	v1 =	vld [tilespmem:s18+$0x5160]  }
0x49: {  	v2 =	vld [tilespmem:s17+$0xFFFFFFF0];
	_ =	sdelay $0x4  }
0x4a: {  	v1 =	vmax.f32 v1, v2  }
0x4b: {  	[tilespmem:s18+$0x5160] =	vst v1;
	v1 =	vld [tilespmem:s18+$0x5170]  }
0x4c: {  	v2 =	vld [tilespmem:s17+$0x0];
	_ =	sdelay $0x4  }
0x4d: {  	v1 =	vmax.f32 v1, v2  }
0x4e: {  	[tilespmem:s18+$0x5170] =	vst v1;
	v1 =	vld [tilespmem:s18+$0x5180]  }
0x4f: {  	v2 =	vld [tilespmem:s17+$0x10];
	_ =	sdelay $0x4  }
0x50: {  	v1 =	vmax.f32 v1, v2  }
0x51: {  	s17 =	simm.s32 $0x0;
	[tilespmem:s18+$0x5180] =	vst v1  }
0x52: {  	[hbm4b:s5+s17] =	stream.linear.scatter [tilespmem:s15], [sflag:$0x1], $0x1200, $0x38;
	[tilespmem:$0x6350] =	vst v63  }
0x53: {  	_ =	swait.ge [sflag:s13], $0x1200  }
0x54: {  	[sflag:s13] =	ssyncset.done $0x0  }
0x55: {  	[sflag:s13] =	ssyncadd.s32 $0xFFFFEE00  }
0x56: {  	[tilespmem:s14], [sflag:$0x1] =	stream.linear.gather [hbm4b:s6+s17], $0x5000, $0x38;
	[tilespmem:$0x6350] =	vst v63  }
0x57: {  	_ =	swait.ge [sflag:s13], $0x5000  }
0x58: {  	[sflag:s13] =	ssyncset.done $0x0  }
0x59: {  	[sflag:s13] =	ssyncadd.s32 $0xFFFFB000  }
.LBB2_6:
0x5a: {  	p0 =	sne.s32 s17, $0x4700  }
.Ltmp2:
0x5b: {  	s18 =	sshra.s32 s17, $0x2;
	(pc) =	sbr.rel @p0 .LBB2_6-.Ltmp2, $4  }
0x5c: {  	[tilespmem:s18+$0x5150] =	vst v0  }
0x5d: {  	[tilespmem:s18+$0x5160] =	vst v0  }
0x5e: {  	[tilespmem:s18+$0x5170] =	vst v0  }
0x5f: {  	s17 =	sadd.s32 $0x100, s17;
	[tilespmem:s18+$0x5180] =	vst v0  }
0x60: {  	s17 =	simm.s32 $0x0  }
0x61: {  	v1 =	vld [tilespmem:s17+$0x0];
	_ =	sdelay $0x4  }
0x62: {  	(v2sf) =	vpush v1, $0x0;
	_ =	sdelay $0xe  }
0x63: {  	s18 =	spop (v2sf)  }
0x64: {  	s17 =	simm.s32 $0x170;
	s18 =	sshll.u32 s18, $0x8  }
0x65: {  	v1 =	vld [tilespmem:s17+$0xFFFFFFE0];
	s20 =	sshra.s32 s18, $0x2  }
0x66: {  	v2 =	vld [tilespmem:s20+$0x5150];
	_ =	sdelay $0x4  }
0x67: {  	v1 =	vmax.f32 v2, v1  }
0x68: {  	[tilespmem:s20+$0x5150] =	vst v1;
	v1 =	vld [tilespmem:s20+$0x5160]  }
0x69: {  	v2 =	vld [tilespmem:s17+$0xFFFFFFF0];
	_ =	sdelay $0x4  }
0x6a: {  	v1 =	vmax.f32 v1, v2  }
0x6b: {  	[tilespmem:s20+$0x5160] =	vst v1;
	v1 =	vld [tilespmem:s20+$0x5170]  }
0x6c: {  	v2 =	vld [tilespmem:s17+$0x0];
	_ =	sdelay $0x4  }
0x6d: {  	v1 =	vmax.f32 v1, v2  }
0x6e: {  	[tilespmem:s20+$0x5170] =	vst v1;
	v1 =	vld [tilespmem:s20+$0x5180]  }
0x6f: {  	v2 =	vld [tilespmem:s17+$0x10];
	_ =	sdelay $0x4  }
0x70: {  	s21 =	simm.s32 $0x8;
	s18 =	simm.s32 $0x4;
	v1 =	vmax.f32 v1, v2  }
.LBB2_8:
0x71: {  	s22 =	sshra.s32 s18, $0x2  }
0x72: {  	[tilespmem:s20+$0x5180] =	vst v1;
	s17 =	sadd.s32 $0x40, s17;
	s18 =	smov.u32 s21;
	s19 =	sadd.s32 $0x4, s21  }
0x73: {  	p0 =	sne.s32 s21, $0x4FC;
	v1 =	vld [tilespmem:s22+$0x0];
	_ =	sdelay $0x4  }
0x74: {  	(v2sf) =	vpush v1, $0x0;
	_ =	sdelay $0xe  }
0x75: {  	s20 =	spop (v2sf)  }
0x76: {  	s20 =	sshll.u32 s20, $0x8  }
0x77: {  	s20 =	sshra.s32 s20, $0x2;
	v1 =	vld [tilespmem:s17+$0xFFFFFFE0]  }
0x78: {  	v2 =	vld [tilespmem:s20+$0x5150];
	_ =	sdelay $0x4  }
0x79: {  	v1 =	vmax.f32 v2, v1  }
0x7a: {  	[tilespmem:s20+$0x5150] =	vst v1;
	v1 =	vld [tilespmem:s20+$0x5160]  }
0x7b: {  	v2 =	vld [tilespmem:s17+$0xFFFFFFF0];
	_ =	sdelay $0x4  }
0x7c: {  	v1 =	vmax.f32 v1, v2  }
0x7d: {  	[tilespmem:s20+$0x5160] =	vst v1;
	v1 =	vld [tilespmem:s20+$0x5170]  }
0x7e: {  	v2 =	vld [tilespmem:s17+$0x0];
	_ =	sdelay $0x4  }
0x7f: {  	v1 =	vmax.f32 v1, v2  }
0x80: {  	[tilespmem:s20+$0x5170] =	vst v1;
	v1 =	vld [tilespmem:s20+$0x5180]  }
0x81: {  	v2 =	vld [tilespmem:s17+$0x10]  }
.Ltmp3:
0x82: {  	(pc) =	sbr.rel @p0 .LBB2_8-.Ltmp3, $2  }
0x83: {  	_ =	sdelay $0x2  }
0x84: {  	s21 =	smov.u32 s19;
	v1 =	vmax.f32 v1, v2  }
0x85: {  	s18 =	sshra.s32 s18, $0x2;
	[tilespmem:s20+$0x5180] =	vst v1  }
0x86: {  	v1 =	vld [tilespmem:s18+$0x0];
	_ =	sdelay $0x4  }
0x87: {  	(v2sf) =	vpush v1, $0x0;
	_ =	sdelay $0xe  }
0x88: {  	s31 =	spop (v2sf)  }
0x89: {  	s17 =	sadd.s32 $0x40, s17;
	s18 =	sshll.u32 s31, $0x8  }
0x8a: {  	v1 =	vld [tilespmem:s17+$0xFFFFFFE0];
	s18 =	sshra.s32 s18, $0x2  }
0x8b: {  	v2 =	vld [tilespmem:s18+$0x5150];
	_ =	sdelay $0x4  }
0x8c: {  	v1 =	vmax.f32 v2, v1  }
0x8d: {  	[tilespmem:s18+$0x5150] =	vst v1;
	v1 =	vld [tilespmem:s18+$0x5160]  }
0x8e: {  	v2 =	vld [tilespmem:s17+$0xFFFFFFF0];
	_ =	sdelay $0x4  }
0x8f: {  	v1 =	vmax.f32 v1, v2  }
0x90: {  	[tilespmem:s18+$0x5160] =	vst v1;
	v1 =	vld [tilespmem:s18+$0x5170]  }
0x91: {  	v2 =	vld [tilespmem:s17+$0x0];
	_ =	sdelay $0x4  }
0x92: {  	v1 =	vmax.f32 v1, v2  }
0x93: {  	[tilespmem:s18+$0x5170] =	vst v1;
	v1 =	vld [tilespmem:s18+$0x5180]  }
0x94: {  	v2 =	vld [tilespmem:s17+$0x10];
	_ =	sdelay $0x4  }
0x95: {  	v1 =	vmax.f32 v1, v2  }
0x96: {  	s17 =	simm.s32 $0x0;
	[tilespmem:s18+$0x5180] =	vst v1  }
0x97: {  	[hbm4b:s7+s17] =	stream.linear.scatter [tilespmem:s15], [sflag:$0x1], $0x1200, $0x38;
	[tilespmem:$0x6350] =	vst v63  }
0x98: {  	_ =	swait.ge [sflag:s13], $0x1200  }
0x99: {  	[sflag:s13] =	ssyncset.done $0x0  }
0x9a: {  	[sflag:s13] =	ssyncadd.s32 $0xFFFFEE00  }
0x9b: {  	[tilespmem:s14], [sflag:$0x1] =	stream.linear.gather [hbm4b:s8+s17], $0x5000, $0x38;
	[tilespmem:$0x6350] =	vst v63  }
0x9c: {  	_ =	swait.ge [sflag:s13], $0x5000  }
0x9d: {  	[sflag:s13] =	ssyncset.done $0x0  }
0x9e: {  	[sflag:s13] =	ssyncadd.s32 $0xFFFFB000  }
.LBB2_10:
0x9f: {  	p0 =	sne.s32 s17, $0x4700  }
.Ltmp4:
0xa0: {  	s18 =	sshra.s32 s17, $0x2;
	(pc) =	sbr.rel @p0 .LBB2_10-.Ltmp4, $4  }
0xa1: {  	[tilespmem:s18+$0x5150] =	vst v0  }
0xa2: {  	[tilespmem:s18+$0x5160] =	vst v0  }
0xa3: {  	[tilespmem:s18+$0x5170] =	vst v0  }
0xa4: {  	s17 =	sadd.s32 $0x100, s17;
	[tilespmem:s18+$0x5180] =	vst v0  }
0xa5: {  	s17 =	simm.s32 $0x0  }
0xa6: {  	v1 =	vld [tilespmem:s17+$0x0];
	_ =	sdelay $0x4  }
0xa7: {  	(v2sf) =	vpush v1, $0x0;
	_ =	sdelay $0xe  }
0xa8: {  	s18 =	spop (v2sf)  }
0xa9: {  	s17 =	simm.s32 $0x170;
	s18 =	sshll.u32 s18, $0x8  }
0xaa: {  	v1 =	vld [tilespmem:s17+$0xFFFFFFE0];
	s20 =	sshra.s32 s18, $0x2  }
0xab: {  	v2 =	vld [tilespmem:s20+$0x5150];
	_ =	sdelay $0x4  }
0xac: {  	v1 =	vmax.f32 v2, v1  }
0xad: {  	[tilespmem:s20+$0x5150] =	vst v1;
	v1 =	vld [tilespmem:s20+$0x5160]  }
0xae: {  	v2 =	vld [tilespmem:s17+$0xFFFFFFF0];
	_ =	sdelay $0x4  }
0xaf: {  	v1 =	vmax.f32 v1, v2  }
0xb0: {  	[tilespmem:s20+$0x5160] =	vst v1;
	v1 =	vld [tilespmem:s20+$0x5170]  }
0xb1: {  	v2 =	vld [tilespmem:s17+$0x0];
	_ =	sdelay $0x4  }
0xb2: {  	v1 =	vmax.f32 v1, v2  }
0xb3: {  	[tilespmem:s20+$0x5170] =	vst v1;
	v1 =	vld [tilespmem:s20+$0x5180]  }
0xb4: {  	v2 =	vld [tilespmem:s17+$0x10];
	_ =	sdelay $0x4  }
0xb5: {  	s21 =	simm.s32 $0x8;
	s18 =	simm.s32 $0x4;
	v1 =	vmax.f32 v1, v2  }
.LBB2_12:
0xb6: {  	s22 =	sshra.s32 s18, $0x2  }
0xb7: {  	[tilespmem:s20+$0x5180] =	vst v1;
	s17 =	sadd.s32 $0x40, s17;
	s18 =	smov.u32 s21;
	s19 =	sadd.s32 $0x4, s21  }
0xb8: {  	p0 =	sne.s32 s21, $0x4FC;
	v1 =	vld [tilespmem:s22+$0x0];
	_ =	sdelay $0x4  }
0xb9: {  	(v2sf) =	vpush v1, $0x0;
	_ =	sdelay $0xe  }
0xba: {  	s20 =	spop (v2sf)  }
0xbb: {  	s20 =	sshll.u32 s20, $0x8  }
0xbc: {  	s20 =	sshra.s32 s20, $0x2;
	v1 =	vld [tilespmem:s17+$0xFFFFFFE0]  }
0xbd: {  	v2 =	vld [tilespmem:s20+$0x5150];
	_ =	sdelay $0x4  }
0xbe: {  	v1 =	vmax.f32 v2, v1  }
0xbf: {  	[tilespmem:s20+$0x5150] =	vst v1;
	v1 =	vld [tilespmem:s20+$0x5160]  }
0xc0: {  	v2 =	vld [tilespmem:s17+$0xFFFFFFF0];
	_ =	sdelay $0x4  }
0xc1: {  	v1 =	vmax.f32 v1, v2  }
0xc2: {  	[tilespmem:s20+$0x5160] =	vst v1;
	v1 =	vld [tilespmem:s20+$0x5170]  }
0xc3: {  	v2 =	vld [tilespmem:s17+$0x0];
	_ =	sdelay $0x4  }
0xc4: {  	v1 =	vmax.f32 v1, v2  }
0xc5: {  	[tilespmem:s20+$0x5170] =	vst v1;
	v1 =	vld [tilespmem:s20+$0x5180]  }
0xc6: {  	v2 =	vld [tilespmem:s17+$0x10]  }
.Ltmp5:
0xc7: {  	(pc) =	sbr.rel @p0 .LBB2_12-.Ltmp5, $2  }
0xc8: {  	_ =	sdelay $0x2  }
0xc9: {  	s21 =	smov.u32 s19;
	v1 =	vmax.f32 v1, v2  }
0xca: {  	s18 =	sshra.s32 s18, $0x2;
	[tilespmem:s20+$0x5180] =	vst v1  }
0xcb: {  	v1 =	vld [tilespmem:s18+$0x0];
	_ =	sdelay $0x4  }
0xcc: {  	(v2sf) =	vpush v1, $0x0;
	_ =	sdelay $0xe  }
0xcd: {  	s31 =	spop (v2sf)  }
0xce: {  	s17 =	sadd.s32 $0x40, s17;
	s18 =	sshll.u32 s31, $0x8  }
0xcf: {  	v1 =	vld [tilespmem:s17+$0xFFFFFFE0];
	s18 =	sshra.s32 s18, $0x2  }
0xd0: {  	v2 =	vld [tilespmem:s18+$0x5150];
	_ =	sdelay $0x4  }
0xd1: {  	v1 =	vmax.f32 v2, v1  }
0xd2: {  	[tilespmem:s18+$0x5150] =	vst v1;
	v1 =	vld [tilespmem:s18+$0x5160]  }
0xd3: {  	v2 =	vld [tilespmem:s17+$0xFFFFFFF0];
	_ =	sdelay $0x4  }
0xd4: {  	v1 =	vmax.f32 v1, v2  }
0xd5: {  	[tilespmem:s18+$0x5160] =	vst v1;
	v1 =	vld [tilespmem:s18+$0x5170]  }
0xd6: {  	v2 =	vld [tilespmem:s17+$0x0];
	_ =	sdelay $0x4  }
0xd7: {  	v1 =	vmax.f32 v1, v2  }
0xd8: {  	[tilespmem:s18+$0x5170] =	vst v1;
	v1 =	vld [tilespmem:s18+$0x5180]  }
0xd9: {  	v2 =	vld [tilespmem:s17+$0x10];
	_ =	sdelay $0x4  }
0xda: {  	v1 =	vmax.f32 v1, v2  }
0xdb: {  	s17 =	simm.s32 $0x0;
	[tilespmem:s18+$0x5180] =	vst v1  }
0xdc: {  	[hbm4b:s9+s17] =	stream.linear.scatter [tilespmem:s15], [sflag:$0x1], $0x1200, $0x38;
	[tilespmem:$0x6350] =	vst v63  }
0xdd: {  	_ =	swait.ge [sflag:s13], $0x1200  }
0xde: {  	[sflag:s13] =	ssyncset.done $0x0  }
0xdf: {  	[sflag:s13] =	ssyncadd.s32 $0xFFFFEE00  }
0xe0: {  	[tilespmem:s14], [sflag:$0x1] =	stream.linear.gather [hbm4b:s10+s17], $0x5000, $0x38;
	[tilespmem:$0x6350] =	vst v63  }
0xe1: {  	_ =	swait.ge [sflag:s13], $0x5000  }
0xe2: {  	[sflag:s13] =	ssyncset.done $0x0  }
0xe3: {  	[sflag:s13] =	ssyncadd.s32 $0xFFFFB000  }
.LBB2_14:
0xe4: {  	p0 =	sne.s32 s17, $0x4700  }
.Ltmp6:
0xe5: {  	s18 =	sshra.s32 s17, $0x2;
	(pc) =	sbr.rel @p0 .LBB2_14-.Ltmp6, $4  }
0xe6: {  	[tilespmem:s18+$0x5150] =	vst v0  }
0xe7: {  	[tilespmem:s18+$0x5160] =	vst v0  }
0xe8: {  	[tilespmem:s18+$0x5170] =	vst v0  }
0xe9: {  	s17 =	sadd.s32 $0x100, s17;
	[tilespmem:s18+$0x5180] =	vst v0  }
0xea: {  	s17 =	simm.s32 $0x0  }
0xeb: {  	v1 =	vld [tilespmem:s17+$0x0];
	_ =	sdelay $0x4  }
0xec: {  	(v2sf) =	vpush v1, $0x0;
	_ =	sdelay $0xe  }
0xed: {  	s18 =	spop (v2sf)  }
0xee: {  	s17 =	simm.s32 $0x170;
	s18 =	sshll.u32 s18, $0x8  }
0xef: {  	v1 =	vld [tilespmem:s17+$0xFFFFFFE0];
	s20 =	sshra.s32 s18, $0x2  }
0xf0: {  	v2 =	vld [tilespmem:s20+$0x5150];
	_ =	sdelay $0x4  }
0xf1: {  	v1 =	vmax.f32 v2, v1  }
0xf2: {  	[tilespmem:s20+$0x5150] =	vst v1;
	v1 =	vld [tilespmem:s20+$0x5160]  }
0xf3: {  	v2 =	vld [tilespmem:s17+$0xFFFFFFF0];
	_ =	sdelay $0x4  }
0xf4: {  	v1 =	vmax.f32 v1, v2  }
0xf5: {  	[tilespmem:s20+$0x5160] =	vst v1;
	v1 =	vld [tilespmem:s20+$0x5170]  }
0xf6: {  	v2 =	vld [tilespmem:s17+$0x0];
	_ =	sdelay $0x4  }
0xf7: {  	v1 =	vmax.f32 v1, v2  }
0xf8: {  	[tilespmem:s20+$0x5170] =	vst v1;
	v1 =	vld [tilespmem:s20+$0x5180]  }
0xf9: {  	v2 =	vld [tilespmem:s17+$0x10];
	_ =	sdelay $0x4  }
0xfa: {  	s21 =	simm.s32 $0x8;
	s18 =	simm.s32 $0x4;
	v1 =	vmax.f32 v1, v2  }
.LBB2_16:
0xfb: {  	s22 =	sshra.s32 s18, $0x2  }
0xfc: {  	[tilespmem:s20+$0x5180] =	vst v1;
	s17 =	sadd.s32 $0x40, s17;
	s18 =	smov.u32 s21;
	s19 =	sadd.s32 $0x4, s21  }
0xfd: {  	p0 =	sne.s32 s21, $0x4FC;
	v1 =	vld [tilespmem:s22+$0x0];
	_ =	sdelay $0x4  }
0xfe: {  	(v2sf) =	vpush v1, $0x0;
	_ =	sdelay $0xe  }
0xff: {  	s20 =	spop (v2sf)  }
0x100: {  	s20 =	sshll.u32 s20, $0x8  }
0x101: {  	s20 =	sshra.s32 s20, $0x2;
	v1 =	vld [tilespmem:s17+$0xFFFFFFE0]  }
0x102: {  	v2 =	vld [tilespmem:s20+$0x5150];
	_ =	sdelay $0x4  }
0x103: {  	v1 =	vmax.f32 v2, v1  }
0x104: {  	[tilespmem:s20+$0x5150] =	vst v1;
	v1 =	vld [tilespmem:s20+$0x5160]  }
0x105: {  	v2 =	vld [tilespmem:s17+$0xFFFFFFF0];
	_ =	sdelay $0x4  }
0x106: {  	v1 =	vmax.f32 v1, v2  }
0x107: {  	[tilespmem:s20+$0x5160] =	vst v1;
	v1 =	vld [tilespmem:s20+$0x5170]  }
0x108: {  	v2 =	vld [tilespmem:s17+$0x0];
	_ =	sdelay $0x4  }
0x109: {  	v1 =	vmax.f32 v1, v2  }
0x10a: {  	[tilespmem:s20+$0x5170] =	vst v1;
	v1 =	vld [tilespmem:s20+$0x5180]  }
0x10b: {  	v2 =	vld [tilespmem:s17+$0x10]  }
.Ltmp7:
0x10c: {  	(pc) =	sbr.rel @p0 .LBB2_16-.Ltmp7, $2  }
0x10d: {  	_ =	sdelay $0x2  }
0x10e: {  	s21 =	smov.u32 s19;
	v1 =	vmax.f32 v1, v2  }
0x10f: {  	s18 =	sshra.s32 s18, $0x2;
	[tilespmem:s20+$0x5180] =	vst v1  }
0x110: {  	v1 =	vld [tilespmem:s18+$0x0];
	_ =	sdelay $0x4  }
0x111: {  	(v2sf) =	vpush v1, $0x0;
	_ =	sdelay $0xe  }
0x112: {  	s31 =	spop (v2sf)  }
0x113: {  	s17 =	sadd.s32 $0x40, s17;
	s18 =	sshll.u32 s31, $0x8  }
0x114: {  	v1 =	vld [tilespmem:s17+$0xFFFFFFE0];
	s18 =	sshra.s32 s18, $0x2  }
0x115: {  	v2 =	vld [tilespmem:s18+$0x5150];
	_ =	sdelay $0x4  }
0x116: {  	v1 =	vmax.f32 v2, v1  }
0x117: {  	[tilespmem:s18+$0x5150] =	vst v1;
	v1 =	vld [tilespmem:s18+$0x5160]  }
0x118: {  	v2 =	vld [tilespmem:s17+$0xFFFFFFF0];
	_ =	sdelay $0x4  }
0x119: {  	v1 =	vmax.f32 v1, v2  }
0x11a: {  	[tilespmem:s18+$0x5160] =	vst v1;
	v1 =	vld [tilespmem:s18+$0x5170]  }
0x11b: {  	v2 =	vld [tilespmem:s17+$0x0];
	_ =	sdelay $0x4  }
0x11c: {  	v1 =	vmax.f32 v1, v2  }
0x11d: {  	[tilespmem:s18+$0x5170] =	vst v1;
	v1 =	vld [tilespmem:s18+$0x5180]  }
0x11e: {  	v2 =	vld [tilespmem:s17+$0x10];
	_ =	sdelay $0x3  }
0x11f: {  	s16 =	sadd.s32 $0x1, s16  }
0x120: {  	p0 =	sne.s32 s16, s12;
	v1 =	vmax.f32 v1, v2  }
.Ltmp8:
0x121: {  	[tilespmem:s18+$0x5180] =	vst v1;
	(pc) =	sbr.rel @p0 .LBB2_1-.Ltmp8, $4  }
0x122: {  	[hbm4b:s11+s2] =	stream.linear.scatter [tilespmem:s15], [sflag:$0x1], $0x1200, $0x38;
	[tilespmem:$0x6350] =	vst v63  }
0x123: {  	_ =	swait.ge [sflag:s13], $0x1200  }
0x124: {  	[sflag:s13] =	ssyncset.done $0x0  }
0x125: {  	[sflag:s13] =	ssyncadd.s32 $0xFFFFEE00  }
0x126: {  	_ =	sfence.sel $0x180000  }
0x127: {  	[bflag:$0x0] =	sbarrier.arrive $0xFFFF  }
0x128: {  	p0 =	sne.s32 s0, $0x0;
	_ =	strace $0x90000053  }
0x129: {  	s0 =	sadd.s32 @!p0 $0x100000, s1;
	[bflag:$0x2] =	sbarrier.arrive $0xFFFF  }
0x12a: {  	[sflag:s0] =	ssyncadd.tile.s32 @!p0 $0x1;
	_ =	shalt  }
.Lfunc_end2:
_tile_overlayer_lowered:
.L_overlay_start_2:
0x12b: {  	(tag) =	ssettag $0x2  }
0x12c: {  	s0 =	rddreg [dreg:$0x0];
	s2 =	stileid.u32  }
0x12d: {  	s1 =	rddreg [dreg:$0x1];
	p0 =	sne.s32 s2, $0x0  }
0x12e: {  	s3 =	rddreg [dreg:$0x2];
	[bflag:$0x3] =	sbarrier.arrive $0xFFFF;
	s2 =	simm.s32 @!p0 $0x1C01  }
0x12f: {  	[timem:s3], [sflag:s2] =	dma.local @!p0 [hbm:s0], s1  }
0x130: {  	s0 =	simm.s32 @!p0 $0x1  }
0x131: {  	_ =	swait.ge @!p0 [sflag:s0], s1  }
0x132: {  	s1 =	ssub.s32 @!p0 $0x0, s1;
	[sflag:s0] =	ssyncset.done @!p0 $0x0  }
0x133: {  	[sflag:s0] =	ssyncadd.s32 @!p0 s1  }
0x134: {  	[bflag:$0x3] =	sbarrier.arrive $0xFFFF  }
0x135: {  	_ =	shalt  }

</sc_bundles>
